<compile_context>
chip_gen: v7x
topology: tpu7x:2x2x1
jax: 0.10.2.dev20260603
libtpu: 0.0.44.dev20260713+nightly
codegen_flags: <defaults>
</compile_context>

<pallas_src>
import functools

import jax
import jax.numpy as jnp
from jax import lax
from jax.experimental import pallas as pl
from jax.experimental.pallas import tpu as pltpu
from jax.experimental.pallas import tpu_sc as plsc

N_NODES = 10000
N_EDGES = 320000
D = 128

NC = 2
NS = 16
NW = NC * NS
CHUNK = 128
BLK = 8
NBLK = 10
NCHUNK = BLK * NBLK
NBUF = 4
APAD = 2048
AROWS_PT = APAD // NS
EPW_PAD = NCHUNK * CHUNK
NPAD = 10240
ROWS_PT = NPAD // NS


def _make_sc_agg(compute_deg):
    mesh = plsc.VectorSubcoreMesh(core_axis_name="c", subcore_axis_name="s")

    out_type = [jax.ShapeDtypeStruct((NC, APAD, D), jnp.float32)]
    scratch = [
        pltpu.VMEM((BLK, CHUNK), jnp.int32),
        pltpu.VMEM((BLK, CHUNK), jnp.int32),
        pltpu.VMEM((NBUF, CHUNK, D), jnp.float32),
        pltpu.VMEM((16, D), jnp.float32),
        pltpu.VMEM_SHARED((APAD, D), jnp.float32),
    ] + [pltpu.SemaphoreType.DMA] * NBUF
    if compute_deg:
        out_type.append(jax.ShapeDtypeStruct((NW, NPAD), jnp.float32))
        scratch.insert(4, pltpu.VMEM((NPAD,), jnp.float32))

    @functools.partial(
        pl.kernel,
        out_type=tuple(out_type) if compute_deg else out_type[0],
        mesh=mesh,
        scratch_types=scratch,
        compiler_params=pltpu.CompilerParams(needs_layout_passes=False),
    )
    def sc_agg(h_hbm, src_hbm, dst_hbm, *rest):
        if compute_deg:
            agg_hbm, deg_hbm = rest[0], rest[1]
            src_v, dst_v, gbuf, zrow, deg_v, acc = rest[2:8]
            gsems = rest[8:]
        else:
            agg_hbm = rest[0]
            src_v, dst_v, gbuf, zrow, acc = rest[1:6]
            gsems = rest[6:]

        c = lax.axis_index("c")
        s = lax.axis_index("s")
        wid = s * NC + c
        r0 = s * AROWS_PT

        zero16 = jnp.zeros((16,), jnp.float32)
        one16 = jnp.ones((16,), jnp.float32)
        for r in range(16):
            for q in range(D // 16):
                zrow[r, pl.ds(q * 16, 16)] = zero16

        if compute_deg:
            def _zero_deg(i, _):
                deg_v[pl.ds(i * 16, 16)] = zero16
                return ()

            lax.fori_loop(0, NPAD // 16, _zero_deg, ())

        def _zero(i, _):
            pltpu.sync_copy(zrow, acc.at[pl.ds(r0 + i * 16, 16)])
            return ()

        lax.fori_loop(0, AROWS_PT // 16, _zero, ())
        plsc.subcore_barrier()

        def _gather_start(j, b):
            pltpu.make_async_copy(
                h_hbm.at[src_v.at[j]], gbuf.at[b], gsems[b]).start()

        def _scatter(j, b):
            pltpu.make_async_copy(
                h_hbm.at[src_v.at[j]], gbuf.at[b], gsems[b]).wait()
            pltpu.sync_copy(gbuf.at[b], acc.at[dst_v.at[j]], add=True)
            if compute_deg:
                for q in range(CHUNK // 16):
                    idx16 = dst_v[j, pl.ds(q * 16, 16)]
                    plsc.addupdate_scatter(deg_v, [idx16], one16)

        pltpu.sync_copy(src_hbm.at[wid, pl.ds(0, BLK)], src_v)
        pltpu.sync_copy(dst_hbm.at[wid, pl.ds(0, BLK)], dst_v)
        for b in range(NBUF):
            _gather_start(b, b)

        def _blk(bi, _):
            def _grp(g, _):
                for b in range(NBUF):
                    j = g * NBUF + b
                    _scatter(j, b)
                    _gather_start(j + NBUF, b)
                return ()

            lax.fori_loop(0, (BLK - NBUF) // NBUF, _grp, ())

            for b in range(NBUF):
                _scatter(BLK - NBUF + b, b)

            @pl.when(bi + 1 < NBLK)
            def _():
                pltpu.sync_copy(
                    src_hbm.at[wid, pl.ds((bi + 1) * BLK, BLK)], src_v)
                pltpu.sync_copy(
                    dst_hbm.at[wid, pl.ds((bi + 1) * BLK, BLK)], dst_v)
                for b in range(NBUF):
                    _gather_start(b, b)

            return ()

        lax.fori_loop(0, NBLK, _blk, ())
        plsc.subcore_barrier()

        pltpu.sync_copy(acc.at[pl.ds(r0, AROWS_PT)],
                        agg_hbm.at[c, pl.ds(r0, AROWS_PT)])
        if compute_deg:
            pltpu.sync_copy(deg_v, deg_hbm.at[wid])

    return sc_agg


_sc_agg_with_deg = _make_sc_agg(True)
_sc_agg_no_deg = _make_sc_agg(False)


ROW_BLK = 400
N_BLKS = N_NODES // ROW_BLK


def _combine_body(h_ref, agg_ref, deg_ref, ws_ref, wn_ref, b_ref, o_ref,
                  *, relu):
    agg = agg_ref[0] + agg_ref[1]
    deg = jnp.sum(deg_ref[...], axis=1, keepdims=True)
    hn = agg * (1.0 / jnp.maximum(deg, 1.0))
    h = h_ref[...]
    out = (jnp.dot(h, ws_ref[...], preferred_element_type=jnp.float32)
           + jnp.dot(hn, wn_ref[...], preferred_element_type=jnp.float32)
           + b_ref[...])
    if relu:
        out = jnp.maximum(out, 0.0)
    o_ref[...] = out


def _make_combine(relu):
    return pl.pallas_call(
        functools.partial(_combine_body, relu=relu),
        grid=(N_BLKS,),
        in_specs=[
            pl.BlockSpec((ROW_BLK, D), lambda i: (i, 0)),
            pl.BlockSpec((NC, ROW_BLK, D), lambda i: (0, i, 0)),
            pl.BlockSpec((ROW_BLK, NW), lambda i: (i, 0)),
            pl.BlockSpec((D, D), lambda i: (0, 0)),
            pl.BlockSpec((D, D), lambda i: (0, 0)),
            pl.BlockSpec((1, D), lambda i: (0, 0)),
        ],
        out_specs=pl.BlockSpec((ROW_BLK, D), lambda i: (i, 0)),
        out_shape=jax.ShapeDtypeStruct((N_NODES, D), jnp.float32),
    )


_combine_relu = _make_combine(True)
_combine_plain = _make_combine(False)


@jax.jit
def kernel(input_features, edge_index, W_self1, W_neigh1, b1,
           W_self2, W_neigh2, b2):
    src = edge_index[0].astype(jnp.int32)
    dst = edge_index[1].astype(jnp.int32) % APAD
    pad = NW * EPW_PAD - N_EDGES
    src = jnp.concatenate([src, jnp.zeros((pad,), jnp.int32)])
    dst = jnp.concatenate([dst, jnp.full((pad,), APAD - 1, jnp.int32)])
    src_t = src.reshape(NW, NCHUNK, CHUNK)
    dst_t = dst.reshape(NW, NCHUNK, CHUNK)
    b1r = b1.reshape(1, D)
    b2r = b2.reshape(1, D)

    agg1, deg = _sc_agg_with_deg(input_features, src_t, dst_t)
    agg1 = jnp.zeros((NC, NPAD, D), jnp.float32).at[:, :APAD].set(agg1)
    deg_t = deg.T
    h1 = _combine_relu(input_features, agg1, deg_t, W_self1, W_neigh1, b1r)
    agg2 = _sc_agg_no_deg(h1, src_t, dst_t)
    agg2 = jnp.zeros((NC, NPAD, D), jnp.float32).at[:, :APAD].set(agg2)
    return _combine_plain(h1, agg2, deg_t, W_self2, W_neigh2, b2r)

# --- scband reference (transcript-rebuilt; emitter-appended) ---
"""Pipeline reference for scband-sagenet-33852932227164 (READ-ONLY COPY).

The authoritative reference and input builder live on the scoring server;
editing this copy changes nothing except your own understanding.
"""

import jax, jax.numpy as jnp
import numpy as np

N_NODES = 10000
N_EDGES = 320000
D = 128


def setup_inputs(seed: int = 0) -> dict:
    key = jax.random.key(seed)
    k = jax.random.split(key, 10)
    x = jax.random.normal(k[0], (N_NODES, D), dtype=jnp.float32)
    edge_index = jax.random.randint(k[1], (2, N_EDGES), 0, N_NODES, dtype=jnp.int64)
    s = 1.0 / np.sqrt(D)
    W_self1 = jax.random.uniform(k[2], (D, D), jnp.float32, -s, s)
    W_neigh1 = jax.random.uniform(k[3], (D, D), jnp.float32, -s, s)
    b1 = jnp.zeros((D,), jnp.float32)
    W_self2 = jax.random.uniform(k[4], (D, D), jnp.float32, -s, s)
    W_neigh2 = jax.random.uniform(k[5], (D, D), jnp.float32, -s, s)
    b2 = jnp.zeros((D,), jnp.float32)
    return {"input_features": x, "edge_index": edge_index,
            "W_self1": W_self1, "W_neigh1": W_neigh1, "b1": b1,
            "W_self2": W_self2, "W_neigh2": W_neigh2, "b2": b2}


def _sage_conv(h, src, dst, n_nodes, W_self, W_neigh, b, activation):
    # DGL SAGEConv with 'mean' aggregator:
    # h_neigh = mean over incoming neighbors; out = fc_self(h_dst) + fc_neigh(h_neigh) + b
    msgs = h[src]
    agg = jax.ops.segment_sum(msgs, dst, num_segments=n_nodes)
    deg = jax.ops.segment_sum(jnp.ones((src.shape[0], 1), h.dtype), dst, num_segments=n_nodes)
    h_neigh = agg / jnp.maximum(deg, 1.0)
    out = h @ W_self + h_neigh @ W_neigh + b
    if activation:
        out = jax.nn.relu(out)
    return out


def reference(input_features, edge_index, W_self1, W_neigh1, b1, W_self2, W_neigh2, b2):
    src = edge_index[0]
    dst = edge_index[1]
    n = input_features.shape[0]
    h = _sage_conv(input_features, src, dst, n, W_self1, W_neigh1, b1, True)
    h = _sage_conv(h, src, dst, n, W_self2, W_neigh2, b2, False)
    return h

if __name__ == "__main__":
    import jax
    _d = setup_inputs()
    print(jax.jit(kernel)(*tuple(_d.values())))

</pallas_src>

<mosaic_0001>
#map = affine_map<(d0, d1) -> (0, 0)>
#map1 = affine_map<(d0, d1) -> (0, 0, 0)>
module attributes {stable_mosaic.version = 14 : i64} {
  func.func @sc_agg(%arg0: i32, %arg1: i32, %arg2: memref<10000x128xf32, #tpu.memory_space<hbm>>, %arg3: memref<32x80x128xi32, #tpu.memory_space<hbm>>, %arg4: memref<32x80x128xi32, #tpu.memory_space<hbm>>, %arg5: memref<2x2048x128xf32, #tpu.memory_space<hbm>>, %arg6: memref<8x128xi32, #tpu.memory_space<vmem>>, %arg7: memref<8x128xi32, #tpu.memory_space<vmem>>, %arg8: memref<4x128x128xf32, #tpu.memory_space<vmem>>, %arg9: memref<16x128xf32, #tpu.memory_space<vmem>>, %arg10: memref<2048x128xf32, #tpu.memory_space<vmem_shared>>, %arg11: memref<!tpu.dma_semaphore, #tpu.memory_space<semaphore_mem>>, %arg12: memref<!tpu.dma_semaphore, #tpu.memory_space<semaphore_mem>>, %arg13: memref<!tpu.dma_semaphore, #tpu.memory_space<semaphore_mem>>, %arg14: memref<!tpu.dma_semaphore, #tpu.memory_space<semaphore_mem>>) attributes {dimension_semantics = [#tpu.dimension_semantics<core_parallel>, #tpu.dimension_semantics<subcore_parallel>], iteration_bounds = array<i64: 2, 16>, scalar_prefetch = 0 : i64, scratch_operands = 9 : i64, tpu.core_type = #tpu.core_type<sc_vector_subcore>, window_params = [{transform_indices = #map}, {transform_indices = #map1}, {transform_indices = #map1}, {transform_indices = #map1}]} {
    %mul3A = arith.constant 2 : i32
    %mul3A_0 = arith.muli %arg1, %mul3A : i32
    %add3A = arith.addi %mul3A_0, %arg0 : i32
    %mul3A_1 = arith.constant 128 : i32
    %mul3A_2 = arith.muli %arg1, %mul3A_1 : i32
    %broadcast_in_dim3A = arith.constant 0.000000e+00 : f32
    %broadcast_in_dim3A_3 = vector.broadcast %broadcast_in_dim3A : f32 to vector<16xf32>
    %broadcast_in_dim3A_4 = arith.constant 1.000000e+00 : f32
    %broadcast_in_dim3A_5 = vector.broadcast %broadcast_in_dim3A_4 : f32 to vector<16xf32>
    %swap3A = arith.constant 0 : i32
    %swap3A_6 = arith.index_cast %swap3A : i32 to index
    %swap3A_7 = arith.constant 0 : index
    %swap3A_8 = tpu.vector_load %arg9[%swap3A_6, %swap3A_7] {strides = array<i32>} : memref<16x128xf32, #tpu.memory_space<vmem>>, vector<16xf32>,
    tpu.vector_store %arg9[%swap3A_6, %swap3A_7], %broadcast_in_dim3A_3 {strides = array<i32>} : memref<16x128xf32, #tpu.memory_space<vmem>>, vector<16xf32>,
    %swap3A_9 = arith.constant 0 : i32
    %swap3A_10 = arith.index_cast %swap3A_9 : i32 to index
    %swap3A_11 = arith.constant 16 : index
    %swap3A_12 = tpu.vector_load %arg9[%swap3A_10, %swap3A_11] {strides = array<i32>} : memref<16x128xf32, #tpu.memory_space<vmem>>, vector<16xf32>,
    tpu.vector_store %arg9[%swap3A_10, %swap3A_11], %broadcast_in_dim3A_3 {strides = array<i32>} : memref<16x128xf32, #tpu.memory_space<vmem>>, vector<16xf32>,
    %swap3A_13 = arith.constant 0 : i32
    %swap3A_14 = arith.index_cast %swap3A_13 : i32 to index
    %swap3A_15 = arith.constant 32 : index
    %swap3A_16 = tpu.vector_load %arg9[%swap3A_14, %swap3A_15] {strides = array<i32>} : memref<16x128xf32, #tpu.memory_space<vmem>>, vector<16xf32>,
    tpu.vector_store %arg9[%swap3A_14, %swap3A_15], %broadcast_in_dim3A_3 {strides = array<i32>} : memref<16x128xf32, #tpu.memory_space<vmem>>, vector<16xf32>,
    %swap3A_17 = arith.constant 0 : i32
    %swap3A_18 = arith.index_cast %swap3A_17 : i32 to index
    %swap3A_19 = arith.constant 48 : index
    %swap3A_20 = tpu.vector_load %arg9[%swap3A_18, %swap3A_19] {strides = array<i32>} : memref<16x128xf32, #tpu.memory_space<vmem>>, vector<16xf32>,
    tpu.vector_store %arg9[%swap3A_18, %swap3A_19], %broadcast_in_dim3A_3 {strides = array<i32>} : memref<16x128xf32, #tpu.memory_space<vmem>>, vector<16xf32>,
    %swap3A_21 = arith.constant 0 : i32
    %swap3A_22 = arith.index_cast %swap3A_21 : i32 to index
    %swap3A_23 = arith.constant 64 : index
    %swap3A_24 = tpu.vector_load %arg9[%swap3A_22, %swap3A_23] {strides = array<i32>} : memref<16x128xf32, #tpu.memory_space<vmem>>, vector<16xf32>,
    tpu.vector_store %arg9[%swap3A_22, %swap3A_23], %broadcast_in_dim3A_3 {strides = array<i32>} : memref<16x128xf32, #tpu.memory_space<vmem>>, vector<16xf32>,
    %swap3A_25 = arith.constant 0 : i32
    %swap3A_26 = arith.index_cast %swap3A_25 : i32 to index
    %swap3A_27 = arith.constant 80 : index
    %swap3A_28 = tpu.vector_load %arg9[%swap3A_26, %swap3A_27] {strides = array<i32>} : memref<16x128xf32, #tpu.memory_space<vmem>>, vector<16xf32>,
    tpu.vector_store %arg9[%swap3A_26, %swap3A_27], %broadcast_in_dim3A_3 {strides = array<i32>} : memref<16x128xf32, #tpu.memory_space<vmem>>, vector<16xf32>,
    %swap3A_29 = arith.constant 0 : i32
    %swap3A_30 = arith.index_cast %swap3A_29 : i32 to index
    %swap3A_31 = arith.constant 96 : index
    %swap3A_32 = tpu.vector_load %arg9[%swap3A_30, %swap3A_31] {strides = array<i32>} : memref<16x128xf32, #tpu.memory_space<vmem>>, vector<16xf32>,
    tpu.vector_store %arg9[%swap3A_30, %swap3A_31], %broadcast_in_dim3A_3 {strides = array<i32>} : memref<16x128xf32, #tpu.memory_space<vmem>>, vector<16xf32>,
    %swap3A_33 = arith.constant 0 : i32
    %swap3A_34 = arith.index_cast %swap3A_33 : i32 to index
    %swap3A_35 = arith.constant 112 : index
    %swap3A_36 = tpu.vector_load %arg9[%swap3A_34, %swap3A_35] {strides = array<i32>} : memref<16x128xf32, #tpu.memory_space<vmem>>, vector<16xf32>,
    tpu.vector_store %arg9[%swap3A_34, %swap3A_35], %broadcast_in_dim3A_3 {strides = array<i32>} : memref<16x128xf32, #tpu.memory_space<vmem>>, vector<16xf32>,
    %swap3A_37 = arith.constant 1 : i32
    %swap3A_38 = arith.index_cast %swap3A_37 : i32 to index
    %swap3A_39 = arith.constant 0 : index
    %swap3A_40 = tpu.vector_load %arg9[%swap3A_38, %swap3A_39] {strides = array<i32>} : memref<16x128xf32, #tpu.memory_space<vmem>>, vector<16xf32>,
    tpu.vector_store %arg9[%swap3A_38, %swap3A_39], %broadcast_in_dim3A_3 {strides = array<i32>} : memref<16x128xf32, #tpu.memory_space<vmem>>, vector<16xf32>,
    %swap3A_41 = arith.constant 1 : i32
    %swap3A_42 = arith.index_cast %swap3A_41 : i32 to index
    %swap3A_43 = arith.constant 16 : index
    %swap3A_44 = tpu.vector_load %arg9[%swap3A_42, %swap3A_43] {strides = array<i32>} : memref<16x128xf32, #tpu.memory_space<vmem>>, vector<16xf32>,
    tpu.vector_store %arg9[%swap3A_42, %swap3A_43], %broadcast_in_dim3A_3 {strides = array<i32>} : memref<16x128xf32, #tpu.memory_space<vmem>>, vector<16xf32>,
    %swap3A_45 = arith.constant 1 : i32
    %swap3A_46 = arith.index_cast %swap3A_45 : i32 to index
    %swap3A_47 = arith.constant 32 : index
    %swap3A_48 = tpu.vector_load %arg9[%swap3A_46, %swap3A_47] {strides = array<i32>} : memref<16x128xf32, #tpu.memory_space<vmem>>, vector<16xf32>,
    tpu.vector_store %arg9[%swap3A_46, %swap3A_47], %broadcast_in_dim3A_3 {strides = array<i32>} : memref<16x128xf32, #tpu.memory_space<vmem>>, vector<16xf32>,
    %swap3A_49 = arith.constant 1 : i32
    %swap3A_50 = arith.index_cast %swap3A_49 : i32 to index
    %swap3A_51 = arith.constant 48 : index
    %swap3A_52 = tpu.vector_load %arg9[%swap3A_50, %swap3A_51] {strides = array<i32>} : memref<16x128xf32, #tpu.memory_space<vmem>>, vector<16xf32>,
    tpu.vector_store %arg9[%swap3A_50, %swap3A_51], %broadcast_in_dim3A_3 {strides = array<i32>} : memref<16x128xf32, #tpu.memory_space<vmem>>, vector<16xf32>,
    %swap3A_53 = arith.constant 1 : i32
    %swap3A_54 = arith.index_cast %swap3A_53 : i32 to index
    %swap3A_55 = arith.constant 64 : index
    %swap3A_56 = tpu.vector_load %arg9[%swap3A_54, %swap3A_55] {strides = array<i32>} : memref<16x128xf32, #tpu.memory_space<vmem>>, vector<16xf32>,
    tpu.vector_store %arg9[%swap3A_54, %swap3A_55], %broadcast_in_dim3A_3 {strides = array<i32>} : memref<16x128xf32, #tpu.memory_space<vmem>>, vector<16xf32>,
    %swap3A_57 = arith.constant 1 : i32
    %swap3A_58 = arith.index_cast %swap3A_57 : i32 to index
    %swap3A_59 = arith.constant 80 : index
    %swap3A_60 = tpu.vector_load %arg9[%swap3A_58, %swap3A_59] {strides = array<i32>} : memref<16x128xf32, #tpu.memory_space<vmem>>, vector<16xf32>,
    tpu.vector_store %arg9[%swap3A_58, %swap3A_59], %broadcast_in_dim3A_3 {strides = array<i32>} : memref<16x128xf32, #tpu.memory_space<vmem>>, vector<16xf32>,
    %swap3A_61 = arith.constant 1 : i32
    %swap3A_62 = arith.index_cast %swap3A_61 : i32 to index
    %swap3A_63 = arith.constant 96 : index
    %swap3A_64 = tpu.vector_load %arg9[%swap3A_62, %swap3A_63] {strides = array<i32>} : memref<16x128xf32, #tpu.memory_space<vmem>>, vector<16xf32>,
    tpu.vector_store %arg9[%swap3A_62, %swap3A_63], %broadcast_in_dim3A_3 {strides = array<i32>} : memref<16x128xf32, #tpu.memory_space<vmem>>, vector<16xf32>,
    %swap3A_65 = arith.constant 1 : i32
    %swap3A_66 = arith.index_cast %swap3A_65 : i32 to index
    %swap3A_67 = arith.constant 112 : index
    %swap3A_68 = tpu.vector_load %arg9[%swap3A_66, %swap3A_67] {strides = array<i32>} : memref<16x128xf32, #tpu.memory_space<vmem>>, vector<16xf32>,
    tpu.vector_store %arg9[%swap3A_66, %swap3A_67], %broadcast_in_dim3A_3 {strides = array<i32>} : memref<16x128xf32, #tpu.memory_space<vmem>>, vector<16xf32>,
    %swap3A_69 = arith.constant 2 : i32
    %swap3A_70 = arith.index_cast %swap3A_69 : i32 to index
    %swap3A_71 = arith.constant 0 : index
    %swap3A_72 = tpu.vector_load %arg9[%swap3A_70, %swap3A_71] {strides = array<i32>} : memref<16x128xf32, #tpu.memory_space<vmem>>, vector<16xf32>,
    tpu.vector_store %arg9[%swap3A_70, %swap3A_71], %broadcast_in_dim3A_3 {strides = array<i32>} : memref<16x128xf32, #tpu.memory_space<vmem>>, vector<16xf32>,
    %swap3A_73 = arith.constant 2 : i32
    %swap3A_74 = arith.index_cast %swap3A_73 : i32 to index
    %swap3A_75 = arith.constant 16 : index
    %swap3A_76 = tpu.vector_load %arg9[%swap3A_74, %swap3A_75] {strides = array<i32>} : memref<16x128xf32, #tpu.memory_space<vmem>>, vector<16xf32>,
    tpu.vector_store %arg9[%swap3A_74, %swap3A_75], %broadcast_in_dim3A_3 {strides = array<i32>} : memref<16x128xf32, #tpu.memory_space<vmem>>, vector<16xf32>,
    %swap3A_77 = arith.constant 2 : i32
    %swap3A_78 = arith.index_cast %swap3A_77 : i32 to index
    %swap3A_79 = arith.constant 32 : index
    %swap3A_80 = tpu.vector_load %arg9[%swap3A_78, %swap3A_79] {strides = array<i32>} : memref<16x128xf32, #tpu.memory_space<vmem>>, vector<16xf32>,
    tpu.vector_store %arg9[%swap3A_78, %swap3A_79], %broadcast_in_dim3A_3 {strides = array<i32>} : memref<16x128xf32, #tpu.memory_space<vmem>>, vector<16xf32>,
    %swap3A_81 = arith.constant 2 : i32
    %swap3A_82 = arith.index_cast %swap3A_81 : i32 to index
    %swap3A_83 = arith.constant 48 : index
    %swap3A_84 = tpu.vector_load %arg9[%swap3A_82, %swap3A_83] {strides = array<i32>} : memref<16x128xf32, #tpu.memory_space<vmem>>, vector<16xf32>,
    tpu.vector_store %arg9[%swap3A_82, %swap3A_83], %broadcast_in_dim3A_3 {strides = array<i32>} : memref<16x128xf32, #tpu.memory_space<vmem>>, vector<16xf32>,
    %swap3A_85 = arith.constant 2 : i32
    %swap3A_86 = arith.index_cast %swap3A_85 : i32 to index
    %swap3A_87 = arith.constant 64 : index
    %swap3A_88 = tpu.vector_load %arg9[%swap3A_86, %swap3A_87] {strides = array<i32>} : memref<16x128xf32, #tpu.memory_space<vmem>>, vector<16xf32>,
    tpu.vector_store %arg9[%swap3A_86, %swap3A_87], %broadcast_in_dim3A_3 {strides = array<i32>} : memref<16x128xf32, #tpu.memory_space<vmem>>, vector<16xf32>,
    %swap3A_89 = arith.constant 2 : i32
    %swap3A_90 = arith.index_cast %swap3A_89 : i32 to index
    %swap3A_91 = arith.constant 80 : index
    %swap3A_92 = tpu.vector_load %arg9[%swap3A_90, %swap3A_91] {strides = array<i32>} : memref<16x128xf32, #tpu.memory_space<vmem>>, vector<16xf32>,
    tpu.vector_store %arg9[%swap3A_90, %swap3A_91], %broadcast_in_dim3A_3 {strides = array<i32>} : memref<16x128xf32, #tpu.memory_space<vmem>>, vector<16xf32>,
    %swap3A_93 = arith.constant 2 : i32
    %swap3A_94 = arith.index_cast %swap3A_93 : i32 to index
    %swap3A_95 = arith.constant 96 : index
    %swap3A_96 = tpu.vector_load %arg9[%swap3A_94, %swap3A_95] {strides = array<i32>} : memref<16x128xf32, #tpu.memory_space<vmem>>, vector<16xf32>,
    tpu.vector_store %arg9[%swap3A_94, %swap3A_95], %broadcast_in_dim3A_3 {strides = array<i32>} : memref<16x128xf32, #tpu.memory_space<vmem>>, vector<16xf32>,
    %swap3A_97 = arith.constant 2 : i32
    %swap3A_98 = arith.index_cast %swap3A_97 : i32 to index
    %swap3A_99 = arith.constant 112 : index
    %swap3A_100 = tpu.vector_load %arg9[%swap3A_98, %swap3A_99] {strides = array<i32>} : memref<16x128xf32, #tpu.memory_space<vmem>>, vector<16xf32>,
    tpu.vector_store %arg9[%swap3A_98, %swap3A_99], %broadcast_in_dim3A_3 {strides = array<i32>} : memref<16x128xf32, #tpu.memory_space<vmem>>, vector<16xf32>,
    %swap3A_101 = arith.constant 3 : i32
    %swap3A_102 = arith.index_cast %swap3A_101 : i32 to index
    %swap3A_103 = arith.constant 0 : index
    %swap3A_104 = tpu.vector_load %arg9[%swap3A_102, %swap3A_103] {strides = array<i32>} : memref<16x128xf32, #tpu.memory_space<vmem>>, vector<16xf32>,
    tpu.vector_store %arg9[%swap3A_102, %swap3A_103], %broadcast_in_dim3A_3 {strides = array<i32>} : memref<16x128xf32, #tpu.memory_space<vmem>>, vector<16xf32>,
    %swap3A_105 = arith.constant 3 : i32
    %swap3A_106 = arith.index_cast %swap3A_105 : i32 to index
    %swap3A_107 = arith.constant 16 : index
    %swap3A_108 = tpu.vector_load %arg9[%swap3A_106, %swap3A_107] {strides = array<i32>} : memref<16x128xf32, #tpu.memory_space<vmem>>, vector<16xf32>,
    tpu.vector_store %arg9[%swap3A_106, %swap3A_107], %broadcast_in_dim3A_3 {strides = array<i32>} : memref<16x128xf32, #tpu.memory_space<vmem>>, vector<16xf32>,
    %swap3A_109 = arith.constant 3 : i32
    %swap3A_110 = arith.index_cast %swap3A_109 : i32 to index
    %swap3A_111 = arith.constant 32 : index
    %swap3A_112 = tpu.vector_load %arg9[%swap3A_110, %swap3A_111] {strides = array<i32>} : memref<16x128xf32, #tpu.memory_space<vmem>>, vector<16xf32>,
    tpu.vector_store %arg9[%swap3A_110, %swap3A_111], %broadcast_in_dim3A_3 {strides = array<i32>} : memref<16x128xf32, #tpu.memory_space<vmem>>, vector<16xf32>,
    %swap3A_113 = arith.constant 3 : i32
    %swap3A_114 = arith.index_cast %swap3A_113 : i32 to index
    %swap3A_115 = arith.constant 48 : index
    %swap3A_116 = tpu.vector_load %arg9[%swap3A_114, %swap3A_115] {strides = array<i32>} : memref<16x128xf32, #tpu.memory_space<vmem>>, vector<16xf32>,
    tpu.vector_store %arg9[%swap3A_114, %swap3A_115], %broadcast_in_dim3A_3 {strides = array<i32>} : memref<16x128xf32, #tpu.memory_space<vmem>>, vector<16xf32>,
    %swap3A_117 = arith.constant 3 : i32
    %swap3A_118 = arith.index_cast %swap3A_117 : i32 to index
    %swap3A_119 = arith.constant 64 : index
    %swap3A_120 = tpu.vector_load %arg9[%swap3A_118, %swap3A_119] {strides = array<i32>} : memref<16x128xf32, #tpu.memory_space<vmem>>, vector<16xf32>,
    tpu.vector_store %arg9[%swap3A_118, %swap3A_119], %broadcast_in_dim3A_3 {strides = array<i32>} : memref<16x128xf32, #tpu.memory_space<vmem>>, vector<16xf32>,
    %swap3A_121 = arith.constant 3 : i32
    %swap3A_122 = arith.index_cast %swap3A_121 : i32 to index
    %swap3A_123 = arith.constant 80 : index
    %swap3A_124 = tpu.vector_load %arg9[%swap3A_122, %swap3A_123] {strides = array<i32>} : memref<16x128xf32, #tpu.memory_space<vmem>>, vector<16xf32>,
    tpu.vector_store %arg9[%swap3A_122, %swap3A_123], %broadcast_in_dim3A_3 {strides = array<i32>} : memref<16x128xf32, #tpu.memory_space<vmem>>, vector<16xf32>,
    %swap3A_125 = arith.constant 3 : i32
    %swap3A_126 = arith.index_cast %swap3A_125 : i32 to index
    %swap3A_127 = arith.constant 96 : index
    %swap3A_128 = tpu.vector_load %arg9[%swap3A_126, %swap3A_127] {strides = array<i32>} : memref<16x128xf32, #tpu.memory_space<vmem>>, vector<16xf32>,
    tpu.vector_store %arg9[%swap3A_126, %swap3A_127], %broadcast_in_dim3A_3 {strides = array<i32>} : memref<16x128xf32, #tpu.memory_space<vmem>>, vector<16xf32>,
    %swap3A_129 = arith.constant 3 : i32
    %swap3A_130 = arith.index_cast %swap3A_129 : i32 to index
    %swap3A_131 = arith.constant 112 : index
    %swap3A_132 = tpu.vector_load %arg9[%swap3A_130, %swap3A_131] {strides = array<i32>} : memref<16x128xf32, #tpu.memory_space<vmem>>, vector<16xf32>,
    tpu.vector_store %arg9[%swap3A_130, %swap3A_131], %broadcast_in_dim3A_3 {strides = array<i32>} : memref<16x128xf32, #tpu.memory_space<vmem>>, vector<16xf32>,
    %swap3A_133 = arith.constant 4 : i32
    %swap3A_134 = arith.index_cast %swap3A_133 : i32 to index
    %swap3A_135 = arith.constant 0 : index
    %swap3A_136 = tpu.vector_load %arg9[%swap3A_134, %swap3A_135] {strides = array<i32>} : memref<16x128xf32, #tpu.memory_space<vmem>>, vector<16xf32>,
    tpu.vector_store %arg9[%swap3A_134, %swap3A_135], %broadcast_in_dim3A_3 {strides = array<i32>} : memref<16x128xf32, #tpu.memory_space<vmem>>, vector<16xf32>,
    %swap3A_137 = arith.constant 4 : i32
    %swap3A_138 = arith.index_cast %swap3A_137 : i32 to index
    %swap3A_139 = arith.constant 16 : index
    %swap3A_140 = tpu.vector_load %arg9[%swap3A_138, %swap3A_139] {strides = array<i32>} : memref<16x128xf32, #tpu.memory_space<vmem>>, vector<16xf32>,
    tpu.vector_store %arg9[%swap3A_138, %swap3A_139], %broadcast_in_dim3A_3 {strides = array<i32>} : memref<16x128xf32, #tpu.memory_space<vmem>>, vector<16xf32>,
    %swap3A_141 = arith.constant 4 : i32
    %swap3A_142 = arith.index_cast %swap3A_141 : i32 to index
    %swap3A_143 = arith.constant 32 : index
    %swap3A_144 = tpu.vector_load %arg9[%swap3A_142, %swap3A_143] {strides = array<i32>} : memref<16x128xf32, #tpu.memory_space<vmem>>, vector<16xf32>,
    tpu.vector_store %arg9[%swap3A_142, %swap3A_143], %broadcast_in_dim3A_3 {strides = array<i32>} : memref<16x128xf32, #tpu.memory_space<vmem>>, vector<16xf32>,
    %swap3A_145 = arith.constant 4 : i32
    %swap3A_146 = arith.index_cast %swap3A_145 : i32 to index
    %swap3A_147 = arith.constant 48 : index
    %swap3A_148 = tpu.vector_load %arg9[%swap3A_146, %swap3A_147] {strides = array<i32>} : memref<16x128xf32, #tpu.memory_space<vmem>>, vector<16xf32>,
    tpu.vector_store %arg9[%swap3A_146, %swap3A_147], %broadcast_in_dim3A_3 {strides = array<i32>} : memref<16x128xf32, #tpu.memory_space<vmem>>, vector<16xf32>,
    %swap3A_149 = arith.constant 4 : i32
    %swap3A_150 = arith.index_cast %swap3A_149 : i32 to index
    %swap3A_151 = arith.constant 64 : index
    %swap3A_152 = tpu.vector_load %arg9[%swap3A_150, %swap3A_151] {strides = array<i32>} : memref<16x128xf32, #tpu.memory_space<vmem>>, vector<16xf32>,
    tpu.vector_store %arg9[%swap3A_150, %swap3A_151], %broadcast_in_dim3A_3 {strides = array<i32>} : memref<16x128xf32, #tpu.memory_space<vmem>>, vector<16xf32>,
    %swap3A_153 = arith.constant 4 : i32
    %swap3A_154 = arith.index_cast %swap3A_153 : i32 to index
    %swap3A_155 = arith.constant 80 : index
    %swap3A_156 = tpu.vector_load %arg9[%swap3A_154, %swap3A_155] {strides = array<i32>} : memref<16x128xf32, #tpu.memory_space<vmem>>, vector<16xf32>,
    tpu.vector_store %arg9[%swap3A_154, %swap3A_155], %broadcast_in_dim3A_3 {strides = array<i32>} : memref<16x128xf32, #tpu.memory_space<vmem>>, vector<16xf32>,
    %swap3A_157 = arith.constant 4 : i32
    %swap3A_158 = arith.index_cast %swap3A_157 : i32 to index
    %swap3A_159 = arith.constant 96 : index
    %swap3A_160 = tpu.vector_load %arg9[%swap3A_158, %swap3A_159] {strides = array<i32>} : memref<16x128xf32, #tpu.memory_space<vmem>>, vector<16xf32>,
    tpu.vector_store %arg9[%swap3A_158, %swap3A_159], %broadcast_in_dim3A_3 {strides = array<i32>} : memref<16x128xf32, #tpu.memory_space<vmem>>, vector<16xf32>,
    %swap3A_161 = arith.constant 4 : i32
    %swap3A_162 = arith.index_cast %swap3A_161 : i32 to index
    %swap3A_163 = arith.constant 112 : index
    %swap3A_164 = tpu.vector_load %arg9[%swap3A_162, %swap3A_163] {strides = array<i32>} : memref<16x128xf32, #tpu.memory_space<vmem>>, vector<16xf32>,
    tpu.vector_store %arg9[%swap3A_162, %swap3A_163], %broadcast_in_dim3A_3 {strides = array<i32>} : memref<16x128xf32, #tpu.memory_space<vmem>>, vector<16xf32>,
    %swap3A_165 = arith.constant 5 : i32
    %swap3A_166 = arith.index_cast %swap3A_165 : i32 to index
    %swap3A_167 = arith.constant 0 : index
    %swap3A_168 = tpu.vector_load %arg9[%swap3A_166, %swap3A_167] {strides = array<i32>} : memref<16x128xf32, #tpu.memory_space<vmem>>, vector<16xf32>,
    tpu.vector_store %arg9[%swap3A_166, %swap3A_167], %broadcast_in_dim3A_3 {strides = array<i32>} : memref<16x128xf32, #tpu.memory_space<vmem>>, vector<16xf32>,
    %swap3A_169 = arith.constant 5 : i32
    %swap3A_170 = arith.index_cast %swap3A_169 : i32 to index
    %swap3A_171 = arith.constant 16 : index
    %swap3A_172 = tpu.vector_load %arg9[%swap3A_170, %swap3A_171] {strides = array<i32>} : memref<16x128xf32, #tpu.memory_space<vmem>>, vector<16xf32>,
    tpu.vector_store %arg9[%swap3A_170, %swap3A_171], %broadcast_in_dim3A_3 {strides = array<i32>} : memref<16x128xf32, #tpu.memory_space<vmem>>, vector<16xf32>,
    %swap3A_173 = arith.constant 5 : i32
    %swap3A_174 = arith.index_cast %swap3A_173 : i32 to index
    %swap3A_175 = arith.constant 32 : index
    %swap3A_176 = tpu.vector_load %arg9[%swap3A_174, %swap3A_175] {strides = array<i32>} : memref<16x128xf32, #tpu.memory_space<vmem>>, vector<16xf32>,
    tpu.vector_store %arg9[%swap3A_174, %swap3A_175], %broadcast_in_dim3A_3 {strides = array<i32>} : memref<16x128xf32, #tpu.memory_space<vmem>>, vector<16xf32>,
    %swap3A_177 = arith.constant 5 : i32
    %swap3A_178 = arith.index_cast %swap3A_177 : i32 to index
    %swap3A_179 = arith.constant 48 : index
    %swap3A_180 = tpu.vector_load %arg9[%swap3A_178, %swap3A_179] {strides = array<i32>} : memref<16x128xf32, #tpu.memory_space<vmem>>, vector<16xf32>,
    tpu.vector_store %arg9[%swap3A_178, %swap3A_179], %broadcast_in_dim3A_3 {strides = array<i32>} : memref<16x128xf32, #tpu.memory_space<vmem>>, vector<16xf32>,
    %swap3A_181 = arith.constant 5 : i32
    %swap3A_182 = arith.index_cast %swap3A_181 : i32 to index
    %swap3A_183 = arith.constant 64 : index
    %swap3A_184 = tpu.vector_load %arg9[%swap3A_182, %swap3A_183] {strides = array<i32>} : memref<16x128xf32, #tpu.memory_space<vmem>>, vector<16xf32>,
    tpu.vector_store %arg9[%swap3A_182, %swap3A_183], %broadcast_in_dim3A_3 {strides = array<i32>} : memref<16x128xf32, #tpu.memory_space<vmem>>, vector<16xf32>,
    %swap3A_185 = arith.constant 5 : i32
    %swap3A_186 = arith.index_cast %swap3A_185 : i32 to index
    %swap3A_187 = arith.constant 80 : index
    %swap3A_188 = tpu.vector_load %arg9[%swap3A_186, %swap3A_187] {strides = array<i32>} : memref<16x128xf32, #tpu.memory_space<vmem>>, vector<16xf32>,
    tpu.vector_store %arg9[%swap3A_186, %swap3A_187], %broadcast_in_dim3A_3 {strides = array<i32>} : memref<16x128xf32, #tpu.memory_space<vmem>>, vector<16xf32>,
    %swap3A_189 = arith.constant 5 : i32
    %swap3A_190 = arith.index_cast %swap3A_189 : i32 to index
    %swap3A_191 = arith.constant 96 : index
    %swap3A_192 = tpu.vector_load %arg9[%swap3A_190, %swap3A_191] {strides = array<i32>} : memref<16x128xf32, #tpu.memory_space<vmem>>, vector<16xf32>,
    tpu.vector_store %arg9[%swap3A_190, %swap3A_191], %broadcast_in_dim3A_3 {strides = array<i32>} : memref<16x128xf32, #tpu.memory_space<vmem>>, vector<16xf32>,
    %swap3A_193 = arith.constant 5 : i32
    %swap3A_194 = arith.index_cast %swap3A_193 : i32 to index
    %swap3A_195 = arith.constant 112 : index
    %swap3A_196 = tpu.vector_load %arg9[%swap3A_194, %swap3A_195] {strides = array<i32>} : memref<16x128xf32, #tpu.memory_space<vmem>>, vector<16xf32>,
    tpu.vector_store %arg9[%swap3A_194, %swap3A_195], %broadcast_in_dim3A_3 {strides = array<i32>} : memref<16x128xf32, #tpu.memory_space<vmem>>, vector<16xf32>,
    %swap3A_197 = arith.constant 6 : i32
    %swap3A_198 = arith.index_cast %swap3A_197 : i32 to index
    %swap3A_199 = arith.constant 0 : index
    %swap3A_200 = tpu.vector_load %arg9[%swap3A_198, %swap3A_199] {strides = array<i32>} : memref<16x128xf32, #tpu.memory_space<vmem>>, vector<16xf32>,
    tpu.vector_store %arg9[%swap3A_198, %swap3A_199], %broadcast_in_dim3A_3 {strides = array<i32>} : memref<16x128xf32, #tpu.memory_space<vmem>>, vector<16xf32>,
    %swap3A_201 = arith.constant 6 : i32
    %swap3A_202 = arith.index_cast %swap3A_201 : i32 to index
    %swap3A_203 = arith.constant 16 : index
    %swap3A_204 = tpu.vector_load %arg9[%swap3A_202, %swap3A_203] {strides = array<i32>} : memref<16x128xf32, #tpu.memory_space<vmem>>, vector<16xf32>,
    tpu.vector_store %arg9[%swap3A_202, %swap3A_203], %broadcast_in_dim3A_3 {strides = array<i32>} : memref<16x128xf32, #tpu.memory_space<vmem>>, vector<16xf32>,
    %swap3A_205 = arith.constant 6 : i32
    %swap3A_206 = arith.index_cast %swap3A_205 : i32 to index
    %swap3A_207 = arith.constant 32 : index
    %swap3A_208 = tpu.vector_load %arg9[%swap3A_206, %swap3A_207] {strides = array<i32>} : memref<16x128xf32, #tpu.memory_space<vmem>>, vector<16xf32>,
    tpu.vector_store %arg9[%swap3A_206, %swap3A_207], %broadcast_in_dim3A_3 {strides = array<i32>} : memref<16x128xf32, #tpu.memory_space<vmem>>, vector<16xf32>,
    %swap3A_209 = arith.constant 6 : i32
    %swap3A_210 = arith.index_cast %swap3A_209 : i32 to index
    %swap3A_211 = arith.constant 48 : index
    %swap3A_212 = tpu.vector_load %arg9[%swap3A_210, %swap3A_211] {strides = array<i32>} : memref<16x128xf32, #tpu.memory_space<vmem>>, vector<16xf32>,
    tpu.vector_store %arg9[%swap3A_210, %swap3A_211], %broadcast_in_dim3A_3 {strides = array<i32>} : memref<16x128xf32, #tpu.memory_space<vmem>>, vector<16xf32>,
    %swap3A_213 = arith.constant 6 : i32
    %swap3A_214 = arith.index_cast %swap3A_213 : i32 to index
    %swap3A_215 = arith.constant 64 : index
    %swap3A_216 = tpu.vector_load %arg9[%swap3A_214, %swap3A_215] {strides = array<i32>} : memref<16x128xf32, #tpu.memory_space<vmem>>, vector<16xf32>,
    tpu.vector_store %arg9[%swap3A_214, %swap3A_215], %broadcast_in_dim3A_3 {strides = array<i32>} : memref<16x128xf32, #tpu.memory_space<vmem>>, vector<16xf32>,
    %swap3A_217 = arith.constant 6 : i32
    %swap3A_218 = arith.index_cast %swap3A_217 : i32 to index
    %swap3A_219 = arith.constant 80 : index
    %swap3A_220 = tpu.vector_load %arg9[%swap3A_218, %swap3A_219] {strides = array<i32>} : memref<16x128xf32, #tpu.memory_space<vmem>>, vector<16xf32>,
    tpu.vector_store %arg9[%swap3A_218, %swap3A_219], %broadcast_in_dim3A_3 {strides = array<i32>} : memref<16x128xf32, #tpu.memory_space<vmem>>, vector<16xf32>,
    %swap3A_221 = arith.constant 6 : i32
    %swap3A_222 = arith.index_cast %swap3A_221 : i32 to index
    %swap3A_223 = arith.constant 96 : index
    %swap3A_224 = tpu.vector_load %arg9[%swap3A_222, %swap3A_223] {strides = array<i32>} : memref<16x128xf32, #tpu.memory_space<vmem>>, vector<16xf32>,
    tpu.vector_store %arg9[%swap3A_222, %swap3A_223], %broadcast_in_dim3A_3 {strides = array<i32>} : memref<16x128xf32, #tpu.memory_space<vmem>>, vector<16xf32>,
    %swap3A_225 = arith.constant 6 : i32
    %swap3A_226 = arith.index_cast %swap3A_225 : i32 to index
    %swap3A_227 = arith.constant 112 : index
    %swap3A_228 = tpu.vector_load %arg9[%swap3A_226, %swap3A_227] {strides = array<i32>} : memref<16x128xf32, #tpu.memory_space<vmem>>, vector<16xf32>,
    tpu.vector_store %arg9[%swap3A_226, %swap3A_227], %broadcast_in_dim3A_3 {strides = array<i32>} : memref<16x128xf32, #tpu.memory_space<vmem>>, vector<16xf32>,
    %swap3A_229 = arith.constant 7 : i32
    %swap3A_230 = arith.index_cast %swap3A_229 : i32 to index
    %swap3A_231 = arith.constant 0 : index
    %swap3A_232 = tpu.vector_load %arg9[%swap3A_230, %swap3A_231] {strides = array<i32>} : memref<16x128xf32, #tpu.memory_space<vmem>>, vector<16xf32>,
    tpu.vector_store %arg9[%swap3A_230, %swap3A_231], %broadcast_in_dim3A_3 {strides = array<i32>} : memref<16x128xf32, #tpu.memory_space<vmem>>, vector<16xf32>,
    %swap3A_233 = arith.constant 7 : i32
    %swap3A_234 = arith.index_cast %swap3A_233 : i32 to index
    %swap3A_235 = arith.constant 16 : index
    %swap3A_236 = tpu.vector_load %arg9[%swap3A_234, %swap3A_235] {strides = array<i32>} : memref<16x128xf32, #tpu.memory_space<vmem>>, vector<16xf32>,
    tpu.vector_store %arg9[%swap3A_234, %swap3A_235], %broadcast_in_dim3A_3 {strides = array<i32>} : memref<16x128xf32, #tpu.memory_space<vmem>>, vector<16xf32>,
    %swap3A_237 = arith.constant 7 : i32
    %swap3A_238 = arith.index_cast %swap3A_237 : i32 to index
    %swap3A_239 = arith.constant 32 : index
    %swap3A_240 = tpu.vector_load %arg9[%swap3A_238, %swap3A_239] {strides = array<i32>} : memref<16x128xf32, #tpu.memory_space<vmem>>, vector<16xf32>,
    tpu.vector_store %arg9[%swap3A_238, %swap3A_239], %broadcast_in_dim3A_3 {strides = array<i32>} : memref<16x128xf32, #tpu.memory_space<vmem>>, vector<16xf32>,
    %swap3A_241 = arith.constant 7 : i32
    %swap3A_242 = arith.index_cast %swap3A_241 : i32 to index
    %swap3A_243 = arith.constant 48 : index
    %swap3A_244 = tpu.vector_load %arg9[%swap3A_242, %swap3A_243] {strides = array<i32>} : memref<16x128xf32, #tpu.memory_space<vmem>>, vector<16xf32>,
    tpu.vector_store %arg9[%swap3A_242, %swap3A_243], %broadcast_in_dim3A_3 {strides = array<i32>} : memref<16x128xf32, #tpu.memory_space<vmem>>, vector<16xf32>,
    %swap3A_245 = arith.constant 7 : i32
    %swap3A_246 = arith.index_cast %swap3A_245 : i32 to index
    %swap3A_247 = arith.constant 64 : index
    %swap3A_248 = tpu.vector_load %arg9[%swap3A_246, %swap3A_247] {strides = array<i32>} : memref<16x128xf32, #tpu.memory_space<vmem>>, vector<16xf32>,
    tpu.vector_store %arg9[%swap3A_246, %swap3A_247], %broadcast_in_dim3A_3 {strides = array<i32>} : memref<16x128xf32, #tpu.memory_space<vmem>>, vector<16xf32>,
    %swap3A_249 = arith.constant 7 : i32
    %swap3A_250 = arith.index_cast %swap3A_249 : i32 to index
    %swap3A_251 = arith.constant 80 : index
    %swap3A_252 = tpu.vector_load %arg9[%swap3A_250, %swap3A_251] {strides = array<i32>} : memref<16x128xf32, #tpu.memory_space<vmem>>, vector<16xf32>,
    tpu.vector_store %arg9[%swap3A_250, %swap3A_251], %broadcast_in_dim3A_3 {strides = array<i32>} : memref<16x128xf32, #tpu.memory_space<vmem>>, vector<16xf32>,
    %swap3A_253 = arith.constant 7 : i32
    %swap3A_254 = arith.index_cast %swap3A_253 : i32 to index
    %swap3A_255 = arith.constant 96 : index
    %swap3A_256 = tpu.vector_load %arg9[%swap3A_254, %swap3A_255] {strides = array<i32>} : memref<16x128xf32, #tpu.memory_space<vmem>>, vector<16xf32>,
    tpu.vector_store %arg9[%swap3A_254, %swap3A_255], %broadcast_in_dim3A_3 {strides = array<i32>} : memref<16x128xf32, #tpu.memory_space<vmem>>, vector<16xf32>,
    %swap3A_257 = arith.constant 7 : i32
    %swap3A_258 = arith.index_cast %swap3A_257 : i32 to index
    %swap3A_259 = arith.constant 112 : index
    %swap3A_260 = tpu.vector_load %arg9[%swap3A_258, %swap3A_259] {strides = array<i32>} : memref<16x128xf32, #tpu.memory_space<vmem>>, vector<16xf32>,
    tpu.vector_store %arg9[%swap3A_258, %swap3A_259], %broadcast_in_dim3A_3 {strides = array<i32>} : memref<16x128xf32, #tpu.memory_space<vmem>>, vector<16xf32>,
    %swap3A_261 = arith.constant 8 : i32
    %swap3A_262 = arith.index_cast %swap3A_261 : i32 to index
    %swap3A_263 = arith.constant 0 : index
    %swap3A_264 = tpu.vector_load %arg9[%swap3A_262, %swap3A_263] {strides = array<i32>} : memref<16x128xf32, #tpu.memory_space<vmem>>, vector<16xf32>,
    tpu.vector_store %arg9[%swap3A_262, %swap3A_263], %broadcast_in_dim3A_3 {strides = array<i32>} : memref<16x128xf32, #tpu.memory_space<vmem>>, vector<16xf32>,
    %swap3A_265 = arith.constant 8 : i32
    %swap3A_266 = arith.index_cast %swap3A_265 : i32 to index
    %swap3A_267 = arith.constant 16 : index
    %swap3A_268 = tpu.vector_load %arg9[%swap3A_266, %swap3A_267] {strides = array<i32>} : memref<16x128xf32, #tpu.memory_space<vmem>>, vector<16xf32>,
    tpu.vector_store %arg9[%swap3A_266, %swap3A_267], %broadcast_in_dim3A_3 {strides = array<i32>} : memref<16x128xf32, #tpu.memory_space<vmem>>, vector<16xf32>,
    %swap3A_269 = arith.constant 8 : i32
    %swap3A_270 = arith.index_cast %swap3A_269 : i32 to index
    %swap3A_271 = arith.constant 32 : index
    %swap3A_272 = tpu.vector_load %arg9[%swap3A_270, %swap3A_271] {strides = array<i32>} : memref<16x128xf32, #tpu.memory_space<vmem>>, vector<16xf32>,
    tpu.vector_store %arg9[%swap3A_270, %swap3A_271], %broadcast_in_dim3A_3 {strides = array<i32>} : memref<16x128xf32, #tpu.memory_space<vmem>>, vector<16xf32>,
    %swap3A_273 = arith.constant 8 : i32
    %swap3A_274 = arith.index_cast %swap3A_273 : i32 to index
    %swap3A_275 = arith.constant 48 : index
    %swap3A_276 = tpu.vector_load %arg9[%swap3A_274, %swap3A_275] {strides = array<i32>} : memref<16x128xf32, #tpu.memory_space<vmem>>, vector<16xf32>,
    tpu.vector_store %arg9[%swap3A_274, %swap3A_275], %broadcast_in_dim3A_3 {strides = array<i32>} : memref<16x128xf32, #tpu.memory_space<vmem>>, vector<16xf32>,
    %swap3A_277 = arith.constant 8 : i32
    %swap3A_278 = arith.index_cast %swap3A_277 : i32 to index
    %swap3A_279 = arith.constant 64 : index
    %swap3A_280 = tpu.vector_load %arg9[%swap3A_278, %swap3A_279] {strides = array<i32>} : memref<16x128xf32, #tpu.memory_space<vmem>>, vector<16xf32>,
    tpu.vector_store %arg9[%swap3A_278, %swap3A_279], %broadcast_in_dim3A_3 {strides = array<i32>} : memref<16x128xf32, #tpu.memory_space<vmem>>, vector<16xf32>,
    %swap3A_281 = arith.constant 8 : i32
    %swap3A_282 = arith.index_cast %swap3A_281 : i32 to index
    %swap3A_283 = arith.constant 80 : index
    %swap3A_284 = tpu.vector_load %arg9[%swap3A_282, %swap3A_283] {strides = array<i32>} : memref<16x128xf32, #tpu.memory_space<vmem>>, vector<16xf32>,
    tpu.vector_store %arg9[%swap3A_282, %swap3A_283], %broadcast_in_dim3A_3 {strides = array<i32>} : memref<16x128xf32, #tpu.memory_space<vmem>>, vector<16xf32>,
    %swap3A_285 = arith.constant 8 : i32
    %swap3A_286 = arith.index_cast %swap3A_285 : i32 to index
    %swap3A_287 = arith.constant 96 : index
    %swap3A_288 = tpu.vector_load %arg9[%swap3A_286, %swap3A_287] {strides = array<i32>} : memref<16x128xf32, #tpu.memory_space<vmem>>, vector<16xf32>,
    tpu.vector_store %arg9[%swap3A_286, %swap3A_287], %broadcast_in_dim3A_3 {strides = array<i32>} : memref<16x128xf32, #tpu.memory_space<vmem>>, vector<16xf32>,
    %swap3A_289 = arith.constant 8 : i32
    %swap3A_290 = arith.index_cast %swap3A_289 : i32 to index
    %swap3A_291 = arith.constant 112 : index
    %swap3A_292 = tpu.vector_load %arg9[%swap3A_290, %swap3A_291] {strides = array<i32>} : memref<16x128xf32, #tpu.memory_space<vmem>>, vector<16xf32>,
    tpu.vector_store %arg9[%swap3A_290, %swap3A_291], %broadcast_in_dim3A_3 {strides = array<i32>} : memref<16x128xf32, #tpu.memory_space<vmem>>, vector<16xf32>,
    %swap3A_293 = arith.constant 9 : i32
    %swap3A_294 = arith.index_cast %swap3A_293 : i32 to index
    %swap3A_295 = arith.constant 0 : index
    %swap3A_296 = tpu.vector_load %arg9[%swap3A_294, %swap3A_295] {strides = array<i32>} : memref<16x128xf32, #tpu.memory_space<vmem>>, vector<16xf32>,
    tpu.vector_store %arg9[%swap3A_294, %swap3A_295], %broadcast_in_dim3A_3 {strides = array<i32>} : memref<16x128xf32, #tpu.memory_space<vmem>>, vector<16xf32>,
    %swap3A_297 = arith.constant 9 : i32
    %swap3A_298 = arith.index_cast %swap3A_297 : i32 to index
    %swap3A_299 = arith.constant 16 : index
    %swap3A_300 = tpu.vector_load %arg9[%swap3A_298, %swap3A_299] {strides = array<i32>} : memref<16x128xf32, #tpu.memory_space<vmem>>, vector<16xf32>,
    tpu.vector_store %arg9[%swap3A_298, %swap3A_299], %broadcast_in_dim3A_3 {strides = array<i32>} : memref<16x128xf32, #tpu.memory_space<vmem>>, vector<16xf32>,
    %swap3A_301 = arith.constant 9 : i32
    %swap3A_302 = arith.index_cast %swap3A_301 : i32 to index
    %swap3A_303 = arith.constant 32 : index
    %swap3A_304 = tpu.vector_load %arg9[%swap3A_302, %swap3A_303] {strides = array<i32>} : memref<16x128xf32, #tpu.memory_space<vmem>>, vector<16xf32>,
    tpu.vector_store %arg9[%swap3A_302, %swap3A_303], %broadcast_in_dim3A_3 {strides = array<i32>} : memref<16x128xf32, #tpu.memory_space<vmem>>, vector<16xf32>,
    %swap3A_305 = arith.constant 9 : i32
    %swap3A_306 = arith.index_cast %swap3A_305 : i32 to index
    %swap3A_307 = arith.constant 48 : index
    %swap3A_308 = tpu.vector_load %arg9[%swap3A_306, %swap3A_307] {strides = array<i32>} : memref<16x128xf32, #tpu.memory_space<vmem>>, vector<16xf32>,
    tpu.vector_store %arg9[%swap3A_306, %swap3A_307], %broadcast_in_dim3A_3 {strides = array<i32>} : memref<16x128xf32, #tpu.memory_space<vmem>>, vector<16xf32>,
    %swap3A_309 = arith.constant 9 : i32
    %swap3A_310 = arith.index_cast %swap3A_309 : i32 to index
    %swap3A_311 = arith.constant 64 : index
    %swap3A_312 = tpu.vector_load %arg9[%swap3A_310, %swap3A_311] {strides = array<i32>} : memref<16x128xf32, #tpu.memory_space<vmem>>, vector<16xf32>,
    tpu.vector_store %arg9[%swap3A_310, %swap3A_311], %broadcast_in_dim3A_3 {strides = array<i32>} : memref<16x128xf32, #tpu.memory_space<vmem>>, vector<16xf32>,
    %swap3A_313 = arith.constant 9 : i32
    %swap3A_314 = arith.index_cast %swap3A_313 : i32 to index
    %swap3A_315 = arith.constant 80 : index
    %swap3A_316 = tpu.vector_load %arg9[%swap3A_314, %swap3A_315] {strides = array<i32>} : memref<16x128xf32, #tpu.memory_space<vmem>>, vector<16xf32>,
    tpu.vector_store %arg9[%swap3A_314, %swap3A_315], %broadcast_in_dim3A_3 {strides = array<i32>} : memref<16x128xf32, #tpu.memory_space<vmem>>, vector<16xf32>,
    %swap3A_317 = arith.constant 9 : i32
    %swap3A_318 = arith.index_cast %swap3A_317 : i32 to index
    %swap3A_319 = arith.constant 96 : index
    %swap3A_320 = tpu.vector_load %arg9[%swap3A_318, %swap3A_319] {strides = array<i32>} : memref<16x128xf32, #tpu.memory_space<vmem>>, vector<16xf32>,
    tpu.vector_store %arg9[%swap3A_318, %swap3A_319], %broadcast_in_dim3A_3 {strides = array<i32>} : memref<16x128xf32, #tpu.memory_space<vmem>>, vector<16xf32>,
    %swap3A_321 = arith.constant 9 : i32
    %swap3A_322 = arith.index_cast %swap3A_321 : i32 to index
    %swap3A_323 = arith.constant 112 : index
    %swap3A_324 = tpu.vector_load %arg9[%swap3A_322, %swap3A_323] {strides = array<i32>} : memref<16x128xf32, #tpu.memory_space<vmem>>, vector<16xf32>,
    tpu.vector_store %arg9[%swap3A_322, %swap3A_323], %broadcast_in_dim3A_3 {strides = array<i32>} : memref<16x128xf32, #tpu.memory_space<vmem>>, vector<16xf32>,
    %swap3A_325 = arith.constant 10 : i32
    %swap3A_326 = arith.index_cast %swap3A_325 : i32 to index
    %swap3A_327 = arith.constant 0 : index
    %swap3A_328 = tpu.vector_load %arg9[%swap3A_326, %swap3A_327] {strides = array<i32>} : memref<16x128xf32, #tpu.memory_space<vmem>>, vector<16xf32>,
    tpu.vector_store %arg9[%swap3A_326, %swap3A_327], %broadcast_in_dim3A_3 {strides = array<i32>} : memref<16x128xf32, #tpu.memory_space<vmem>>, vector<16xf32>,
    %swap3A_329 = arith.constant 10 : i32
    %swap3A_330 = arith.index_cast %swap3A_329 : i32 to index
    %swap3A_331 = arith.constant 16 : index
    %swap3A_332 = tpu.vector_load %arg9[%swap3A_330, %swap3A_331] {strides = array<i32>} : memref<16x128xf32, #tpu.memory_space<vmem>>, vector<16xf32>,
    tpu.vector_store %arg9[%swap3A_330, %swap3A_331], %broadcast_in_dim3A_3 {strides = array<i32>} : memref<16x128xf32, #tpu.memory_space<vmem>>, vector<16xf32>,
    %swap3A_333 = arith.constant 10 : i32
    %swap3A_334 = arith.index_cast %swap3A_333 : i32 to index
    %swap3A_335 = arith.constant 32 : index
    %swap3A_336 = tpu.vector_load %arg9[%swap3A_334, %swap3A_335] {strides = array<i32>} : memref<16x128xf32, #tpu.memory_space<vmem>>, vector<16xf32>,
    tpu.vector_store %arg9[%swap3A_334, %swap3A_335], %broadcast_in_dim3A_3 {strides = array<i32>} : memref<16x128xf32, #tpu.memory_space<vmem>>, vector<16xf32>,
    %swap3A_337 = arith.constant 10 : i32
    %swap3A_338 = arith.index_cast %swap3A_337 : i32 to index
    %swap3A_339 = arith.constant 48 : index
    %swap3A_340 = tpu.vector_load %arg9[%swap3A_338, %swap3A_339] {strides = array<i32>} : memref<16x128xf32, #tpu.memory_space<vmem>>, vector<16xf32>,
    tpu.vector_store %arg9[%swap3A_338, %swap3A_339], %broadcast_in_dim3A_3 {strides = array<i32>} : memref<16x128xf32, #tpu.memory_space<vmem>>, vector<16xf32>,
    %swap3A_341 = arith.constant 10 : i32
    %swap3A_342 = arith.index_cast %swap3A_341 : i32 to index
    %swap3A_343 = arith.constant 64 : index
    %swap3A_344 = tpu.vector_load %arg9[%swap3A_342, %swap3A_343] {strides = array<i32>} : memref<16x128xf32, #tpu.memory_space<vmem>>, vector<16xf32>,
    tpu.vector_store %arg9[%swap3A_342, %swap3A_343], %broadcast_in_dim3A_3 {strides = array<i32>} : memref<16x128xf32, #tpu.memory_space<vmem>>, vector<16xf32>,
    %swap3A_345 = arith.constant 10 : i32
    %swap3A_346 = arith.index_cast %swap3A_345 : i32 to index
    %swap3A_347 = arith.constant 80 : index
    %swap3A_348 = tpu.vector_load %arg9[%swap3A_346, %swap3A_347] {strides = array<i32>} : memref<16x128xf32, #tpu.memory_space<vmem>>, vector<16xf32>,
    tpu.vector_store %arg9[%swap3A_346, %swap3A_347], %broadcast_in_dim3A_3 {strides = array<i32>} : memref<16x128xf32, #tpu.memory_space<vmem>>, vector<16xf32>,
    %swap3A_349 = arith.constant 10 : i32
    %swap3A_350 = arith.index_cast %swap3A_349 : i32 to index
    %swap3A_351 = arith.constant 96 : index
    %swap3A_352 = tpu.vector_load %arg9[%swap3A_350, %swap3A_351] {strides = array<i32>} : memref<16x128xf32, #tpu.memory_space<vmem>>, vector<16xf32>,
    tpu.vector_store %arg9[%swap3A_350, %swap3A_351], %broadcast_in_dim3A_3 {strides = array<i32>} : memref<16x128xf32, #tpu.memory_space<vmem>>, vector<16xf32>,
    %swap3A_353 = arith.constant 10 : i32
    %swap3A_354 = arith.index_cast %swap3A_353 : i32 to index
    %swap3A_355 = arith.constant 112 : index
    %swap3A_356 = tpu.vector_load %arg9[%swap3A_354, %swap3A_355] {strides = array<i32>} : memref<16x128xf32, #tpu.memory_space<vmem>>, vector<16xf32>,
    tpu.vector_store %arg9[%swap3A_354, %swap3A_355], %broadcast_in_dim3A_3 {strides = array<i32>} : memref<16x128xf32, #tpu.memory_space<vmem>>, vector<16xf32>,
    %swap3A_357 = arith.constant 11 : i32
    %swap3A_358 = arith.index_cast %swap3A_357 : i32 to index
    %swap3A_359 = arith.constant 0 : index
    %swap3A_360 = tpu.vector_load %arg9[%swap3A_358, %swap3A_359] {strides = array<i32>} : memref<16x128xf32, #tpu.memory_space<vmem>>, vector<16xf32>,
    tpu.vector_store %arg9[%swap3A_358, %swap3A_359], %broadcast_in_dim3A_3 {strides = array<i32>} : memref<16x128xf32, #tpu.memory_space<vmem>>, vector<16xf32>,
    %swap3A_361 = arith.constant 11 : i32
    %swap3A_362 = arith.index_cast %swap3A_361 : i32 to index
    %swap3A_363 = arith.constant 16 : index
    %swap3A_364 = tpu.vector_load %arg9[%swap3A_362, %swap3A_363] {strides = array<i32>} : memref<16x128xf32, #tpu.memory_space<vmem>>, vector<16xf32>,
    tpu.vector_store %arg9[%swap3A_362, %swap3A_363], %broadcast_in_dim3A_3 {strides = array<i32>} : memref<16x128xf32, #tpu.memory_space<vmem>>, vector<16xf32>,
    %swap3A_365 = arith.constant 11 : i32
    %swap3A_366 = arith.index_cast %swap3A_365 : i32 to index
    %swap3A_367 = arith.constant 32 : index
    %swap3A_368 = tpu.vector_load %arg9[%swap3A_366, %swap3A_367] {strides = array<i32>} : memref<16x128xf32, #tpu.memory_space<vmem>>, vector<16xf32>,
    tpu.vector_store %arg9[%swap3A_366, %swap3A_367], %broadcast_in_dim3A_3 {strides = array<i32>} : memref<16x128xf32, #tpu.memory_space<vmem>>, vector<16xf32>,
    %swap3A_369 = arith.constant 11 : i32
    %swap3A_370 = arith.index_cast %swap3A_369 : i32 to index
    %swap3A_371 = arith.constant 48 : index
    %swap3A_372 = tpu.vector_load %arg9[%swap3A_370, %swap3A_371] {strides = array<i32>} : memref<16x128xf32, #tpu.memory_space<vmem>>, vector<16xf32>,
    tpu.vector_store %arg9[%swap3A_370, %swap3A_371], %broadcast_in_dim3A_3 {strides = array<i32>} : memref<16x128xf32, #tpu.memory_space<vmem>>, vector<16xf32>,
    %swap3A_373 = arith.constant 11 : i32
    %swap3A_374 = arith.index_cast %swap3A_373 : i32 to index
    %swap3A_375 = arith.constant 64 : index
    %swap3A_376 = tpu.vector_load %arg9[%swap3A_374, %swap3A_375] {strides = array<i32>} : memref<16x128xf32, #tpu.memory_space<vmem>>, vector<16xf32>,
    tpu.vector_store %arg9[%swap3A_374, %swap3A_375], %broadcast_in_dim3A_3 {strides = array<i32>} : memref<16x128xf32, #tpu.memory_space<vmem>>, vector<16xf32>,
    %swap3A_377 = arith.constant 11 : i32
    %swap3A_378 = arith.index_cast %swap3A_377 : i32 to index
    %swap3A_379 = arith.constant 80 : index
    %swap3A_380 = tpu.vector_load %arg9[%swap3A_378, %swap3A_379] {strides = array<i32>} : memref<16x128xf32, #tpu.memory_space<vmem>>, vector<16xf32>,
    tpu.vector_store %arg9[%swap3A_378, %swap3A_379], %broadcast_in_dim3A_3 {strides = array<i32>} : memref<16x128xf32, #tpu.memory_space<vmem>>, vector<16xf32>,
    %swap3A_381 = arith.constant 11 : i32
    %swap3A_382 = arith.index_cast %swap3A_381 : i32 to index
    %swap3A_383 = arith.constant 96 : index
    %swap3A_384 = tpu.vector_load %arg9[%swap3A_382, %swap3A_383] {strides = array<i32>} : memref<16x128xf32, #tpu.memory_space<vmem>>, vector<16xf32>,
    tpu.vector_store %arg9[%swap3A_382, %swap3A_383], %broadcast_in_dim3A_3 {strides = array<i32>} : memref<16x128xf32, #tpu.memory_space<vmem>>, vector<16xf32>,
    %swap3A_385 = arith.constant 11 : i32
    %swap3A_386 = arith.index_cast %swap3A_385 : i32 to index
    %swap3A_387 = arith.constant 112 : index
    %swap3A_388 = tpu.vector_load %arg9[%swap3A_386, %swap3A_387] {strides = array<i32>} : memref<16x128xf32, #tpu.memory_space<vmem>>, vector<16xf32>,
    tpu.vector_store %arg9[%swap3A_386, %swap3A_387], %broadcast_in_dim3A_3 {strides = array<i32>} : memref<16x128xf32, #tpu.memory_space<vmem>>, vector<16xf32>,
    %swap3A_389 = arith.constant 12 : i32
    %swap3A_390 = arith.index_cast %swap3A_389 : i32 to index
    %swap3A_391 = arith.constant 0 : index
    %swap3A_392 = tpu.vector_load %arg9[%swap3A_390, %swap3A_391] {strides = array<i32>} : memref<16x128xf32, #tpu.memory_space<vmem>>, vector<16xf32>,
    tpu.vector_store %arg9[%swap3A_390, %swap3A_391], %broadcast_in_dim3A_3 {strides = array<i32>} : memref<16x128xf32, #tpu.memory_space<vmem>>, vector<16xf32>,
    %swap3A_393 = arith.constant 12 : i32
    %swap3A_394 = arith.index_cast %swap3A_393 : i32 to index
    %swap3A_395 = arith.constant 16 : index
    %swap3A_396 = tpu.vector_load %arg9[%swap3A_394, %swap3A_395] {strides = array<i32>} : memref<16x128xf32, #tpu.memory_space<vmem>>, vector<16xf32>,
    tpu.vector_store %arg9[%swap3A_394, %swap3A_395], %broadcast_in_dim3A_3 {strides = array<i32>} : memref<16x128xf32, #tpu.memory_space<vmem>>, vector<16xf32>,
    %swap3A_397 = arith.constant 12 : i32
    %swap3A_398 = arith.index_cast %swap3A_397 : i32 to index
    %swap3A_399 = arith.constant 32 : index
    %swap3A_400 = tpu.vector_load %arg9[%swap3A_398, %swap3A_399] {strides = array<i32>} : memref<16x128xf32, #tpu.memory_space<vmem>>, vector<16xf32>,
    tpu.vector_store %arg9[%swap3A_398, %swap3A_399], %broadcast_in_dim3A_3 {strides = array<i32>} : memref<16x128xf32, #tpu.memory_space<vmem>>, vector<16xf32>,
    %swap3A_401 = arith.constant 12 : i32
    %swap3A_402 = arith.index_cast %swap3A_401 : i32 to index
    %swap3A_403 = arith.constant 48 : index
    %swap3A_404 = tpu.vector_load %arg9[%swap3A_402, %swap3A_403] {strides = array<i32>} : memref<16x128xf32, #tpu.memory_space<vmem>>, vector<16xf32>,
    tpu.vector_store %arg9[%swap3A_402, %swap3A_403], %broadcast_in_dim3A_3 {strides = array<i32>} : memref<16x128xf32, #tpu.memory_space<vmem>>, vector<16xf32>,
    %swap3A_405 = arith.constant 12 : i32
    %swap3A_406 = arith.index_cast %swap3A_405 : i32 to index
    %swap3A_407 = arith.constant 64 : index
    %swap3A_408 = tpu.vector_load %arg9[%swap3A_406, %swap3A_407] {strides = array<i32>} : memref<16x128xf32, #tpu.memory_space<vmem>>, vector<16xf32>,
    tpu.vector_store %arg9[%swap3A_406, %swap3A_407], %broadcast_in_dim3A_3 {strides = array<i32>} : memref<16x128xf32, #tpu.memory_space<vmem>>, vector<16xf32>,
    %swap3A_409 = arith.constant 12 : i32
    %swap3A_410 = arith.index_cast %swap3A_409 : i32 to index
    %swap3A_411 = arith.constant 80 : index
    %swap3A_412 = tpu.vector_load %arg9[%swap3A_410, %swap3A_411] {strides = array<i32>} : memref<16x128xf32, #tpu.memory_space<vmem>>, vector<16xf32>,
    tpu.vector_store %arg9[%swap3A_410, %swap3A_411], %broadcast_in_dim3A_3 {strides = array<i32>} : memref<16x128xf32, #tpu.memory_space<vmem>>, vector<16xf32>,
    %swap3A_413 = arith.constant 12 : i32
    %swap3A_414 = arith.index_cast %swap3A_413 : i32 to index
    %swap3A_415 = arith.constant 96 : index
    %swap3A_416 = tpu.vector_load %arg9[%swap3A_414, %swap3A_415] {strides = array<i32>} : memref<16x128xf32, #tpu.memory_space<vmem>>, vector<16xf32>,
    tpu.vector_store %arg9[%swap3A_414, %swap3A_415], %broadcast_in_dim3A_3 {strides = array<i32>} : memref<16x128xf32, #tpu.memory_space<vmem>>, vector<16xf32>,
    %swap3A_417 = arith.constant 12 : i32
    %swap3A_418 = arith.index_cast %swap3A_417 : i32 to index
    %swap3A_419 = arith.constant 112 : index
    %swap3A_420 = tpu.vector_load %arg9[%swap3A_418, %swap3A_419] {strides = array<i32>} : memref<16x128xf32, #tpu.memory_space<vmem>>, vector<16xf32>,
    tpu.vector_store %arg9[%swap3A_418, %swap3A_419], %broadcast_in_dim3A_3 {strides = array<i32>} : memref<16x128xf32, #tpu.memory_space<vmem>>, vector<16xf32>,
    %swap3A_421 = arith.constant 13 : i32
    %swap3A_422 = arith.index_cast %swap3A_421 : i32 to index
    %swap3A_423 = arith.constant 0 : index
    %swap3A_424 = tpu.vector_load %arg9[%swap3A_422, %swap3A_423] {strides = array<i32>} : memref<16x128xf32, #tpu.memory_space<vmem>>, vector<16xf32>,
    tpu.vector_store %arg9[%swap3A_422, %swap3A_423], %broadcast_in_dim3A_3 {strides = array<i32>} : memref<16x128xf32, #tpu.memory_space<vmem>>, vector<16xf32>,
    %swap3A_425 = arith.constant 13 : i32
    %swap3A_426 = arith.index_cast %swap3A_425 : i32 to index
    %swap3A_427 = arith.constant 16 : index
    %swap3A_428 = tpu.vector_load %arg9[%swap3A_426, %swap3A_427] {strides = array<i32>} : memref<16x128xf32, #tpu.memory_space<vmem>>, vector<16xf32>,
    tpu.vector_store %arg9[%swap3A_426, %swap3A_427], %broadcast_in_dim3A_3 {strides = array<i32>} : memref<16x128xf32, #tpu.memory_space<vmem>>, vector<16xf32>,
    %swap3A_429 = arith.constant 13 : i32
    %swap3A_430 = arith.index_cast %swap3A_429 : i32 to index
    %swap3A_431 = arith.constant 32 : index
    %swap3A_432 = tpu.vector_load %arg9[%swap3A_430, %swap3A_431] {strides = array<i32>} : memref<16x128xf32, #tpu.memory_space<vmem>>, vector<16xf32>,
    tpu.vector_store %arg9[%swap3A_430, %swap3A_431], %broadcast_in_dim3A_3 {strides = array<i32>} : memref<16x128xf32, #tpu.memory_space<vmem>>, vector<16xf32>,
    %swap3A_433 = arith.constant 13 : i32
    %swap3A_434 = arith.index_cast %swap3A_433 : i32 to index
    %swap3A_435 = arith.constant 48 : index
    %swap3A_436 = tpu.vector_load %arg9[%swap3A_434, %swap3A_435] {strides = array<i32>} : memref<16x128xf32, #tpu.memory_space<vmem>>, vector<16xf32>,
    tpu.vector_store %arg9[%swap3A_434, %swap3A_435], %broadcast_in_dim3A_3 {strides = array<i32>} : memref<16x128xf32, #tpu.memory_space<vmem>>, vector<16xf32>,
    %swap3A_437 = arith.constant 13 : i32
    %swap3A_438 = arith.index_cast %swap3A_437 : i32 to index
    %swap3A_439 = arith.constant 64 : index
    %swap3A_440 = tpu.vector_load %arg9[%swap3A_438, %swap3A_439] {strides = array<i32>} : memref<16x128xf32, #tpu.memory_space<vmem>>, vector<16xf32>,
    tpu.vector_store %arg9[%swap3A_438, %swap3A_439], %broadcast_in_dim3A_3 {strides = array<i32>} : memref<16x128xf32, #tpu.memory_space<vmem>>, vector<16xf32>,
    %swap3A_441 = arith.constant 13 : i32
    %swap3A_442 = arith.index_cast %swap3A_441 : i32 to index
    %swap3A_443 = arith.constant 80 : index
    %swap3A_444 = tpu.vector_load %arg9[%swap3A_442, %swap3A_443] {strides = array<i32>} : memref<16x128xf32, #tpu.memory_space<vmem>>, vector<16xf32>,
    tpu.vector_store %arg9[%swap3A_442, %swap3A_443], %broadcast_in_dim3A_3 {strides = array<i32>} : memref<16x128xf32, #tpu.memory_space<vmem>>, vector<16xf32>,
    %swap3A_445 = arith.constant 13 : i32
    %swap3A_446 = arith.index_cast %swap3A_445 : i32 to index
    %swap3A_447 = arith.constant 96 : index
    %swap3A_448 = tpu.vector_load %arg9[%swap3A_446, %swap3A_447] {strides = array<i32>} : memref<16x128xf32, #tpu.memory_space<vmem>>, vector<16xf32>,
    tpu.vector_store %arg9[%swap3A_446, %swap3A_447], %broadcast_in_dim3A_3 {strides = array<i32>} : memref<16x128xf32, #tpu.memory_space<vmem>>, vector<16xf32>,
    %swap3A_449 = arith.constant 13 : i32
    %swap3A_450 = arith.index_cast %swap3A_449 : i32 to index
    %swap3A_451 = arith.constant 112 : index
    %swap3A_452 = tpu.vector_load %arg9[%swap3A_450, %swap3A_451] {strides = array<i32>} : memref<16x128xf32, #tpu.memory_space<vmem>>, vector<16xf32>,
    tpu.vector_store %arg9[%swap3A_450, %swap3A_451], %broadcast_in_dim3A_3 {strides = array<i32>} : memref<16x128xf32, #tpu.memory_space<vmem>>, vector<16xf32>,
    %swap3A_453 = arith.constant 14 : i32
    %swap3A_454 = arith.index_cast %swap3A_453 : i32 to index
    %swap3A_455 = arith.constant 0 : index
    %swap3A_456 = tpu.vector_load %arg9[%swap3A_454, %swap3A_455] {strides = array<i32>} : memref<16x128xf32, #tpu.memory_space<vmem>>, vector<16xf32>,
    tpu.vector_store %arg9[%swap3A_454, %swap3A_455], %broadcast_in_dim3A_3 {strides = array<i32>} : memref<16x128xf32, #tpu.memory_space<vmem>>, vector<16xf32>,
    %swap3A_457 = arith.constant 14 : i32
    %swap3A_458 = arith.index_cast %swap3A_457 : i32 to index
    %swap3A_459 = arith.constant 16 : index
    %swap3A_460 = tpu.vector_load %arg9[%swap3A_458, %swap3A_459] {strides = array<i32>} : memref<16x128xf32, #tpu.memory_space<vmem>>, vector<16xf32>,
    tpu.vector_store %arg9[%swap3A_458, %swap3A_459], %broadcast_in_dim3A_3 {strides = array<i32>} : memref<16x128xf32, #tpu.memory_space<vmem>>, vector<16xf32>,
    %swap3A_461 = arith.constant 14 : i32
    %swap3A_462 = arith.index_cast %swap3A_461 : i32 to index
    %swap3A_463 = arith.constant 32 : index
    %swap3A_464 = tpu.vector_load %arg9[%swap3A_462, %swap3A_463] {strides = array<i32>} : memref<16x128xf32, #tpu.memory_space<vmem>>, vector<16xf32>,
    tpu.vector_store %arg9[%swap3A_462, %swap3A_463], %broadcast_in_dim3A_3 {strides = array<i32>} : memref<16x128xf32, #tpu.memory_space<vmem>>, vector<16xf32>,
    %swap3A_465 = arith.constant 14 : i32
    %swap3A_466 = arith.index_cast %swap3A_465 : i32 to index
    %swap3A_467 = arith.constant 48 : index
    %swap3A_468 = tpu.vector_load %arg9[%swap3A_466, %swap3A_467] {strides = array<i32>} : memref<16x128xf32, #tpu.memory_space<vmem>>, vector<16xf32>,
    tpu.vector_store %arg9[%swap3A_466, %swap3A_467], %broadcast_in_dim3A_3 {strides = array<i32>} : memref<16x128xf32, #tpu.memory_space<vmem>>, vector<16xf32>,
    %swap3A_469 = arith.constant 14 : i32
    %swap3A_470 = arith.index_cast %swap3A_469 : i32 to index
    %swap3A_471 = arith.constant 64 : index
    %swap3A_472 = tpu.vector_load %arg9[%swap3A_470, %swap3A_471] {strides = array<i32>} : memref<16x128xf32, #tpu.memory_space<vmem>>, vector<16xf32>,
    tpu.vector_store %arg9[%swap3A_470, %swap3A_471], %broadcast_in_dim3A_3 {strides = array<i32>} : memref<16x128xf32, #tpu.memory_space<vmem>>, vector<16xf32>,
    %swap3A_473 = arith.constant 14 : i32
    %swap3A_474 = arith.index_cast %swap3A_473 : i32 to index
    %swap3A_475 = arith.constant 80 : index
    %swap3A_476 = tpu.vector_load %arg9[%swap3A_474, %swap3A_475] {strides = array<i32>} : memref<16x128xf32, #tpu.memory_space<vmem>>, vector<16xf32>,
    tpu.vector_store %arg9[%swap3A_474, %swap3A_475], %broadcast_in_dim3A_3 {strides = array<i32>} : memref<16x128xf32, #tpu.memory_space<vmem>>, vector<16xf32>,
    %swap3A_477 = arith.constant 14 : i32
    %swap3A_478 = arith.index_cast %swap3A_477 : i32 to index
    %swap3A_479 = arith.constant 96 : index
    %swap3A_480 = tpu.vector_load %arg9[%swap3A_478, %swap3A_479] {strides = array<i32>} : memref<16x128xf32, #tpu.memory_space<vmem>>, vector<16xf32>,
    tpu.vector_store %arg9[%swap3A_478, %swap3A_479], %broadcast_in_dim3A_3 {strides = array<i32>} : memref<16x128xf32, #tpu.memory_space<vmem>>, vector<16xf32>,
    %swap3A_481 = arith.constant 14 : i32
    %swap3A_482 = arith.index_cast %swap3A_481 : i32 to index
    %swap3A_483 = arith.constant 112 : index
    %swap3A_484 = tpu.vector_load %arg9[%swap3A_482, %swap3A_483] {strides = array<i32>} : memref<16x128xf32, #tpu.memory_space<vmem>>, vector<16xf32>,
    tpu.vector_store %arg9[%swap3A_482, %swap3A_483], %broadcast_in_dim3A_3 {strides = array<i32>} : memref<16x128xf32, #tpu.memory_space<vmem>>, vector<16xf32>,
    %swap3A_485 = arith.constant 15 : i32
    %swap3A_486 = arith.index_cast %swap3A_485 : i32 to index
    %swap3A_487 = arith.constant 0 : index
    %swap3A_488 = tpu.vector_load %arg9[%swap3A_486, %swap3A_487] {strides = array<i32>} : memref<16x128xf32, #tpu.memory_space<vmem>>, vector<16xf32>,
    tpu.vector_store %arg9[%swap3A_486, %swap3A_487], %broadcast_in_dim3A_3 {strides = array<i32>} : memref<16x128xf32, #tpu.memory_space<vmem>>, vector<16xf32>,
    %swap3A_489 = arith.constant 15 : i32
    %swap3A_490 = arith.index_cast %swap3A_489 : i32 to index
    %swap3A_491 = arith.constant 16 : index
    %swap3A_492 = tpu.vector_load %arg9[%swap3A_490, %swap3A_491] {strides = array<i32>} : memref<16x128xf32, #tpu.memory_space<vmem>>, vector<16xf32>,
    tpu.vector_store %arg9[%swap3A_490, %swap3A_491], %broadcast_in_dim3A_3 {strides = array<i32>} : memref<16x128xf32, #tpu.memory_space<vmem>>, vector<16xf32>,
    %swap3A_493 = arith.constant 15 : i32
    %swap3A_494 = arith.index_cast %swap3A_493 : i32 to index
    %swap3A_495 = arith.constant 32 : index
    %swap3A_496 = tpu.vector_load %arg9[%swap3A_494, %swap3A_495] {strides = array<i32>} : memref<16x128xf32, #tpu.memory_space<vmem>>, vector<16xf32>,
    tpu.vector_store %arg9[%swap3A_494, %swap3A_495], %broadcast_in_dim3A_3 {strides = array<i32>} : memref<16x128xf32, #tpu.memory_space<vmem>>, vector<16xf32>,
    %swap3A_497 = arith.constant 15 : i32
    %swap3A_498 = arith.index_cast %swap3A_497 : i32 to index
    %swap3A_499 = arith.constant 48 : index
    %swap3A_500 = tpu.vector_load %arg9[%swap3A_498, %swap3A_499] {strides = array<i32>} : memref<16x128xf32, #tpu.memory_space<vmem>>, vector<16xf32>,
    tpu.vector_store %arg9[%swap3A_498, %swap3A_499], %broadcast_in_dim3A_3 {strides = array<i32>} : memref<16x128xf32, #tpu.memory_space<vmem>>, vector<16xf32>,
    %swap3A_501 = arith.constant 15 : i32
    %swap3A_502 = arith.index_cast %swap3A_501 : i32 to index
    %swap3A_503 = arith.constant 64 : index
    %swap3A_504 = tpu.vector_load %arg9[%swap3A_502, %swap3A_503] {strides = array<i32>} : memref<16x128xf32, #tpu.memory_space<vmem>>, vector<16xf32>,
    tpu.vector_store %arg9[%swap3A_502, %swap3A_503], %broadcast_in_dim3A_3 {strides = array<i32>} : memref<16x128xf32, #tpu.memory_space<vmem>>, vector<16xf32>,
    %swap3A_505 = arith.constant 15 : i32
    %swap3A_506 = arith.index_cast %swap3A_505 : i32 to index
    %swap3A_507 = arith.constant 80 : index
    %swap3A_508 = tpu.vector_load %arg9[%swap3A_506, %swap3A_507] {strides = array<i32>} : memref<16x128xf32, #tpu.memory_space<vmem>>, vector<16xf32>,
    tpu.vector_store %arg9[%swap3A_506, %swap3A_507], %broadcast_in_dim3A_3 {strides = array<i32>} : memref<16x128xf32, #tpu.memory_space<vmem>>, vector<16xf32>,
    %swap3A_509 = arith.constant 15 : i32
    %swap3A_510 = arith.index_cast %swap3A_509 : i32 to index
    %swap3A_511 = arith.constant 96 : index
    %swap3A_512 = tpu.vector_load %arg9[%swap3A_510, %swap3A_511] {strides = array<i32>} : memref<16x128xf32, #tpu.memory_space<vmem>>, vector<16xf32>,
    tpu.vector_store %arg9[%swap3A_510, %swap3A_511], %broadcast_in_dim3A_3 {strides = array<i32>} : memref<16x128xf32, #tpu.memory_space<vmem>>, vector<16xf32>,
    %swap3A_513 = arith.constant 15 : i32
    %swap3A_514 = arith.index_cast %swap3A_513 : i32 to index
    %swap3A_515 = arith.constant 112 : index
    %swap3A_516 = tpu.vector_load %arg9[%swap3A_514, %swap3A_515] {strides = array<i32>} : memref<16x128xf32, #tpu.memory_space<vmem>>, vector<16xf32>,
    tpu.vector_store %arg9[%swap3A_514, %swap3A_515], %broadcast_in_dim3A_3 {strides = array<i32>} : memref<16x128xf32, #tpu.memory_space<vmem>>, vector<16xf32>,
    %scan3A = arith.constant 0 : i32
    %scan3A_517 = arith.constant 8 : i32
    %scan3A_518 = arith.addi %scan3A, %scan3A_517 : i32
    %scan3A_519 = arith.constant 1 : i32
    scf.for %scan3A_574 = %scan3A to %scan3A_518 step %scan3A_519  : i32 {
      %mul3A_575 = arith.constant 16 : i32
      %mul3A_576 = arith.muli %scan3A_574, %mul3A_575 : i32
      %add3A_577 = arith.addi %mul3A_2, %mul3A_576 : i32
      "tpu.region"() ({
        %run_scoped3A = tpu.sem_alloc : memref<!tpu.dma_semaphore, #tpu.memory_space<semaphore_mem>>
        %dma_start3A_578 = arith.constant 0 : i32
        %dma_start3A_579 = tpu.memref_slice %arg10[%add3A_577, %dma_start3A_578] : memref<2048x128xf32, #tpu.memory_space<vmem_shared>> -> memref<16x128xf32, #tpu.memory_space<vmem_shared>>
        %dma_start3A_580 = arith.constant 0 : i32
        %dma_start3A_581 = tpu.memref_slice %arg10[%add3A_577, %dma_start3A_580] : memref<2048x128xf32, #tpu.memory_space<vmem_shared>> -> memref<16x128xf32, #tpu.memory_space<vmem_shared>>
        tpu.enqueue_dma source(%arg9 : memref<16x128xf32, #tpu.memory_space<vmem>>) target(%dma_start3A_581 : memref<16x128xf32, #tpu.memory_space<vmem_shared>>) target_semaphore(%run_scoped3A : memref<!tpu.dma_semaphore, #tpu.memory_space<semaphore_mem>>)
        %dma_wait3A = arith.constant 0 : i32
        %dma_wait3A_582 = tpu.memref_slice %arg10[%add3A_577, %dma_wait3A] : memref<2048x128xf32, #tpu.memory_space<vmem_shared>> -> memref<16x128xf32, #tpu.memory_space<vmem_shared>>
        %dma_wait3A_583 = arith.constant 0 : i32
        %dma_wait3A_584 = tpu.memref_slice %arg10[%add3A_577, %dma_wait3A_583] : memref<2048x128xf32, #tpu.memory_space<vmem_shared>> -> memref<16x128xf32, #tpu.memory_space<vmem_shared>>
        tpu.wait_dma2 semaphore(%run_scoped3A : memref<!tpu.dma_semaphore, #tpu.memory_space<semaphore_mem>>) src(%arg9 : memref<16x128xf32, #tpu.memory_space<vmem>>) dst(%dma_wait3A_584 : memref<16x128xf32, #tpu.memory_space<vmem_shared>>)
        tpu.yield
      }) : () -> ()
    }
    %scan3A_520 = arith.constant 8 : i32
    %barrier3A = arith.constant 0 : index
    tpu.barrier barrier_id(%barrier3A)
    "tpu.region"() ({
      %run_scoped3A = tpu.sem_alloc : memref<!tpu.dma_semaphore, #tpu.memory_space<semaphore_mem>>
      %dma_start3A_574 = arith.constant 0 : i32
      %dma_start3A_575 = arith.constant 0 : i32
      %dma_start3A_576 = tpu.memref_slice %arg3[%add3A, %dma_start3A_574, %dma_start3A_575] : memref<32x80x128xi32, #tpu.memory_space<hbm>> -> memref<1x8x128xi32, #tpu.memory_space<hbm>>
      %dma_start3A_577 = tpu.memref_squeeze %dma_start3A_576 : memref<1x8x128xi32, #tpu.memory_space<hbm>> -> memref<8x128xi32, #tpu.memory_space<hbm>>
      %dma_start3A_578 = arith.constant 0 : i32
      %dma_start3A_579 = arith.constant 0 : i32
      %dma_start3A_580 = tpu.memref_slice %arg3[%add3A, %dma_start3A_578, %dma_start3A_579] : memref<32x80x128xi32, #tpu.memory_space<hbm>> -> memref<1x8x128xi32, #tpu.memory_space<hbm>>
      %dma_start3A_581 = tpu.memref_squeeze %dma_start3A_580 : memref<1x8x128xi32, #tpu.memory_space<hbm>> -> memref<8x128xi32, #tpu.memory_space<hbm>>
      tpu.enqueue_dma source(%dma_start3A_581 : memref<8x128xi32, #tpu.memory_space<hbm>>) target(%arg6 : memref<8x128xi32, #tpu.memory_space<vmem>>) target_semaphore(%run_scoped3A : memref<!tpu.dma_semaphore, #tpu.memory_space<semaphore_mem>>)
      %dma_wait3A = arith.constant 0 : i32
      %dma_wait3A_582 = arith.constant 0 : i32
      %dma_wait3A_583 = tpu.memref_slice %arg3[%add3A, %dma_wait3A, %dma_wait3A_582] : memref<32x80x128xi32, #tpu.memory_space<hbm>> -> memref<1x8x128xi32, #tpu.memory_space<hbm>>
      %dma_wait3A_584 = tpu.memref_squeeze %dma_wait3A_583 : memref<1x8x128xi32, #tpu.memory_space<hbm>> -> memref<8x128xi32, #tpu.memory_space<hbm>>
      %dma_wait3A_585 = arith.constant 0 : i32
      %dma_wait3A_586 = arith.constant 0 : i32
      %dma_wait3A_587 = tpu.memref_slice %arg3[%add3A, %dma_wait3A_585, %dma_wait3A_586] : memref<32x80x128xi32, #tpu.memory_space<hbm>> -> memref<1x8x128xi32, #tpu.memory_space<hbm>>
      %dma_wait3A_588 = tpu.memref_squeeze %dma_wait3A_587 : memref<1x8x128xi32, #tpu.memory_space<hbm>> -> memref<8x128xi32, #tpu.memory_space<hbm>>
      tpu.wait_dma2 semaphore(%run_scoped3A : memref<!tpu.dma_semaphore, #tpu.memory_space<semaphore_mem>>) src(%dma_wait3A_588 : memref<8x128xi32, #tpu.memory_space<hbm>>) dst(%arg6 : memref<8x128xi32, #tpu.memory_space<vmem>>)
      tpu.yield
    }) : () -> ()
    "tpu.region"() ({
      %run_scoped3A = tpu.sem_alloc : memref<!tpu.dma_semaphore, #tpu.memory_space<semaphore_mem>>
      %dma_start3A_574 = arith.constant 0 : i32
      %dma_start3A_575 = arith.constant 0 : i32
      %dma_start3A_576 = tpu.memref_slice %arg4[%add3A, %dma_start3A_574, %dma_start3A_575] : memref<32x80x128xi32, #tpu.memory_space<hbm>> -> memref<1x8x128xi32, #tpu.memory_space<hbm>>
      %dma_start3A_577 = tpu.memref_squeeze %dma_start3A_576 : memref<1x8x128xi32, #tpu.memory_space<hbm>> -> memref<8x128xi32, #tpu.memory_space<hbm>>
      %dma_start3A_578 = arith.constant 0 : i32
      %dma_start3A_579 = arith.constant 0 : i32
      %dma_start3A_580 = tpu.memref_slice %arg4[%add3A, %dma_start3A_578, %dma_start3A_579] : memref<32x80x128xi32, #tpu.memory_space<hbm>> -> memref<1x8x128xi32, #tpu.memory_space<hbm>>
      %dma_start3A_581 = tpu.memref_squeeze %dma_start3A_580 : memref<1x8x128xi32, #tpu.memory_space<hbm>> -> memref<8x128xi32, #tpu.memory_space<hbm>>
      tpu.enqueue_dma source(%dma_start3A_581 : memref<8x128xi32, #tpu.memory_space<hbm>>) target(%arg7 : memref<8x128xi32, #tpu.memory_space<vmem>>) target_semaphore(%run_scoped3A : memref<!tpu.dma_semaphore, #tpu.memory_space<semaphore_mem>>)
      %dma_wait3A = arith.constant 0 : i32
      %dma_wait3A_582 = arith.constant 0 : i32
      %dma_wait3A_583 = tpu.memref_slice %arg4[%add3A, %dma_wait3A, %dma_wait3A_582] : memref<32x80x128xi32, #tpu.memory_space<hbm>> -> memref<1x8x128xi32, #tpu.memory_space<hbm>>
      %dma_wait3A_584 = tpu.memref_squeeze %dma_wait3A_583 : memref<1x8x128xi32, #tpu.memory_space<hbm>> -> memref<8x128xi32, #tpu.memory_space<hbm>>
      %dma_wait3A_585 = arith.constant 0 : i32
      %dma_wait3A_586 = arith.constant 0 : i32
      %dma_wait3A_587 = tpu.memref_slice %arg4[%add3A, %dma_wait3A_585, %dma_wait3A_586] : memref<32x80x128xi32, #tpu.memory_space<hbm>> -> memref<1x8x128xi32, #tpu.memory_space<hbm>>
      %dma_wait3A_588 = tpu.memref_squeeze %dma_wait3A_587 : memref<1x8x128xi32, #tpu.memory_space<hbm>> -> memref<8x128xi32, #tpu.memory_space<hbm>>
      tpu.wait_dma2 semaphore(%run_scoped3A : memref<!tpu.dma_semaphore, #tpu.memory_space<semaphore_mem>>) src(%dma_wait3A_588 : memref<8x128xi32, #tpu.memory_space<hbm>>) dst(%arg7 : memref<8x128xi32, #tpu.memory_space<vmem>>)
      tpu.yield
    }) : () -> ()
    %dma_start3A = arith.constant 0 : i32
    %dma_start3A_521 = arith.constant 0 : i32
    %dma_start3A_522 = arith.constant 0 : i32
    %dma_start3A_523 = arith.constant 0 : i32
    %dma_start3A_524 = tpu.memref_slice %arg8[%dma_start3A_521, %dma_start3A_522, %dma_start3A_523] : memref<4x128x128xf32, #tpu.memory_space<vmem>> -> memref<1x128x128xf32, #tpu.memory_space<vmem>>
    %dma_start3A_525 = tpu.memref_squeeze %dma_start3A_524 : memref<1x128x128xf32, #tpu.memory_space<vmem>> -> memref<128x128xf32, #tpu.memory_space<vmem>>
    %dma_start3A_526 = arith.constant 0 : i32
    %dma_start3A_527 = tpu.memref_slice %arg6[%dma_start3A, %dma_start3A_526] : memref<8x128xi32, #tpu.memory_space<vmem>> -> memref<1x128xi32, #tpu.memory_space<vmem>>
    %dma_start3A_528 = tpu.memref_squeeze %dma_start3A_527 : memref<1x128xi32, #tpu.memory_space<vmem>> -> memref<128xi32, #tpu.memory_space<vmem>>
    %dma_start3A_529 = arith.constant 0 : i32
    %dma_start3A_530 = arith.constant 0 : i32
    %dma_start3A_531 = tpu.memref_slice %arg2[%dma_start3A_529, %dma_start3A_530] : memref<10000x128xf32, #tpu.memory_space<hbm>> -> memref<10000x128xf32, #tpu.memory_space<hbm>>
    tpu.enqueue_indirect_dma source(%dma_start3A_531 : memref<10000x128xf32, #tpu.memory_space<hbm>>) target(%dma_start3A_525 : memref<128x128xf32, #tpu.memory_space<vmem>>) offsets(%dma_start3A_528 : memref<128xi32, #tpu.memory_space<vmem>>) semaphore(%arg11 : memref<!tpu.dma_semaphore, #tpu.memory_space<semaphore_mem>>)
    %dma_start3A_532 = arith.constant 1 : i32
    %dma_start3A_533 = arith.constant 1 : i32
    %dma_start3A_534 = arith.constant 0 : i32
    %dma_start3A_535 = arith.constant 0 : i32
    %dma_start3A_536 = tpu.memref_slice %arg8[%dma_start3A_533, %dma_start3A_534, %dma_start3A_535] : memref<4x128x128xf32, #tpu.memory_space<vmem>> -> memref<1x128x128xf32, #tpu.memory_space<vmem>>
    %dma_start3A_537 = tpu.memref_squeeze %dma_start3A_536 : memref<1x128x128xf32, #tpu.memory_space<vmem>> -> memref<128x128xf32, #tpu.memory_space<vmem>>
    %dma_start3A_538 = arith.constant 0 : i32
    %dma_start3A_539 = tpu.memref_slice %arg6[%dma_start3A_532, %dma_start3A_538] : memref<8x128xi32, #tpu.memory_space<vmem>> -> memref<1x128xi32, #tpu.memory_space<vmem>>
    %dma_start3A_540 = tpu.memref_squeeze %dma_start3A_539 : memref<1x128xi32, #tpu.memory_space<vmem>> -> memref<128xi32, #tpu.memory_space<vmem>>
    %dma_start3A_541 = arith.constant 0 : i32
    %dma_start3A_542 = arith.constant 0 : i32
    %dma_start3A_543 = tpu.memref_slice %arg2[%dma_start3A_541, %dma_start3A_542] : memref<10000x128xf32, #tpu.memory_space<hbm>> -> memref<10000x128xf32, #tpu.memory_space<hbm>>
    tpu.enqueue_indirect_dma source(%dma_start3A_543 : memref<10000x128xf32, #tpu.memory_space<hbm>>) target(%dma_start3A_537 : memref<128x128xf32, #tpu.memory_space<vmem>>) offsets(%dma_start3A_540 : memref<128xi32, #tpu.memory_space<vmem>>) semaphore(%arg12 : memref<!tpu.dma_semaphore, #tpu.memory_space<semaphore_mem>>)
    %dma_start3A_544 = arith.constant 2 : i32
    %dma_start3A_545 = arith.constant 2 : i32
    %dma_start3A_546 = arith.constant 0 : i32
    %dma_start3A_547 = arith.constant 0 : i32
    %dma_start3A_548 = tpu.memref_slice %arg8[%dma_start3A_545, %dma_start3A_546, %dma_start3A_547] : memref<4x128x128xf32, #tpu.memory_space<vmem>> -> memref<1x128x128xf32, #tpu.memory_space<vmem>>
    %dma_start3A_549 = tpu.memref_squeeze %dma_start3A_548 : memref<1x128x128xf32, #tpu.memory_space<vmem>> -> memref<128x128xf32, #tpu.memory_space<vmem>>
    %dma_start3A_550 = arith.constant 0 : i32
    %dma_start3A_551 = tpu.memref_slice %arg6[%dma_start3A_544, %dma_start3A_550] : memref<8x128xi32, #tpu.memory_space<vmem>> -> memref<1x128xi32, #tpu.memory_space<vmem>>
    %dma_start3A_552 = tpu.memref_squeeze %dma_start3A_551 : memref<1x128xi32, #tpu.memory_space<vmem>> -> memref<128xi32, #tpu.memory_space<vmem>>
    %dma_start3A_553 = arith.constant 0 : i32
    %dma_start3A_554 = arith.constant 0 : i32
    %dma_start3A_555 = tpu.memref_slice %arg2[%dma_start3A_553, %dma_start3A_554] : memref<10000x128xf32, #tpu.memory_space<hbm>> -> memref<10000x128xf32, #tpu.memory_space<hbm>>
    tpu.enqueue_indirect_dma source(%dma_start3A_555 : memref<10000x128xf32, #tpu.memory_space<hbm>>) target(%dma_start3A_549 : memref<128x128xf32, #tpu.memory_space<vmem>>) offsets(%dma_start3A_552 : memref<128xi32, #tpu.memory_space<vmem>>) semaphore(%arg13 : memref<!tpu.dma_semaphore, #tpu.memory_space<semaphore_mem>>)
    %dma_start3A_556 = arith.constant 3 : i32
    %dma_start3A_557 = arith.constant 3 : i32
    %dma_start3A_558 = arith.constant 0 : i32
    %dma_start3A_559 = arith.constant 0 : i32
    %dma_start3A_560 = tpu.memref_slice %arg8[%dma_start3A_557, %dma_start3A_558, %dma_start3A_559] : memref<4x128x128xf32, #tpu.memory_space<vmem>> -> memref<1x128x128xf32, #tpu.memory_space<vmem>>
    %dma_start3A_561 = tpu.memref_squeeze %dma_start3A_560 : memref<1x128x128xf32, #tpu.memory_space<vmem>> -> memref<128x128xf32, #tpu.memory_space<vmem>>
    %dma_start3A_562 = arith.constant 0 : i32
    %dma_start3A_563 = tpu.memref_slice %arg6[%dma_start3A_556, %dma_start3A_562] : memref<8x128xi32, #tpu.memory_space<vmem>> -> memref<1x128xi32, #tpu.memory_space<vmem>>
    %dma_start3A_564 = tpu.memref_squeeze %dma_start3A_563 : memref<1x128xi32, #tpu.memory_space<vmem>> -> memref<128xi32, #tpu.memory_space<vmem>>
    %dma_start3A_565 = arith.constant 0 : i32
    %dma_start3A_566 = arith.constant 0 : i32
    %dma_start3A_567 = tpu.memref_slice %arg2[%dma_start3A_565, %dma_start3A_566] : memref<10000x128xf32, #tpu.memory_space<hbm>> -> memref<10000x128xf32, #tpu.memory_space<hbm>>
    tpu.enqueue_indirect_dma source(%dma_start3A_567 : memref<10000x128xf32, #tpu.memory_space<hbm>>) target(%dma_start3A_561 : memref<128x128xf32, #tpu.memory_space<vmem>>) offsets(%dma_start3A_564 : memref<128xi32, #tpu.memory_space<vmem>>) semaphore(%arg14 : memref<!tpu.dma_semaphore, #tpu.memory_space<semaphore_mem>>)
    %scan3A_568 = arith.constant 0 : i32
    %scan3A_569 = arith.constant 10 : i32
    %scan3A_570 = arith.addi %scan3A_568, %scan3A_569 : i32
    %scan3A_571 = arith.constant 1 : i32
    scf.for %scan3A_574 = %scan3A_568 to %scan3A_570 step %scan3A_571  : i32 {
      %scan3A_575 = arith.constant 0 : i32
      %mul3A_576 = arith.constant 4 : i32
      %mul3A_577 = arith.muli %scan3A_575, %mul3A_576 : i32
      %add3A_578 = arith.constant 0 : i32
      %add3A_579 = arith.addi %mul3A_577, %add3A_578 : i32
      %dma_wait3A = arith.constant 0 : i32
      %dma_wait3A_580 = arith.constant 0 : i32
      %dma_wait3A_581 = arith.constant 0 : i32
      %dma_wait3A_582 = tpu.memref_slice %arg8[%dma_wait3A, %dma_wait3A_580, %dma_wait3A_581] : memref<4x128x128xf32, #tpu.memory_space<vmem>> -> memref<1x128x128xf32, #tpu.memory_space<vmem>>
      %dma_wait3A_583 = tpu.memref_squeeze %dma_wait3A_582 : memref<1x128x128xf32, #tpu.memory_space<vmem>> -> memref<128x128xf32, #tpu.memory_space<vmem>>
      %dma_wait3A_584 = arith.constant 0 : i32
      %dma_wait3A_585 = tpu.memref_slice %arg6[%add3A_579, %dma_wait3A_584] : memref<8x128xi32, #tpu.memory_space<vmem>> -> memref<1x128xi32, #tpu.memory_space<vmem>>
      %dma_wait3A_586 = tpu.memref_squeeze %dma_wait3A_585 : memref<1x128xi32, #tpu.memory_space<vmem>> -> memref<128xi32, #tpu.memory_space<vmem>>
      %dma_wait3A_587 = arith.constant 0 : i32
      %dma_wait3A_588 = arith.constant 0 : i32
      %dma_wait3A_589 = tpu.memref_slice %arg2[%dma_wait3A_587, %dma_wait3A_588] : memref<10000x128xf32, #tpu.memory_space<hbm>> -> memref<10000x128xf32, #tpu.memory_space<hbm>>
      tpu.wait_indirect_dma semaphore(%arg11 : memref<!tpu.dma_semaphore, #tpu.memory_space<semaphore_mem>>) src(%dma_wait3A_589 : memref<10000x128xf32, #tpu.memory_space<hbm>>) dst(%dma_wait3A_583 : memref<128x128xf32, #tpu.memory_space<vmem>>)
      %run_scoped3A = arith.constant 0 : i32
      "tpu.region"() ({
        %run_scoped3A_751 = tpu.sem_alloc : memref<!tpu.dma_semaphore, #tpu.memory_space<semaphore_mem>>
        %dma_start3A_752 = arith.constant 0 : i32
        %dma_start3A_753 = arith.constant 0 : i32
        %dma_start3A_754 = tpu.memref_slice %arg8[%run_scoped3A, %dma_start3A_752, %dma_start3A_753] : memref<4x128x128xf32, #tpu.memory_space<vmem>> -> memref<1x128x128xf32, #tpu.memory_space<vmem>>
        %dma_start3A_755 = tpu.memref_squeeze %dma_start3A_754 : memref<1x128x128xf32, #tpu.memory_space<vmem>> -> memref<128x128xf32, #tpu.memory_space<vmem>>
        %dma_start3A_756 = arith.constant 0 : i32
        %dma_start3A_757 = tpu.memref_slice %arg7[%add3A_579, %dma_start3A_756] : memref<8x128xi32, #tpu.memory_space<vmem>> -> memref<1x128xi32, #tpu.memory_space<vmem>>
        %dma_start3A_758 = tpu.memref_squeeze %dma_start3A_757 : memref<1x128xi32, #tpu.memory_space<vmem>> -> memref<128xi32, #tpu.memory_space<vmem>>
        %dma_start3A_759 = arith.constant 0 : i32
        %dma_start3A_760 = arith.constant 0 : i32
        %dma_start3A_761 = tpu.memref_slice %arg10[%dma_start3A_759, %dma_start3A_760] : memref<2048x128xf32, #tpu.memory_space<vmem_shared>> -> memref<2048x128xf32, #tpu.memory_space<vmem_shared>>
        tpu.enqueue_indirect_dma source(%dma_start3A_755 : memref<128x128xf32, #tpu.memory_space<vmem>>) target(%dma_start3A_761 : memref<2048x128xf32, #tpu.memory_space<vmem_shared>>) offsets(%dma_start3A_758 : memref<128xi32, #tpu.memory_space<vmem>>) semaphore(%run_scoped3A_751 : memref<!tpu.dma_semaphore, #tpu.memory_space<semaphore_mem>>) {add = true}
        %dma_wait3A_762 = arith.constant 0 : i32
        %dma_wait3A_763 = arith.constant 0 : i32
        %dma_wait3A_764 = tpu.memref_slice %arg8[%run_scoped3A, %dma_wait3A_762, %dma_wait3A_763] : memref<4x128x128xf32, #tpu.memory_space<vmem>> -> memref<1x128x128xf32, #tpu.memory_space<vmem>>
        %dma_wait3A_765 = tpu.memref_squeeze %dma_wait3A_764 : memref<1x128x128xf32, #tpu.memory_space<vmem>> -> memref<128x128xf32, #tpu.memory_space<vmem>>
        %dma_wait3A_766 = arith.constant 0 : i32
        %dma_wait3A_767 = tpu.memref_slice %arg7[%add3A_579, %dma_wait3A_766] : memref<8x128xi32, #tpu.memory_space<vmem>> -> memref<1x128xi32, #tpu.memory_space<vmem>>
        %dma_wait3A_768 = tpu.memref_squeeze %dma_wait3A_767 : memref<1x128xi32, #tpu.memory_space<vmem>> -> memref<128xi32, #tpu.memory_space<vmem>>
        %dma_wait3A_769 = arith.constant 0 : i32
        %dma_wait3A_770 = arith.constant 0 : i32
        %dma_wait3A_771 = tpu.memref_slice %arg10[%dma_wait3A_769, %dma_wait3A_770] : memref<2048x128xf32, #tpu.memory_space<vmem_shared>> -> memref<2048x128xf32, #tpu.memory_space<vmem_shared>>
        tpu.wait_indirect_dma semaphore(%run_scoped3A_751 : memref<!tpu.dma_semaphore, #tpu.memory_space<semaphore_mem>>) src(%dma_wait3A_765 : memref<128x128xf32, #tpu.memory_space<vmem>>) dst(%dma_wait3A_771 : memref<2048x128xf32, #tpu.memory_space<vmem_shared>>)
        tpu.yield
      }) : () -> ()
      %add3A_590 = arith.constant 4 : i32
      %add3A_591 = arith.addi %add3A_579, %add3A_590 : i32
      %dma_start3A_592 = arith.constant 0 : i32
      %dma_start3A_593 = arith.constant 0 : i32
      %dma_start3A_594 = arith.constant 0 : i32
      %dma_start3A_595 = tpu.memref_slice %arg8[%dma_start3A_592, %dma_start3A_593, %dma_start3A_594] : memref<4x128x128xf32, #tpu.memory_space<vmem>> -> memref<1x128x128xf32, #tpu.memory_space<vmem>>
      %dma_start3A_596 = tpu.memref_squeeze %dma_start3A_595 : memref<1x128x128xf32, #tpu.memory_space<vmem>> -> memref<128x128xf32, #tpu.memory_space<vmem>>
      %dma_start3A_597 = arith.constant 0 : i32
      %dma_start3A_598 = tpu.memref_slice %arg6[%add3A_591, %dma_start3A_597] : memref<8x128xi32, #tpu.memory_space<vmem>> -> memref<1x128xi32, #tpu.memory_space<vmem>>
      %dma_start3A_599 = tpu.memref_squeeze %dma_start3A_598 : memref<1x128xi32, #tpu.memory_space<vmem>> -> memref<128xi32, #tpu.memory_space<vmem>>
      %dma_start3A_600 = arith.constant 0 : i32
      %dma_start3A_601 = arith.constant 0 : i32
      %dma_start3A_602 = tpu.memref_slice %arg2[%dma_start3A_600, %dma_start3A_601] : memref<10000x128xf32, #tpu.memory_space<hbm>> -> memref<10000x128xf32, #tpu.memory_space<hbm>>
      tpu.enqueue_indirect_dma source(%dma_start3A_602 : memref<10000x128xf32, #tpu.memory_space<hbm>>) target(%dma_start3A_596 : memref<128x128xf32, #tpu.memory_space<vmem>>) offsets(%dma_start3A_599 : memref<128xi32, #tpu.memory_space<vmem>>) semaphore(%arg11 : memref<!tpu.dma_semaphore, #tpu.memory_space<semaphore_mem>>)
      %mul3A_603 = arith.constant 4 : i32
      %mul3A_604 = arith.muli %scan3A_575, %mul3A_603 : i32
      %add3A_605 = arith.constant 1 : i32
      %add3A_606 = arith.addi %mul3A_604, %add3A_605 : i32
      %dma_wait3A_607 = arith.constant 1 : i32
      %dma_wait3A_608 = arith.constant 0 : i32
      %dma_wait3A_609 = arith.constant 0 : i32
      %dma_wait3A_610 = tpu.memref_slice %arg8[%dma_wait3A_607, %dma_wait3A_608, %dma_wait3A_609] : memref<4x128x128xf32, #tpu.memory_space<vmem>> -> memref<1x128x128xf32, #tpu.memory_space<vmem>>
      %dma_wait3A_611 = tpu.memref_squeeze %dma_wait3A_610 : memref<1x128x128xf32, #tpu.memory_space<vmem>> -> memref<128x128xf32, #tpu.memory_space<vmem>>
      %dma_wait3A_612 = arith.constant 0 : i32
      %dma_wait3A_613 = tpu.memref_slice %arg6[%add3A_606, %dma_wait3A_612] : memref<8x128xi32, #tpu.memory_space<vmem>> -> memref<1x128xi32, #tpu.memory_space<vmem>>
      %dma_wait3A_614 = tpu.memref_squeeze %dma_wait3A_613 : memref<1x128xi32, #tpu.memory_space<vmem>> -> memref<128xi32, #tpu.memory_space<vmem>>
      %dma_wait3A_615 = arith.constant 0 : i32
      %dma_wait3A_616 = arith.constant 0 : i32
      %dma_wait3A_617 = tpu.memref_slice %arg2[%dma_wait3A_615, %dma_wait3A_616] : memref<10000x128xf32, #tpu.memory_space<hbm>> -> memref<10000x128xf32, #tpu.memory_space<hbm>>
      tpu.wait_indirect_dma semaphore(%arg12 : memref<!tpu.dma_semaphore, #tpu.memory_space<semaphore_mem>>) src(%dma_wait3A_617 : memref<10000x128xf32, #tpu.memory_space<hbm>>) dst(%dma_wait3A_611 : memref<128x128xf32, #tpu.memory_space<vmem>>)
      %run_scoped3A_618 = arith.constant 1 : i32
      "tpu.region"() ({
        %run_scoped3A_751 = tpu.sem_alloc : memref<!tpu.dma_semaphore, #tpu.memory_space<semaphore_mem>>
        %dma_start3A_752 = arith.constant 0 : i32
        %dma_start3A_753 = arith.constant 0 : i32
        %dma_start3A_754 = tpu.memref_slice %arg8[%run_scoped3A_618, %dma_start3A_752, %dma_start3A_753] : memref<4x128x128xf32, #tpu.memory_space<vmem>> -> memref<1x128x128xf32, #tpu.memory_space<vmem>>
        %dma_start3A_755 = tpu.memref_squeeze %dma_start3A_754 : memref<1x128x128xf32, #tpu.memory_space<vmem>> -> memref<128x128xf32, #tpu.memory_space<vmem>>
        %dma_start3A_756 = arith.constant 0 : i32
        %dma_start3A_757 = tpu.memref_slice %arg7[%add3A_606, %dma_start3A_756] : memref<8x128xi32, #tpu.memory_space<vmem>> -> memref<1x128xi32, #tpu.memory_space<vmem>>
        %dma_start3A_758 = tpu.memref_squeeze %dma_start3A_757 : memref<1x128xi32, #tpu.memory_space<vmem>> -> memref<128xi32, #tpu.memory_space<vmem>>
        %dma_start3A_759 = arith.constant 0 : i32
        %dma_start3A_760 = arith.constant 0 : i32
        %dma_start3A_761 = tpu.memref_slice %arg10[%dma_start3A_759, %dma_start3A_760] : memref<2048x128xf32, #tpu.memory_space<vmem_shared>> -> memref<2048x128xf32, #tpu.memory_space<vmem_shared>>
        tpu.enqueue_indirect_dma source(%dma_start3A_755 : memref<128x128xf32, #tpu.memory_space<vmem>>) target(%dma_start3A_761 : memref<2048x128xf32, #tpu.memory_space<vmem_shared>>) offsets(%dma_start3A_758 : memref<128xi32, #tpu.memory_space<vmem>>) semaphore(%run_scoped3A_751 : memref<!tpu.dma_semaphore, #tpu.memory_space<semaphore_mem>>) {add = true}
        %dma_wait3A_762 = arith.constant 0 : i32
        %dma_wait3A_763 = arith.constant 0 : i32
        %dma_wait3A_764 = tpu.memref_slice %arg8[%run_scoped3A_618, %dma_wait3A_762, %dma_wait3A_763] : memref<4x128x128xf32, #tpu.memory_space<vmem>> -> memref<1x128x128xf32, #tpu.memory_space<vmem>>
        %dma_wait3A_765 = tpu.memref_squeeze %dma_wait3A_764 : memref<1x128x128xf32, #tpu.memory_space<vmem>> -> memref<128x128xf32, #tpu.memory_space<vmem>>
        %dma_wait3A_766 = arith.constant 0 : i32
        %dma_wait3A_767 = tpu.memref_slice %arg7[%add3A_606, %dma_wait3A_766] : memref<8x128xi32, #tpu.memory_space<vmem>> -> memref<1x128xi32, #tpu.memory_space<vmem>>
        %dma_wait3A_768 = tpu.memref_squeeze %dma_wait3A_767 : memref<1x128xi32, #tpu.memory_space<vmem>> -> memref<128xi32, #tpu.memory_space<vmem>>
        %dma_wait3A_769 = arith.constant 0 : i32
        %dma_wait3A_770 = arith.constant 0 : i32
        %dma_wait3A_771 = tpu.memref_slice %arg10[%dma_wait3A_769, %dma_wait3A_770] : memref<2048x128xf32, #tpu.memory_space<vmem_shared>> -> memref<2048x128xf32, #tpu.memory_space<vmem_shared>>
        tpu.wait_indirect_dma semaphore(%run_scoped3A_751 : memref<!tpu.dma_semaphore, #tpu.memory_space<semaphore_mem>>) src(%dma_wait3A_765 : memref<128x128xf32, #tpu.memory_space<vmem>>) dst(%dma_wait3A_771 : memref<2048x128xf32, #tpu.memory_space<vmem_shared>>)
        tpu.yield
      }) : () -> ()
      %add3A_619 = arith.constant 4 : i32
      %add3A_620 = arith.addi %add3A_606, %add3A_619 : i32
      %dma_start3A_621 = arith.constant 1 : i32
      %dma_start3A_622 = arith.constant 0 : i32
      %dma_start3A_623 = arith.constant 0 : i32
      %dma_start3A_624 = tpu.memref_slice %arg8[%dma_start3A_621, %dma_start3A_622, %dma_start3A_623] : memref<4x128x128xf32, #tpu.memory_space<vmem>> -> memref<1x128x128xf32, #tpu.memory_space<vmem>>
      %dma_start3A_625 = tpu.memref_squeeze %dma_start3A_624 : memref<1x128x128xf32, #tpu.memory_space<vmem>> -> memref<128x128xf32, #tpu.memory_space<vmem>>
      %dma_start3A_626 = arith.constant 0 : i32
      %dma_start3A_627 = tpu.memref_slice %arg6[%add3A_620, %dma_start3A_626] : memref<8x128xi32, #tpu.memory_space<vmem>> -> memref<1x128xi32, #tpu.memory_space<vmem>>
      %dma_start3A_628 = tpu.memref_squeeze %dma_start3A_627 : memref<1x128xi32, #tpu.memory_space<vmem>> -> memref<128xi32, #tpu.memory_space<vmem>>
      %dma_start3A_629 = arith.constant 0 : i32
      %dma_start3A_630 = arith.constant 0 : i32
      %dma_start3A_631 = tpu.memref_slice %arg2[%dma_start3A_629, %dma_start3A_630] : memref<10000x128xf32, #tpu.memory_space<hbm>> -> memref<10000x128xf32, #tpu.memory_space<hbm>>
      tpu.enqueue_indirect_dma source(%dma_start3A_631 : memref<10000x128xf32, #tpu.memory_space<hbm>>) target(%dma_start3A_625 : memref<128x128xf32, #tpu.memory_space<vmem>>) offsets(%dma_start3A_628 : memref<128xi32, #tpu.memory_space<vmem>>) semaphore(%arg12 : memref<!tpu.dma_semaphore, #tpu.memory_space<semaphore_mem>>)
      %mul3A_632 = arith.constant 4 : i32
      %mul3A_633 = arith.muli %scan3A_575, %mul3A_632 : i32
      %add3A_634 = arith.constant 2 : i32
      %add3A_635 = arith.addi %mul3A_633, %add3A_634 : i32
      %dma_wait3A_636 = arith.constant 2 : i32
      %dma_wait3A_637 = arith.constant 0 : i32
      %dma_wait3A_638 = arith.constant 0 : i32
      %dma_wait3A_639 = tpu.memref_slice %arg8[%dma_wait3A_636, %dma_wait3A_637, %dma_wait3A_638] : memref<4x128x128xf32, #tpu.memory_space<vmem>> -> memref<1x128x128xf32, #tpu.memory_space<vmem>>
      %dma_wait3A_640 = tpu.memref_squeeze %dma_wait3A_639 : memref<1x128x128xf32, #tpu.memory_space<vmem>> -> memref<128x128xf32, #tpu.memory_space<vmem>>
      %dma_wait3A_641 = arith.constant 0 : i32
      %dma_wait3A_642 = tpu.memref_slice %arg6[%add3A_635, %dma_wait3A_641] : memref<8x128xi32, #tpu.memory_space<vmem>> -> memref<1x128xi32, #tpu.memory_space<vmem>>
      %dma_wait3A_643 = tpu.memref_squeeze %dma_wait3A_642 : memref<1x128xi32, #tpu.memory_space<vmem>> -> memref<128xi32, #tpu.memory_space<vmem>>
      %dma_wait3A_644 = arith.constant 0 : i32
      %dma_wait3A_645 = arith.constant 0 : i32
      %dma_wait3A_646 = tpu.memref_slice %arg2[%dma_wait3A_644, %dma_wait3A_645] : memref<10000x128xf32, #tpu.memory_space<hbm>> -> memref<10000x128xf32, #tpu.memory_space<hbm>>
      tpu.wait_indirect_dma semaphore(%arg13 : memref<!tpu.dma_semaphore, #tpu.memory_space<semaphore_mem>>) src(%dma_wait3A_646 : memref<10000x128xf32, #tpu.memory_space<hbm>>) dst(%dma_wait3A_640 : memref<128x128xf32, #tpu.memory_space<vmem>>)
      %run_scoped3A_647 = arith.constant 2 : i32
      "tpu.region"() ({
        %run_scoped3A_751 = tpu.sem_alloc : memref<!tpu.dma_semaphore, #tpu.memory_space<semaphore_mem>>
        %dma_start3A_752 = arith.constant 0 : i32
        %dma_start3A_753 = arith.constant 0 : i32
        %dma_start3A_754 = tpu.memref_slice %arg8[%run_scoped3A_647, %dma_start3A_752, %dma_start3A_753] : memref<4x128x128xf32, #tpu.memory_space<vmem>> -> memref<1x128x128xf32, #tpu.memory_space<vmem>>
        %dma_start3A_755 = tpu.memref_squeeze %dma_start3A_754 : memref<1x128x128xf32, #tpu.memory_space<vmem>> -> memref<128x128xf32, #tpu.memory_space<vmem>>
        %dma_start3A_756 = arith.constant 0 : i32
        %dma_start3A_757 = tpu.memref_slice %arg7[%add3A_635, %dma_start3A_756] : memref<8x128xi32, #tpu.memory_space<vmem>> -> memref<1x128xi32, #tpu.memory_space<vmem>>
        %dma_start3A_758 = tpu.memref_squeeze %dma_start3A_757 : memref<1x128xi32, #tpu.memory_space<vmem>> -> memref<128xi32, #tpu.memory_space<vmem>>
        %dma_start3A_759 = arith.constant 0 : i32
        %dma_start3A_760 = arith.constant 0 : i32
        %dma_start3A_761 = tpu.memref_slice %arg10[%dma_start3A_759, %dma_start3A_760] : memref<2048x128xf32, #tpu.memory_space<vmem_shared>> -> memref<2048x128xf32, #tpu.memory_space<vmem_shared>>
        tpu.enqueue_indirect_dma source(%dma_start3A_755 : memref<128x128xf32, #tpu.memory_space<vmem>>) target(%dma_start3A_761 : memref<2048x128xf32, #tpu.memory_space<vmem_shared>>) offsets(%dma_start3A_758 : memref<128xi32, #tpu.memory_space<vmem>>) semaphore(%run_scoped3A_751 : memref<!tpu.dma_semaphore, #tpu.memory_space<semaphore_mem>>) {add = true}
        %dma_wait3A_762 = arith.constant 0 : i32
        %dma_wait3A_763 = arith.constant 0 : i32
        %dma_wait3A_764 = tpu.memref_slice %arg8[%run_scoped3A_647, %dma_wait3A_762, %dma_wait3A_763] : memref<4x128x128xf32, #tpu.memory_space<vmem>> -> memref<1x128x128xf32, #tpu.memory_space<vmem>>
        %dma_wait3A_765 = tpu.memref_squeeze %dma_wait3A_764 : memref<1x128x128xf32, #tpu.memory_space<vmem>> -> memref<128x128xf32, #tpu.memory_space<vmem>>
        %dma_wait3A_766 = arith.constant 0 : i32
        %dma_wait3A_767 = tpu.memref_slice %arg7[%add3A_635, %dma_wait3A_766] : memref<8x128xi32, #tpu.memory_space<vmem>> -> memref<1x128xi32, #tpu.memory_space<vmem>>
        %dma_wait3A_768 = tpu.memref_squeeze %dma_wait3A_767 : memref<1x128xi32, #tpu.memory_space<vmem>> -> memref<128xi32, #tpu.memory_space<vmem>>
        %dma_wait3A_769 = arith.constant 0 : i32
        %dma_wait3A_770 = arith.constant 0 : i32
        %dma_wait3A_771 = tpu.memref_slice %arg10[%dma_wait3A_769, %dma_wait3A_770] : memref<2048x128xf32, #tpu.memory_space<vmem_shared>> -> memref<2048x128xf32, #tpu.memory_space<vmem_shared>>
        tpu.wait_indirect_dma semaphore(%run_scoped3A_751 : memref<!tpu.dma_semaphore, #tpu.memory_space<semaphore_mem>>) src(%dma_wait3A_765 : memref<128x128xf32, #tpu.memory_space<vmem>>) dst(%dma_wait3A_771 : memref<2048x128xf32, #tpu.memory_space<vmem_shared>>)
        tpu.yield
      }) : () -> ()
      %add3A_648 = arith.constant 4 : i32
      %add3A_649 = arith.addi %add3A_635, %add3A_648 : i32
      %dma_start3A_650 = arith.constant 2 : i32
      %dma_start3A_651 = arith.constant 0 : i32
      %dma_start3A_652 = arith.constant 0 : i32
      %dma_start3A_653 = tpu.memref_slice %arg8[%dma_start3A_650, %dma_start3A_651, %dma_start3A_652] : memref<4x128x128xf32, #tpu.memory_space<vmem>> -> memref<1x128x128xf32, #tpu.memory_space<vmem>>
      %dma_start3A_654 = tpu.memref_squeeze %dma_start3A_653 : memref<1x128x128xf32, #tpu.memory_space<vmem>> -> memref<128x128xf32, #tpu.memory_space<vmem>>
      %dma_start3A_655 = arith.constant 0 : i32
      %dma_start3A_656 = tpu.memref_slice %arg6[%add3A_649, %dma_start3A_655] : memref<8x128xi32, #tpu.memory_space<vmem>> -> memref<1x128xi32, #tpu.memory_space<vmem>>
      %dma_start3A_657 = tpu.memref_squeeze %dma_start3A_656 : memref<1x128xi32, #tpu.memory_space<vmem>> -> memref<128xi32, #tpu.memory_space<vmem>>
      %dma_start3A_658 = arith.constant 0 : i32
      %dma_start3A_659 = arith.constant 0 : i32
      %dma_start3A_660 = tpu.memref_slice %arg2[%dma_start3A_658, %dma_start3A_659] : memref<10000x128xf32, #tpu.memory_space<hbm>> -> memref<10000x128xf32, #tpu.memory_space<hbm>>
      tpu.enqueue_indirect_dma source(%dma_start3A_660 : memref<10000x128xf32, #tpu.memory_space<hbm>>) target(%dma_start3A_654 : memref<128x128xf32, #tpu.memory_space<vmem>>) offsets(%dma_start3A_657 : memref<128xi32, #tpu.memory_space<vmem>>) semaphore(%arg13 : memref<!tpu.dma_semaphore, #tpu.memory_space<semaphore_mem>>)
      %mul3A_661 = arith.constant 4 : i32
      %mul3A_662 = arith.muli %scan3A_575, %mul3A_661 : i32
      %add3A_663 = arith.constant 3 : i32
      %add3A_664 = arith.addi %mul3A_662, %add3A_663 : i32
      %dma_wait3A_665 = arith.constant 3 : i32
      %dma_wait3A_666 = arith.constant 0 : i32
      %dma_wait3A_667 = arith.constant 0 : i32
      %dma_wait3A_668 = tpu.memref_slice %arg8[%dma_wait3A_665, %dma_wait3A_666, %dma_wait3A_667] : memref<4x128x128xf32, #tpu.memory_space<vmem>> -> memref<1x128x128xf32, #tpu.memory_space<vmem>>
      %dma_wait3A_669 = tpu.memref_squeeze %dma_wait3A_668 : memref<1x128x128xf32, #tpu.memory_space<vmem>> -> memref<128x128xf32, #tpu.memory_space<vmem>>
      %dma_wait3A_670 = arith.constant 0 : i32
      %dma_wait3A_671 = tpu.memref_slice %arg6[%add3A_664, %dma_wait3A_670] : memref<8x128xi32, #tpu.memory_space<vmem>> -> memref<1x128xi32, #tpu.memory_space<vmem>>
      %dma_wait3A_672 = tpu.memref_squeeze %dma_wait3A_671 : memref<1x128xi32, #tpu.memory_space<vmem>> -> memref<128xi32, #tpu.memory_space<vmem>>
      %dma_wait3A_673 = arith.constant 0 : i32
      %dma_wait3A_674 = arith.constant 0 : i32
      %dma_wait3A_675 = tpu.memref_slice %arg2[%dma_wait3A_673, %dma_wait3A_674] : memref<10000x128xf32, #tpu.memory_space<hbm>> -> memref<10000x128xf32, #tpu.memory_space<hbm>>
      tpu.wait_indirect_dma semaphore(%arg14 : memref<!tpu.dma_semaphore, #tpu.memory_space<semaphore_mem>>) src(%dma_wait3A_675 : memref<10000x128xf32, #tpu.memory_space<hbm>>) dst(%dma_wait3A_669 : memref<128x128xf32, #tpu.memory_space<vmem>>)
      %run_scoped3A_676 = arith.constant 3 : i32
      "tpu.region"() ({
        %run_scoped3A_751 = tpu.sem_alloc : memref<!tpu.dma_semaphore, #tpu.memory_space<semaphore_mem>>
        %dma_start3A_752 = arith.constant 0 : i32
        %dma_start3A_753 = arith.constant 0 : i32
        %dma_start3A_754 = tpu.memref_slice %arg8[%run_scoped3A_676, %dma_start3A_752, %dma_start3A_753] : memref<4x128x128xf32, #tpu.memory_space<vmem>> -> memref<1x128x128xf32, #tpu.memory_space<vmem>>
        %dma_start3A_755 = tpu.memref_squeeze %dma_start3A_754 : memref<1x128x128xf32, #tpu.memory_space<vmem>> -> memref<128x128xf32, #tpu.memory_space<vmem>>
        %dma_start3A_756 = arith.constant 0 : i32
        %dma_start3A_757 = tpu.memref_slice %arg7[%add3A_664, %dma_start3A_756] : memref<8x128xi32, #tpu.memory_space<vmem>> -> memref<1x128xi32, #tpu.memory_space<vmem>>
        %dma_start3A_758 = tpu.memref_squeeze %dma_start3A_757 : memref<1x128xi32, #tpu.memory_space<vmem>> -> memref<128xi32, #tpu.memory_space<vmem>>
        %dma_start3A_759 = arith.constant 0 : i32
        %dma_start3A_760 = arith.constant 0 : i32
        %dma_start3A_761 = tpu.memref_slice %arg10[%dma_start3A_759, %dma_start3A_760] : memref<2048x128xf32, #tpu.memory_space<vmem_shared>> -> memref<2048x128xf32, #tpu.memory_space<vmem_shared>>
        tpu.enqueue_indirect_dma source(%dma_start3A_755 : memref<128x128xf32, #tpu.memory_space<vmem>>) target(%dma_start3A_761 : memref<2048x128xf32, #tpu.memory_space<vmem_shared>>) offsets(%dma_start3A_758 : memref<128xi32, #tpu.memory_space<vmem>>) semaphore(%run_scoped3A_751 : memref<!tpu.dma_semaphore, #tpu.memory_space<semaphore_mem>>) {add = true}
        %dma_wait3A_762 = arith.constant 0 : i32
        %dma_wait3A_763 = arith.constant 0 : i32
        %dma_wait3A_764 = tpu.memref_slice %arg8[%run_scoped3A_676, %dma_wait3A_762, %dma_wait3A_763] : memref<4x128x128xf32, #tpu.memory_space<vmem>> -> memref<1x128x128xf32, #tpu.memory_space<vmem>>
        %dma_wait3A_765 = tpu.memref_squeeze %dma_wait3A_764 : memref<1x128x128xf32, #tpu.memory_space<vmem>> -> memref<128x128xf32, #tpu.memory_space<vmem>>
        %dma_wait3A_766 = arith.constant 0 : i32
        %dma_wait3A_767 = tpu.memref_slice %arg7[%add3A_664, %dma_wait3A_766] : memref<8x128xi32, #tpu.memory_space<vmem>> -> memref<1x128xi32, #tpu.memory_space<vmem>>
        %dma_wait3A_768 = tpu.memref_squeeze %dma_wait3A_767 : memref<1x128xi32, #tpu.memory_space<vmem>> -> memref<128xi32, #tpu.memory_space<vmem>>
        %dma_wait3A_769 = arith.constant 0 : i32
        %dma_wait3A_770 = arith.constant 0 : i32
        %dma_wait3A_771 = tpu.memref_slice %arg10[%dma_wait3A_769, %dma_wait3A_770] : memref<2048x128xf32, #tpu.memory_space<vmem_shared>> -> memref<2048x128xf32, #tpu.memory_space<vmem_shared>>
        tpu.wait_indirect_dma semaphore(%run_scoped3A_751 : memref<!tpu.dma_semaphore, #tpu.memory_space<semaphore_mem>>) src(%dma_wait3A_765 : memref<128x128xf32, #tpu.memory_space<vmem>>) dst(%dma_wait3A_771 : memref<2048x128xf32, #tpu.memory_space<vmem_shared>>)
        tpu.yield
      }) : () -> ()
      %add3A_677 = arith.constant 4 : i32
      %add3A_678 = arith.addi %add3A_664, %add3A_677 : i32
      %dma_start3A_679 = arith.constant 3 : i32
      %dma_start3A_680 = arith.constant 0 : i32
      %dma_start3A_681 = arith.constant 0 : i32
      %dma_start3A_682 = tpu.memref_slice %arg8[%dma_start3A_679, %dma_start3A_680, %dma_start3A_681] : memref<4x128x128xf32, #tpu.memory_space<vmem>> -> memref<1x128x128xf32, #tpu.memory_space<vmem>>
      %dma_start3A_683 = tpu.memref_squeeze %dma_start3A_682 : memref<1x128x128xf32, #tpu.memory_space<vmem>> -> memref<128x128xf32, #tpu.memory_space<vmem>>
      %dma_start3A_684 = arith.constant 0 : i32
      %dma_start3A_685 = tpu.memref_slice %arg6[%add3A_678, %dma_start3A_684] : memref<8x128xi32, #tpu.memory_space<vmem>> -> memref<1x128xi32, #tpu.memory_space<vmem>>
      %dma_start3A_686 = tpu.memref_squeeze %dma_start3A_685 : memref<1x128xi32, #tpu.memory_space<vmem>> -> memref<128xi32, #tpu.memory_space<vmem>>
      %dma_start3A_687 = arith.constant 0 : i32
      %dma_start3A_688 = arith.constant 0 : i32
      %dma_start3A_689 = tpu.memref_slice %arg2[%dma_start3A_687, %dma_start3A_688] : memref<10000x128xf32, #tpu.memory_space<hbm>> -> memref<10000x128xf32, #tpu.memory_space<hbm>>
      tpu.enqueue_indirect_dma source(%dma_start3A_689 : memref<10000x128xf32, #tpu.memory_space<hbm>>) target(%dma_start3A_683 : memref<128x128xf32, #tpu.memory_space<vmem>>) offsets(%dma_start3A_686 : memref<128xi32, #tpu.memory_space<vmem>>) semaphore(%arg14 : memref<!tpu.dma_semaphore, #tpu.memory_space<semaphore_mem>>)
      %scan3A_690 = arith.constant 1 : i32
      %dma_wait3A_691 = arith.constant 4 : i32
      %dma_wait3A_692 = arith.constant 0 : i32
      %dma_wait3A_693 = arith.constant 0 : i32
      %dma_wait3A_694 = arith.constant 0 : i32
      %dma_wait3A_695 = tpu.memref_slice %arg8[%dma_wait3A_692, %dma_wait3A_693, %dma_wait3A_694] : memref<4x128x128xf32, #tpu.memory_space<vmem>> -> memref<1x128x128xf32, #tpu.memory_space<vmem>>
      %dma_wait3A_696 = tpu.memref_squeeze %dma_wait3A_695 : memref<1x128x128xf32, #tpu.memory_space<vmem>> -> memref<128x128xf32, #tpu.memory_space<vmem>>
      %dma_wait3A_697 = arith.constant 0 : i32
      %dma_wait3A_698 = tpu.memref_slice %arg6[%dma_wait3A_691, %dma_wait3A_697] : memref<8x128xi32, #tpu.memory_space<vmem>> -> memref<1x128xi32, #tpu.memory_space<vmem>>
      %dma_wait3A_699 = tpu.memref_squeeze %dma_wait3A_698 : memref<1x128xi32, #tpu.memory_space<vmem>> -> memref<128xi32, #tpu.memory_space<vmem>>
      %dma_wait3A_700 = arith.constant 0 : i32
      %dma_wait3A_701 = arith.constant 0 : i32
      %dma_wait3A_702 = tpu.memref_slice %arg2[%dma_wait3A_700, %dma_wait3A_701] : memref<10000x128xf32, #tpu.memory_space<hbm>> -> memref<10000x128xf32, #tpu.memory_space<hbm>>
      tpu.wait_indirect_dma semaphore(%arg11 : memref<!tpu.dma_semaphore, #tpu.memory_space<semaphore_mem>>) src(%dma_wait3A_702 : memref<10000x128xf32, #tpu.memory_space<hbm>>) dst(%dma_wait3A_696 : memref<128x128xf32, #tpu.memory_space<vmem>>)
      %run_scoped3A_703 = arith.constant 0 : i32
      %run_scoped3A_704 = arith.constant 4 : i32
      "tpu.region"() ({
        %run_scoped3A_751 = tpu.sem_alloc : memref<!tpu.dma_semaphore, #tpu.memory_space<semaphore_mem>>
        %dma_start3A_752 = arith.constant 0 : i32
        %dma_start3A_753 = arith.constant 0 : i32
        %dma_start3A_754 = tpu.memref_slice %arg8[%run_scoped3A_703, %dma_start3A_752, %dma_start3A_753] : memref<4x128x128xf32, #tpu.memory_space<vmem>> -> memref<1x128x128xf32, #tpu.memory_space<vmem>>
        %dma_start3A_755 = tpu.memref_squeeze %dma_start3A_754 : memref<1x128x128xf32, #tpu.memory_space<vmem>> -> memref<128x128xf32, #tpu.memory_space<vmem>>
        %dma_start3A_756 = arith.constant 0 : i32
        %dma_start3A_757 = tpu.memref_slice %arg7[%run_scoped3A_704, %dma_start3A_756] : memref<8x128xi32, #tpu.memory_space<vmem>> -> memref<1x128xi32, #tpu.memory_space<vmem>>
        %dma_start3A_758 = tpu.memref_squeeze %dma_start3A_757 : memref<1x128xi32, #tpu.memory_space<vmem>> -> memref<128xi32, #tpu.memory_space<vmem>>
        %dma_start3A_759 = arith.constant 0 : i32
        %dma_start3A_760 = arith.constant 0 : i32
        %dma_start3A_761 = tpu.memref_slice %arg10[%dma_start3A_759, %dma_start3A_760] : memref<2048x128xf32, #tpu.memory_space<vmem_shared>> -> memref<2048x128xf32, #tpu.memory_space<vmem_shared>>
        tpu.enqueue_indirect_dma source(%dma_start3A_755 : memref<128x128xf32, #tpu.memory_space<vmem>>) target(%dma_start3A_761 : memref<2048x128xf32, #tpu.memory_space<vmem_shared>>) offsets(%dma_start3A_758 : memref<128xi32, #tpu.memory_space<vmem>>) semaphore(%run_scoped3A_751 : memref<!tpu.dma_semaphore, #tpu.memory_space<semaphore_mem>>) {add = true}
        %dma_wait3A_762 = arith.constant 0 : i32
        %dma_wait3A_763 = arith.constant 0 : i32
        %dma_wait3A_764 = tpu.memref_slice %arg8[%run_scoped3A_703, %dma_wait3A_762, %dma_wait3A_763] : memref<4x128x128xf32, #tpu.memory_space<vmem>> -> memref<1x128x128xf32, #tpu.memory_space<vmem>>
        %dma_wait3A_765 = tpu.memref_squeeze %dma_wait3A_764 : memref<1x128x128xf32, #tpu.memory_space<vmem>> -> memref<128x128xf32, #tpu.memory_space<vmem>>
        %dma_wait3A_766 = arith.constant 0 : i32
        %dma_wait3A_767 = tpu.memref_slice %arg7[%run_scoped3A_704, %dma_wait3A_766] : memref<8x128xi32, #tpu.memory_space<vmem>> -> memref<1x128xi32, #tpu.memory_space<vmem>>
        %dma_wait3A_768 = tpu.memref_squeeze %dma_wait3A_767 : memref<1x128xi32, #tpu.memory_space<vmem>> -> memref<128xi32, #tpu.memory_space<vmem>>
        %dma_wait3A_769 = arith.constant 0 : i32
        %dma_wait3A_770 = arith.constant 0 : i32
        %dma_wait3A_771 = tpu.memref_slice %arg10[%dma_wait3A_769, %dma_wait3A_770] : memref<2048x128xf32, #tpu.memory_space<vmem_shared>> -> memref<2048x128xf32, #tpu.memory_space<vmem_shared>>
        tpu.wait_indirect_dma semaphore(%run_scoped3A_751 : memref<!tpu.dma_semaphore, #tpu.memory_space<semaphore_mem>>) src(%dma_wait3A_765 : memref<128x128xf32, #tpu.memory_space<vmem>>) dst(%dma_wait3A_771 : memref<2048x128xf32, #tpu.memory_space<vmem_shared>>)
        tpu.yield
      }) : () -> ()
      %dma_wait3A_705 = arith.constant 5 : i32
      %dma_wait3A_706 = arith.constant 1 : i32
      %dma_wait3A_707 = arith.constant 0 : i32
      %dma_wait3A_708 = arith.constant 0 : i32
      %dma_wait3A_709 = tpu.memref_slice %arg8[%dma_wait3A_706, %dma_wait3A_707, %dma_wait3A_708] : memref<4x128x128xf32, #tpu.memory_space<vmem>> -> memref<1x128x128xf32, #tpu.memory_space<vmem>>
      %dma_wait3A_710 = tpu.memref_squeeze %dma_wait3A_709 : memref<1x128x128xf32, #tpu.memory_space<vmem>> -> memref<128x128xf32, #tpu.memory_space<vmem>>
      %dma_wait3A_711 = arith.constant 0 : i32
      %dma_wait3A_712 = tpu.memref_slice %arg6[%dma_wait3A_705, %dma_wait3A_711] : memref<8x128xi32, #tpu.memory_space<vmem>> -> memref<1x128xi32, #tpu.memory_space<vmem>>
      %dma_wait3A_713 = tpu.memref_squeeze %dma_wait3A_712 : memref<1x128xi32, #tpu.memory_space<vmem>> -> memref<128xi32, #tpu.memory_space<vmem>>
      %dma_wait3A_714 = arith.constant 0 : i32
      %dma_wait3A_715 = arith.constant 0 : i32
      %dma_wait3A_716 = tpu.memref_slice %arg2[%dma_wait3A_714, %dma_wait3A_715] : memref<10000x128xf32, #tpu.memory_space<hbm>> -> memref<10000x128xf32, #tpu.memory_space<hbm>>
      tpu.wait_indirect_dma semaphore(%arg12 : memref<!tpu.dma_semaphore, #tpu.memory_space<semaphore_mem>>) src(%dma_wait3A_716 : memref<10000x128xf32, #tpu.memory_space<hbm>>) dst(%dma_wait3A_710 : memref<128x128xf32, #tpu.memory_space<vmem>>)
      %run_scoped3A_717 = arith.constant 1 : i32
      %run_scoped3A_718 = arith.constant 5 : i32
      "tpu.region"() ({
        %run_scoped3A_751 = tpu.sem_alloc : memref<!tpu.dma_semaphore, #tpu.memory_space<semaphore_mem>>
        %dma_start3A_752 = arith.constant 0 : i32
        %dma_start3A_753 = arith.constant 0 : i32
        %dma_start3A_754 = tpu.memref_slice %arg8[%run_scoped3A_717, %dma_start3A_752, %dma_start3A_753] : memref<4x128x128xf32, #tpu.memory_space<vmem>> -> memref<1x128x128xf32, #tpu.memory_space<vmem>>
        %dma_start3A_755 = tpu.memref_squeeze %dma_start3A_754 : memref<1x128x128xf32, #tpu.memory_space<vmem>> -> memref<128x128xf32, #tpu.memory_space<vmem>>
        %dma_start3A_756 = arith.constant 0 : i32
        %dma_start3A_757 = tpu.memref_slice %arg7[%run_scoped3A_718, %dma_start3A_756] : memref<8x128xi32, #tpu.memory_space<vmem>> -> memref<1x128xi32, #tpu.memory_space<vmem>>
        %dma_start3A_758 = tpu.memref_squeeze %dma_start3A_757 : memref<1x128xi32, #tpu.memory_space<vmem>> -> memref<128xi32, #tpu.memory_space<vmem>>
        %dma_start3A_759 = arith.constant 0 : i32
        %dma_start3A_760 = arith.constant 0 : i32
        %dma_start3A_761 = tpu.memref_slice %arg10[%dma_start3A_759, %dma_start3A_760] : memref<2048x128xf32, #tpu.memory_space<vmem_shared>> -> memref<2048x128xf32, #tpu.memory_space<vmem_shared>>
        tpu.enqueue_indirect_dma source(%dma_start3A_755 : memref<128x128xf32, #tpu.memory_space<vmem>>) target(%dma_start3A_761 : memref<2048x128xf32, #tpu.memory_space<vmem_shared>>) offsets(%dma_start3A_758 : memref<128xi32, #tpu.memory_space<vmem>>) semaphore(%run_scoped3A_751 : memref<!tpu.dma_semaphore, #tpu.memory_space<semaphore_mem>>) {add = true}
        %dma_wait3A_762 = arith.constant 0 : i32
        %dma_wait3A_763 = arith.constant 0 : i32
        %dma_wait3A_764 = tpu.memref_slice %arg8[%run_scoped3A_717, %dma_wait3A_762, %dma_wait3A_763] : memref<4x128x128xf32, #tpu.memory_space<vmem>> -> memref<1x128x128xf32, #tpu.memory_space<vmem>>
        %dma_wait3A_765 = tpu.memref_squeeze %dma_wait3A_764 : memref<1x128x128xf32, #tpu.memory_space<vmem>> -> memref<128x128xf32, #tpu.memory_space<vmem>>
        %dma_wait3A_766 = arith.constant 0 : i32
        %dma_wait3A_767 = tpu.memref_slice %arg7[%run_scoped3A_718, %dma_wait3A_766] : memref<8x128xi32, #tpu.memory_space<vmem>> -> memref<1x128xi32, #tpu.memory_space<vmem>>
        %dma_wait3A_768 = tpu.memref_squeeze %dma_wait3A_767 : memref<1x128xi32, #tpu.memory_space<vmem>> -> memref<128xi32, #tpu.memory_space<vmem>>
        %dma_wait3A_769 = arith.constant 0 : i32
        %dma_wait3A_770 = arith.constant 0 : i32
        %dma_wait3A_771 = tpu.memref_slice %arg10[%dma_wait3A_769, %dma_wait3A_770] : memref<2048x128xf32, #tpu.memory_space<vmem_shared>> -> memref<2048x128xf32, #tpu.memory_space<vmem_shared>>
        tpu.wait_indirect_dma semaphore(%run_scoped3A_751 : memref<!tpu.dma_semaphore, #tpu.memory_space<semaphore_mem>>) src(%dma_wait3A_765 : memref<128x128xf32, #tpu.memory_space<vmem>>) dst(%dma_wait3A_771 : memref<2048x128xf32, #tpu.memory_space<vmem_shared>>)
        tpu.yield
      }) : () -> ()
      %dma_wait3A_719 = arith.constant 6 : i32
      %dma_wait3A_720 = arith.constant 2 : i32
      %dma_wait3A_721 = arith.constant 0 : i32
      %dma_wait3A_722 = arith.constant 0 : i32
      %dma_wait3A_723 = tpu.memref_slice %arg8[%dma_wait3A_720, %dma_wait3A_721, %dma_wait3A_722] : memref<4x128x128xf32, #tpu.memory_space<vmem>> -> memref<1x128x128xf32, #tpu.memory_space<vmem>>
      %dma_wait3A_724 = tpu.memref_squeeze %dma_wait3A_723 : memref<1x128x128xf32, #tpu.memory_space<vmem>> -> memref<128x128xf32, #tpu.memory_space<vmem>>
      %dma_wait3A_725 = arith.constant 0 : i32
      %dma_wait3A_726 = tpu.memref_slice %arg6[%dma_wait3A_719, %dma_wait3A_725] : memref<8x128xi32, #tpu.memory_space<vmem>> -> memref<1x128xi32, #tpu.memory_space<vmem>>
      %dma_wait3A_727 = tpu.memref_squeeze %dma_wait3A_726 : memref<1x128xi32, #tpu.memory_space<vmem>> -> memref<128xi32, #tpu.memory_space<vmem>>
      %dma_wait3A_728 = arith.constant 0 : i32
      %dma_wait3A_729 = arith.constant 0 : i32
      %dma_wait3A_730 = tpu.memref_slice %arg2[%dma_wait3A_728, %dma_wait3A_729] : memref<10000x128xf32, #tpu.memory_space<hbm>> -> memref<10000x128xf32, #tpu.memory_space<hbm>>
      tpu.wait_indirect_dma semaphore(%arg13 : memref<!tpu.dma_semaphore, #tpu.memory_space<semaphore_mem>>) src(%dma_wait3A_730 : memref<10000x128xf32, #tpu.memory_space<hbm>>) dst(%dma_wait3A_724 : memref<128x128xf32, #tpu.memory_space<vmem>>)
      %run_scoped3A_731 = arith.constant 2 : i32
      %run_scoped3A_732 = arith.constant 6 : i32
      "tpu.region"() ({
        %run_scoped3A_751 = tpu.sem_alloc : memref<!tpu.dma_semaphore, #tpu.memory_space<semaphore_mem>>
        %dma_start3A_752 = arith.constant 0 : i32
        %dma_start3A_753 = arith.constant 0 : i32
        %dma_start3A_754 = tpu.memref_slice %arg8[%run_scoped3A_731, %dma_start3A_752, %dma_start3A_753] : memref<4x128x128xf32, #tpu.memory_space<vmem>> -> memref<1x128x128xf32, #tpu.memory_space<vmem>>
        %dma_start3A_755 = tpu.memref_squeeze %dma_start3A_754 : memref<1x128x128xf32, #tpu.memory_space<vmem>> -> memref<128x128xf32, #tpu.memory_space<vmem>>
        %dma_start3A_756 = arith.constant 0 : i32
        %dma_start3A_757 = tpu.memref_slice %arg7[%run_scoped3A_732, %dma_start3A_756] : memref<8x128xi32, #tpu.memory_space<vmem>> -> memref<1x128xi32, #tpu.memory_space<vmem>>
        %dma_start3A_758 = tpu.memref_squeeze %dma_start3A_757 : memref<1x128xi32, #tpu.memory_space<vmem>> -> memref<128xi32, #tpu.memory_space<vmem>>
        %dma_start3A_759 = arith.constant 0 : i32
        %dma_start3A_760 = arith.constant 0 : i32
        %dma_start3A_761 = tpu.memref_slice %arg10[%dma_start3A_759, %dma_start3A_760] : memref<2048x128xf32, #tpu.memory_space<vmem_shared>> -> memref<2048x128xf32, #tpu.memory_space<vmem_shared>>
        tpu.enqueue_indirect_dma source(%dma_start3A_755 : memref<128x128xf32, #tpu.memory_space<vmem>>) target(%dma_start3A_761 : memref<2048x128xf32, #tpu.memory_space<vmem_shared>>) offsets(%dma_start3A_758 : memref<128xi32, #tpu.memory_space<vmem>>) semaphore(%run_scoped3A_751 : memref<!tpu.dma_semaphore, #tpu.memory_space<semaphore_mem>>) {add = true}
        %dma_wait3A_762 = arith.constant 0 : i32
        %dma_wait3A_763 = arith.constant 0 : i32
        %dma_wait3A_764 = tpu.memref_slice %arg8[%run_scoped3A_731, %dma_wait3A_762, %dma_wait3A_763] : memref<4x128x128xf32, #tpu.memory_space<vmem>> -> memref<1x128x128xf32, #tpu.memory_space<vmem>>
        %dma_wait3A_765 = tpu.memref_squeeze %dma_wait3A_764 : memref<1x128x128xf32, #tpu.memory_space<vmem>> -> memref<128x128xf32, #tpu.memory_space<vmem>>
        %dma_wait3A_766 = arith.constant 0 : i32
        %dma_wait3A_767 = tpu.memref_slice %arg7[%run_scoped3A_732, %dma_wait3A_766] : memref<8x128xi32, #tpu.memory_space<vmem>> -> memref<1x128xi32, #tpu.memory_space<vmem>>
        %dma_wait3A_768 = tpu.memref_squeeze %dma_wait3A_767 : memref<1x128xi32, #tpu.memory_space<vmem>> -> memref<128xi32, #tpu.memory_space<vmem>>
        %dma_wait3A_769 = arith.constant 0 : i32
        %dma_wait3A_770 = arith.constant 0 : i32
        %dma_wait3A_771 = tpu.memref_slice %arg10[%dma_wait3A_769, %dma_wait3A_770] : memref<2048x128xf32, #tpu.memory_space<vmem_shared>> -> memref<2048x128xf32, #tpu.memory_space<vmem_shared>>
        tpu.wait_indirect_dma semaphore(%run_scoped3A_751 : memref<!tpu.dma_semaphore, #tpu.memory_space<semaphore_mem>>) src(%dma_wait3A_765 : memref<128x128xf32, #tpu.memory_space<vmem>>) dst(%dma_wait3A_771 : memref<2048x128xf32, #tpu.memory_space<vmem_shared>>)
        tpu.yield
      }) : () -> ()
      %dma_wait3A_733 = arith.constant 7 : i32
      %dma_wait3A_734 = arith.constant 3 : i32
      %dma_wait3A_735 = arith.constant 0 : i32
      %dma_wait3A_736 = arith.constant 0 : i32
      %dma_wait3A_737 = tpu.memref_slice %arg8[%dma_wait3A_734, %dma_wait3A_735, %dma_wait3A_736] : memref<4x128x128xf32, #tpu.memory_space<vmem>> -> memref<1x128x128xf32, #tpu.memory_space<vmem>>
      %dma_wait3A_738 = tpu.memref_squeeze %dma_wait3A_737 : memref<1x128x128xf32, #tpu.memory_space<vmem>> -> memref<128x128xf32, #tpu.memory_space<vmem>>
      %dma_wait3A_739 = arith.constant 0 : i32
      %dma_wait3A_740 = tpu.memref_slice %arg6[%dma_wait3A_733, %dma_wait3A_739] : memref<8x128xi32, #tpu.memory_space<vmem>> -> memref<1x128xi32, #tpu.memory_space<vmem>>
      %dma_wait3A_741 = tpu.memref_squeeze %dma_wait3A_740 : memref<1x128xi32, #tpu.memory_space<vmem>> -> memref<128xi32, #tpu.memory_space<vmem>>
      %dma_wait3A_742 = arith.constant 0 : i32
      %dma_wait3A_743 = arith.constant 0 : i32
      %dma_wait3A_744 = tpu.memref_slice %arg2[%dma_wait3A_742, %dma_wait3A_743] : memref<10000x128xf32, #tpu.memory_space<hbm>> -> memref<10000x128xf32, #tpu.memory_space<hbm>>
      tpu.wait_indirect_dma semaphore(%arg14 : memref<!tpu.dma_semaphore, #tpu.memory_space<semaphore_mem>>) src(%dma_wait3A_744 : memref<10000x128xf32, #tpu.memory_space<hbm>>) dst(%dma_wait3A_738 : memref<128x128xf32, #tpu.memory_space<vmem>>)
      %run_scoped3A_745 = arith.constant 3 : i32
      %run_scoped3A_746 = arith.constant 7 : i32
      "tpu.region"() ({
        %run_scoped3A_751 = tpu.sem_alloc : memref<!tpu.dma_semaphore, #tpu.memory_space<semaphore_mem>>
        %dma_start3A_752 = arith.constant 0 : i32
        %dma_start3A_753 = arith.constant 0 : i32
        %dma_start3A_754 = tpu.memref_slice %arg8[%run_scoped3A_745, %dma_start3A_752, %dma_start3A_753] : memref<4x128x128xf32, #tpu.memory_space<vmem>> -> memref<1x128x128xf32, #tpu.memory_space<vmem>>
        %dma_start3A_755 = tpu.memref_squeeze %dma_start3A_754 : memref<1x128x128xf32, #tpu.memory_space<vmem>> -> memref<128x128xf32, #tpu.memory_space<vmem>>
        %dma_start3A_756 = arith.constant 0 : i32
        %dma_start3A_757 = tpu.memref_slice %arg7[%run_scoped3A_746, %dma_start3A_756] : memref<8x128xi32, #tpu.memory_space<vmem>> -> memref<1x128xi32, #tpu.memory_space<vmem>>
        %dma_start3A_758 = tpu.memref_squeeze %dma_start3A_757 : memref<1x128xi32, #tpu.memory_space<vmem>> -> memref<128xi32, #tpu.memory_space<vmem>>
        %dma_start3A_759 = arith.constant 0 : i32
        %dma_start3A_760 = arith.constant 0 : i32
        %dma_start3A_761 = tpu.memref_slice %arg10[%dma_start3A_759, %dma_start3A_760] : memref<2048x128xf32, #tpu.memory_space<vmem_shared>> -> memref<2048x128xf32, #tpu.memory_space<vmem_shared>>
        tpu.enqueue_indirect_dma source(%dma_start3A_755 : memref<128x128xf32, #tpu.memory_space<vmem>>) target(%dma_start3A_761 : memref<2048x128xf32, #tpu.memory_space<vmem_shared>>) offsets(%dma_start3A_758 : memref<128xi32, #tpu.memory_space<vmem>>) semaphore(%run_scoped3A_751 : memref<!tpu.dma_semaphore, #tpu.memory_space<semaphore_mem>>) {add = true}
        %dma_wait3A_762 = arith.constant 0 : i32
        %dma_wait3A_763 = arith.constant 0 : i32
        %dma_wait3A_764 = tpu.memref_slice %arg8[%run_scoped3A_745, %dma_wait3A_762, %dma_wait3A_763] : memref<4x128x128xf32, #tpu.memory_space<vmem>> -> memref<1x128x128xf32, #tpu.memory_space<vmem>>
        %dma_wait3A_765 = tpu.memref_squeeze %dma_wait3A_764 : memref<1x128x128xf32, #tpu.memory_space<vmem>> -> memref<128x128xf32, #tpu.memory_space<vmem>>
        %dma_wait3A_766 = arith.constant 0 : i32
        %dma_wait3A_767 = tpu.memref_slice %arg7[%run_scoped3A_746, %dma_wait3A_766] : memref<8x128xi32, #tpu.memory_space<vmem>> -> memref<1x128xi32, #tpu.memory_space<vmem>>
        %dma_wait3A_768 = tpu.memref_squeeze %dma_wait3A_767 : memref<1x128xi32, #tpu.memory_space<vmem>> -> memref<128xi32, #tpu.memory_space<vmem>>
        %dma_wait3A_769 = arith.constant 0 : i32
        %dma_wait3A_770 = arith.constant 0 : i32
        %dma_wait3A_771 = tpu.memref_slice %arg10[%dma_wait3A_769, %dma_wait3A_770] : memref<2048x128xf32, #tpu.memory_space<vmem_shared>> -> memref<2048x128xf32, #tpu.memory_space<vmem_shared>>
        tpu.wait_indirect_dma semaphore(%run_scoped3A_751 : memref<!tpu.dma_semaphore, #tpu.memory_space<semaphore_mem>>) src(%dma_wait3A_765 : memref<128x128xf32, #tpu.memory_space<vmem>>) dst(%dma_wait3A_771 : memref<2048x128xf32, #tpu.memory_space<vmem_shared>>)
        tpu.yield
      }) : () -> ()
      %add3A_747 = arith.constant 1 : i32
      %add3A_748 = arith.addi %scan3A_574, %add3A_747 : i32
      %lt3A = arith.constant 10 : i32
      %lt3A_749 = arith.cmpi slt, %add3A_748, %lt3A : i32
      %convert_element_type3A = arith.extui %lt3A_749 : i1 to i32
      %cond3A = arith.constant 0 : i32
      %cond3A_750 = arith.cmpi ne, %convert_element_type3A, %cond3A : i32
      scf.if %cond3A_750 {
        %add3A_751 = arith.constant 1 : i32
        %add3A_752 = arith.addi %scan3A_574, %add3A_751 : i32
        %mul3A_753 = arith.constant 8 : i32
        %mul3A_754 = arith.muli %add3A_752, %mul3A_753 : i32
        "tpu.region"() ({
          %run_scoped3A_807 = tpu.sem_alloc : memref<!tpu.dma_semaphore, #tpu.memory_space<semaphore_mem>>
          %dma_start3A_808 = arith.constant 0 : i32
          %dma_start3A_809 = tpu.memref_slice %arg3[%add3A, %mul3A_754, %dma_start3A_808] : memref<32x80x128xi32, #tpu.memory_space<hbm>> -> memref<1x8x128xi32, #tpu.memory_space<hbm>>
          %dma_start3A_810 = tpu.memref_squeeze %dma_start3A_809 : memref<1x8x128xi32, #tpu.memory_space<hbm>> -> memref<8x128xi32, #tpu.memory_space<hbm>>
          %dma_start3A_811 = arith.constant 0 : i32
          %dma_start3A_812 = tpu.memref_slice %arg3[%add3A, %mul3A_754, %dma_start3A_811] : memref<32x80x128xi32, #tpu.memory_space<hbm>> -> memref<1x8x128xi32, #tpu.memory_space<hbm>>
          %dma_start3A_813 = tpu.memref_squeeze %dma_start3A_812 : memref<1x8x128xi32, #tpu.memory_space<hbm>> -> memref<8x128xi32, #tpu.memory_space<hbm>>
          tpu.enqueue_dma source(%dma_start3A_813 : memref<8x128xi32, #tpu.memory_space<hbm>>) target(%arg6 : memref<8x128xi32, #tpu.memory_space<vmem>>) target_semaphore(%run_scoped3A_807 : memref<!tpu.dma_semaphore, #tpu.memory_space<semaphore_mem>>)
          %dma_wait3A_814 = arith.constant 0 : i32
          %dma_wait3A_815 = tpu.memref_slice %arg3[%add3A, %mul3A_754, %dma_wait3A_814] : memref<32x80x128xi32, #tpu.memory_space<hbm>> -> memref<1x8x128xi32, #tpu.memory_space<hbm>>
          %dma_wait3A_816 = tpu.memref_squeeze %dma_wait3A_815 : memref<1x8x128xi32, #tpu.memory_space<hbm>> -> memref<8x128xi32, #tpu.memory_space<hbm>>
          %dma_wait3A_817 = arith.constant 0 : i32
          %dma_wait3A_818 = tpu.memref_slice %arg3[%add3A, %mul3A_754, %dma_wait3A_817] : memref<32x80x128xi32, #tpu.memory_space<hbm>> -> memref<1x8x128xi32, #tpu.memory_space<hbm>>
          %dma_wait3A_819 = tpu.memref_squeeze %dma_wait3A_818 : memref<1x8x128xi32, #tpu.memory_space<hbm>> -> memref<8x128xi32, #tpu.memory_space<hbm>>
          tpu.wait_dma2 semaphore(%run_scoped3A_807 : memref<!tpu.dma_semaphore, #tpu.memory_space<semaphore_mem>>) src(%dma_wait3A_819 : memref<8x128xi32, #tpu.memory_space<hbm>>) dst(%arg6 : memref<8x128xi32, #tpu.memory_space<vmem>>)
          tpu.yield
        }) : () -> ()
        %add3A_755 = arith.constant 1 : i32
        %add3A_756 = arith.addi %scan3A_574, %add3A_755 : i32
        %mul3A_757 = arith.constant 8 : i32
        %mul3A_758 = arith.muli %add3A_756, %mul3A_757 : i32
        "tpu.region"() ({
          %run_scoped3A_807 = tpu.sem_alloc : memref<!tpu.dma_semaphore, #tpu.memory_space<semaphore_mem>>
          %dma_start3A_808 = arith.constant 0 : i32
          %dma_start3A_809 = tpu.memref_slice %arg4[%add3A, %mul3A_758, %dma_start3A_808] : memref<32x80x128xi32, #tpu.memory_space<hbm>> -> memref<1x8x128xi32, #tpu.memory_space<hbm>>
          %dma_start3A_810 = tpu.memref_squeeze %dma_start3A_809 : memref<1x8x128xi32, #tpu.memory_space<hbm>> -> memref<8x128xi32, #tpu.memory_space<hbm>>
          %dma_start3A_811 = arith.constant 0 : i32
          %dma_start3A_812 = tpu.memref_slice %arg4[%add3A, %mul3A_758, %dma_start3A_811] : memref<32x80x128xi32, #tpu.memory_space<hbm>> -> memref<1x8x128xi32, #tpu.memory_space<hbm>>
          %dma_start3A_813 = tpu.memref_squeeze %dma_start3A_812 : memref<1x8x128xi32, #tpu.memory_space<hbm>> -> memref<8x128xi32, #tpu.memory_space<hbm>>
          tpu.enqueue_dma source(%dma_start3A_813 : memref<8x128xi32, #tpu.memory_space<hbm>>) target(%arg7 : memref<8x128xi32, #tpu.memory_space<vmem>>) target_semaphore(%run_scoped3A_807 : memref<!tpu.dma_semaphore, #tpu.memory_space<semaphore_mem>>)
          %dma_wait3A_814 = arith.constant 0 : i32
          %dma_wait3A_815 = tpu.memref_slice %arg4[%add3A, %mul3A_758, %dma_wait3A_814] : memref<32x80x128xi32, #tpu.memory_space<hbm>> -> memref<1x8x128xi32, #tpu.memory_space<hbm>>
          %dma_wait3A_816 = tpu.memref_squeeze %dma_wait3A_815 : memref<1x8x128xi32, #tpu.memory_space<hbm>> -> memref<8x128xi32, #tpu.memory_space<hbm>>
          %dma_wait3A_817 = arith.constant 0 : i32
          %dma_wait3A_818 = tpu.memref_slice %arg4[%add3A, %mul3A_758, %dma_wait3A_817] : memref<32x80x128xi32, #tpu.memory_space<hbm>> -> memref<1x8x128xi32, #tpu.memory_space<hbm>>
          %dma_wait3A_819 = tpu.memref_squeeze %dma_wait3A_818 : memref<1x8x128xi32, #tpu.memory_space<hbm>> -> memref<8x128xi32, #tpu.memory_space<hbm>>
          tpu.wait_dma2 semaphore(%run_scoped3A_807 : memref<!tpu.dma_semaphore, #tpu.memory_space<semaphore_mem>>) src(%dma_wait3A_819 : memref<8x128xi32, #tpu.memory_space<hbm>>) dst(%arg7 : memref<8x128xi32, #tpu.memory_space<vmem>>)
          tpu.yield
        }) : () -> ()
        %dma_start3A_759 = arith.constant 0 : i32
        %dma_start3A_760 = arith.constant 0 : i32
        %dma_start3A_761 = arith.constant 0 : i32
        %dma_start3A_762 = arith.constant 0 : i32
        %dma_start3A_763 = tpu.memref_slice %arg8[%dma_start3A_760, %dma_start3A_761, %dma_start3A_762] : memref<4x128x128xf32, #tpu.memory_space<vmem>> -> memref<1x128x128xf32, #tpu.memory_space<vmem>>
        %dma_start3A_764 = tpu.memref_squeeze %dma_start3A_763 : memref<1x128x128xf32, #tpu.memory_space<vmem>> -> memref<128x128xf32, #tpu.memory_space<vmem>>
        %dma_start3A_765 = arith.constant 0 : i32
        %dma_start3A_766 = tpu.memref_slice %arg6[%dma_start3A_759, %dma_start3A_765] : memref<8x128xi32, #tpu.memory_space<vmem>> -> memref<1x128xi32, #tpu.memory_space<vmem>>
        %dma_start3A_767 = tpu.memref_squeeze %dma_start3A_766 : memref<1x128xi32, #tpu.memory_space<vmem>> -> memref<128xi32, #tpu.memory_space<vmem>>
        %dma_start3A_768 = arith.constant 0 : i32
        %dma_start3A_769 = arith.constant 0 : i32
        %dma_start3A_770 = tpu.memref_slice %arg2[%dma_start3A_768, %dma_start3A_769] : memref<10000x128xf32, #tpu.memory_space<hbm>> -> memref<10000x128xf32, #tpu.memory_space<hbm>>
        tpu.enqueue_indirect_dma source(%dma_start3A_770 : memref<10000x128xf32, #tpu.memory_space<hbm>>) target(%dma_start3A_764 : memref<128x128xf32, #tpu.memory_space<vmem>>) offsets(%dma_start3A_767 : memref<128xi32, #tpu.memory_space<vmem>>) semaphore(%arg11 : memref<!tpu.dma_semaphore, #tpu.memory_space<semaphore_mem>>)
        %dma_start3A_771 = arith.constant 1 : i32
        %dma_start3A_772 = arith.constant 1 : i32
        %dma_start3A_773 = arith.constant 0 : i32
        %dma_start3A_774 = arith.constant 0 : i32
        %dma_start3A_775 = tpu.memref_slice %arg8[%dma_start3A_772, %dma_start3A_773, %dma_start3A_774] : memref<4x128x128xf32, #tpu.memory_space<vmem>> -> memref<1x128x128xf32, #tpu.memory_space<vmem>>
        %dma_start3A_776 = tpu.memref_squeeze %dma_start3A_775 : memref<1x128x128xf32, #tpu.memory_space<vmem>> -> memref<128x128xf32, #tpu.memory_space<vmem>>
        %dma_start3A_777 = arith.constant 0 : i32
        %dma_start3A_778 = tpu.memref_slice %arg6[%dma_start3A_771, %dma_start3A_777] : memref<8x128xi32, #tpu.memory_space<vmem>> -> memref<1x128xi32, #tpu.memory_space<vmem>>
        %dma_start3A_779 = tpu.memref_squeeze %dma_start3A_778 : memref<1x128xi32, #tpu.memory_space<vmem>> -> memref<128xi32, #tpu.memory_space<vmem>>
        %dma_start3A_780 = arith.constant 0 : i32
        %dma_start3A_781 = arith.constant 0 : i32
        %dma_start3A_782 = tpu.memref_slice %arg2[%dma_start3A_780, %dma_start3A_781] : memref<10000x128xf32, #tpu.memory_space<hbm>> -> memref<10000x128xf32, #tpu.memory_space<hbm>>
        tpu.enqueue_indirect_dma source(%dma_start3A_782 : memref<10000x128xf32, #tpu.memory_space<hbm>>) target(%dma_start3A_776 : memref<128x128xf32, #tpu.memory_space<vmem>>) offsets(%dma_start3A_779 : memref<128xi32, #tpu.memory_space<vmem>>) semaphore(%arg12 : memref<!tpu.dma_semaphore, #tpu.memory_space<semaphore_mem>>)
        %dma_start3A_783 = arith.constant 2 : i32
        %dma_start3A_784 = arith.constant 2 : i32
        %dma_start3A_785 = arith.constant 0 : i32
        %dma_start3A_786 = arith.constant 0 : i32
        %dma_start3A_787 = tpu.memref_slice %arg8[%dma_start3A_784, %dma_start3A_785, %dma_start3A_786] : memref<4x128x128xf32, #tpu.memory_space<vmem>> -> memref<1x128x128xf32, #tpu.memory_space<vmem>>
        %dma_start3A_788 = tpu.memref_squeeze %dma_start3A_787 : memref<1x128x128xf32, #tpu.memory_space<vmem>> -> memref<128x128xf32, #tpu.memory_space<vmem>>
        %dma_start3A_789 = arith.constant 0 : i32
        %dma_start3A_790 = tpu.memref_slice %arg6[%dma_start3A_783, %dma_start3A_789] : memref<8x128xi32, #tpu.memory_space<vmem>> -> memref<1x128xi32, #tpu.memory_space<vmem>>
        %dma_start3A_791 = tpu.memref_squeeze %dma_start3A_790 : memref<1x128xi32, #tpu.memory_space<vmem>> -> memref<128xi32, #tpu.memory_space<vmem>>
        %dma_start3A_792 = arith.constant 0 : i32
        %dma_start3A_793 = arith.constant 0 : i32
        %dma_start3A_794 = tpu.memref_slice %arg2[%dma_start3A_792, %dma_start3A_793] : memref<10000x128xf32, #tpu.memory_space<hbm>> -> memref<10000x128xf32, #tpu.memory_space<hbm>>
        tpu.enqueue_indirect_dma source(%dma_start3A_794 : memref<10000x128xf32, #tpu.memory_space<hbm>>) target(%dma_start3A_788 : memref<128x128xf32, #tpu.memory_space<vmem>>) offsets(%dma_start3A_791 : memref<128xi32, #tpu.memory_space<vmem>>) semaphore(%arg13 : memref<!tpu.dma_semaphore, #tpu.memory_space<semaphore_mem>>)
        %dma_start3A_795 = arith.constant 3 : i32
        %dma_start3A_796 = arith.constant 3 : i32
        %dma_start3A_797 = arith.constant 0 : i32
        %dma_start3A_798 = arith.constant 0 : i32
        %dma_start3A_799 = tpu.memref_slice %arg8[%dma_start3A_796, %dma_start3A_797, %dma_start3A_798] : memref<4x128x128xf32, #tpu.memory_space<vmem>> -> memref<1x128x128xf32, #tpu.memory_space<vmem>>
        %dma_start3A_800 = tpu.memref_squeeze %dma_start3A_799 : memref<1x128x128xf32, #tpu.memory_space<vmem>> -> memref<128x128xf32, #tpu.memory_space<vmem>>
        %dma_start3A_801 = arith.constant 0 : i32
        %dma_start3A_802 = tpu.memref_slice %arg6[%dma_start3A_795, %dma_start3A_801] : memref<8x128xi32, #tpu.memory_space<vmem>> -> memref<1x128xi32, #tpu.memory_space<vmem>>
        %dma_start3A_803 = tpu.memref_squeeze %dma_start3A_802 : memref<1x128xi32, #tpu.memory_space<vmem>> -> memref<128xi32, #tpu.memory_space<vmem>>
        %dma_start3A_804 = arith.constant 0 : i32
        %dma_start3A_805 = arith.constant 0 : i32
        %dma_start3A_806 = tpu.memref_slice %arg2[%dma_start3A_804, %dma_start3A_805] : memref<10000x128xf32, #tpu.memory_space<hbm>> -> memref<10000x128xf32, #tpu.memory_space<hbm>>
        tpu.enqueue_indirect_dma source(%dma_start3A_806 : memref<10000x128xf32, #tpu.memory_space<hbm>>) target(%dma_start3A_800 : memref<128x128xf32, #tpu.memory_space<vmem>>) offsets(%dma_start3A_803 : memref<128xi32, #tpu.memory_space<vmem>>) semaphore(%arg14 : memref<!tpu.dma_semaphore, #tpu.memory_space<semaphore_mem>>)
      } else {
      }
    }
    %scan3A_572 = arith.constant 10 : i32
    %barrier3A_573 = arith.constant 0 : index
    tpu.barrier barrier_id(%barrier3A_573)
    "tpu.region"() ({
      %run_scoped3A = tpu.sem_alloc : memref<!tpu.dma_semaphore, #tpu.memory_space<semaphore_mem>>
      %dma_start3A_574 = arith.constant 0 : i32
      %dma_start3A_575 = tpu.memref_slice %arg5[%arg0, %mul3A_2, %dma_start3A_574] : memref<2x2048x128xf32, #tpu.memory_space<hbm>> -> memref<1x128x128xf32, #tpu.memory_space<hbm>>
      %dma_start3A_576 = tpu.memref_squeeze %dma_start3A_575 : memref<1x128x128xf32, #tpu.memory_space<hbm>> -> memref<128x128xf32, #tpu.memory_space<hbm>>
      %dma_start3A_577 = arith.constant 0 : i32
      %dma_start3A_578 = tpu.memref_slice %arg10[%mul3A_2, %dma_start3A_577] : memref<2048x128xf32, #tpu.memory_space<vmem_shared>> -> memref<128x128xf32, #tpu.memory_space<vmem_shared>>
      tpu.enqueue_dma source(%dma_start3A_578 : memref<128x128xf32, #tpu.memory_space<vmem_shared>>) target(%dma_start3A_576 : memref<128x128xf32, #tpu.memory_space<hbm>>) target_semaphore(%run_scoped3A : memref<!tpu.dma_semaphore, #tpu.memory_space<semaphore_mem>>)
      %dma_wait3A = arith.constant 0 : i32
      %dma_wait3A_579 = tpu.memref_slice %arg5[%arg0, %mul3A_2, %dma_wait3A] : memref<2x2048x128xf32, #tpu.memory_space<hbm>> -> memref<1x128x128xf32, #tpu.memory_space<hbm>>
      %dma_wait3A_580 = tpu.memref_squeeze %dma_wait3A_579 : memref<1x128x128xf32, #tpu.memory_space<hbm>> -> memref<128x128xf32, #tpu.memory_space<hbm>>
      %dma_wait3A_581 = arith.constant 0 : i32
      %dma_wait3A_582 = tpu.memref_slice %arg10[%mul3A_2, %dma_wait3A_581] : memref<2048x128xf32, #tpu.memory_space<vmem_shared>> -> memref<128x128xf32, #tpu.memory_space<vmem_shared>>
      tpu.wait_dma2 semaphore(%run_scoped3A : memref<!tpu.dma_semaphore, #tpu.memory_space<semaphore_mem>>) src(%dma_wait3A_582 : memref<128x128xf32, #tpu.memory_space<vmem_shared>>) dst(%dma_wait3A_580 : memref<128x128xf32, #tpu.memory_space<hbm>>)
      tpu.yield
    }) : () -> ()
    return
  }
}

#map = affine_map<(d0, d1) -> (0, 0)>
#map1 = affine_map<(d0, d1) -> (0, 0, 0)>
module attributes {stable_mosaic.version = 14 : i64} {
  func.func @sc_agg(%arg0: i32, %arg1: i32, %arg2: memref<10000x128xf32, #tpu.memory_space<hbm>>, %arg3: memref<32x80x128xi32, #tpu.memory_space<hbm>>, %arg4: memref<32x80x128xi32, #tpu.memory_space<hbm>>, %arg5: memref<2x2048x128xf32, #tpu.memory_space<hbm>>, %arg6: memref<32x10240xf32, #tpu.memory_space<hbm>>, %arg7: memref<8x128xi32, #tpu.memory_space<vmem>>, %arg8: memref<8x128xi32, #tpu.memory_space<vmem>>, %arg9: memref<4x128x128xf32, #tpu.memory_space<vmem>>, %arg10: memref<16x128xf32, #tpu.memory_space<vmem>>, %arg11: memref<10240xf32, #tpu.memory_space<vmem>>, %arg12: memref<2048x128xf32, #tpu.memory_space<vmem_shared>>, %arg13: memref<!tpu.dma_semaphore, #tpu.memory_space<semaphore_mem>>, %arg14: memref<!tpu.dma_semaphore, #tpu.memory_space<semaphore_mem>>, %arg15: memref<!tpu.dma_semaphore, #tpu.memory_space<semaphore_mem>>, %arg16: memref<!tpu.dma_semaphore, #tpu.memory_space<semaphore_mem>>) attributes {dimension_semantics = [#tpu.dimension_semantics<core_parallel>, #tpu.dimension_semantics<subcore_parallel>], iteration_bounds = array<i64: 2, 16>, scalar_prefetch = 0 : i64, scratch_operands = 10 : i64, tpu.core_type = #tpu.core_type<sc_vector_subcore>, window_params = [{transform_indices = #map}, {transform_indices = #map1}, {transform_indices = #map1}, {transform_indices = #map1}, {transform_indices = #map}]} {
    %mul3A = arith.constant 2 : i32
    %mul3A_0 = arith.muli %arg1, %mul3A : i32
    %add3A = arith.addi %mul3A_0, %arg0 : i32
    %mul3A_1 = arith.constant 128 : i32
    %mul3A_2 = arith.muli %arg1, %mul3A_1 : i32
    %broadcast_in_dim3A = arith.constant 0.000000e+00 : f32
    %broadcast_in_dim3A_3 = vector.broadcast %broadcast_in_dim3A : f32 to vector<16xf32>
    %broadcast_in_dim3A_4 = arith.constant 1.000000e+00 : f32
    %broadcast_in_dim3A_5 = vector.broadcast %broadcast_in_dim3A_4 : f32 to vector<16xf32>
    %swap3A = arith.constant 0 : i32
    %swap3A_6 = arith.index_cast %swap3A : i32 to index
    %swap3A_7 = arith.constant 0 : index
    %swap3A_8 = tpu.vector_load %arg10[%swap3A_6, %swap3A_7] {strides = array<i32>} : memref<16x128xf32, #tpu.memory_space<vmem>>, vector<16xf32>,
    tpu.vector_store %arg10[%swap3A_6, %swap3A_7], %broadcast_in_dim3A_3 {strides = array<i32>} : memref<16x128xf32, #tpu.memory_space<vmem>>, vector<16xf32>,
    %swap3A_9 = arith.constant 0 : i32
    %swap3A_10 = arith.index_cast %swap3A_9 : i32 to index
    %swap3A_11 = arith.constant 16 : index
    %swap3A_12 = tpu.vector_load %arg10[%swap3A_10, %swap3A_11] {strides = array<i32>} : memref<16x128xf32, #tpu.memory_space<vmem>>, vector<16xf32>,
    tpu.vector_store %arg10[%swap3A_10, %swap3A_11], %broadcast_in_dim3A_3 {strides = array<i32>} : memref<16x128xf32, #tpu.memory_space<vmem>>, vector<16xf32>,
    %swap3A_13 = arith.constant 0 : i32
    %swap3A_14 = arith.index_cast %swap3A_13 : i32 to index
    %swap3A_15 = arith.constant 32 : index
    %swap3A_16 = tpu.vector_load %arg10[%swap3A_14, %swap3A_15] {strides = array<i32>} : memref<16x128xf32, #tpu.memory_space<vmem>>, vector<16xf32>,
    tpu.vector_store %arg10[%swap3A_14, %swap3A_15], %broadcast_in_dim3A_3 {strides = array<i32>} : memref<16x128xf32, #tpu.memory_space<vmem>>, vector<16xf32>,
    %swap3A_17 = arith.constant 0 : i32
    %swap3A_18 = arith.index_cast %swap3A_17 : i32 to index
    %swap3A_19 = arith.constant 48 : index
    %swap3A_20 = tpu.vector_load %arg10[%swap3A_18, %swap3A_19] {strides = array<i32>} : memref<16x128xf32, #tpu.memory_space<vmem>>, vector<16xf32>,
    tpu.vector_store %arg10[%swap3A_18, %swap3A_19], %broadcast_in_dim3A_3 {strides = array<i32>} : memref<16x128xf32, #tpu.memory_space<vmem>>, vector<16xf32>,
    %swap3A_21 = arith.constant 0 : i32
    %swap3A_22 = arith.index_cast %swap3A_21 : i32 to index
    %swap3A_23 = arith.constant 64 : index
    %swap3A_24 = tpu.vector_load %arg10[%swap3A_22, %swap3A_23] {strides = array<i32>} : memref<16x128xf32, #tpu.memory_space<vmem>>, vector<16xf32>,
    tpu.vector_store %arg10[%swap3A_22, %swap3A_23], %broadcast_in_dim3A_3 {strides = array<i32>} : memref<16x128xf32, #tpu.memory_space<vmem>>, vector<16xf32>,
    %swap3A_25 = arith.constant 0 : i32
    %swap3A_26 = arith.index_cast %swap3A_25 : i32 to index
    %swap3A_27 = arith.constant 80 : index
    %swap3A_28 = tpu.vector_load %arg10[%swap3A_26, %swap3A_27] {strides = array<i32>} : memref<16x128xf32, #tpu.memory_space<vmem>>, vector<16xf32>,
    tpu.vector_store %arg10[%swap3A_26, %swap3A_27], %broadcast_in_dim3A_3 {strides = array<i32>} : memref<16x128xf32, #tpu.memory_space<vmem>>, vector<16xf32>,
    %swap3A_29 = arith.constant 0 : i32
    %swap3A_30 = arith.index_cast %swap3A_29 : i32 to index
    %swap3A_31 = arith.constant 96 : index
    %swap3A_32 = tpu.vector_load %arg10[%swap3A_30, %swap3A_31] {strides = array<i32>} : memref<16x128xf32, #tpu.memory_space<vmem>>, vector<16xf32>,
    tpu.vector_store %arg10[%swap3A_30, %swap3A_31], %broadcast_in_dim3A_3 {strides = array<i32>} : memref<16x128xf32, #tpu.memory_space<vmem>>, vector<16xf32>,
    %swap3A_33 = arith.constant 0 : i32
    %swap3A_34 = arith.index_cast %swap3A_33 : i32 to index
    %swap3A_35 = arith.constant 112 : index
    %swap3A_36 = tpu.vector_load %arg10[%swap3A_34, %swap3A_35] {strides = array<i32>} : memref<16x128xf32, #tpu.memory_space<vmem>>, vector<16xf32>,
    tpu.vector_store %arg10[%swap3A_34, %swap3A_35], %broadcast_in_dim3A_3 {strides = array<i32>} : memref<16x128xf32, #tpu.memory_space<vmem>>, vector<16xf32>,
    %swap3A_37 = arith.constant 1 : i32
    %swap3A_38 = arith.index_cast %swap3A_37 : i32 to index
    %swap3A_39 = arith.constant 0 : index
    %swap3A_40 = tpu.vector_load %arg10[%swap3A_38, %swap3A_39] {strides = array<i32>} : memref<16x128xf32, #tpu.memory_space<vmem>>, vector<16xf32>,
    tpu.vector_store %arg10[%swap3A_38, %swap3A_39], %broadcast_in_dim3A_3 {strides = array<i32>} : memref<16x128xf32, #tpu.memory_space<vmem>>, vector<16xf32>,
    %swap3A_41 = arith.constant 1 : i32
    %swap3A_42 = arith.index_cast %swap3A_41 : i32 to index
    %swap3A_43 = arith.constant 16 : index
    %swap3A_44 = tpu.vector_load %arg10[%swap3A_42, %swap3A_43] {strides = array<i32>} : memref<16x128xf32, #tpu.memory_space<vmem>>, vector<16xf32>,
    tpu.vector_store %arg10[%swap3A_42, %swap3A_43], %broadcast_in_dim3A_3 {strides = array<i32>} : memref<16x128xf32, #tpu.memory_space<vmem>>, vector<16xf32>,
    %swap3A_45 = arith.constant 1 : i32
    %swap3A_46 = arith.index_cast %swap3A_45 : i32 to index
    %swap3A_47 = arith.constant 32 : index
    %swap3A_48 = tpu.vector_load %arg10[%swap3A_46, %swap3A_47] {strides = array<i32>} : memref<16x128xf32, #tpu.memory_space<vmem>>, vector<16xf32>,
    tpu.vector_store %arg10[%swap3A_46, %swap3A_47], %broadcast_in_dim3A_3 {strides = array<i32>} : memref<16x128xf32, #tpu.memory_space<vmem>>, vector<16xf32>,
    %swap3A_49 = arith.constant 1 : i32
    %swap3A_50 = arith.index_cast %swap3A_49 : i32 to index
    %swap3A_51 = arith.constant 48 : index
    %swap3A_52 = tpu.vector_load %arg10[%swap3A_50, %swap3A_51] {strides = array<i32>} : memref<16x128xf32, #tpu.memory_space<vmem>>, vector<16xf32>,
    tpu.vector_store %arg10[%swap3A_50, %swap3A_51], %broadcast_in_dim3A_3 {strides = array<i32>} : memref<16x128xf32, #tpu.memory_space<vmem>>, vector<16xf32>,
    %swap3A_53 = arith.constant 1 : i32
    %swap3A_54 = arith.index_cast %swap3A_53 : i32 to index
    %swap3A_55 = arith.constant 64 : index
    %swap3A_56 = tpu.vector_load %arg10[%swap3A_54, %swap3A_55] {strides = array<i32>} : memref<16x128xf32, #tpu.memory_space<vmem>>, vector<16xf32>,
    tpu.vector_store %arg10[%swap3A_54, %swap3A_55], %broadcast_in_dim3A_3 {strides = array<i32>} : memref<16x128xf32, #tpu.memory_space<vmem>>, vector<16xf32>,
    %swap3A_57 = arith.constant 1 : i32
    %swap3A_58 = arith.index_cast %swap3A_57 : i32 to index
    %swap3A_59 = arith.constant 80 : index
    %swap3A_60 = tpu.vector_load %arg10[%swap3A_58, %swap3A_59] {strides = array<i32>} : memref<16x128xf32, #tpu.memory_space<vmem>>, vector<16xf32>,
    tpu.vector_store %arg10[%swap3A_58, %swap3A_59], %broadcast_in_dim3A_3 {strides = array<i32>} : memref<16x128xf32, #tpu.memory_space<vmem>>, vector<16xf32>,
    %swap3A_61 = arith.constant 1 : i32
    %swap3A_62 = arith.index_cast %swap3A_61 : i32 to index
    %swap3A_63 = arith.constant 96 : index
    %swap3A_64 = tpu.vector_load %arg10[%swap3A_62, %swap3A_63] {strides = array<i32>} : memref<16x128xf32, #tpu.memory_space<vmem>>, vector<16xf32>,
    tpu.vector_store %arg10[%swap3A_62, %swap3A_63], %broadcast_in_dim3A_3 {strides = array<i32>} : memref<16x128xf32, #tpu.memory_space<vmem>>, vector<16xf32>,
    %swap3A_65 = arith.constant 1 : i32
    %swap3A_66 = arith.index_cast %swap3A_65 : i32 to index
    %swap3A_67 = arith.constant 112 : index
    %swap3A_68 = tpu.vector_load %arg10[%swap3A_66, %swap3A_67] {strides = array<i32>} : memref<16x128xf32, #tpu.memory_space<vmem>>, vector<16xf32>,
    tpu.vector_store %arg10[%swap3A_66, %swap3A_67], %broadcast_in_dim3A_3 {strides = array<i32>} : memref<16x128xf32, #tpu.memory_space<vmem>>, vector<16xf32>,
    %swap3A_69 = arith.constant 2 : i32
    %swap3A_70 = arith.index_cast %swap3A_69 : i32 to index
    %swap3A_71 = arith.constant 0 : index
    %swap3A_72 = tpu.vector_load %arg10[%swap3A_70, %swap3A_71] {strides = array<i32>} : memref<16x128xf32, #tpu.memory_space<vmem>>, vector<16xf32>,
    tpu.vector_store %arg10[%swap3A_70, %swap3A_71], %broadcast_in_dim3A_3 {strides = array<i32>} : memref<16x128xf32, #tpu.memory_space<vmem>>, vector<16xf32>,
    %swap3A_73 = arith.constant 2 : i32
    %swap3A_74 = arith.index_cast %swap3A_73 : i32 to index
    %swap3A_75 = arith.constant 16 : index
    %swap3A_76 = tpu.vector_load %arg10[%swap3A_74, %swap3A_75] {strides = array<i32>} : memref<16x128xf32, #tpu.memory_space<vmem>>, vector<16xf32>,
    tpu.vector_store %arg10[%swap3A_74, %swap3A_75], %broadcast_in_dim3A_3 {strides = array<i32>} : memref<16x128xf32, #tpu.memory_space<vmem>>, vector<16xf32>,
    %swap3A_77 = arith.constant 2 : i32
    %swap3A_78 = arith.index_cast %swap3A_77 : i32 to index
    %swap3A_79 = arith.constant 32 : index
    %swap3A_80 = tpu.vector_load %arg10[%swap3A_78, %swap3A_79] {strides = array<i32>} : memref<16x128xf32, #tpu.memory_space<vmem>>, vector<16xf32>,
    tpu.vector_store %arg10[%swap3A_78, %swap3A_79], %broadcast_in_dim3A_3 {strides = array<i32>} : memref<16x128xf32, #tpu.memory_space<vmem>>, vector<16xf32>,
    %swap3A_81 = arith.constant 2 : i32
    %swap3A_82 = arith.index_cast %swap3A_81 : i32 to index
    %swap3A_83 = arith.constant 48 : index
    %swap3A_84 = tpu.vector_load %arg10[%swap3A_82, %swap3A_83] {strides = array<i32>} : memref<16x128xf32, #tpu.memory_space<vmem>>, vector<16xf32>,
    tpu.vector_store %arg10[%swap3A_82, %swap3A_83], %broadcast_in_dim3A_3 {strides = array<i32>} : memref<16x128xf32, #tpu.memory_space<vmem>>, vector<16xf32>,
    %swap3A_85 = arith.constant 2 : i32
    %swap3A_86 = arith.index_cast %swap3A_85 : i32 to index
    %swap3A_87 = arith.constant 64 : index
    %swap3A_88 = tpu.vector_load %arg10[%swap3A_86, %swap3A_87] {strides = array<i32>} : memref<16x128xf32, #tpu.memory_space<vmem>>, vector<16xf32>,
    tpu.vector_store %arg10[%swap3A_86, %swap3A_87], %broadcast_in_dim3A_3 {strides = array<i32>} : memref<16x128xf32, #tpu.memory_space<vmem>>, vector<16xf32>,
    %swap3A_89 = arith.constant 2 : i32
    %swap3A_90 = arith.index_cast %swap3A_89 : i32 to index
    %swap3A_91 = arith.constant 80 : index
    %swap3A_92 = tpu.vector_load %arg10[%swap3A_90, %swap3A_91] {strides = array<i32>} : memref<16x128xf32, #tpu.memory_space<vmem>>, vector<16xf32>,
    tpu.vector_store %arg10[%swap3A_90, %swap3A_91], %broadcast_in_dim3A_3 {strides = array<i32>} : memref<16x128xf32, #tpu.memory_space<vmem>>, vector<16xf32>,
    %swap3A_93 = arith.constant 2 : i32
    %swap3A_94 = arith.index_cast %swap3A_93 : i32 to index
    %swap3A_95 = arith.constant 96 : index
    %swap3A_96 = tpu.vector_load %arg10[%swap3A_94, %swap3A_95] {strides = array<i32>} : memref<16x128xf32, #tpu.memory_space<vmem>>, vector<16xf32>,
    tpu.vector_store %arg10[%swap3A_94, %swap3A_95], %broadcast_in_dim3A_3 {strides = array<i32>} : memref<16x128xf32, #tpu.memory_space<vmem>>, vector<16xf32>,
    %swap3A_97 = arith.constant 2 : i32
    %swap3A_98 = arith.index_cast %swap3A_97 : i32 to index
    %swap3A_99 = arith.constant 112 : index
    %swap3A_100 = tpu.vector_load %arg10[%swap3A_98, %swap3A_99] {strides = array<i32>} : memref<16x128xf32, #tpu.memory_space<vmem>>, vector<16xf32>,
    tpu.vector_store %arg10[%swap3A_98, %swap3A_99], %broadcast_in_dim3A_3 {strides = array<i32>} : memref<16x128xf32, #tpu.memory_space<vmem>>, vector<16xf32>,
    %swap3A_101 = arith.constant 3 : i32
    %swap3A_102 = arith.index_cast %swap3A_101 : i32 to index
    %swap3A_103 = arith.constant 0 : index
    %swap3A_104 = tpu.vector_load %arg10[%swap3A_102, %swap3A_103] {strides = array<i32>} : memref<16x128xf32, #tpu.memory_space<vmem>>, vector<16xf32>,
    tpu.vector_store %arg10[%swap3A_102, %swap3A_103], %broadcast_in_dim3A_3 {strides = array<i32>} : memref<16x128xf32, #tpu.memory_space<vmem>>, vector<16xf32>,
    %swap3A_105 = arith.constant 3 : i32
    %swap3A_106 = arith.index_cast %swap3A_105 : i32 to index
    %swap3A_107 = arith.constant 16 : index
    %swap3A_108 = tpu.vector_load %arg10[%swap3A_106, %swap3A_107] {strides = array<i32>} : memref<16x128xf32, #tpu.memory_space<vmem>>, vector<16xf32>,
    tpu.vector_store %arg10[%swap3A_106, %swap3A_107], %broadcast_in_dim3A_3 {strides = array<i32>} : memref<16x128xf32, #tpu.memory_space<vmem>>, vector<16xf32>,
    %swap3A_109 = arith.constant 3 : i32
    %swap3A_110 = arith.index_cast %swap3A_109 : i32 to index
    %swap3A_111 = arith.constant 32 : index
    %swap3A_112 = tpu.vector_load %arg10[%swap3A_110, %swap3A_111] {strides = array<i32>} : memref<16x128xf32, #tpu.memory_space<vmem>>, vector<16xf32>,
    tpu.vector_store %arg10[%swap3A_110, %swap3A_111], %broadcast_in_dim3A_3 {strides = array<i32>} : memref<16x128xf32, #tpu.memory_space<vmem>>, vector<16xf32>,
    %swap3A_113 = arith.constant 3 : i32
    %swap3A_114 = arith.index_cast %swap3A_113 : i32 to index
    %swap3A_115 = arith.constant 48 : index
    %swap3A_116 = tpu.vector_load %arg10[%swap3A_114, %swap3A_115] {strides = array<i32>} : memref<16x128xf32, #tpu.memory_space<vmem>>, vector<16xf32>,
    tpu.vector_store %arg10[%swap3A_114, %swap3A_115], %broadcast_in_dim3A_3 {strides = array<i32>} : memref<16x128xf32, #tpu.memory_space<vmem>>, vector<16xf32>,
    %swap3A_117 = arith.constant 3 : i32
    %swap3A_118 = arith.index_cast %swap3A_117 : i32 to index
    %swap3A_119 = arith.constant 64 : index
    %swap3A_120 = tpu.vector_load %arg10[%swap3A_118, %swap3A_119] {strides = array<i32>} : memref<16x128xf32, #tpu.memory_space<vmem>>, vector<16xf32>,
    tpu.vector_store %arg10[%swap3A_118, %swap3A_119], %broadcast_in_dim3A_3 {strides = array<i32>} : memref<16x128xf32, #tpu.memory_space<vmem>>, vector<16xf32>,
    %swap3A_121 = arith.constant 3 : i32
    %swap3A_122 = arith.index_cast %swap3A_121 : i32 to index
    %swap3A_123 = arith.constant 80 : index
    %swap3A_124 = tpu.vector_load %arg10[%swap3A_122, %swap3A_123] {strides = array<i32>} : memref<16x128xf32, #tpu.memory_space<vmem>>, vector<16xf32>,
    tpu.vector_store %arg10[%swap3A_122, %swap3A_123], %broadcast_in_dim3A_3 {strides = array<i32>} : memref<16x128xf32, #tpu.memory_space<vmem>>, vector<16xf32>,
    %swap3A_125 = arith.constant 3 : i32
    %swap3A_126 = arith.index_cast %swap3A_125 : i32 to index
    %swap3A_127 = arith.constant 96 : index
    %swap3A_128 = tpu.vector_load %arg10[%swap3A_126, %swap3A_127] {strides = array<i32>} : memref<16x128xf32, #tpu.memory_space<vmem>>, vector<16xf32>,
    tpu.vector_store %arg10[%swap3A_126, %swap3A_127], %broadcast_in_dim3A_3 {strides = array<i32>} : memref<16x128xf32, #tpu.memory_space<vmem>>, vector<16xf32>,
    %swap3A_129 = arith.constant 3 : i32
    %swap3A_130 = arith.index_cast %swap3A_129 : i32 to index
    %swap3A_131 = arith.constant 112 : index
    %swap3A_132 = tpu.vector_load %arg10[%swap3A_130, %swap3A_131] {strides = array<i32>} : memref<16x128xf32, #tpu.memory_space<vmem>>, vector<16xf32>,
    tpu.vector_store %arg10[%swap3A_130, %swap3A_131], %broadcast_in_dim3A_3 {strides = array<i32>} : memref<16x128xf32, #tpu.memory_space<vmem>>, vector<16xf32>,
    %swap3A_133 = arith.constant 4 : i32
    %swap3A_134 = arith.index_cast %swap3A_133 : i32 to index
    %swap3A_135 = arith.constant 0 : index
    %swap3A_136 = tpu.vector_load %arg10[%swap3A_134, %swap3A_135] {strides = array<i32>} : memref<16x128xf32, #tpu.memory_space<vmem>>, vector<16xf32>,
    tpu.vector_store %arg10[%swap3A_134, %swap3A_135], %broadcast_in_dim3A_3 {strides = array<i32>} : memref<16x128xf32, #tpu.memory_space<vmem>>, vector<16xf32>,
    %swap3A_137 = arith.constant 4 : i32
    %swap3A_138 = arith.index_cast %swap3A_137 : i32 to index
    %swap3A_139 = arith.constant 16 : index
    %swap3A_140 = tpu.vector_load %arg10[%swap3A_138, %swap3A_139] {strides = array<i32>} : memref<16x128xf32, #tpu.memory_space<vmem>>, vector<16xf32>,
    tpu.vector_store %arg10[%swap3A_138, %swap3A_139], %broadcast_in_dim3A_3 {strides = array<i32>} : memref<16x128xf32, #tpu.memory_space<vmem>>, vector<16xf32>,
    %swap3A_141 = arith.constant 4 : i32
    %swap3A_142 = arith.index_cast %swap3A_141 : i32 to index
    %swap3A_143 = arith.constant 32 : index
    %swap3A_144 = tpu.vector_load %arg10[%swap3A_142, %swap3A_143] {strides = array<i32>} : memref<16x128xf32, #tpu.memory_space<vmem>>, vector<16xf32>,
    tpu.vector_store %arg10[%swap3A_142, %swap3A_143], %broadcast_in_dim3A_3 {strides = array<i32>} : memref<16x128xf32, #tpu.memory_space<vmem>>, vector<16xf32>,
    %swap3A_145 = arith.constant 4 : i32
    %swap3A_146 = arith.index_cast %swap3A_145 : i32 to index
    %swap3A_147 = arith.constant 48 : index
    %swap3A_148 = tpu.vector_load %arg10[%swap3A_146, %swap3A_147] {strides = array<i32>} : memref<16x128xf32, #tpu.memory_space<vmem>>, vector<16xf32>,
    tpu.vector_store %arg10[%swap3A_146, %swap3A_147], %broadcast_in_dim3A_3 {strides = array<i32>} : memref<16x128xf32, #tpu.memory_space<vmem>>, vector<16xf32>,
    %swap3A_149 = arith.constant 4 : i32
    %swap3A_150 = arith.index_cast %swap3A_149 : i32 to index
    %swap3A_151 = arith.constant 64 : index
    %swap3A_152 = tpu.vector_load %arg10[%swap3A_150, %swap3A_151] {strides = array<i32>} : memref<16x128xf32, #tpu.memory_space<vmem>>, vector<16xf32>,
    tpu.vector_store %arg10[%swap3A_150, %swap3A_151], %broadcast_in_dim3A_3 {strides = array<i32>} : memref<16x128xf32, #tpu.memory_space<vmem>>, vector<16xf32>,
    %swap3A_153 = arith.constant 4 : i32
    %swap3A_154 = arith.index_cast %swap3A_153 : i32 to index
    %swap3A_155 = arith.constant 80 : index
    %swap3A_156 = tpu.vector_load %arg10[%swap3A_154, %swap3A_155] {strides = array<i32>} : memref<16x128xf32, #tpu.memory_space<vmem>>, vector<16xf32>,
    tpu.vector_store %arg10[%swap3A_154, %swap3A_155], %broadcast_in_dim3A_3 {strides = array<i32>} : memref<16x128xf32, #tpu.memory_space<vmem>>, vector<16xf32>,
    %swap3A_157 = arith.constant 4 : i32
    %swap3A_158 = arith.index_cast %swap3A_157 : i32 to index
    %swap3A_159 = arith.constant 96 : index
    %swap3A_160 = tpu.vector_load %arg10[%swap3A_158, %swap3A_159] {strides = array<i32>} : memref<16x128xf32, #tpu.memory_space<vmem>>, vector<16xf32>,
    tpu.vector_store %arg10[%swap3A_158, %swap3A_159], %broadcast_in_dim3A_3 {strides = array<i32>} : memref<16x128xf32, #tpu.memory_space<vmem>>, vector<16xf32>,
    %swap3A_161 = arith.constant 4 : i32
    %swap3A_162 = arith.index_cast %swap3A_161 : i32 to index
    %swap3A_163 = arith.constant 112 : index
    %swap3A_164 = tpu.vector_load %arg10[%swap3A_162, %swap3A_163] {strides = array<i32>} : memref<16x128xf32, #tpu.memory_space<vmem>>, vector<16xf32>,
    tpu.vector_store %arg10[%swap3A_162, %swap3A_163], %broadcast_in_dim3A_3 {strides = array<i32>} : memref<16x128xf32, #tpu.memory_space<vmem>>, vector<16xf32>,
    %swap3A_165 = arith.constant 5 : i32
    %swap3A_166 = arith.index_cast %swap3A_165 : i32 to index
    %swap3A_167 = arith.constant 0 : index
    %swap3A_168 = tpu.vector_load %arg10[%swap3A_166, %swap3A_167] {strides = array<i32>} : memref<16x128xf32, #tpu.memory_space<vmem>>, vector<16xf32>,
    tpu.vector_store %arg10[%swap3A_166, %swap3A_167], %broadcast_in_dim3A_3 {strides = array<i32>} : memref<16x128xf32, #tpu.memory_space<vmem>>, vector<16xf32>,
    %swap3A_169 = arith.constant 5 : i32
    %swap3A_170 = arith.index_cast %swap3A_169 : i32 to index
    %swap3A_171 = arith.constant 16 : index
    %swap3A_172 = tpu.vector_load %arg10[%swap3A_170, %swap3A_171] {strides = array<i32>} : memref<16x128xf32, #tpu.memory_space<vmem>>, vector<16xf32>,
    tpu.vector_store %arg10[%swap3A_170, %swap3A_171], %broadcast_in_dim3A_3 {strides = array<i32>} : memref<16x128xf32, #tpu.memory_space<vmem>>, vector<16xf32>,
    %swap3A_173 = arith.constant 5 : i32
    %swap3A_174 = arith.index_cast %swap3A_173 : i32 to index
    %swap3A_175 = arith.constant 32 : index
    %swap3A_176 = tpu.vector_load %arg10[%swap3A_174, %swap3A_175] {strides = array<i32>} : memref<16x128xf32, #tpu.memory_space<vmem>>, vector<16xf32>,
    tpu.vector_store %arg10[%swap3A_174, %swap3A_175], %broadcast_in_dim3A_3 {strides = array<i32>} : memref<16x128xf32, #tpu.memory_space<vmem>>, vector<16xf32>,
    %swap3A_177 = arith.constant 5 : i32
    %swap3A_178 = arith.index_cast %swap3A_177 : i32 to index
    %swap3A_179 = arith.constant 48 : index
    %swap3A_180 = tpu.vector_load %arg10[%swap3A_178, %swap3A_179] {strides = array<i32>} : memref<16x128xf32, #tpu.memory_space<vmem>>, vector<16xf32>,
    tpu.vector_store %arg10[%swap3A_178, %swap3A_179], %broadcast_in_dim3A_3 {strides = array<i32>} : memref<16x128xf32, #tpu.memory_space<vmem>>, vector<16xf32>,
    %swap3A_181 = arith.constant 5 : i32
    %swap3A_182 = arith.index_cast %swap3A_181 : i32 to index
    %swap3A_183 = arith.constant 64 : index
    %swap3A_184 = tpu.vector_load %arg10[%swap3A_182, %swap3A_183] {strides = array<i32>} : memref<16x128xf32, #tpu.memory_space<vmem>>, vector<16xf32>,
    tpu.vector_store %arg10[%swap3A_182, %swap3A_183], %broadcast_in_dim3A_3 {strides = array<i32>} : memref<16x128xf32, #tpu.memory_space<vmem>>, vector<16xf32>,
    %swap3A_185 = arith.constant 5 : i32
    %swap3A_186 = arith.index_cast %swap3A_185 : i32 to index
    %swap3A_187 = arith.constant 80 : index
    %swap3A_188 = tpu.vector_load %arg10[%swap3A_186, %swap3A_187] {strides = array<i32>} : memref<16x128xf32, #tpu.memory_space<vmem>>, vector<16xf32>,
    tpu.vector_store %arg10[%swap3A_186, %swap3A_187], %broadcast_in_dim3A_3 {strides = array<i32>} : memref<16x128xf32, #tpu.memory_space<vmem>>, vector<16xf32>,
    %swap3A_189 = arith.constant 5 : i32
    %swap3A_190 = arith.index_cast %swap3A_189 : i32 to index
    %swap3A_191 = arith.constant 96 : index
    %swap3A_192 = tpu.vector_load %arg10[%swap3A_190, %swap3A_191] {strides = array<i32>} : memref<16x128xf32, #tpu.memory_space<vmem>>, vector<16xf32>,
    tpu.vector_store %arg10[%swap3A_190, %swap3A_191], %broadcast_in_dim3A_3 {strides = array<i32>} : memref<16x128xf32, #tpu.memory_space<vmem>>, vector<16xf32>,
    %swap3A_193 = arith.constant 5 : i32
    %swap3A_194 = arith.index_cast %swap3A_193 : i32 to index
    %swap3A_195 = arith.constant 112 : index
    %swap3A_196 = tpu.vector_load %arg10[%swap3A_194, %swap3A_195] {strides = array<i32>} : memref<16x128xf32, #tpu.memory_space<vmem>>, vector<16xf32>,
    tpu.vector_store %arg10[%swap3A_194, %swap3A_195], %broadcast_in_dim3A_3 {strides = array<i32>} : memref<16x128xf32, #tpu.memory_space<vmem>>, vector<16xf32>,
    %swap3A_197 = arith.constant 6 : i32
    %swap3A_198 = arith.index_cast %swap3A_197 : i32 to index
    %swap3A_199 = arith.constant 0 : index
    %swap3A_200 = tpu.vector_load %arg10[%swap3A_198, %swap3A_199] {strides = array<i32>} : memref<16x128xf32, #tpu.memory_space<vmem>>, vector<16xf32>,
    tpu.vector_store %arg10[%swap3A_198, %swap3A_199], %broadcast_in_dim3A_3 {strides = array<i32>} : memref<16x128xf32, #tpu.memory_space<vmem>>, vector<16xf32>,
    %swap3A_201 = arith.constant 6 : i32
    %swap3A_202 = arith.index_cast %swap3A_201 : i32 to index
    %swap3A_203 = arith.constant 16 : index
    %swap3A_204 = tpu.vector_load %arg10[%swap3A_202, %swap3A_203] {strides = array<i32>} : memref<16x128xf32, #tpu.memory_space<vmem>>, vector<16xf32>,
    tpu.vector_store %arg10[%swap3A_202, %swap3A_203], %broadcast_in_dim3A_3 {strides = array<i32>} : memref<16x128xf32, #tpu.memory_space<vmem>>, vector<16xf32>,
    %swap3A_205 = arith.constant 6 : i32
    %swap3A_206 = arith.index_cast %swap3A_205 : i32 to index
    %swap3A_207 = arith.constant 32 : index
    %swap3A_208 = tpu.vector_load %arg10[%swap3A_206, %swap3A_207] {strides = array<i32>} : memref<16x128xf32, #tpu.memory_space<vmem>>, vector<16xf32>,
    tpu.vector_store %arg10[%swap3A_206, %swap3A_207], %broadcast_in_dim3A_3 {strides = array<i32>} : memref<16x128xf32, #tpu.memory_space<vmem>>, vector<16xf32>,
    %swap3A_209 = arith.constant 6 : i32
    %swap3A_210 = arith.index_cast %swap3A_209 : i32 to index
    %swap3A_211 = arith.constant 48 : index
    %swap3A_212 = tpu.vector_load %arg10[%swap3A_210, %swap3A_211] {strides = array<i32>} : memref<16x128xf32, #tpu.memory_space<vmem>>, vector<16xf32>,
    tpu.vector_store %arg10[%swap3A_210, %swap3A_211], %broadcast_in_dim3A_3 {strides = array<i32>} : memref<16x128xf32, #tpu.memory_space<vmem>>, vector<16xf32>,
    %swap3A_213 = arith.constant 6 : i32
    %swap3A_214 = arith.index_cast %swap3A_213 : i32 to index
    %swap3A_215 = arith.constant 64 : index
    %swap3A_216 = tpu.vector_load %arg10[%swap3A_214, %swap3A_215] {strides = array<i32>} : memref<16x128xf32, #tpu.memory_space<vmem>>, vector<16xf32>,
    tpu.vector_store %arg10[%swap3A_214, %swap3A_215], %broadcast_in_dim3A_3 {strides = array<i32>} : memref<16x128xf32, #tpu.memory_space<vmem>>, vector<16xf32>,
    %swap3A_217 = arith.constant 6 : i32
    %swap3A_218 = arith.index_cast %swap3A_217 : i32 to index
    %swap3A_219 = arith.constant 80 : index
    %swap3A_220 = tpu.vector_load %arg10[%swap3A_218, %swap3A_219] {strides = array<i32>} : memref<16x128xf32, #tpu.memory_space<vmem>>, vector<16xf32>,
    tpu.vector_store %arg10[%swap3A_218, %swap3A_219], %broadcast_in_dim3A_3 {strides = array<i32>} : memref<16x128xf32, #tpu.memory_space<vmem>>, vector<16xf32>,
    %swap3A_221 = arith.constant 6 : i32
    %swap3A_222 = arith.index_cast %swap3A_221 : i32 to index
    %swap3A_223 = arith.constant 96 : index
    %swap3A_224 = tpu.vector_load %arg10[%swap3A_222, %swap3A_223] {strides = array<i32>} : memref<16x128xf32, #tpu.memory_space<vmem>>, vector<16xf32>,
    tpu.vector_store %arg10[%swap3A_222, %swap3A_223], %broadcast_in_dim3A_3 {strides = array<i32>} : memref<16x128xf32, #tpu.memory_space<vmem>>, vector<16xf32>,
    %swap3A_225 = arith.constant 6 : i32
    %swap3A_226 = arith.index_cast %swap3A_225 : i32 to index
    %swap3A_227 = arith.constant 112 : index
    %swap3A_228 = tpu.vector_load %arg10[%swap3A_226, %swap3A_227] {strides = array<i32>} : memref<16x128xf32, #tpu.memory_space<vmem>>, vector<16xf32>,
    tpu.vector_store %arg10[%swap3A_226, %swap3A_227], %broadcast_in_dim3A_3 {strides = array<i32>} : memref<16x128xf32, #tpu.memory_space<vmem>>, vector<16xf32>,
    %swap3A_229 = arith.constant 7 : i32
    %swap3A_230 = arith.index_cast %swap3A_229 : i32 to index
    %swap3A_231 = arith.constant 0 : index
    %swap3A_232 = tpu.vector_load %arg10[%swap3A_230, %swap3A_231] {strides = array<i32>} : memref<16x128xf32, #tpu.memory_space<vmem>>, vector<16xf32>,
    tpu.vector_store %arg10[%swap3A_230, %swap3A_231], %broadcast_in_dim3A_3 {strides = array<i32>} : memref<16x128xf32, #tpu.memory_space<vmem>>, vector<16xf32>,
    %swap3A_233 = arith.constant 7 : i32
    %swap3A_234 = arith.index_cast %swap3A_233 : i32 to index
    %swap3A_235 = arith.constant 16 : index
    %swap3A_236 = tpu.vector_load %arg10[%swap3A_234, %swap3A_235] {strides = array<i32>} : memref<16x128xf32, #tpu.memory_space<vmem>>, vector<16xf32>,
    tpu.vector_store %arg10[%swap3A_234, %swap3A_235], %broadcast_in_dim3A_3 {strides = array<i32>} : memref<16x128xf32, #tpu.memory_space<vmem>>, vector<16xf32>,
    %swap3A_237 = arith.constant 7 : i32
    %swap3A_238 = arith.index_cast %swap3A_237 : i32 to index
    %swap3A_239 = arith.constant 32 : index
    %swap3A_240 = tpu.vector_load %arg10[%swap3A_238, %swap3A_239] {strides = array<i32>} : memref<16x128xf32, #tpu.memory_space<vmem>>, vector<16xf32>,
    tpu.vector_store %arg10[%swap3A_238, %swap3A_239], %broadcast_in_dim3A_3 {strides = array<i32>} : memref<16x128xf32, #tpu.memory_space<vmem>>, vector<16xf32>,
    %swap3A_241 = arith.constant 7 : i32
    %swap3A_242 = arith.index_cast %swap3A_241 : i32 to index
    %swap3A_243 = arith.constant 48 : index
    %swap3A_244 = tpu.vector_load %arg10[%swap3A_242, %swap3A_243] {strides = array<i32>} : memref<16x128xf32, #tpu.memory_space<vmem>>, vector<16xf32>,
    tpu.vector_store %arg10[%swap3A_242, %swap3A_243], %broadcast_in_dim3A_3 {strides = array<i32>} : memref<16x128xf32, #tpu.memory_space<vmem>>, vector<16xf32>,
    %swap3A_245 = arith.constant 7 : i32
    %swap3A_246 = arith.index_cast %swap3A_245 : i32 to index
    %swap3A_247 = arith.constant 64 : index
    %swap3A_248 = tpu.vector_load %arg10[%swap3A_246, %swap3A_247] {strides = array<i32>} : memref<16x128xf32, #tpu.memory_space<vmem>>, vector<16xf32>,
    tpu.vector_store %arg10[%swap3A_246, %swap3A_247], %broadcast_in_dim3A_3 {strides = array<i32>} : memref<16x128xf32, #tpu.memory_space<vmem>>, vector<16xf32>,
    %swap3A_249 = arith.constant 7 : i32
    %swap3A_250 = arith.index_cast %swap3A_249 : i32 to index
    %swap3A_251 = arith.constant 80 : index
    %swap3A_252 = tpu.vector_load %arg10[%swap3A_250, %swap3A_251] {strides = array<i32>} : memref<16x128xf32, #tpu.memory_space<vmem>>, vector<16xf32>,
    tpu.vector_store %arg10[%swap3A_250, %swap3A_251], %broadcast_in_dim3A_3 {strides = array<i32>} : memref<16x128xf32, #tpu.memory_space<vmem>>, vector<16xf32>,
    %swap3A_253 = arith.constant 7 : i32
    %swap3A_254 = arith.index_cast %swap3A_253 : i32 to index
    %swap3A_255 = arith.constant 96 : index
    %swap3A_256 = tpu.vector_load %arg10[%swap3A_254, %swap3A_255] {strides = array<i32>} : memref<16x128xf32, #tpu.memory_space<vmem>>, vector<16xf32>,
    tpu.vector_store %arg10[%swap3A_254, %swap3A_255], %broadcast_in_dim3A_3 {strides = array<i32>} : memref<16x128xf32, #tpu.memory_space<vmem>>, vector<16xf32>,
    %swap3A_257 = arith.constant 7 : i32
    %swap3A_258 = arith.index_cast %swap3A_257 : i32 to index
    %swap3A_259 = arith.constant 112 : index
    %swap3A_260 = tpu.vector_load %arg10[%swap3A_258, %swap3A_259] {strides = array<i32>} : memref<16x128xf32, #tpu.memory_space<vmem>>, vector<16xf32>,
    tpu.vector_store %arg10[%swap3A_258, %swap3A_259], %broadcast_in_dim3A_3 {strides = array<i32>} : memref<16x128xf32, #tpu.memory_space<vmem>>, vector<16xf32>,
    %swap3A_261 = arith.constant 8 : i32
    %swap3A_262 = arith.index_cast %swap3A_261 : i32 to index
    %swap3A_263 = arith.constant 0 : index
    %swap3A_264 = tpu.vector_load %arg10[%swap3A_262, %swap3A_263] {strides = array<i32>} : memref<16x128xf32, #tpu.memory_space<vmem>>, vector<16xf32>,
    tpu.vector_store %arg10[%swap3A_262, %swap3A_263], %broadcast_in_dim3A_3 {strides = array<i32>} : memref<16x128xf32, #tpu.memory_space<vmem>>, vector<16xf32>,
    %swap3A_265 = arith.constant 8 : i32
    %swap3A_266 = arith.index_cast %swap3A_265 : i32 to index
    %swap3A_267 = arith.constant 16 : index
    %swap3A_268 = tpu.vector_load %arg10[%swap3A_266, %swap3A_267] {strides = array<i32>} : memref<16x128xf32, #tpu.memory_space<vmem>>, vector<16xf32>,
    tpu.vector_store %arg10[%swap3A_266, %swap3A_267], %broadcast_in_dim3A_3 {strides = array<i32>} : memref<16x128xf32, #tpu.memory_space<vmem>>, vector<16xf32>,
    %swap3A_269 = arith.constant 8 : i32
    %swap3A_270 = arith.index_cast %swap3A_269 : i32 to index
    %swap3A_271 = arith.constant 32 : index
    %swap3A_272 = tpu.vector_load %arg10[%swap3A_270, %swap3A_271] {strides = array<i32>} : memref<16x128xf32, #tpu.memory_space<vmem>>, vector<16xf32>,
    tpu.vector_store %arg10[%swap3A_270, %swap3A_271], %broadcast_in_dim3A_3 {strides = array<i32>} : memref<16x128xf32, #tpu.memory_space<vmem>>, vector<16xf32>,
    %swap3A_273 = arith.constant 8 : i32
    %swap3A_274 = arith.index_cast %swap3A_273 : i32 to index
    %swap3A_275 = arith.constant 48 : index
    %swap3A_276 = tpu.vector_load %arg10[%swap3A_274, %swap3A_275] {strides = array<i32>} : memref<16x128xf32, #tpu.memory_space<vmem>>, vector<16xf32>,
    tpu.vector_store %arg10[%swap3A_274, %swap3A_275], %broadcast_in_dim3A_3 {strides = array<i32>} : memref<16x128xf32, #tpu.memory_space<vmem>>, vector<16xf32>,
    %swap3A_277 = arith.constant 8 : i32
    %swap3A_278 = arith.index_cast %swap3A_277 : i32 to index
    %swap3A_279 = arith.constant 64 : index
    %swap3A_280 = tpu.vector_load %arg10[%swap3A_278, %swap3A_279] {strides = array<i32>} : memref<16x128xf32, #tpu.memory_space<vmem>>, vector<16xf32>,
    tpu.vector_store %arg10[%swap3A_278, %swap3A_279], %broadcast_in_dim3A_3 {strides = array<i32>} : memref<16x128xf32, #tpu.memory_space<vmem>>, vector<16xf32>,
    %swap3A_281 = arith.constant 8 : i32
    %swap3A_282 = arith.index_cast %swap3A_281 : i32 to index
    %swap3A_283 = arith.constant 80 : index
    %swap3A_284 = tpu.vector_load %arg10[%swap3A_282, %swap3A_283] {strides = array<i32>} : memref<16x128xf32, #tpu.memory_space<vmem>>, vector<16xf32>,
    tpu.vector_store %arg10[%swap3A_282, %swap3A_283], %broadcast_in_dim3A_3 {strides = array<i32>} : memref<16x128xf32, #tpu.memory_space<vmem>>, vector<16xf32>,
    %swap3A_285 = arith.constant 8 : i32
    %swap3A_286 = arith.index_cast %swap3A_285 : i32 to index
    %swap3A_287 = arith.constant 96 : index
    %swap3A_288 = tpu.vector_load %arg10[%swap3A_286, %swap3A_287] {strides = array<i32>} : memref<16x128xf32, #tpu.memory_space<vmem>>, vector<16xf32>,
    tpu.vector_store %arg10[%swap3A_286, %swap3A_287], %broadcast_in_dim3A_3 {strides = array<i32>} : memref<16x128xf32, #tpu.memory_space<vmem>>, vector<16xf32>,
    %swap3A_289 = arith.constant 8 : i32
    %swap3A_290 = arith.index_cast %swap3A_289 : i32 to index
    %swap3A_291 = arith.constant 112 : index
    %swap3A_292 = tpu.vector_load %arg10[%swap3A_290, %swap3A_291] {strides = array<i32>} : memref<16x128xf32, #tpu.memory_space<vmem>>, vector<16xf32>,
    tpu.vector_store %arg10[%swap3A_290, %swap3A_291], %broadcast_in_dim3A_3 {strides = array<i32>} : memref<16x128xf32, #tpu.memory_space<vmem>>, vector<16xf32>,
    %swap3A_293 = arith.constant 9 : i32
    %swap3A_294 = arith.index_cast %swap3A_293 : i32 to index
    %swap3A_295 = arith.constant 0 : index
    %swap3A_296 = tpu.vector_load %arg10[%swap3A_294, %swap3A_295] {strides = array<i32>} : memref<16x128xf32, #tpu.memory_space<vmem>>, vector<16xf32>,
    tpu.vector_store %arg10[%swap3A_294, %swap3A_295], %broadcast_in_dim3A_3 {strides = array<i32>} : memref<16x128xf32, #tpu.memory_space<vmem>>, vector<16xf32>,
    %swap3A_297 = arith.constant 9 : i32
    %swap3A_298 = arith.index_cast %swap3A_297 : i32 to index
    %swap3A_299 = arith.constant 16 : index
    %swap3A_300 = tpu.vector_load %arg10[%swap3A_298, %swap3A_299] {strides = array<i32>} : memref<16x128xf32, #tpu.memory_space<vmem>>, vector<16xf32>,
    tpu.vector_store %arg10[%swap3A_298, %swap3A_299], %broadcast_in_dim3A_3 {strides = array<i32>} : memref<16x128xf32, #tpu.memory_space<vmem>>, vector<16xf32>,
    %swap3A_301 = arith.constant 9 : i32
    %swap3A_302 = arith.index_cast %swap3A_301 : i32 to index
    %swap3A_303 = arith.constant 32 : index
    %swap3A_304 = tpu.vector_load %arg10[%swap3A_302, %swap3A_303] {strides = array<i32>} : memref<16x128xf32, #tpu.memory_space<vmem>>, vector<16xf32>,
    tpu.vector_store %arg10[%swap3A_302, %swap3A_303], %broadcast_in_dim3A_3 {strides = array<i32>} : memref<16x128xf32, #tpu.memory_space<vmem>>, vector<16xf32>,
    %swap3A_305 = arith.constant 9 : i32
    %swap3A_306 = arith.index_cast %swap3A_305 : i32 to index
    %swap3A_307 = arith.constant 48 : index
    %swap3A_308 = tpu.vector_load %arg10[%swap3A_306, %swap3A_307] {strides = array<i32>} : memref<16x128xf32, #tpu.memory_space<vmem>>, vector<16xf32>,
    tpu.vector_store %arg10[%swap3A_306, %swap3A_307], %broadcast_in_dim3A_3 {strides = array<i32>} : memref<16x128xf32, #tpu.memory_space<vmem>>, vector<16xf32>,
    %swap3A_309 = arith.constant 9 : i32
    %swap3A_310 = arith.index_cast %swap3A_309 : i32 to index
    %swap3A_311 = arith.constant 64 : index
    %swap3A_312 = tpu.vector_load %arg10[%swap3A_310, %swap3A_311] {strides = array<i32>} : memref<16x128xf32, #tpu.memory_space<vmem>>, vector<16xf32>,
    tpu.vector_store %arg10[%swap3A_310, %swap3A_311], %broadcast_in_dim3A_3 {strides = array<i32>} : memref<16x128xf32, #tpu.memory_space<vmem>>, vector<16xf32>,
    %swap3A_313 = arith.constant 9 : i32
    %swap3A_314 = arith.index_cast %swap3A_313 : i32 to index
    %swap3A_315 = arith.constant 80 : index
    %swap3A_316 = tpu.vector_load %arg10[%swap3A_314, %swap3A_315] {strides = array<i32>} : memref<16x128xf32, #tpu.memory_space<vmem>>, vector<16xf32>,
    tpu.vector_store %arg10[%swap3A_314, %swap3A_315], %broadcast_in_dim3A_3 {strides = array<i32>} : memref<16x128xf32, #tpu.memory_space<vmem>>, vector<16xf32>,
    %swap3A_317 = arith.constant 9 : i32
    %swap3A_318 = arith.index_cast %swap3A_317 : i32 to index
    %swap3A_319 = arith.constant 96 : index
    %swap3A_320 = tpu.vector_load %arg10[%swap3A_318, %swap3A_319] {strides = array<i32>} : memref<16x128xf32, #tpu.memory_space<vmem>>, vector<16xf32>,
    tpu.vector_store %arg10[%swap3A_318, %swap3A_319], %broadcast_in_dim3A_3 {strides = array<i32>} : memref<16x128xf32, #tpu.memory_space<vmem>>, vector<16xf32>,
    %swap3A_321 = arith.constant 9 : i32
    %swap3A_322 = arith.index_cast %swap3A_321 : i32 to index
    %swap3A_323 = arith.constant 112 : index
    %swap3A_324 = tpu.vector_load %arg10[%swap3A_322, %swap3A_323] {strides = array<i32>} : memref<16x128xf32, #tpu.memory_space<vmem>>, vector<16xf32>,
    tpu.vector_store %arg10[%swap3A_322, %swap3A_323], %broadcast_in_dim3A_3 {strides = array<i32>} : memref<16x128xf32, #tpu.memory_space<vmem>>, vector<16xf32>,
    %swap3A_325 = arith.constant 10 : i32
    %swap3A_326 = arith.index_cast %swap3A_325 : i32 to index
    %swap3A_327 = arith.constant 0 : index
    %swap3A_328 = tpu.vector_load %arg10[%swap3A_326, %swap3A_327] {strides = array<i32>} : memref<16x128xf32, #tpu.memory_space<vmem>>, vector<16xf32>,
    tpu.vector_store %arg10[%swap3A_326, %swap3A_327], %broadcast_in_dim3A_3 {strides = array<i32>} : memref<16x128xf32, #tpu.memory_space<vmem>>, vector<16xf32>,
    %swap3A_329 = arith.constant 10 : i32
    %swap3A_330 = arith.index_cast %swap3A_329 : i32 to index
    %swap3A_331 = arith.constant 16 : index
    %swap3A_332 = tpu.vector_load %arg10[%swap3A_330, %swap3A_331] {strides = array<i32>} : memref<16x128xf32, #tpu.memory_space<vmem>>, vector<16xf32>,
    tpu.vector_store %arg10[%swap3A_330, %swap3A_331], %broadcast_in_dim3A_3 {strides = array<i32>} : memref<16x128xf32, #tpu.memory_space<vmem>>, vector<16xf32>,
    %swap3A_333 = arith.constant 10 : i32
    %swap3A_334 = arith.index_cast %swap3A_333 : i32 to index
    %swap3A_335 = arith.constant 32 : index
    %swap3A_336 = tpu.vector_load %arg10[%swap3A_334, %swap3A_335] {strides = array<i32>} : memref<16x128xf32, #tpu.memory_space<vmem>>, vector<16xf32>,
    tpu.vector_store %arg10[%swap3A_334, %swap3A_335], %broadcast_in_dim3A_3 {strides = array<i32>} : memref<16x128xf32, #tpu.memory_space<vmem>>, vector<16xf32>,
    %swap3A_337 = arith.constant 10 : i32
    %swap3A_338 = arith.index_cast %swap3A_337 : i32 to index
    %swap3A_339 = arith.constant 48 : index
    %swap3A_340 = tpu.vector_load %arg10[%swap3A_338, %swap3A_339] {strides = array<i32>} : memref<16x128xf32, #tpu.memory_space<vmem>>, vector<16xf32>,
    tpu.vector_store %arg10[%swap3A_338, %swap3A_339], %broadcast_in_dim3A_3 {strides = array<i32>} : memref<16x128xf32, #tpu.memory_space<vmem>>, vector<16xf32>,
    %swap3A_341 = arith.constant 10 : i32
    %swap3A_342 = arith.index_cast %swap3A_341 : i32 to index
    %swap3A_343 = arith.constant 64 : index
    %swap3A_344 = tpu.vector_load %arg10[%swap3A_342, %swap3A_343] {strides = array<i32>} : memref<16x128xf32, #tpu.memory_space<vmem>>, vector<16xf32>,
    tpu.vector_store %arg10[%swap3A_342, %swap3A_343], %broadcast_in_dim3A_3 {strides = array<i32>} : memref<16x128xf32, #tpu.memory_space<vmem>>, vector<16xf32>,
    %swap3A_345 = arith.constant 10 : i32
    %swap3A_346 = arith.index_cast %swap3A_345 : i32 to index
    %swap3A_347 = arith.constant 80 : index
    %swap3A_348 = tpu.vector_load %arg10[%swap3A_346, %swap3A_347] {strides = array<i32>} : memref<16x128xf32, #tpu.memory_space<vmem>>, vector<16xf32>,
    tpu.vector_store %arg10[%swap3A_346, %swap3A_347], %broadcast_in_dim3A_3 {strides = array<i32>} : memref<16x128xf32, #tpu.memory_space<vmem>>, vector<16xf32>,
    %swap3A_349 = arith.constant 10 : i32
    %swap3A_350 = arith.index_cast %swap3A_349 : i32 to index
    %swap3A_351 = arith.constant 96 : index
    %swap3A_352 = tpu.vector_load %arg10[%swap3A_350, %swap3A_351] {strides = array<i32>} : memref<16x128xf32, #tpu.memory_space<vmem>>, vector<16xf32>,
    tpu.vector_store %arg10[%swap3A_350, %swap3A_351], %broadcast_in_dim3A_3 {strides = array<i32>} : memref<16x128xf32, #tpu.memory_space<vmem>>, vector<16xf32>,
    %swap3A_353 = arith.constant 10 : i32
    %swap3A_354 = arith.index_cast %swap3A_353 : i32 to index
    %swap3A_355 = arith.constant 112 : index
    %swap3A_356 = tpu.vector_load %arg10[%swap3A_354, %swap3A_355] {strides = array<i32>} : memref<16x128xf32, #tpu.memory_space<vmem>>, vector<16xf32>,
    tpu.vector_store %arg10[%swap3A_354, %swap3A_355], %broadcast_in_dim3A_3 {strides = array<i32>} : memref<16x128xf32, #tpu.memory_space<vmem>>, vector<16xf32>,
    %swap3A_357 = arith.constant 11 : i32
    %swap3A_358 = arith.index_cast %swap3A_357 : i32 to index
    %swap3A_359 = arith.constant 0 : index
    %swap3A_360 = tpu.vector_load %arg10[%swap3A_358, %swap3A_359] {strides = array<i32>} : memref<16x128xf32, #tpu.memory_space<vmem>>, vector<16xf32>,
    tpu.vector_store %arg10[%swap3A_358, %swap3A_359], %broadcast_in_dim3A_3 {strides = array<i32>} : memref<16x128xf32, #tpu.memory_space<vmem>>, vector<16xf32>,
    %swap3A_361 = arith.constant 11 : i32
    %swap3A_362 = arith.index_cast %swap3A_361 : i32 to index
    %swap3A_363 = arith.constant 16 : index
    %swap3A_364 = tpu.vector_load %arg10[%swap3A_362, %swap3A_363] {strides = array<i32>} : memref<16x128xf32, #tpu.memory_space<vmem>>, vector<16xf32>,
    tpu.vector_store %arg10[%swap3A_362, %swap3A_363], %broadcast_in_dim3A_3 {strides = array<i32>} : memref<16x128xf32, #tpu.memory_space<vmem>>, vector<16xf32>,
    %swap3A_365 = arith.constant 11 : i32
    %swap3A_366 = arith.index_cast %swap3A_365 : i32 to index
    %swap3A_367 = arith.constant 32 : index
    %swap3A_368 = tpu.vector_load %arg10[%swap3A_366, %swap3A_367] {strides = array<i32>} : memref<16x128xf32, #tpu.memory_space<vmem>>, vector<16xf32>,
    tpu.vector_store %arg10[%swap3A_366, %swap3A_367], %broadcast_in_dim3A_3 {strides = array<i32>} : memref<16x128xf32, #tpu.memory_space<vmem>>, vector<16xf32>,
    %swap3A_369 = arith.constant 11 : i32
    %swap3A_370 = arith.index_cast %swap3A_369 : i32 to index
    %swap3A_371 = arith.constant 48 : index
    %swap3A_372 = tpu.vector_load %arg10[%swap3A_370, %swap3A_371] {strides = array<i32>} : memref<16x128xf32, #tpu.memory_space<vmem>>, vector<16xf32>,
    tpu.vector_store %arg10[%swap3A_370, %swap3A_371], %broadcast_in_dim3A_3 {strides = array<i32>} : memref<16x128xf32, #tpu.memory_space<vmem>>, vector<16xf32>,
    %swap3A_373 = arith.constant 11 : i32
    %swap3A_374 = arith.index_cast %swap3A_373 : i32 to index
    %swap3A_375 = arith.constant 64 : index
    %swap3A_376 = tpu.vector_load %arg10[%swap3A_374, %swap3A_375] {strides = array<i32>} : memref<16x128xf32, #tpu.memory_space<vmem>>, vector<16xf32>,
    tpu.vector_store %arg10[%swap3A_374, %swap3A_375], %broadcast_in_dim3A_3 {strides = array<i32>} : memref<16x128xf32, #tpu.memory_space<vmem>>, vector<16xf32>,
    %swap3A_377 = arith.constant 11 : i32
    %swap3A_378 = arith.index_cast %swap3A_377 : i32 to index
    %swap3A_379 = arith.constant 80 : index
    %swap3A_380 = tpu.vector_load %arg10[%swap3A_378, %swap3A_379] {strides = array<i32>} : memref<16x128xf32, #tpu.memory_space<vmem>>, vector<16xf32>,
    tpu.vector_store %arg10[%swap3A_378, %swap3A_379], %broadcast_in_dim3A_3 {strides = array<i32>} : memref<16x128xf32, #tpu.memory_space<vmem>>, vector<16xf32>,
    %swap3A_381 = arith.constant 11 : i32
    %swap3A_382 = arith.index_cast %swap3A_381 : i32 to index
    %swap3A_383 = arith.constant 96 : index
    %swap3A_384 = tpu.vector_load %arg10[%swap3A_382, %swap3A_383] {strides = array<i32>} : memref<16x128xf32, #tpu.memory_space<vmem>>, vector<16xf32>,
    tpu.vector_store %arg10[%swap3A_382, %swap3A_383], %broadcast_in_dim3A_3 {strides = array<i32>} : memref<16x128xf32, #tpu.memory_space<vmem>>, vector<16xf32>,
    %swap3A_385 = arith.constant 11 : i32
    %swap3A_386 = arith.index_cast %swap3A_385 : i32 to index
    %swap3A_387 = arith.constant 112 : index
    %swap3A_388 = tpu.vector_load %arg10[%swap3A_386, %swap3A_387] {strides = array<i32>} : memref<16x128xf32, #tpu.memory_space<vmem>>, vector<16xf32>,
    tpu.vector_store %arg10[%swap3A_386, %swap3A_387], %broadcast_in_dim3A_3 {strides = array<i32>} : memref<16x128xf32, #tpu.memory_space<vmem>>, vector<16xf32>,
    %swap3A_389 = arith.constant 12 : i32
    %swap3A_390 = arith.index_cast %swap3A_389 : i32 to index
    %swap3A_391 = arith.constant 0 : index
    %swap3A_392 = tpu.vector_load %arg10[%swap3A_390, %swap3A_391] {strides = array<i32>} : memref<16x128xf32, #tpu.memory_space<vmem>>, vector<16xf32>,
    tpu.vector_store %arg10[%swap3A_390, %swap3A_391], %broadcast_in_dim3A_3 {strides = array<i32>} : memref<16x128xf32, #tpu.memory_space<vmem>>, vector<16xf32>,
    %swap3A_393 = arith.constant 12 : i32
    %swap3A_394 = arith.index_cast %swap3A_393 : i32 to index
    %swap3A_395 = arith.constant 16 : index
    %swap3A_396 = tpu.vector_load %arg10[%swap3A_394, %swap3A_395] {strides = array<i32>} : memref<16x128xf32, #tpu.memory_space<vmem>>, vector<16xf32>,
    tpu.vector_store %arg10[%swap3A_394, %swap3A_395], %broadcast_in_dim3A_3 {strides = array<i32>} : memref<16x128xf32, #tpu.memory_space<vmem>>, vector<16xf32>,
    %swap3A_397 = arith.constant 12 : i32
    %swap3A_398 = arith.index_cast %swap3A_397 : i32 to index
    %swap3A_399 = arith.constant 32 : index
    %swap3A_400 = tpu.vector_load %arg10[%swap3A_398, %swap3A_399] {strides = array<i32>} : memref<16x128xf32, #tpu.memory_space<vmem>>, vector<16xf32>,
    tpu.vector_store %arg10[%swap3A_398, %swap3A_399], %broadcast_in_dim3A_3 {strides = array<i32>} : memref<16x128xf32, #tpu.memory_space<vmem>>, vector<16xf32>,
    %swap3A_401 = arith.constant 12 : i32
    %swap3A_402 = arith.index_cast %swap3A_401 : i32 to index
    %swap3A_403 = arith.constant 48 : index
    %swap3A_404 = tpu.vector_load %arg10[%swap3A_402, %swap3A_403] {strides = array<i32>} : memref<16x128xf32, #tpu.memory_space<vmem>>, vector<16xf32>,
    tpu.vector_store %arg10[%swap3A_402, %swap3A_403], %broadcast_in_dim3A_3 {strides = array<i32>} : memref<16x128xf32, #tpu.memory_space<vmem>>, vector<16xf32>,
    %swap3A_405 = arith.constant 12 : i32
    %swap3A_406 = arith.index_cast %swap3A_405 : i32 to index
    %swap3A_407 = arith.constant 64 : index
    %swap3A_408 = tpu.vector_load %arg10[%swap3A_406, %swap3A_407] {strides = array<i32>} : memref<16x128xf32, #tpu.memory_space<vmem>>, vector<16xf32>,
    tpu.vector_store %arg10[%swap3A_406, %swap3A_407], %broadcast_in_dim3A_3 {strides = array<i32>} : memref<16x128xf32, #tpu.memory_space<vmem>>, vector<16xf32>,
    %swap3A_409 = arith.constant 12 : i32
    %swap3A_410 = arith.index_cast %swap3A_409 : i32 to index
    %swap3A_411 = arith.constant 80 : index
    %swap3A_412 = tpu.vector_load %arg10[%swap3A_410, %swap3A_411] {strides = array<i32>} : memref<16x128xf32, #tpu.memory_space<vmem>>, vector<16xf32>,
    tpu.vector_store %arg10[%swap3A_410, %swap3A_411], %broadcast_in_dim3A_3 {strides = array<i32>} : memref<16x128xf32, #tpu.memory_space<vmem>>, vector<16xf32>,
    %swap3A_413 = arith.constant 12 : i32
    %swap3A_414 = arith.index_cast %swap3A_413 : i32 to index
    %swap3A_415 = arith.constant 96 : index
    %swap3A_416 = tpu.vector_load %arg10[%swap3A_414, %swap3A_415] {strides = array<i32>} : memref<16x128xf32, #tpu.memory_space<vmem>>, vector<16xf32>,
    tpu.vector_store %arg10[%swap3A_414, %swap3A_415], %broadcast_in_dim3A_3 {strides = array<i32>} : memref<16x128xf32, #tpu.memory_space<vmem>>, vector<16xf32>,
    %swap3A_417 = arith.constant 12 : i32
    %swap3A_418 = arith.index_cast %swap3A_417 : i32 to index
    %swap3A_419 = arith.constant 112 : index
    %swap3A_420 = tpu.vector_load %arg10[%swap3A_418, %swap3A_419] {strides = array<i32>} : memref<16x128xf32, #tpu.memory_space<vmem>>, vector<16xf32>,
    tpu.vector_store %arg10[%swap3A_418, %swap3A_419], %broadcast_in_dim3A_3 {strides = array<i32>} : memref<16x128xf32, #tpu.memory_space<vmem>>, vector<16xf32>,
    %swap3A_421 = arith.constant 13 : i32
    %swap3A_422 = arith.index_cast %swap3A_421 : i32 to index
    %swap3A_423 = arith.constant 0 : index
    %swap3A_424 = tpu.vector_load %arg10[%swap3A_422, %swap3A_423] {strides = array<i32>} : memref<16x128xf32, #tpu.memory_space<vmem>>, vector<16xf32>,
    tpu.vector_store %arg10[%swap3A_422, %swap3A_423], %broadcast_in_dim3A_3 {strides = array<i32>} : memref<16x128xf32, #tpu.memory_space<vmem>>, vector<16xf32>,
    %swap3A_425 = arith.constant 13 : i32
    %swap3A_426 = arith.index_cast %swap3A_425 : i32 to index
    %swap3A_427 = arith.constant 16 : index
    %swap3A_428 = tpu.vector_load %arg10[%swap3A_426, %swap3A_427] {strides = array<i32>} : memref<16x128xf32, #tpu.memory_space<vmem>>, vector<16xf32>,
    tpu.vector_store %arg10[%swap3A_426, %swap3A_427], %broadcast_in_dim3A_3 {strides = array<i32>} : memref<16x128xf32, #tpu.memory_space<vmem>>, vector<16xf32>,
    %swap3A_429 = arith.constant 13 : i32
    %swap3A_430 = arith.index_cast %swap3A_429 : i32 to index
    %swap3A_431 = arith.constant 32 : index
    %swap3A_432 = tpu.vector_load %arg10[%swap3A_430, %swap3A_431] {strides = array<i32>} : memref<16x128xf32, #tpu.memory_space<vmem>>, vector<16xf32>,
    tpu.vector_store %arg10[%swap3A_430, %swap3A_431], %broadcast_in_dim3A_3 {strides = array<i32>} : memref<16x128xf32, #tpu.memory_space<vmem>>, vector<16xf32>,
    %swap3A_433 = arith.constant 13 : i32
    %swap3A_434 = arith.index_cast %swap3A_433 : i32 to index
    %swap3A_435 = arith.constant 48 : index
    %swap3A_436 = tpu.vector_load %arg10[%swap3A_434, %swap3A_435] {strides = array<i32>} : memref<16x128xf32, #tpu.memory_space<vmem>>, vector<16xf32>,
    tpu.vector_store %arg10[%swap3A_434, %swap3A_435], %broadcast_in_dim3A_3 {strides = array<i32>} : memref<16x128xf32, #tpu.memory_space<vmem>>, vector<16xf32>,
    %swap3A_437 = arith.constant 13 : i32
    %swap3A_438 = arith.index_cast %swap3A_437 : i32 to index
    %swap3A_439 = arith.constant 64 : index
    %swap3A_440 = tpu.vector_load %arg10[%swap3A_438, %swap3A_439] {strides = array<i32>} : memref<16x128xf32, #tpu.memory_space<vmem>>, vector<16xf32>,
    tpu.vector_store %arg10[%swap3A_438, %swap3A_439], %broadcast_in_dim3A_3 {strides = array<i32>} : memref<16x128xf32, #tpu.memory_space<vmem>>, vector<16xf32>,
    %swap3A_441 = arith.constant 13 : i32
    %swap3A_442 = arith.index_cast %swap3A_441 : i32 to index
    %swap3A_443 = arith.constant 80 : index
    %swap3A_444 = tpu.vector_load %arg10[%swap3A_442, %swap3A_443] {strides = array<i32>} : memref<16x128xf32, #tpu.memory_space<vmem>>, vector<16xf32>,
    tpu.vector_store %arg10[%swap3A_442, %swap3A_443], %broadcast_in_dim3A_3 {strides = array<i32>} : memref<16x128xf32, #tpu.memory_space<vmem>>, vector<16xf32>,
    %swap3A_445 = arith.constant 13 : i32
    %swap3A_446 = arith.index_cast %swap3A_445 : i32 to index
    %swap3A_447 = arith.constant 96 : index
    %swap3A_448 = tpu.vector_load %arg10[%swap3A_446, %swap3A_447] {strides = array<i32>} : memref<16x128xf32, #tpu.memory_space<vmem>>, vector<16xf32>,
    tpu.vector_store %arg10[%swap3A_446, %swap3A_447], %broadcast_in_dim3A_3 {strides = array<i32>} : memref<16x128xf32, #tpu.memory_space<vmem>>, vector<16xf32>,
    %swap3A_449 = arith.constant 13 : i32
    %swap3A_450 = arith.index_cast %swap3A_449 : i32 to index
    %swap3A_451 = arith.constant 112 : index
    %swap3A_452 = tpu.vector_load %arg10[%swap3A_450, %swap3A_451] {strides = array<i32>} : memref<16x128xf32, #tpu.memory_space<vmem>>, vector<16xf32>,
    tpu.vector_store %arg10[%swap3A_450, %swap3A_451], %broadcast_in_dim3A_3 {strides = array<i32>} : memref<16x128xf32, #tpu.memory_space<vmem>>, vector<16xf32>,
    %swap3A_453 = arith.constant 14 : i32
    %swap3A_454 = arith.index_cast %swap3A_453 : i32 to index
    %swap3A_455 = arith.constant 0 : index
    %swap3A_456 = tpu.vector_load %arg10[%swap3A_454, %swap3A_455] {strides = array<i32>} : memref<16x128xf32, #tpu.memory_space<vmem>>, vector<16xf32>,
    tpu.vector_store %arg10[%swap3A_454, %swap3A_455], %broadcast_in_dim3A_3 {strides = array<i32>} : memref<16x128xf32, #tpu.memory_space<vmem>>, vector<16xf32>,
    %swap3A_457 = arith.constant 14 : i32
    %swap3A_458 = arith.index_cast %swap3A_457 : i32 to index
    %swap3A_459 = arith.constant 16 : index
    %swap3A_460 = tpu.vector_load %arg10[%swap3A_458, %swap3A_459] {strides = array<i32>} : memref<16x128xf32, #tpu.memory_space<vmem>>, vector<16xf32>,
    tpu.vector_store %arg10[%swap3A_458, %swap3A_459], %broadcast_in_dim3A_3 {strides = array<i32>} : memref<16x128xf32, #tpu.memory_space<vmem>>, vector<16xf32>,
    %swap3A_461 = arith.constant 14 : i32
    %swap3A_462 = arith.index_cast %swap3A_461 : i32 to index
    %swap3A_463 = arith.constant 32 : index
    %swap3A_464 = tpu.vector_load %arg10[%swap3A_462, %swap3A_463] {strides = array<i32>} : memref<16x128xf32, #tpu.memory_space<vmem>>, vector<16xf32>,
    tpu.vector_store %arg10[%swap3A_462, %swap3A_463], %broadcast_in_dim3A_3 {strides = array<i32>} : memref<16x128xf32, #tpu.memory_space<vmem>>, vector<16xf32>,
    %swap3A_465 = arith.constant 14 : i32
    %swap3A_466 = arith.index_cast %swap3A_465 : i32 to index
    %swap3A_467 = arith.constant 48 : index
    %swap3A_468 = tpu.vector_load %arg10[%swap3A_466, %swap3A_467] {strides = array<i32>} : memref<16x128xf32, #tpu.memory_space<vmem>>, vector<16xf32>,
    tpu.vector_store %arg10[%swap3A_466, %swap3A_467], %broadcast_in_dim3A_3 {strides = array<i32>} : memref<16x128xf32, #tpu.memory_space<vmem>>, vector<16xf32>,
    %swap3A_469 = arith.constant 14 : i32
    %swap3A_470 = arith.index_cast %swap3A_469 : i32 to index
    %swap3A_471 = arith.constant 64 : index
    %swap3A_472 = tpu.vector_load %arg10[%swap3A_470, %swap3A_471] {strides = array<i32>} : memref<16x128xf32, #tpu.memory_space<vmem>>, vector<16xf32>,
    tpu.vector_store %arg10[%swap3A_470, %swap3A_471], %broadcast_in_dim3A_3 {strides = array<i32>} : memref<16x128xf32, #tpu.memory_space<vmem>>, vector<16xf32>,
    %swap3A_473 = arith.constant 14 : i32
    %swap3A_474 = arith.index_cast %swap3A_473 : i32 to index
    %swap3A_475 = arith.constant 80 : index
    %swap3A_476 = tpu.vector_load %arg10[%swap3A_474, %swap3A_475] {strides = array<i32>} : memref<16x128xf32, #tpu.memory_space<vmem>>, vector<16xf32>,
    tpu.vector_store %arg10[%swap3A_474, %swap3A_475], %broadcast_in_dim3A_3 {strides = array<i32>} : memref<16x128xf32, #tpu.memory_space<vmem>>, vector<16xf32>,
    %swap3A_477 = arith.constant 14 : i32
    %swap3A_478 = arith.index_cast %swap3A_477 : i32 to index
    %swap3A_479 = arith.constant 96 : index
    %swap3A_480 = tpu.vector_load %arg10[%swap3A_478, %swap3A_479] {strides = array<i32>} : memref<16x128xf32, #tpu.memory_space<vmem>>, vector<16xf32>,
    tpu.vector_store %arg10[%swap3A_478, %swap3A_479], %broadcast_in_dim3A_3 {strides = array<i32>} : memref<16x128xf32, #tpu.memory_space<vmem>>, vector<16xf32>,
    %swap3A_481 = arith.constant 14 : i32
    %swap3A_482 = arith.index_cast %swap3A_481 : i32 to index
    %swap3A_483 = arith.constant 112 : index
    %swap3A_484 = tpu.vector_load %arg10[%swap3A_482, %swap3A_483] {strides = array<i32>} : memref<16x128xf32, #tpu.memory_space<vmem>>, vector<16xf32>,
    tpu.vector_store %arg10[%swap3A_482, %swap3A_483], %broadcast_in_dim3A_3 {strides = array<i32>} : memref<16x128xf32, #tpu.memory_space<vmem>>, vector<16xf32>,
    %swap3A_485 = arith.constant 15 : i32
    %swap3A_486 = arith.index_cast %swap3A_485 : i32 to index
    %swap3A_487 = arith.constant 0 : index
    %swap3A_488 = tpu.vector_load %arg10[%swap3A_486, %swap3A_487] {strides = array<i32>} : memref<16x128xf32, #tpu.memory_space<vmem>>, vector<16xf32>,
    tpu.vector_store %arg10[%swap3A_486, %swap3A_487], %broadcast_in_dim3A_3 {strides = array<i32>} : memref<16x128xf32, #tpu.memory_space<vmem>>, vector<16xf32>,
    %swap3A_489 = arith.constant 15 : i32
    %swap3A_490 = arith.index_cast %swap3A_489 : i32 to index
    %swap3A_491 = arith.constant 16 : index
    %swap3A_492 = tpu.vector_load %arg10[%swap3A_490, %swap3A_491] {strides = array<i32>} : memref<16x128xf32, #tpu.memory_space<vmem>>, vector<16xf32>,
    tpu.vector_store %arg10[%swap3A_490, %swap3A_491], %broadcast_in_dim3A_3 {strides = array<i32>} : memref<16x128xf32, #tpu.memory_space<vmem>>, vector<16xf32>,
    %swap3A_493 = arith.constant 15 : i32
    %swap3A_494 = arith.index_cast %swap3A_493 : i32 to index
    %swap3A_495 = arith.constant 32 : index
    %swap3A_496 = tpu.vector_load %arg10[%swap3A_494, %swap3A_495] {strides = array<i32>} : memref<16x128xf32, #tpu.memory_space<vmem>>, vector<16xf32>,
    tpu.vector_store %arg10[%swap3A_494, %swap3A_495], %broadcast_in_dim3A_3 {strides = array<i32>} : memref<16x128xf32, #tpu.memory_space<vmem>>, vector<16xf32>,
    %swap3A_497 = arith.constant 15 : i32
    %swap3A_498 = arith.index_cast %swap3A_497 : i32 to index
    %swap3A_499 = arith.constant 48 : index
    %swap3A_500 = tpu.vector_load %arg10[%swap3A_498, %swap3A_499] {strides = array<i32>} : memref<16x128xf32, #tpu.memory_space<vmem>>, vector<16xf32>,
    tpu.vector_store %arg10[%swap3A_498, %swap3A_499], %broadcast_in_dim3A_3 {strides = array<i32>} : memref<16x128xf32, #tpu.memory_space<vmem>>, vector<16xf32>,
    %swap3A_501 = arith.constant 15 : i32
    %swap3A_502 = arith.index_cast %swap3A_501 : i32 to index
    %swap3A_503 = arith.constant 64 : index
    %swap3A_504 = tpu.vector_load %arg10[%swap3A_502, %swap3A_503] {strides = array<i32>} : memref<16x128xf32, #tpu.memory_space<vmem>>, vector<16xf32>,
    tpu.vector_store %arg10[%swap3A_502, %swap3A_503], %broadcast_in_dim3A_3 {strides = array<i32>} : memref<16x128xf32, #tpu.memory_space<vmem>>, vector<16xf32>,
    %swap3A_505 = arith.constant 15 : i32
    %swap3A_506 = arith.index_cast %swap3A_505 : i32 to index
    %swap3A_507 = arith.constant 80 : index
    %swap3A_508 = tpu.vector_load %arg10[%swap3A_506, %swap3A_507] {strides = array<i32>} : memref<16x128xf32, #tpu.memory_space<vmem>>, vector<16xf32>,
    tpu.vector_store %arg10[%swap3A_506, %swap3A_507], %broadcast_in_dim3A_3 {strides = array<i32>} : memref<16x128xf32, #tpu.memory_space<vmem>>, vector<16xf32>,
    %swap3A_509 = arith.constant 15 : i32
    %swap3A_510 = arith.index_cast %swap3A_509 : i32 to index
    %swap3A_511 = arith.constant 96 : index
    %swap3A_512 = tpu.vector_load %arg10[%swap3A_510, %swap3A_511] {strides = array<i32>} : memref<16x128xf32, #tpu.memory_space<vmem>>, vector<16xf32>,
    tpu.vector_store %arg10[%swap3A_510, %swap3A_511], %broadcast_in_dim3A_3 {strides = array<i32>} : memref<16x128xf32, #tpu.memory_space<vmem>>, vector<16xf32>,
    %swap3A_513 = arith.constant 15 : i32
    %swap3A_514 = arith.index_cast %swap3A_513 : i32 to index
    %swap3A_515 = arith.constant 112 : index
    %swap3A_516 = tpu.vector_load %arg10[%swap3A_514, %swap3A_515] {strides = array<i32>} : memref<16x128xf32, #tpu.memory_space<vmem>>, vector<16xf32>,
    tpu.vector_store %arg10[%swap3A_514, %swap3A_515], %broadcast_in_dim3A_3 {strides = array<i32>} : memref<16x128xf32, #tpu.memory_space<vmem>>, vector<16xf32>,
    %scan3A = arith.constant 0 : i32
    %scan3A_517 = arith.constant 640 : i32
    %scan3A_518 = arith.addi %scan3A, %scan3A_517 : i32
    %scan3A_519 = arith.constant 1 : i32
    scf.for %scan3A_579 = %scan3A to %scan3A_518 step %scan3A_519  : i32 {
      %mul3A_580 = arith.constant 16 : i32
      %mul3A_581 = arith.muli %scan3A_579, %mul3A_580 : i32
      %swap3A_582 = arith.index_cast %mul3A_581 : i32 to index
      %swap3A_583 = tpu.vector_load %arg11[%swap3A_582] {strides = array<i32>} : memref<10240xf32, #tpu.memory_space<vmem>>, vector<16xf32>,
      tpu.vector_store %arg11[%swap3A_582], %broadcast_in_dim3A_3 {strides = array<i32>} : memref<10240xf32, #tpu.memory_space<vmem>>, vector<16xf32>,
    }
    %scan3A_520 = arith.constant 640 : i32
    %scan3A_521 = arith.constant 0 : i32
    %scan3A_522 = arith.constant 8 : i32
    %scan3A_523 = arith.addi %scan3A_521, %scan3A_522 : i32
    %scan3A_524 = arith.constant 1 : i32
    scf.for %scan3A_579 = %scan3A_521 to %scan3A_523 step %scan3A_524  : i32 {
      %mul3A_580 = arith.constant 16 : i32
      %mul3A_581 = arith.muli %scan3A_579, %mul3A_580 : i32
      %add3A_582 = arith.addi %mul3A_2, %mul3A_581 : i32
      "tpu.region"() ({
        %run_scoped3A = tpu.sem_alloc : memref<!tpu.dma_semaphore, #tpu.memory_space<semaphore_mem>>
        %dma_start3A_583 = arith.constant 0 : i32
        %dma_start3A_584 = tpu.memref_slice %arg12[%add3A_582, %dma_start3A_583] : memref<2048x128xf32, #tpu.memory_space<vmem_shared>> -> memref<16x128xf32, #tpu.memory_space<vmem_shared>>
        %dma_start3A_585 = arith.constant 0 : i32
        %dma_start3A_586 = tpu.memref_slice %arg12[%add3A_582, %dma_start3A_585] : memref<2048x128xf32, #tpu.memory_space<vmem_shared>> -> memref<16x128xf32, #tpu.memory_space<vmem_shared>>
        tpu.enqueue_dma source(%arg10 : memref<16x128xf32, #tpu.memory_space<vmem>>) target(%dma_start3A_586 : memref<16x128xf32, #tpu.memory_space<vmem_shared>>) target_semaphore(%run_scoped3A : memref<!tpu.dma_semaphore, #tpu.memory_space<semaphore_mem>>)
        %dma_wait3A = arith.constant 0 : i32
        %dma_wait3A_587 = tpu.memref_slice %arg12[%add3A_582, %dma_wait3A] : memref<2048x128xf32, #tpu.memory_space<vmem_shared>> -> memref<16x128xf32, #tpu.memory_space<vmem_shared>>
        %dma_wait3A_588 = arith.constant 0 : i32
        %dma_wait3A_589 = tpu.memref_slice %arg12[%add3A_582, %dma_wait3A_588] : memref<2048x128xf32, #tpu.memory_space<vmem_shared>> -> memref<16x128xf32, #tpu.memory_space<vmem_shared>>
        tpu.wait_dma2 semaphore(%run_scoped3A : memref<!tpu.dma_semaphore, #tpu.memory_space<semaphore_mem>>) src(%arg10 : memref<16x128xf32, #tpu.memory_space<vmem>>) dst(%dma_wait3A_589 : memref<16x128xf32, #tpu.memory_space<vmem_shared>>)
        tpu.yield
      }) : () -> ()
    }
    %scan3A_525 = arith.constant 8 : i32
    %barrier3A = arith.constant 0 : index
    tpu.barrier barrier_id(%barrier3A)
    "tpu.region"() ({
      %run_scoped3A = tpu.sem_alloc : memref<!tpu.dma_semaphore, #tpu.memory_space<semaphore_mem>>
      %dma_start3A_579 = arith.constant 0 : i32
      %dma_start3A_580 = arith.constant 0 : i32
      %dma_start3A_581 = tpu.memref_slice %arg3[%add3A, %dma_start3A_579, %dma_start3A_580] : memref<32x80x128xi32, #tpu.memory_space<hbm>> -> memref<1x8x128xi32, #tpu.memory_space<hbm>>
      %dma_start3A_582 = tpu.memref_squeeze %dma_start3A_581 : memref<1x8x128xi32, #tpu.memory_space<hbm>> -> memref<8x128xi32, #tpu.memory_space<hbm>>
      %dma_start3A_583 = arith.constant 0 : i32
      %dma_start3A_584 = arith.constant 0 : i32
      %dma_start3A_585 = tpu.memref_slice %arg3[%add3A, %dma_start3A_583, %dma_start3A_584] : memref<32x80x128xi32, #tpu.memory_space<hbm>> -> memref<1x8x128xi32, #tpu.memory_space<hbm>>
      %dma_start3A_586 = tpu.memref_squeeze %dma_start3A_585 : memref<1x8x128xi32, #tpu.memory_space<hbm>> -> memref<8x128xi32, #tpu.memory_space<hbm>>
      tpu.enqueue_dma source(%dma_start3A_586 : memref<8x128xi32, #tpu.memory_space<hbm>>) target(%arg7 : memref<8x128xi32, #tpu.memory_space<vmem>>) target_semaphore(%run_scoped3A : memref<!tpu.dma_semaphore, #tpu.memory_space<semaphore_mem>>)
      %dma_wait3A = arith.constant 0 : i32
      %dma_wait3A_587 = arith.constant 0 : i32
      %dma_wait3A_588 = tpu.memref_slice %arg3[%add3A, %dma_wait3A, %dma_wait3A_587] : memref<32x80x128xi32, #tpu.memory_space<hbm>> -> memref<1x8x128xi32, #tpu.memory_space<hbm>>
      %dma_wait3A_589 = tpu.memref_squeeze %dma_wait3A_588 : memref<1x8x128xi32, #tpu.memory_space<hbm>> -> memref<8x128xi32, #tpu.memory_space<hbm>>
      %dma_wait3A_590 = arith.constant 0 : i32
      %dma_wait3A_591 = arith.constant 0 : i32
      %dma_wait3A_592 = tpu.memref_slice %arg3[%add3A, %dma_wait3A_590, %dma_wait3A_591] : memref<32x80x128xi32, #tpu.memory_space<hbm>> -> memref<1x8x128xi32, #tpu.memory_space<hbm>>
      %dma_wait3A_593 = tpu.memref_squeeze %dma_wait3A_592 : memref<1x8x128xi32, #tpu.memory_space<hbm>> -> memref<8x128xi32, #tpu.memory_space<hbm>>
      tpu.wait_dma2 semaphore(%run_scoped3A : memref<!tpu.dma_semaphore, #tpu.memory_space<semaphore_mem>>) src(%dma_wait3A_593 : memref<8x128xi32, #tpu.memory_space<hbm>>) dst(%arg7 : memref<8x128xi32, #tpu.memory_space<vmem>>)
      tpu.yield
    }) : () -> ()
    "tpu.region"() ({
      %run_scoped3A = tpu.sem_alloc : memref<!tpu.dma_semaphore, #tpu.memory_space<semaphore_mem>>
      %dma_start3A_579 = arith.constant 0 : i32
      %dma_start3A_580 = arith.constant 0 : i32
      %dma_start3A_581 = tpu.memref_slice %arg4[%add3A, %dma_start3A_579, %dma_start3A_580] : memref<32x80x128xi32, #tpu.memory_space<hbm>> -> memref<1x8x128xi32, #tpu.memory_space<hbm>>
      %dma_start3A_582 = tpu.memref_squeeze %dma_start3A_581 : memref<1x8x128xi32, #tpu.memory_space<hbm>> -> memref<8x128xi32, #tpu.memory_space<hbm>>
      %dma_start3A_583 = arith.constant 0 : i32
      %dma_start3A_584 = arith.constant 0 : i32
      %dma_start3A_585 = tpu.memref_slice %arg4[%add3A, %dma_start3A_583, %dma_start3A_584] : memref<32x80x128xi32, #tpu.memory_space<hbm>> -> memref<1x8x128xi32, #tpu.memory_space<hbm>>
      %dma_start3A_586 = tpu.memref_squeeze %dma_start3A_585 : memref<1x8x128xi32, #tpu.memory_space<hbm>> -> memref<8x128xi32, #tpu.memory_space<hbm>>
      tpu.enqueue_dma source(%dma_start3A_586 : memref<8x128xi32, #tpu.memory_space<hbm>>) target(%arg8 : memref<8x128xi32, #tpu.memory_space<vmem>>) target_semaphore(%run_scoped3A : memref<!tpu.dma_semaphore, #tpu.memory_space<semaphore_mem>>)
      %dma_wait3A = arith.constant 0 : i32
      %dma_wait3A_587 = arith.constant 0 : i32
      %dma_wait3A_588 = tpu.memref_slice %arg4[%add3A, %dma_wait3A, %dma_wait3A_587] : memref<32x80x128xi32, #tpu.memory_space<hbm>> -> memref<1x8x128xi32, #tpu.memory_space<hbm>>
      %dma_wait3A_589 = tpu.memref_squeeze %dma_wait3A_588 : memref<1x8x128xi32, #tpu.memory_space<hbm>> -> memref<8x128xi32, #tpu.memory_space<hbm>>
      %dma_wait3A_590 = arith.constant 0 : i32
      %dma_wait3A_591 = arith.constant 0 : i32
      %dma_wait3A_592 = tpu.memref_slice %arg4[%add3A, %dma_wait3A_590, %dma_wait3A_591] : memref<32x80x128xi32, #tpu.memory_space<hbm>> -> memref<1x8x128xi32, #tpu.memory_space<hbm>>
      %dma_wait3A_593 = tpu.memref_squeeze %dma_wait3A_592 : memref<1x8x128xi32, #tpu.memory_space<hbm>> -> memref<8x128xi32, #tpu.memory_space<hbm>>
      tpu.wait_dma2 semaphore(%run_scoped3A : memref<!tpu.dma_semaphore, #tpu.memory_space<semaphore_mem>>) src(%dma_wait3A_593 : memref<8x128xi32, #tpu.memory_space<hbm>>) dst(%arg8 : memref<8x128xi32, #tpu.memory_space<vmem>>)
      tpu.yield
    }) : () -> ()
    %dma_start3A = arith.constant 0 : i32
    %dma_start3A_526 = arith.constant 0 : i32
    %dma_start3A_527 = arith.constant 0 : i32
    %dma_start3A_528 = arith.constant 0 : i32
    %dma_start3A_529 = tpu.memref_slice %arg9[%dma_start3A_526, %dma_start3A_527, %dma_start3A_528] : memref<4x128x128xf32, #tpu.memory_space<vmem>> -> memref<1x128x128xf32, #tpu.memory_space<vmem>>
    %dma_start3A_530 = tpu.memref_squeeze %dma_start3A_529 : memref<1x128x128xf32, #tpu.memory_space<vmem>> -> memref<128x128xf32, #tpu.memory_space<vmem>>
    %dma_start3A_531 = arith.constant 0 : i32
    %dma_start3A_532 = tpu.memref_slice %arg7[%dma_start3A, %dma_start3A_531] : memref<8x128xi32, #tpu.memory_space<vmem>> -> memref<1x128xi32, #tpu.memory_space<vmem>>
    %dma_start3A_533 = tpu.memref_squeeze %dma_start3A_532 : memref<1x128xi32, #tpu.memory_space<vmem>> -> memref<128xi32, #tpu.memory_space<vmem>>
    %dma_start3A_534 = arith.constant 0 : i32
    %dma_start3A_535 = arith.constant 0 : i32
    %dma_start3A_536 = tpu.memref_slice %arg2[%dma_start3A_534, %dma_start3A_535] : memref<10000x128xf32, #tpu.memory_space<hbm>> -> memref<10000x128xf32, #tpu.memory_space<hbm>>
    tpu.enqueue_indirect_dma source(%dma_start3A_536 : memref<10000x128xf32, #tpu.memory_space<hbm>>) target(%dma_start3A_530 : memref<128x128xf32, #tpu.memory_space<vmem>>) offsets(%dma_start3A_533 : memref<128xi32, #tpu.memory_space<vmem>>) semaphore(%arg13 : memref<!tpu.dma_semaphore, #tpu.memory_space<semaphore_mem>>)
    %dma_start3A_537 = arith.constant 1 : i32
    %dma_start3A_538 = arith.constant 1 : i32
    %dma_start3A_539 = arith.constant 0 : i32
    %dma_start3A_540 = arith.constant 0 : i32
    %dma_start3A_541 = tpu.memref_slice %arg9[%dma_start3A_538, %dma_start3A_539, %dma_start3A_540] : memref<4x128x128xf32, #tpu.memory_space<vmem>> -> memref<1x128x128xf32, #tpu.memory_space<vmem>>
    %dma_start3A_542 = tpu.memref_squeeze %dma_start3A_541 : memref<1x128x128xf32, #tpu.memory_space<vmem>> -> memref<128x128xf32, #tpu.memory_space<vmem>>
    %dma_start3A_543 = arith.constant 0 : i32
    %dma_start3A_544 = tpu.memref_slice %arg7[%dma_start3A_537, %dma_start3A_543] : memref<8x128xi32, #tpu.memory_space<vmem>> -> memref<1x128xi32, #tpu.memory_space<vmem>>
    %dma_start3A_545 = tpu.memref_squeeze %dma_start3A_544 : memref<1x128xi32, #tpu.memory_space<vmem>> -> memref<128xi32, #tpu.memory_space<vmem>>
    %dma_start3A_546 = arith.constant 0 : i32
    %dma_start3A_547 = arith.constant 0 : i32
    %dma_start3A_548 = tpu.memref_slice %arg2[%dma_start3A_546, %dma_start3A_547] : memref<10000x128xf32, #tpu.memory_space<hbm>> -> memref<10000x128xf32, #tpu.memory_space<hbm>>
    tpu.enqueue_indirect_dma source(%dma_start3A_548 : memref<10000x128xf32, #tpu.memory_space<hbm>>) target(%dma_start3A_542 : memref<128x128xf32, #tpu.memory_space<vmem>>) offsets(%dma_start3A_545 : memref<128xi32, #tpu.memory_space<vmem>>) semaphore(%arg14 : memref<!tpu.dma_semaphore, #tpu.memory_space<semaphore_mem>>)
    %dma_start3A_549 = arith.constant 2 : i32
    %dma_start3A_550 = arith.constant 2 : i32
    %dma_start3A_551 = arith.constant 0 : i32
    %dma_start3A_552 = arith.constant 0 : i32
    %dma_start3A_553 = tpu.memref_slice %arg9[%dma_start3A_550, %dma_start3A_551, %dma_start3A_552] : memref<4x128x128xf32, #tpu.memory_space<vmem>> -> memref<1x128x128xf32, #tpu.memory_space<vmem>>
    %dma_start3A_554 = tpu.memref_squeeze %dma_start3A_553 : memref<1x128x128xf32, #tpu.memory_space<vmem>> -> memref<128x128xf32, #tpu.memory_space<vmem>>
    %dma_start3A_555 = arith.constant 0 : i32
    %dma_start3A_556 = tpu.memref_slice %arg7[%dma_start3A_549, %dma_start3A_555] : memref<8x128xi32, #tpu.memory_space<vmem>> -> memref<1x128xi32, #tpu.memory_space<vmem>>
    %dma_start3A_557 = tpu.memref_squeeze %dma_start3A_556 : memref<1x128xi32, #tpu.memory_space<vmem>> -> memref<128xi32, #tpu.memory_space<vmem>>
    %dma_start3A_558 = arith.constant 0 : i32
    %dma_start3A_559 = arith.constant 0 : i32
    %dma_start3A_560 = tpu.memref_slice %arg2[%dma_start3A_558, %dma_start3A_559] : memref<10000x128xf32, #tpu.memory_space<hbm>> -> memref<10000x128xf32, #tpu.memory_space<hbm>>
    tpu.enqueue_indirect_dma source(%dma_start3A_560 : memref<10000x128xf32, #tpu.memory_space<hbm>>) target(%dma_start3A_554 : memref<128x128xf32, #tpu.memory_space<vmem>>) offsets(%dma_start3A_557 : memref<128xi32, #tpu.memory_space<vmem>>) semaphore(%arg15 : memref<!tpu.dma_semaphore, #tpu.memory_space<semaphore_mem>>)
    %dma_start3A_561 = arith.constant 3 : i32
    %dma_start3A_562 = arith.constant 3 : i32
    %dma_start3A_563 = arith.constant 0 : i32
    %dma_start3A_564 = arith.constant 0 : i32
    %dma_start3A_565 = tpu.memref_slice %arg9[%dma_start3A_562, %dma_start3A_563, %dma_start3A_564] : memref<4x128x128xf32, #tpu.memory_space<vmem>> -> memref<1x128x128xf32, #tpu.memory_space<vmem>>
    %dma_start3A_566 = tpu.memref_squeeze %dma_start3A_565 : memref<1x128x128xf32, #tpu.memory_space<vmem>> -> memref<128x128xf32, #tpu.memory_space<vmem>>
    %dma_start3A_567 = arith.constant 0 : i32
    %dma_start3A_568 = tpu.memref_slice %arg7[%dma_start3A_561, %dma_start3A_567] : memref<8x128xi32, #tpu.memory_space<vmem>> -> memref<1x128xi32, #tpu.memory_space<vmem>>
    %dma_start3A_569 = tpu.memref_squeeze %dma_start3A_568 : memref<1x128xi32, #tpu.memory_space<vmem>> -> memref<128xi32, #tpu.memory_space<vmem>>
    %dma_start3A_570 = arith.constant 0 : i32
    %dma_start3A_571 = arith.constant 0 : i32
    %dma_start3A_572 = tpu.memref_slice %arg2[%dma_start3A_570, %dma_start3A_571] : memref<10000x128xf32, #tpu.memory_space<hbm>> -> memref<10000x128xf32, #tpu.memory_space<hbm>>
    tpu.enqueue_indirect_dma source(%dma_start3A_572 : memref<10000x128xf32, #tpu.memory_space<hbm>>) target(%dma_start3A_566 : memref<128x128xf32, #tpu.memory_space<vmem>>) offsets(%dma_start3A_569 : memref<128xi32, #tpu.memory_space<vmem>>) semaphore(%arg16 : memref<!tpu.dma_semaphore, #tpu.memory_space<semaphore_mem>>)
    %scan3A_573 = arith.constant 0 : i32
    %scan3A_574 = arith.constant 10 : i32
    %scan3A_575 = arith.addi %scan3A_573, %scan3A_574 : i32
    %scan3A_576 = arith.constant 1 : i32
    scf.for %scan3A_579 = %scan3A_573 to %scan3A_575 step %scan3A_576  : i32 {
      %scan3A_580 = arith.constant 0 : i32
      %mul3A_581 = arith.constant 4 : i32
      %mul3A_582 = arith.muli %scan3A_580, %mul3A_581 : i32
      %add3A_583 = arith.constant 0 : i32
      %add3A_584 = arith.addi %mul3A_582, %add3A_583 : i32
      %dma_wait3A = arith.constant 0 : i32
      %dma_wait3A_585 = arith.constant 0 : i32
      %dma_wait3A_586 = arith.constant 0 : i32
      %dma_wait3A_587 = tpu.memref_slice %arg9[%dma_wait3A, %dma_wait3A_585, %dma_wait3A_586] : memref<4x128x128xf32, #tpu.memory_space<vmem>> -> memref<1x128x128xf32, #tpu.memory_space<vmem>>
      %dma_wait3A_588 = tpu.memref_squeeze %dma_wait3A_587 : memref<1x128x128xf32, #tpu.memory_space<vmem>> -> memref<128x128xf32, #tpu.memory_space<vmem>>
      %dma_wait3A_589 = arith.constant 0 : i32
      %dma_wait3A_590 = tpu.memref_slice %arg7[%add3A_584, %dma_wait3A_589] : memref<8x128xi32, #tpu.memory_space<vmem>> -> memref<1x128xi32, #tpu.memory_space<vmem>>
      %dma_wait3A_591 = tpu.memref_squeeze %dma_wait3A_590 : memref<1x128xi32, #tpu.memory_space<vmem>> -> memref<128xi32, #tpu.memory_space<vmem>>
      %dma_wait3A_592 = arith.constant 0 : i32
      %dma_wait3A_593 = arith.constant 0 : i32
      %dma_wait3A_594 = tpu.memref_slice %arg2[%dma_wait3A_592, %dma_wait3A_593] : memref<10000x128xf32, #tpu.memory_space<hbm>> -> memref<10000x128xf32, #tpu.memory_space<hbm>>
      tpu.wait_indirect_dma semaphore(%arg13 : memref<!tpu.dma_semaphore, #tpu.memory_space<semaphore_mem>>) src(%dma_wait3A_594 : memref<10000x128xf32, #tpu.memory_space<hbm>>) dst(%dma_wait3A_588 : memref<128x128xf32, #tpu.memory_space<vmem>>)
      %run_scoped3A = arith.constant 0 : i32
      "tpu.region"() ({
        %run_scoped3A_979 = tpu.sem_alloc : memref<!tpu.dma_semaphore, #tpu.memory_space<semaphore_mem>>
        %dma_start3A_980 = arith.constant 0 : i32
        %dma_start3A_981 = arith.constant 0 : i32
        %dma_start3A_982 = tpu.memref_slice %arg9[%run_scoped3A, %dma_start3A_980, %dma_start3A_981] : memref<4x128x128xf32, #tpu.memory_space<vmem>> -> memref<1x128x128xf32, #tpu.memory_space<vmem>>
        %dma_start3A_983 = tpu.memref_squeeze %dma_start3A_982 : memref<1x128x128xf32, #tpu.memory_space<vmem>> -> memref<128x128xf32, #tpu.memory_space<vmem>>
        %dma_start3A_984 = arith.constant 0 : i32
        %dma_start3A_985 = tpu.memref_slice %arg8[%add3A_584, %dma_start3A_984] : memref<8x128xi32, #tpu.memory_space<vmem>> -> memref<1x128xi32, #tpu.memory_space<vmem>>
        %dma_start3A_986 = tpu.memref_squeeze %dma_start3A_985 : memref<1x128xi32, #tpu.memory_space<vmem>> -> memref<128xi32, #tpu.memory_space<vmem>>
        %dma_start3A_987 = arith.constant 0 : i32
        %dma_start3A_988 = arith.constant 0 : i32
        %dma_start3A_989 = tpu.memref_slice %arg12[%dma_start3A_987, %dma_start3A_988] : memref<2048x128xf32, #tpu.memory_space<vmem_shared>> -> memref<2048x128xf32, #tpu.memory_space<vmem_shared>>
        tpu.enqueue_indirect_dma source(%dma_start3A_983 : memref<128x128xf32, #tpu.memory_space<vmem>>) target(%dma_start3A_989 : memref<2048x128xf32, #tpu.memory_space<vmem_shared>>) offsets(%dma_start3A_986 : memref<128xi32, #tpu.memory_space<vmem>>) semaphore(%run_scoped3A_979 : memref<!tpu.dma_semaphore, #tpu.memory_space<semaphore_mem>>) {add = true}
        %dma_wait3A_990 = arith.constant 0 : i32
        %dma_wait3A_991 = arith.constant 0 : i32
        %dma_wait3A_992 = tpu.memref_slice %arg9[%run_scoped3A, %dma_wait3A_990, %dma_wait3A_991] : memref<4x128x128xf32, #tpu.memory_space<vmem>> -> memref<1x128x128xf32, #tpu.memory_space<vmem>>
        %dma_wait3A_993 = tpu.memref_squeeze %dma_wait3A_992 : memref<1x128x128xf32, #tpu.memory_space<vmem>> -> memref<128x128xf32, #tpu.memory_space<vmem>>
        %dma_wait3A_994 = arith.constant 0 : i32
        %dma_wait3A_995 = tpu.memref_slice %arg8[%add3A_584, %dma_wait3A_994] : memref<8x128xi32, #tpu.memory_space<vmem>> -> memref<1x128xi32, #tpu.memory_space<vmem>>
        %dma_wait3A_996 = tpu.memref_squeeze %dma_wait3A_995 : memref<1x128xi32, #tpu.memory_space<vmem>> -> memref<128xi32, #tpu.memory_space<vmem>>
        %dma_wait3A_997 = arith.constant 0 : i32
        %dma_wait3A_998 = arith.constant 0 : i32
        %dma_wait3A_999 = tpu.memref_slice %arg12[%dma_wait3A_997, %dma_wait3A_998] : memref<2048x128xf32, #tpu.memory_space<vmem_shared>> -> memref<2048x128xf32, #tpu.memory_space<vmem_shared>>
        tpu.wait_indirect_dma semaphore(%run_scoped3A_979 : memref<!tpu.dma_semaphore, #tpu.memory_space<semaphore_mem>>) src(%dma_wait3A_993 : memref<128x128xf32, #tpu.memory_space<vmem>>) dst(%dma_wait3A_999 : memref<2048x128xf32, #tpu.memory_space<vmem_shared>>)
        tpu.yield
      }) : () -> ()
      %get3A = arith.index_cast %add3A_584 : i32 to index
      %get3A_595 = arith.constant 0 : index
      %get3A_596 = tpu.vector_load %arg8[%get3A, %get3A_595] {strides = array<i32>} : memref<8x128xi32, #tpu.memory_space<vmem>>, vector<16xi32>,
      tpu.vector_store_idx %arg11[%get3A_596], %broadcast_in_dim3A_5 {add = true} : memref<10240xf32, #tpu.memory_space<vmem>>[vector<16xi32>], vector<16xf32>,
      %get3A_597 = arith.index_cast %add3A_584 : i32 to index
      %get3A_598 = arith.constant 16 : index
      %get3A_599 = tpu.vector_load %arg8[%get3A_597, %get3A_598] {strides = array<i32>} : memref<8x128xi32, #tpu.memory_space<vmem>>, vector<16xi32>,
      tpu.vector_store_idx %arg11[%get3A_599], %broadcast_in_dim3A_5 {add = true} : memref<10240xf32, #tpu.memory_space<vmem>>[vector<16xi32>], vector<16xf32>,
      %get3A_600 = arith.index_cast %add3A_584 : i32 to index
      %get3A_601 = arith.constant 32 : index
      %get3A_602 = tpu.vector_load %arg8[%get3A_600, %get3A_601] {strides = array<i32>} : memref<8x128xi32, #tpu.memory_space<vmem>>, vector<16xi32>,
      tpu.vector_store_idx %arg11[%get3A_602], %broadcast_in_dim3A_5 {add = true} : memref<10240xf32, #tpu.memory_space<vmem>>[vector<16xi32>], vector<16xf32>,
      %get3A_603 = arith.index_cast %add3A_584 : i32 to index
      %get3A_604 = arith.constant 48 : index
      %get3A_605 = tpu.vector_load %arg8[%get3A_603, %get3A_604] {strides = array<i32>} : memref<8x128xi32, #tpu.memory_space<vmem>>, vector<16xi32>,
      tpu.vector_store_idx %arg11[%get3A_605], %broadcast_in_dim3A_5 {add = true} : memref<10240xf32, #tpu.memory_space<vmem>>[vector<16xi32>], vector<16xf32>,
      %get3A_606 = arith.index_cast %add3A_584 : i32 to index
      %get3A_607 = arith.constant 64 : index
      %get3A_608 = tpu.vector_load %arg8[%get3A_606, %get3A_607] {strides = array<i32>} : memref<8x128xi32, #tpu.memory_space<vmem>>, vector<16xi32>,
      tpu.vector_store_idx %arg11[%get3A_608], %broadcast_in_dim3A_5 {add = true} : memref<10240xf32, #tpu.memory_space<vmem>>[vector<16xi32>], vector<16xf32>,
      %get3A_609 = arith.index_cast %add3A_584 : i32 to index
      %get3A_610 = arith.constant 80 : index
      %get3A_611 = tpu.vector_load %arg8[%get3A_609, %get3A_610] {strides = array<i32>} : memref<8x128xi32, #tpu.memory_space<vmem>>, vector<16xi32>,
      tpu.vector_store_idx %arg11[%get3A_611], %broadcast_in_dim3A_5 {add = true} : memref<10240xf32, #tpu.memory_space<vmem>>[vector<16xi32>], vector<16xf32>,
      %get3A_612 = arith.index_cast %add3A_584 : i32 to index
      %get3A_613 = arith.constant 96 : index
      %get3A_614 = tpu.vector_load %arg8[%get3A_612, %get3A_613] {strides = array<i32>} : memref<8x128xi32, #tpu.memory_space<vmem>>, vector<16xi32>,
      tpu.vector_store_idx %arg11[%get3A_614], %broadcast_in_dim3A_5 {add = true} : memref<10240xf32, #tpu.memory_space<vmem>>[vector<16xi32>], vector<16xf32>,
      %get3A_615 = arith.index_cast %add3A_584 : i32 to index
      %get3A_616 = arith.constant 112 : index
      %get3A_617 = tpu.vector_load %arg8[%get3A_615, %get3A_616] {strides = array<i32>} : memref<8x128xi32, #tpu.memory_space<vmem>>, vector<16xi32>,
      tpu.vector_store_idx %arg11[%get3A_617], %broadcast_in_dim3A_5 {add = true} : memref<10240xf32, #tpu.memory_space<vmem>>[vector<16xi32>], vector<16xf32>,
      %add3A_618 = arith.constant 4 : i32
      %add3A_619 = arith.addi %add3A_584, %add3A_618 : i32
      %dma_start3A_620 = arith.constant 0 : i32
      %dma_start3A_621 = arith.constant 0 : i32
      %dma_start3A_622 = arith.constant 0 : i32
      %dma_start3A_623 = tpu.memref_slice %arg9[%dma_start3A_620, %dma_start3A_621, %dma_start3A_622] : memref<4x128x128xf32, #tpu.memory_space<vmem>> -> memref<1x128x128xf32, #tpu.memory_space<vmem>>
      %dma_start3A_624 = tpu.memref_squeeze %dma_start3A_623 : memref<1x128x128xf32, #tpu.memory_space<vmem>> -> memref<128x128xf32, #tpu.memory_space<vmem>>
      %dma_start3A_625 = arith.constant 0 : i32
      %dma_start3A_626 = tpu.memref_slice %arg7[%add3A_619, %dma_start3A_625] : memref<8x128xi32, #tpu.memory_space<vmem>> -> memref<1x128xi32, #tpu.memory_space<vmem>>
      %dma_start3A_627 = tpu.memref_squeeze %dma_start3A_626 : memref<1x128xi32, #tpu.memory_space<vmem>> -> memref<128xi32, #tpu.memory_space<vmem>>
      %dma_start3A_628 = arith.constant 0 : i32
      %dma_start3A_629 = arith.constant 0 : i32
      %dma_start3A_630 = tpu.memref_slice %arg2[%dma_start3A_628, %dma_start3A_629] : memref<10000x128xf32, #tpu.memory_space<hbm>> -> memref<10000x128xf32, #tpu.memory_space<hbm>>
      tpu.enqueue_indirect_dma source(%dma_start3A_630 : memref<10000x128xf32, #tpu.memory_space<hbm>>) target(%dma_start3A_624 : memref<128x128xf32, #tpu.memory_space<vmem>>) offsets(%dma_start3A_627 : memref<128xi32, #tpu.memory_space<vmem>>) semaphore(%arg13 : memref<!tpu.dma_semaphore, #tpu.memory_space<semaphore_mem>>)
      %mul3A_631 = arith.constant 4 : i32
      %mul3A_632 = arith.muli %scan3A_580, %mul3A_631 : i32
      %add3A_633 = arith.constant 1 : i32
      %add3A_634 = arith.addi %mul3A_632, %add3A_633 : i32
      %dma_wait3A_635 = arith.constant 1 : i32
      %dma_wait3A_636 = arith.constant 0 : i32
      %dma_wait3A_637 = arith.constant 0 : i32
      %dma_wait3A_638 = tpu.memref_slice %arg9[%dma_wait3A_635, %dma_wait3A_636, %dma_wait3A_637] : memref<4x128x128xf32, #tpu.memory_space<vmem>> -> memref<1x128x128xf32, #tpu.memory_space<vmem>>
      %dma_wait3A_639 = tpu.memref_squeeze %dma_wait3A_638 : memref<1x128x128xf32, #tpu.memory_space<vmem>> -> memref<128x128xf32, #tpu.memory_space<vmem>>
      %dma_wait3A_640 = arith.constant 0 : i32
      %dma_wait3A_641 = tpu.memref_slice %arg7[%add3A_634, %dma_wait3A_640] : memref<8x128xi32, #tpu.memory_space<vmem>> -> memref<1x128xi32, #tpu.memory_space<vmem>>
      %dma_wait3A_642 = tpu.memref_squeeze %dma_wait3A_641 : memref<1x128xi32, #tpu.memory_space<vmem>> -> memref<128xi32, #tpu.memory_space<vmem>>
      %dma_wait3A_643 = arith.constant 0 : i32
      %dma_wait3A_644 = arith.constant 0 : i32
      %dma_wait3A_645 = tpu.memref_slice %arg2[%dma_wait3A_643, %dma_wait3A_644] : memref<10000x128xf32, #tpu.memory_space<hbm>> -> memref<10000x128xf32, #tpu.memory_space<hbm>>
      tpu.wait_indirect_dma semaphore(%arg14 : memref<!tpu.dma_semaphore, #tpu.memory_space<semaphore_mem>>) src(%dma_wait3A_645 : memref<10000x128xf32, #tpu.memory_space<hbm>>) dst(%dma_wait3A_639 : memref<128x128xf32, #tpu.memory_space<vmem>>)
      %run_scoped3A_646 = arith.constant 1 : i32
      "tpu.region"() ({
        %run_scoped3A_979 = tpu.sem_alloc : memref<!tpu.dma_semaphore, #tpu.memory_space<semaphore_mem>>
        %dma_start3A_980 = arith.constant 0 : i32
        %dma_start3A_981 = arith.constant 0 : i32
        %dma_start3A_982 = tpu.memref_slice %arg9[%run_scoped3A_646, %dma_start3A_980, %dma_start3A_981] : memref<4x128x128xf32, #tpu.memory_space<vmem>> -> memref<1x128x128xf32, #tpu.memory_space<vmem>>
        %dma_start3A_983 = tpu.memref_squeeze %dma_start3A_982 : memref<1x128x128xf32, #tpu.memory_space<vmem>> -> memref<128x128xf32, #tpu.memory_space<vmem>>
        %dma_start3A_984 = arith.constant 0 : i32
        %dma_start3A_985 = tpu.memref_slice %arg8[%add3A_634, %dma_start3A_984] : memref<8x128xi32, #tpu.memory_space<vmem>> -> memref<1x128xi32, #tpu.memory_space<vmem>>
        %dma_start3A_986 = tpu.memref_squeeze %dma_start3A_985 : memref<1x128xi32, #tpu.memory_space<vmem>> -> memref<128xi32, #tpu.memory_space<vmem>>
        %dma_start3A_987 = arith.constant 0 : i32
        %dma_start3A_988 = arith.constant 0 : i32
        %dma_start3A_989 = tpu.memref_slice %arg12[%dma_start3A_987, %dma_start3A_988] : memref<2048x128xf32, #tpu.memory_space<vmem_shared>> -> memref<2048x128xf32, #tpu.memory_space<vmem_shared>>
        tpu.enqueue_indirect_dma source(%dma_start3A_983 : memref<128x128xf32, #tpu.memory_space<vmem>>) target(%dma_start3A_989 : memref<2048x128xf32, #tpu.memory_space<vmem_shared>>) offsets(%dma_start3A_986 : memref<128xi32, #tpu.memory_space<vmem>>) semaphore(%run_scoped3A_979 : memref<!tpu.dma_semaphore, #tpu.memory_space<semaphore_mem>>) {add = true}
        %dma_wait3A_990 = arith.constant 0 : i32
        %dma_wait3A_991 = arith.constant 0 : i32
        %dma_wait3A_992 = tpu.memref_slice %arg9[%run_scoped3A_646, %dma_wait3A_990, %dma_wait3A_991] : memref<4x128x128xf32, #tpu.memory_space<vmem>> -> memref<1x128x128xf32, #tpu.memory_space<vmem>>
        %dma_wait3A_993 = tpu.memref_squeeze %dma_wait3A_992 : memref<1x128x128xf32, #tpu.memory_space<vmem>> -> memref<128x128xf32, #tpu.memory_space<vmem>>
        %dma_wait3A_994 = arith.constant 0 : i32
        %dma_wait3A_995 = tpu.memref_slice %arg8[%add3A_634, %dma_wait3A_994] : memref<8x128xi32, #tpu.memory_space<vmem>> -> memref<1x128xi32, #tpu.memory_space<vmem>>
        %dma_wait3A_996 = tpu.memref_squeeze %dma_wait3A_995 : memref<1x128xi32, #tpu.memory_space<vmem>> -> memref<128xi32, #tpu.memory_space<vmem>>
        %dma_wait3A_997 = arith.constant 0 : i32
        %dma_wait3A_998 = arith.constant 0 : i32
        %dma_wait3A_999 = tpu.memref_slice %arg12[%dma_wait3A_997, %dma_wait3A_998] : memref<2048x128xf32, #tpu.memory_space<vmem_shared>> -> memref<2048x128xf32, #tpu.memory_space<vmem_shared>>
        tpu.wait_indirect_dma semaphore(%run_scoped3A_979 : memref<!tpu.dma_semaphore, #tpu.memory_space<semaphore_mem>>) src(%dma_wait3A_993 : memref<128x128xf32, #tpu.memory_space<vmem>>) dst(%dma_wait3A_999 : memref<2048x128xf32, #tpu.memory_space<vmem_shared>>)
        tpu.yield
      }) : () -> ()
      %get3A_647 = arith.index_cast %add3A_634 : i32 to index
      %get3A_648 = arith.constant 0 : index
      %get3A_649 = tpu.vector_load %arg8[%get3A_647, %get3A_648] {strides = array<i32>} : memref<8x128xi32, #tpu.memory_space<vmem>>, vector<16xi32>,
      tpu.vector_store_idx %arg11[%get3A_649], %broadcast_in_dim3A_5 {add = true} : memref<10240xf32, #tpu.memory_space<vmem>>[vector<16xi32>], vector<16xf32>,
      %get3A_650 = arith.index_cast %add3A_634 : i32 to index
      %get3A_651 = arith.constant 16 : index
      %get3A_652 = tpu.vector_load %arg8[%get3A_650, %get3A_651] {strides = array<i32>} : memref<8x128xi32, #tpu.memory_space<vmem>>, vector<16xi32>,
      tpu.vector_store_idx %arg11[%get3A_652], %broadcast_in_dim3A_5 {add = true} : memref<10240xf32, #tpu.memory_space<vmem>>[vector<16xi32>], vector<16xf32>,
      %get3A_653 = arith.index_cast %add3A_634 : i32 to index
      %get3A_654 = arith.constant 32 : index
      %get3A_655 = tpu.vector_load %arg8[%get3A_653, %get3A_654] {strides = array<i32>} : memref<8x128xi32, #tpu.memory_space<vmem>>, vector<16xi32>,
      tpu.vector_store_idx %arg11[%get3A_655], %broadcast_in_dim3A_5 {add = true} : memref<10240xf32, #tpu.memory_space<vmem>>[vector<16xi32>], vector<16xf32>,
      %get3A_656 = arith.index_cast %add3A_634 : i32 to index
      %get3A_657 = arith.constant 48 : index
      %get3A_658 = tpu.vector_load %arg8[%get3A_656, %get3A_657] {strides = array<i32>} : memref<8x128xi32, #tpu.memory_space<vmem>>, vector<16xi32>,
      tpu.vector_store_idx %arg11[%get3A_658], %broadcast_in_dim3A_5 {add = true} : memref<10240xf32, #tpu.memory_space<vmem>>[vector<16xi32>], vector<16xf32>,
      %get3A_659 = arith.index_cast %add3A_634 : i32 to index
      %get3A_660 = arith.constant 64 : index
      %get3A_661 = tpu.vector_load %arg8[%get3A_659, %get3A_660] {strides = array<i32>} : memref<8x128xi32, #tpu.memory_space<vmem>>, vector<16xi32>,
      tpu.vector_store_idx %arg11[%get3A_661], %broadcast_in_dim3A_5 {add = true} : memref<10240xf32, #tpu.memory_space<vmem>>[vector<16xi32>], vector<16xf32>,
      %get3A_662 = arith.index_cast %add3A_634 : i32 to index
      %get3A_663 = arith.constant 80 : index
      %get3A_664 = tpu.vector_load %arg8[%get3A_662, %get3A_663] {strides = array<i32>} : memref<8x128xi32, #tpu.memory_space<vmem>>, vector<16xi32>,
      tpu.vector_store_idx %arg11[%get3A_664], %broadcast_in_dim3A_5 {add = true} : memref<10240xf32, #tpu.memory_space<vmem>>[vector<16xi32>], vector<16xf32>,
      %get3A_665 = arith.index_cast %add3A_634 : i32 to index
      %get3A_666 = arith.constant 96 : index
      %get3A_667 = tpu.vector_load %arg8[%get3A_665, %get3A_666] {strides = array<i32>} : memref<8x128xi32, #tpu.memory_space<vmem>>, vector<16xi32>,
      tpu.vector_store_idx %arg11[%get3A_667], %broadcast_in_dim3A_5 {add = true} : memref<10240xf32, #tpu.memory_space<vmem>>[vector<16xi32>], vector<16xf32>,
      %get3A_668 = arith.index_cast %add3A_634 : i32 to index
      %get3A_669 = arith.constant 112 : index
      %get3A_670 = tpu.vector_load %arg8[%get3A_668, %get3A_669] {strides = array<i32>} : memref<8x128xi32, #tpu.memory_space<vmem>>, vector<16xi32>,
      tpu.vector_store_idx %arg11[%get3A_670], %broadcast_in_dim3A_5 {add = true} : memref<10240xf32, #tpu.memory_space<vmem>>[vector<16xi32>], vector<16xf32>,
      %add3A_671 = arith.constant 4 : i32
      %add3A_672 = arith.addi %add3A_634, %add3A_671 : i32
      %dma_start3A_673 = arith.constant 1 : i32
      %dma_start3A_674 = arith.constant 0 : i32
      %dma_start3A_675 = arith.constant 0 : i32
      %dma_start3A_676 = tpu.memref_slice %arg9[%dma_start3A_673, %dma_start3A_674, %dma_start3A_675] : memref<4x128x128xf32, #tpu.memory_space<vmem>> -> memref<1x128x128xf32, #tpu.memory_space<vmem>>
      %dma_start3A_677 = tpu.memref_squeeze %dma_start3A_676 : memref<1x128x128xf32, #tpu.memory_space<vmem>> -> memref<128x128xf32, #tpu.memory_space<vmem>>
      %dma_start3A_678 = arith.constant 0 : i32
      %dma_start3A_679 = tpu.memref_slice %arg7[%add3A_672, %dma_start3A_678] : memref<8x128xi32, #tpu.memory_space<vmem>> -> memref<1x128xi32, #tpu.memory_space<vmem>>
      %dma_start3A_680 = tpu.memref_squeeze %dma_start3A_679 : memref<1x128xi32, #tpu.memory_space<vmem>> -> memref<128xi32, #tpu.memory_space<vmem>>
      %dma_start3A_681 = arith.constant 0 : i32
      %dma_start3A_682 = arith.constant 0 : i32
      %dma_start3A_683 = tpu.memref_slice %arg2[%dma_start3A_681, %dma_start3A_682] : memref<10000x128xf32, #tpu.memory_space<hbm>> -> memref<10000x128xf32, #tpu.memory_space<hbm>>
      tpu.enqueue_indirect_dma source(%dma_start3A_683 : memref<10000x128xf32, #tpu.memory_space<hbm>>) target(%dma_start3A_677 : memref<128x128xf32, #tpu.memory_space<vmem>>) offsets(%dma_start3A_680 : memref<128xi32, #tpu.memory_space<vmem>>) semaphore(%arg14 : memref<!tpu.dma_semaphore, #tpu.memory_space<semaphore_mem>>)
      %mul3A_684 = arith.constant 4 : i32
      %mul3A_685 = arith.muli %scan3A_580, %mul3A_684 : i32
      %add3A_686 = arith.constant 2 : i32
      %add3A_687 = arith.addi %mul3A_685, %add3A_686 : i32
      %dma_wait3A_688 = arith.constant 2 : i32
      %dma_wait3A_689 = arith.constant 0 : i32
      %dma_wait3A_690 = arith.constant 0 : i32
      %dma_wait3A_691 = tpu.memref_slice %arg9[%dma_wait3A_688, %dma_wait3A_689, %dma_wait3A_690] : memref<4x128x128xf32, #tpu.memory_space<vmem>> -> memref<1x128x128xf32, #tpu.memory_space<vmem>>
      %dma_wait3A_692 = tpu.memref_squeeze %dma_wait3A_691 : memref<1x128x128xf32, #tpu.memory_space<vmem>> -> memref<128x128xf32, #tpu.memory_space<vmem>>
      %dma_wait3A_693 = arith.constant 0 : i32
      %dma_wait3A_694 = tpu.memref_slice %arg7[%add3A_687, %dma_wait3A_693] : memref<8x128xi32, #tpu.memory_space<vmem>> -> memref<1x128xi32, #tpu.memory_space<vmem>>
      %dma_wait3A_695 = tpu.memref_squeeze %dma_wait3A_694 : memref<1x128xi32, #tpu.memory_space<vmem>> -> memref<128xi32, #tpu.memory_space<vmem>>
      %dma_wait3A_696 = arith.constant 0 : i32
      %dma_wait3A_697 = arith.constant 0 : i32
      %dma_wait3A_698 = tpu.memref_slice %arg2[%dma_wait3A_696, %dma_wait3A_697] : memref<10000x128xf32, #tpu.memory_space<hbm>> -> memref<10000x128xf32, #tpu.memory_space<hbm>>
      tpu.wait_indirect_dma semaphore(%arg15 : memref<!tpu.dma_semaphore, #tpu.memory_space<semaphore_mem>>) src(%dma_wait3A_698 : memref<10000x128xf32, #tpu.memory_space<hbm>>) dst(%dma_wait3A_692 : memref<128x128xf32, #tpu.memory_space<vmem>>)
      %run_scoped3A_699 = arith.constant 2 : i32
      "tpu.region"() ({
        %run_scoped3A_979 = tpu.sem_alloc : memref<!tpu.dma_semaphore, #tpu.memory_space<semaphore_mem>>
        %dma_start3A_980 = arith.constant 0 : i32
        %dma_start3A_981 = arith.constant 0 : i32
        %dma_start3A_982 = tpu.memref_slice %arg9[%run_scoped3A_699, %dma_start3A_980, %dma_start3A_981] : memref<4x128x128xf32, #tpu.memory_space<vmem>> -> memref<1x128x128xf32, #tpu.memory_space<vmem>>
        %dma_start3A_983 = tpu.memref_squeeze %dma_start3A_982 : memref<1x128x128xf32, #tpu.memory_space<vmem>> -> memref<128x128xf32, #tpu.memory_space<vmem>>
        %dma_start3A_984 = arith.constant 0 : i32
        %dma_start3A_985 = tpu.memref_slice %arg8[%add3A_687, %dma_start3A_984] : memref<8x128xi32, #tpu.memory_space<vmem>> -> memref<1x128xi32, #tpu.memory_space<vmem>>
        %dma_start3A_986 = tpu.memref_squeeze %dma_start3A_985 : memref<1x128xi32, #tpu.memory_space<vmem>> -> memref<128xi32, #tpu.memory_space<vmem>>
        %dma_start3A_987 = arith.constant 0 : i32
        %dma_start3A_988 = arith.constant 0 : i32
        %dma_start3A_989 = tpu.memref_slice %arg12[%dma_start3A_987, %dma_start3A_988] : memref<2048x128xf32, #tpu.memory_space<vmem_shared>> -> memref<2048x128xf32, #tpu.memory_space<vmem_shared>>
        tpu.enqueue_indirect_dma source(%dma_start3A_983 : memref<128x128xf32, #tpu.memory_space<vmem>>) target(%dma_start3A_989 : memref<2048x128xf32, #tpu.memory_space<vmem_shared>>) offsets(%dma_start3A_986 : memref<128xi32, #tpu.memory_space<vmem>>) semaphore(%run_scoped3A_979 : memref<!tpu.dma_semaphore, #tpu.memory_space<semaphore_mem>>) {add = true}
        %dma_wait3A_990 = arith.constant 0 : i32
        %dma_wait3A_991 = arith.constant 0 : i32
        %dma_wait3A_992 = tpu.memref_slice %arg9[%run_scoped3A_699, %dma_wait3A_990, %dma_wait3A_991] : memref<4x128x128xf32, #tpu.memory_space<vmem>> -> memref<1x128x128xf32, #tpu.memory_space<vmem>>
        %dma_wait3A_993 = tpu.memref_squeeze %dma_wait3A_992 : memref<1x128x128xf32, #tpu.memory_space<vmem>> -> memref<128x128xf32, #tpu.memory_space<vmem>>
        %dma_wait3A_994 = arith.constant 0 : i32
        %dma_wait3A_995 = tpu.memref_slice %arg8[%add3A_687, %dma_wait3A_994] : memref<8x128xi32, #tpu.memory_space<vmem>> -> memref<1x128xi32, #tpu.memory_space<vmem>>
        %dma_wait3A_996 = tpu.memref_squeeze %dma_wait3A_995 : memref<1x128xi32, #tpu.memory_space<vmem>> -> memref<128xi32, #tpu.memory_space<vmem>>
        %dma_wait3A_997 = arith.constant 0 : i32
        %dma_wait3A_998 = arith.constant 0 : i32
        %dma_wait3A_999 = tpu.memref_slice %arg12[%dma_wait3A_997, %dma_wait3A_998] : memref<2048x128xf32, #tpu.memory_space<vmem_shared>> -> memref<2048x128xf32, #tpu.memory_space<vmem_shared>>
        tpu.wait_indirect_dma semaphore(%run_scoped3A_979 : memref<!tpu.dma_semaphore, #tpu.memory_space<semaphore_mem>>) src(%dma_wait3A_993 : memref<128x128xf32, #tpu.memory_space<vmem>>) dst(%dma_wait3A_999 : memref<2048x128xf32, #tpu.memory_space<vmem_shared>>)
        tpu.yield
      }) : () -> ()
      %get3A_700 = arith.index_cast %add3A_687 : i32 to index
      %get3A_701 = arith.constant 0 : index
      %get3A_702 = tpu.vector_load %arg8[%get3A_700, %get3A_701] {strides = array<i32>} : memref<8x128xi32, #tpu.memory_space<vmem>>, vector<16xi32>,
      tpu.vector_store_idx %arg11[%get3A_702], %broadcast_in_dim3A_5 {add = true} : memref<10240xf32, #tpu.memory_space<vmem>>[vector<16xi32>], vector<16xf32>,
      %get3A_703 = arith.index_cast %add3A_687 : i32 to index
      %get3A_704 = arith.constant 16 : index
      %get3A_705 = tpu.vector_load %arg8[%get3A_703, %get3A_704] {strides = array<i32>} : memref<8x128xi32, #tpu.memory_space<vmem>>, vector<16xi32>,
      tpu.vector_store_idx %arg11[%get3A_705], %broadcast_in_dim3A_5 {add = true} : memref<10240xf32, #tpu.memory_space<vmem>>[vector<16xi32>], vector<16xf32>,
      %get3A_706 = arith.index_cast %add3A_687 : i32 to index
      %get3A_707 = arith.constant 32 : index
      %get3A_708 = tpu.vector_load %arg8[%get3A_706, %get3A_707] {strides = array<i32>} : memref<8x128xi32, #tpu.memory_space<vmem>>, vector<16xi32>,
      tpu.vector_store_idx %arg11[%get3A_708], %broadcast_in_dim3A_5 {add = true} : memref<10240xf32, #tpu.memory_space<vmem>>[vector<16xi32>], vector<16xf32>,
      %get3A_709 = arith.index_cast %add3A_687 : i32 to index
      %get3A_710 = arith.constant 48 : index
      %get3A_711 = tpu.vector_load %arg8[%get3A_709, %get3A_710] {strides = array<i32>} : memref<8x128xi32, #tpu.memory_space<vmem>>, vector<16xi32>,
      tpu.vector_store_idx %arg11[%get3A_711], %broadcast_in_dim3A_5 {add = true} : memref<10240xf32, #tpu.memory_space<vmem>>[vector<16xi32>], vector<16xf32>,
      %get3A_712 = arith.index_cast %add3A_687 : i32 to index
      %get3A_713 = arith.constant 64 : index
      %get3A_714 = tpu.vector_load %arg8[%get3A_712, %get3A_713] {strides = array<i32>} : memref<8x128xi32, #tpu.memory_space<vmem>>, vector<16xi32>,
      tpu.vector_store_idx %arg11[%get3A_714], %broadcast_in_dim3A_5 {add = true} : memref<10240xf32, #tpu.memory_space<vmem>>[vector<16xi32>], vector<16xf32>,
      %get3A_715 = arith.index_cast %add3A_687 : i32 to index
      %get3A_716 = arith.constant 80 : index
      %get3A_717 = tpu.vector_load %arg8[%get3A_715, %get3A_716] {strides = array<i32>} : memref<8x128xi32, #tpu.memory_space<vmem>>, vector<16xi32>,
      tpu.vector_store_idx %arg11[%get3A_717], %broadcast_in_dim3A_5 {add = true} : memref<10240xf32, #tpu.memory_space<vmem>>[vector<16xi32>], vector<16xf32>,
      %get3A_718 = arith.index_cast %add3A_687 : i32 to index
      %get3A_719 = arith.constant 96 : index
      %get3A_720 = tpu.vector_load %arg8[%get3A_718, %get3A_719] {strides = array<i32>} : memref<8x128xi32, #tpu.memory_space<vmem>>, vector<16xi32>,
      tpu.vector_store_idx %arg11[%get3A_720], %broadcast_in_dim3A_5 {add = true} : memref<10240xf32, #tpu.memory_space<vmem>>[vector<16xi32>], vector<16xf32>,
      %get3A_721 = arith.index_cast %add3A_687 : i32 to index
      %get3A_722 = arith.constant 112 : index
      %get3A_723 = tpu.vector_load %arg8[%get3A_721, %get3A_722] {strides = array<i32>} : memref<8x128xi32, #tpu.memory_space<vmem>>, vector<16xi32>,
      tpu.vector_store_idx %arg11[%get3A_723], %broadcast_in_dim3A_5 {add = true} : memref<10240xf32, #tpu.memory_space<vmem>>[vector<16xi32>], vector<16xf32>,
      %add3A_724 = arith.constant 4 : i32
      %add3A_725 = arith.addi %add3A_687, %add3A_724 : i32
      %dma_start3A_726 = arith.constant 2 : i32
      %dma_start3A_727 = arith.constant 0 : i32
      %dma_start3A_728 = arith.constant 0 : i32
      %dma_start3A_729 = tpu.memref_slice %arg9[%dma_start3A_726, %dma_start3A_727, %dma_start3A_728] : memref<4x128x128xf32, #tpu.memory_space<vmem>> -> memref<1x128x128xf32, #tpu.memory_space<vmem>>
      %dma_start3A_730 = tpu.memref_squeeze %dma_start3A_729 : memref<1x128x128xf32, #tpu.memory_space<vmem>> -> memref<128x128xf32, #tpu.memory_space<vmem>>
      %dma_start3A_731 = arith.constant 0 : i32
      %dma_start3A_732 = tpu.memref_slice %arg7[%add3A_725, %dma_start3A_731] : memref<8x128xi32, #tpu.memory_space<vmem>> -> memref<1x128xi32, #tpu.memory_space<vmem>>
      %dma_start3A_733 = tpu.memref_squeeze %dma_start3A_732 : memref<1x128xi32, #tpu.memory_space<vmem>> -> memref<128xi32, #tpu.memory_space<vmem>>
      %dma_start3A_734 = arith.constant 0 : i32
      %dma_start3A_735 = arith.constant 0 : i32
      %dma_start3A_736 = tpu.memref_slice %arg2[%dma_start3A_734, %dma_start3A_735] : memref<10000x128xf32, #tpu.memory_space<hbm>> -> memref<10000x128xf32, #tpu.memory_space<hbm>>
      tpu.enqueue_indirect_dma source(%dma_start3A_736 : memref<10000x128xf32, #tpu.memory_space<hbm>>) target(%dma_start3A_730 : memref<128x128xf32, #tpu.memory_space<vmem>>) offsets(%dma_start3A_733 : memref<128xi32, #tpu.memory_space<vmem>>) semaphore(%arg15 : memref<!tpu.dma_semaphore, #tpu.memory_space<semaphore_mem>>)
      %mul3A_737 = arith.constant 4 : i32
      %mul3A_738 = arith.muli %scan3A_580, %mul3A_737 : i32
      %add3A_739 = arith.constant 3 : i32
      %add3A_740 = arith.addi %mul3A_738, %add3A_739 : i32
      %dma_wait3A_741 = arith.constant 3 : i32
      %dma_wait3A_742 = arith.constant 0 : i32
      %dma_wait3A_743 = arith.constant 0 : i32
      %dma_wait3A_744 = tpu.memref_slice %arg9[%dma_wait3A_741, %dma_wait3A_742, %dma_wait3A_743] : memref<4x128x128xf32, #tpu.memory_space<vmem>> -> memref<1x128x128xf32, #tpu.memory_space<vmem>>
      %dma_wait3A_745 = tpu.memref_squeeze %dma_wait3A_744 : memref<1x128x128xf32, #tpu.memory_space<vmem>> -> memref<128x128xf32, #tpu.memory_space<vmem>>
      %dma_wait3A_746 = arith.constant 0 : i32
      %dma_wait3A_747 = tpu.memref_slice %arg7[%add3A_740, %dma_wait3A_746] : memref<8x128xi32, #tpu.memory_space<vmem>> -> memref<1x128xi32, #tpu.memory_space<vmem>>
      %dma_wait3A_748 = tpu.memref_squeeze %dma_wait3A_747 : memref<1x128xi32, #tpu.memory_space<vmem>> -> memref<128xi32, #tpu.memory_space<vmem>>
      %dma_wait3A_749 = arith.constant 0 : i32
      %dma_wait3A_750 = arith.constant 0 : i32
      %dma_wait3A_751 = tpu.memref_slice %arg2[%dma_wait3A_749, %dma_wait3A_750] : memref<10000x128xf32, #tpu.memory_space<hbm>> -> memref<10000x128xf32, #tpu.memory_space<hbm>>
      tpu.wait_indirect_dma semaphore(%arg16 : memref<!tpu.dma_semaphore, #tpu.memory_space<semaphore_mem>>) src(%dma_wait3A_751 : memref<10000x128xf32, #tpu.memory_space<hbm>>) dst(%dma_wait3A_745 : memref<128x128xf32, #tpu.memory_space<vmem>>)
      %run_scoped3A_752 = arith.constant 3 : i32
      "tpu.region"() ({
        %run_scoped3A_979 = tpu.sem_alloc : memref<!tpu.dma_semaphore, #tpu.memory_space<semaphore_mem>>
        %dma_start3A_980 = arith.constant 0 : i32
        %dma_start3A_981 = arith.constant 0 : i32
        %dma_start3A_982 = tpu.memref_slice %arg9[%run_scoped3A_752, %dma_start3A_980, %dma_start3A_981] : memref<4x128x128xf32, #tpu.memory_space<vmem>> -> memref<1x128x128xf32, #tpu.memory_space<vmem>>
        %dma_start3A_983 = tpu.memref_squeeze %dma_start3A_982 : memref<1x128x128xf32, #tpu.memory_space<vmem>> -> memref<128x128xf32, #tpu.memory_space<vmem>>
        %dma_start3A_984 = arith.constant 0 : i32
        %dma_start3A_985 = tpu.memref_slice %arg8[%add3A_740, %dma_start3A_984] : memref<8x128xi32, #tpu.memory_space<vmem>> -> memref<1x128xi32, #tpu.memory_space<vmem>>
        %dma_start3A_986 = tpu.memref_squeeze %dma_start3A_985 : memref<1x128xi32, #tpu.memory_space<vmem>> -> memref<128xi32, #tpu.memory_space<vmem>>
        %dma_start3A_987 = arith.constant 0 : i32
        %dma_start3A_988 = arith.constant 0 : i32
        %dma_start3A_989 = tpu.memref_slice %arg12[%dma_start3A_987, %dma_start3A_988] : memref<2048x128xf32, #tpu.memory_space<vmem_shared>> -> memref<2048x128xf32, #tpu.memory_space<vmem_shared>>
        tpu.enqueue_indirect_dma source(%dma_start3A_983 : memref<128x128xf32, #tpu.memory_space<vmem>>) target(%dma_start3A_989 : memref<2048x128xf32, #tpu.memory_space<vmem_shared>>) offsets(%dma_start3A_986 : memref<128xi32, #tpu.memory_space<vmem>>) semaphore(%run_scoped3A_979 : memref<!tpu.dma_semaphore, #tpu.memory_space<semaphore_mem>>) {add = true}
        %dma_wait3A_990 = arith.constant 0 : i32
        %dma_wait3A_991 = arith.constant 0 : i32
        %dma_wait3A_992 = tpu.memref_slice %arg9[%run_scoped3A_752, %dma_wait3A_990, %dma_wait3A_991] : memref<4x128x128xf32, #tpu.memory_space<vmem>> -> memref<1x128x128xf32, #tpu.memory_space<vmem>>
        %dma_wait3A_993 = tpu.memref_squeeze %dma_wait3A_992 : memref<1x128x128xf32, #tpu.memory_space<vmem>> -> memref<128x128xf32, #tpu.memory_space<vmem>>
        %dma_wait3A_994 = arith.constant 0 : i32
        %dma_wait3A_995 = tpu.memref_slice %arg8[%add3A_740, %dma_wait3A_994] : memref<8x128xi32, #tpu.memory_space<vmem>> -> memref<1x128xi32, #tpu.memory_space<vmem>>
        %dma_wait3A_996 = tpu.memref_squeeze %dma_wait3A_995 : memref<1x128xi32, #tpu.memory_space<vmem>> -> memref<128xi32, #tpu.memory_space<vmem>>
        %dma_wait3A_997 = arith.constant 0 : i32
        %dma_wait3A_998 = arith.constant 0 : i32
        %dma_wait3A_999 = tpu.memref_slice %arg12[%dma_wait3A_997, %dma_wait3A_998] : memref<2048x128xf32, #tpu.memory_space<vmem_shared>> -> memref<2048x128xf32, #tpu.memory_space<vmem_shared>>
        tpu.wait_indirect_dma semaphore(%run_scoped3A_979 : memref<!tpu.dma_semaphore, #tpu.memory_space<semaphore_mem>>) src(%dma_wait3A_993 : memref<128x128xf32, #tpu.memory_space<vmem>>) dst(%dma_wait3A_999 : memref<2048x128xf32, #tpu.memory_space<vmem_shared>>)
        tpu.yield
      }) : () -> ()
      %get3A_753 = arith.index_cast %add3A_740 : i32 to index
      %get3A_754 = arith.constant 0 : index
      %get3A_755 = tpu.vector_load %arg8[%get3A_753, %get3A_754] {strides = array<i32>} : memref<8x128xi32, #tpu.memory_space<vmem>>, vector<16xi32>,
      tpu.vector_store_idx %arg11[%get3A_755], %broadcast_in_dim3A_5 {add = true} : memref<10240xf32, #tpu.memory_space<vmem>>[vector<16xi32>], vector<16xf32>,
      %get3A_756 = arith.index_cast %add3A_740 : i32 to index
      %get3A_757 = arith.constant 16 : index
      %get3A_758 = tpu.vector_load %arg8[%get3A_756, %get3A_757] {strides = array<i32>} : memref<8x128xi32, #tpu.memory_space<vmem>>, vector<16xi32>,
      tpu.vector_store_idx %arg11[%get3A_758], %broadcast_in_dim3A_5 {add = true} : memref<10240xf32, #tpu.memory_space<vmem>>[vector<16xi32>], vector<16xf32>,
      %get3A_759 = arith.index_cast %add3A_740 : i32 to index
      %get3A_760 = arith.constant 32 : index
      %get3A_761 = tpu.vector_load %arg8[%get3A_759, %get3A_760] {strides = array<i32>} : memref<8x128xi32, #tpu.memory_space<vmem>>, vector<16xi32>,
      tpu.vector_store_idx %arg11[%get3A_761], %broadcast_in_dim3A_5 {add = true} : memref<10240xf32, #tpu.memory_space<vmem>>[vector<16xi32>], vector<16xf32>,
      %get3A_762 = arith.index_cast %add3A_740 : i32 to index
      %get3A_763 = arith.constant 48 : index
      %get3A_764 = tpu.vector_load %arg8[%get3A_762, %get3A_763] {strides = array<i32>} : memref<8x128xi32, #tpu.memory_space<vmem>>, vector<16xi32>,
      tpu.vector_store_idx %arg11[%get3A_764], %broadcast_in_dim3A_5 {add = true} : memref<10240xf32, #tpu.memory_space<vmem>>[vector<16xi32>], vector<16xf32>,
      %get3A_765 = arith.index_cast %add3A_740 : i32 to index
      %get3A_766 = arith.constant 64 : index
      %get3A_767 = tpu.vector_load %arg8[%get3A_765, %get3A_766] {strides = array<i32>} : memref<8x128xi32, #tpu.memory_space<vmem>>, vector<16xi32>,
      tpu.vector_store_idx %arg11[%get3A_767], %broadcast_in_dim3A_5 {add = true} : memref<10240xf32, #tpu.memory_space<vmem>>[vector<16xi32>], vector<16xf32>,
      %get3A_768 = arith.index_cast %add3A_740 : i32 to index
      %get3A_769 = arith.constant 80 : index
      %get3A_770 = tpu.vector_load %arg8[%get3A_768, %get3A_769] {strides = array<i32>} : memref<8x128xi32, #tpu.memory_space<vmem>>, vector<16xi32>,
      tpu.vector_store_idx %arg11[%get3A_770], %broadcast_in_dim3A_5 {add = true} : memref<10240xf32, #tpu.memory_space<vmem>>[vector<16xi32>], vector<16xf32>,
      %get3A_771 = arith.index_cast %add3A_740 : i32 to index
      %get3A_772 = arith.constant 96 : index
      %get3A_773 = tpu.vector_load %arg8[%get3A_771, %get3A_772] {strides = array<i32>} : memref<8x128xi32, #tpu.memory_space<vmem>>, vector<16xi32>,
      tpu.vector_store_idx %arg11[%get3A_773], %broadcast_in_dim3A_5 {add = true} : memref<10240xf32, #tpu.memory_space<vmem>>[vector<16xi32>], vector<16xf32>,
      %get3A_774 = arith.index_cast %add3A_740 : i32 to index
      %get3A_775 = arith.constant 112 : index
      %get3A_776 = tpu.vector_load %arg8[%get3A_774, %get3A_775] {strides = array<i32>} : memref<8x128xi32, #tpu.memory_space<vmem>>, vector<16xi32>,
      tpu.vector_store_idx %arg11[%get3A_776], %broadcast_in_dim3A_5 {add = true} : memref<10240xf32, #tpu.memory_space<vmem>>[vector<16xi32>], vector<16xf32>,
      %add3A_777 = arith.constant 4 : i32
      %add3A_778 = arith.addi %add3A_740, %add3A_777 : i32
      %dma_start3A_779 = arith.constant 3 : i32
      %dma_start3A_780 = arith.constant 0 : i32
      %dma_start3A_781 = arith.constant 0 : i32
      %dma_start3A_782 = tpu.memref_slice %arg9[%dma_start3A_779, %dma_start3A_780, %dma_start3A_781] : memref<4x128x128xf32, #tpu.memory_space<vmem>> -> memref<1x128x128xf32, #tpu.memory_space<vmem>>
      %dma_start3A_783 = tpu.memref_squeeze %dma_start3A_782 : memref<1x128x128xf32, #tpu.memory_space<vmem>> -> memref<128x128xf32, #tpu.memory_space<vmem>>
      %dma_start3A_784 = arith.constant 0 : i32
      %dma_start3A_785 = tpu.memref_slice %arg7[%add3A_778, %dma_start3A_784] : memref<8x128xi32, #tpu.memory_space<vmem>> -> memref<1x128xi32, #tpu.memory_space<vmem>>
      %dma_start3A_786 = tpu.memref_squeeze %dma_start3A_785 : memref<1x128xi32, #tpu.memory_space<vmem>> -> memref<128xi32, #tpu.memory_space<vmem>>
      %dma_start3A_787 = arith.constant 0 : i32
      %dma_start3A_788 = arith.constant 0 : i32
      %dma_start3A_789 = tpu.memref_slice %arg2[%dma_start3A_787, %dma_start3A_788] : memref<10000x128xf32, #tpu.memory_space<hbm>> -> memref<10000x128xf32, #tpu.memory_space<hbm>>
      tpu.enqueue_indirect_dma source(%dma_start3A_789 : memref<10000x128xf32, #tpu.memory_space<hbm>>) target(%dma_start3A_783 : memref<128x128xf32, #tpu.memory_space<vmem>>) offsets(%dma_start3A_786 : memref<128xi32, #tpu.memory_space<vmem>>) semaphore(%arg16 : memref<!tpu.dma_semaphore, #tpu.memory_space<semaphore_mem>>)
      %scan3A_790 = arith.constant 1 : i32
      %dma_wait3A_791 = arith.constant 4 : i32
      %dma_wait3A_792 = arith.constant 0 : i32
      %dma_wait3A_793 = arith.constant 0 : i32
      %dma_wait3A_794 = arith.constant 0 : i32
      %dma_wait3A_795 = tpu.memref_slice %arg9[%dma_wait3A_792, %dma_wait3A_793, %dma_wait3A_794] : memref<4x128x128xf32, #tpu.memory_space<vmem>> -> memref<1x128x128xf32, #tpu.memory_space<vmem>>
      %dma_wait3A_796 = tpu.memref_squeeze %dma_wait3A_795 : memref<1x128x128xf32, #tpu.memory_space<vmem>> -> memref<128x128xf32, #tpu.memory_space<vmem>>
      %dma_wait3A_797 = arith.constant 0 : i32
      %dma_wait3A_798 = tpu.memref_slice %arg7[%dma_wait3A_791, %dma_wait3A_797] : memref<8x128xi32, #tpu.memory_space<vmem>> -> memref<1x128xi32, #tpu.memory_space<vmem>>
      %dma_wait3A_799 = tpu.memref_squeeze %dma_wait3A_798 : memref<1x128xi32, #tpu.memory_space<vmem>> -> memref<128xi32, #tpu.memory_space<vmem>>
      %dma_wait3A_800 = arith.constant 0 : i32
      %dma_wait3A_801 = arith.constant 0 : i32
      %dma_wait3A_802 = tpu.memref_slice %arg2[%dma_wait3A_800, %dma_wait3A_801] : memref<10000x128xf32, #tpu.memory_space<hbm>> -> memref<10000x128xf32, #tpu.memory_space<hbm>>
      tpu.wait_indirect_dma semaphore(%arg13 : memref<!tpu.dma_semaphore, #tpu.memory_space<semaphore_mem>>) src(%dma_wait3A_802 : memref<10000x128xf32, #tpu.memory_space<hbm>>) dst(%dma_wait3A_796 : memref<128x128xf32, #tpu.memory_space<vmem>>)
      %run_scoped3A_803 = arith.constant 0 : i32
      %run_scoped3A_804 = arith.constant 4 : i32
      "tpu.region"() ({
        %run_scoped3A_979 = tpu.sem_alloc : memref<!tpu.dma_semaphore, #tpu.memory_space<semaphore_mem>>
        %dma_start3A_980 = arith.constant 0 : i32
        %dma_start3A_981 = arith.constant 0 : i32
        %dma_start3A_982 = tpu.memref_slice %arg9[%run_scoped3A_803, %dma_start3A_980, %dma_start3A_981] : memref<4x128x128xf32, #tpu.memory_space<vmem>> -> memref<1x128x128xf32, #tpu.memory_space<vmem>>
        %dma_start3A_983 = tpu.memref_squeeze %dma_start3A_982 : memref<1x128x128xf32, #tpu.memory_space<vmem>> -> memref<128x128xf32, #tpu.memory_space<vmem>>
        %dma_start3A_984 = arith.constant 0 : i32
        %dma_start3A_985 = tpu.memref_slice %arg8[%run_scoped3A_804, %dma_start3A_984] : memref<8x128xi32, #tpu.memory_space<vmem>> -> memref<1x128xi32, #tpu.memory_space<vmem>>
        %dma_start3A_986 = tpu.memref_squeeze %dma_start3A_985 : memref<1x128xi32, #tpu.memory_space<vmem>> -> memref<128xi32, #tpu.memory_space<vmem>>
        %dma_start3A_987 = arith.constant 0 : i32
        %dma_start3A_988 = arith.constant 0 : i32
        %dma_start3A_989 = tpu.memref_slice %arg12[%dma_start3A_987, %dma_start3A_988] : memref<2048x128xf32, #tpu.memory_space<vmem_shared>> -> memref<2048x128xf32, #tpu.memory_space<vmem_shared>>
        tpu.enqueue_indirect_dma source(%dma_start3A_983 : memref<128x128xf32, #tpu.memory_space<vmem>>) target(%dma_start3A_989 : memref<2048x128xf32, #tpu.memory_space<vmem_shared>>) offsets(%dma_start3A_986 : memref<128xi32, #tpu.memory_space<vmem>>) semaphore(%run_scoped3A_979 : memref<!tpu.dma_semaphore, #tpu.memory_space<semaphore_mem>>) {add = true}
        %dma_wait3A_990 = arith.constant 0 : i32
        %dma_wait3A_991 = arith.constant 0 : i32
        %dma_wait3A_992 = tpu.memref_slice %arg9[%run_scoped3A_803, %dma_wait3A_990, %dma_wait3A_991] : memref<4x128x128xf32, #tpu.memory_space<vmem>> -> memref<1x128x128xf32, #tpu.memory_space<vmem>>
        %dma_wait3A_993 = tpu.memref_squeeze %dma_wait3A_992 : memref<1x128x128xf32, #tpu.memory_space<vmem>> -> memref<128x128xf32, #tpu.memory_space<vmem>>
        %dma_wait3A_994 = arith.constant 0 : i32
        %dma_wait3A_995 = tpu.memref_slice %arg8[%run_scoped3A_804, %dma_wait3A_994] : memref<8x128xi32, #tpu.memory_space<vmem>> -> memref<1x128xi32, #tpu.memory_space<vmem>>
        %dma_wait3A_996 = tpu.memref_squeeze %dma_wait3A_995 : memref<1x128xi32, #tpu.memory_space<vmem>> -> memref<128xi32, #tpu.memory_space<vmem>>
        %dma_wait3A_997 = arith.constant 0 : i32
        %dma_wait3A_998 = arith.constant 0 : i32
        %dma_wait3A_999 = tpu.memref_slice %arg12[%dma_wait3A_997, %dma_wait3A_998] : memref<2048x128xf32, #tpu.memory_space<vmem_shared>> -> memref<2048x128xf32, #tpu.memory_space<vmem_shared>>
        tpu.wait_indirect_dma semaphore(%run_scoped3A_979 : memref<!tpu.dma_semaphore, #tpu.memory_space<semaphore_mem>>) src(%dma_wait3A_993 : memref<128x128xf32, #tpu.memory_space<vmem>>) dst(%dma_wait3A_999 : memref<2048x128xf32, #tpu.memory_space<vmem_shared>>)
        tpu.yield
      }) : () -> ()
      %get3A_805 = arith.constant 4 : i32
      %get3A_806 = arith.index_cast %get3A_805 : i32 to index
      %get3A_807 = arith.constant 0 : index
      %get3A_808 = tpu.vector_load %arg8[%get3A_806, %get3A_807] {strides = array<i32>} : memref<8x128xi32, #tpu.memory_space<vmem>>, vector<16xi32>,
      tpu.vector_store_idx %arg11[%get3A_808], %broadcast_in_dim3A_5 {add = true} : memref<10240xf32, #tpu.memory_space<vmem>>[vector<16xi32>], vector<16xf32>,
      %get3A_809 = arith.constant 4 : i32
      %get3A_810 = arith.index_cast %get3A_809 : i32 to index
      %get3A_811 = arith.constant 16 : index
      %get3A_812 = tpu.vector_load %arg8[%get3A_810, %get3A_811] {strides = array<i32>} : memref<8x128xi32, #tpu.memory_space<vmem>>, vector<16xi32>,
      tpu.vector_store_idx %arg11[%get3A_812], %broadcast_in_dim3A_5 {add = true} : memref<10240xf32, #tpu.memory_space<vmem>>[vector<16xi32>], vector<16xf32>,
      %get3A_813 = arith.constant 4 : i32
      %get3A_814 = arith.index_cast %get3A_813 : i32 to index
      %get3A_815 = arith.constant 32 : index
      %get3A_816 = tpu.vector_load %arg8[%get3A_814, %get3A_815] {strides = array<i32>} : memref<8x128xi32, #tpu.memory_space<vmem>>, vector<16xi32>,
      tpu.vector_store_idx %arg11[%get3A_816], %broadcast_in_dim3A_5 {add = true} : memref<10240xf32, #tpu.memory_space<vmem>>[vector<16xi32>], vector<16xf32>,
      %get3A_817 = arith.constant 4 : i32
      %get3A_818 = arith.index_cast %get3A_817 : i32 to index
      %get3A_819 = arith.constant 48 : index
      %get3A_820 = tpu.vector_load %arg8[%get3A_818, %get3A_819] {strides = array<i32>} : memref<8x128xi32, #tpu.memory_space<vmem>>, vector<16xi32>,
      tpu.vector_store_idx %arg11[%get3A_820], %broadcast_in_dim3A_5 {add = true} : memref<10240xf32, #tpu.memory_space<vmem>>[vector<16xi32>], vector<16xf32>,
      %get3A_821 = arith.constant 4 : i32
      %get3A_822 = arith.index_cast %get3A_821 : i32 to index
      %get3A_823 = arith.constant 64 : index
      %get3A_824 = tpu.vector_load %arg8[%get3A_822, %get3A_823] {strides = array<i32>} : memref<8x128xi32, #tpu.memory_space<vmem>>, vector<16xi32>,
      tpu.vector_store_idx %arg11[%get3A_824], %broadcast_in_dim3A_5 {add = true} : memref<10240xf32, #tpu.memory_space<vmem>>[vector<16xi32>], vector<16xf32>,
      %get3A_825 = arith.constant 4 : i32
      %get3A_826 = arith.index_cast %get3A_825 : i32 to index
      %get3A_827 = arith.constant 80 : index
      %get3A_828 = tpu.vector_load %arg8[%get3A_826, %get3A_827] {strides = array<i32>} : memref<8x128xi32, #tpu.memory_space<vmem>>, vector<16xi32>,
      tpu.vector_store_idx %arg11[%get3A_828], %broadcast_in_dim3A_5 {add = true} : memref<10240xf32, #tpu.memory_space<vmem>>[vector<16xi32>], vector<16xf32>,
      %get3A_829 = arith.constant 4 : i32
      %get3A_830 = arith.index_cast %get3A_829 : i32 to index
      %get3A_831 = arith.constant 96 : index
      %get3A_832 = tpu.vector_load %arg8[%get3A_830, %get3A_831] {strides = array<i32>} : memref<8x128xi32, #tpu.memory_space<vmem>>, vector<16xi32>,
      tpu.vector_store_idx %arg11[%get3A_832], %broadcast_in_dim3A_5 {add = true} : memref<10240xf32, #tpu.memory_space<vmem>>[vector<16xi32>], vector<16xf32>,
      %get3A_833 = arith.constant 4 : i32
      %get3A_834 = arith.index_cast %get3A_833 : i32 to index
      %get3A_835 = arith.constant 112 : index
      %get3A_836 = tpu.vector_load %arg8[%get3A_834, %get3A_835] {strides = array<i32>} : memref<8x128xi32, #tpu.memory_space<vmem>>, vector<16xi32>,
      tpu.vector_store_idx %arg11[%get3A_836], %broadcast_in_dim3A_5 {add = true} : memref<10240xf32, #tpu.memory_space<vmem>>[vector<16xi32>], vector<16xf32>,
      %dma_wait3A_837 = arith.constant 5 : i32
      %dma_wait3A_838 = arith.constant 1 : i32
      %dma_wait3A_839 = arith.constant 0 : i32
      %dma_wait3A_840 = arith.constant 0 : i32
      %dma_wait3A_841 = tpu.memref_slice %arg9[%dma_wait3A_838, %dma_wait3A_839, %dma_wait3A_840] : memref<4x128x128xf32, #tpu.memory_space<vmem>> -> memref<1x128x128xf32, #tpu.memory_space<vmem>>
      %dma_wait3A_842 = tpu.memref_squeeze %dma_wait3A_841 : memref<1x128x128xf32, #tpu.memory_space<vmem>> -> memref<128x128xf32, #tpu.memory_space<vmem>>
      %dma_wait3A_843 = arith.constant 0 : i32
      %dma_wait3A_844 = tpu.memref_slice %arg7[%dma_wait3A_837, %dma_wait3A_843] : memref<8x128xi32, #tpu.memory_space<vmem>> -> memref<1x128xi32, #tpu.memory_space<vmem>>
      %dma_wait3A_845 = tpu.memref_squeeze %dma_wait3A_844 : memref<1x128xi32, #tpu.memory_space<vmem>> -> memref<128xi32, #tpu.memory_space<vmem>>
      %dma_wait3A_846 = arith.constant 0 : i32
      %dma_wait3A_847 = arith.constant 0 : i32
      %dma_wait3A_848 = tpu.memref_slice %arg2[%dma_wait3A_846, %dma_wait3A_847] : memref<10000x128xf32, #tpu.memory_space<hbm>> -> memref<10000x128xf32, #tpu.memory_space<hbm>>
      tpu.wait_indirect_dma semaphore(%arg14 : memref<!tpu.dma_semaphore, #tpu.memory_space<semaphore_mem>>) src(%dma_wait3A_848 : memref<10000x128xf32, #tpu.memory_space<hbm>>) dst(%dma_wait3A_842 : memref<128x128xf32, #tpu.memory_space<vmem>>)
      %run_scoped3A_849 = arith.constant 1 : i32
      %run_scoped3A_850 = arith.constant 5 : i32
      "tpu.region"() ({
        %run_scoped3A_979 = tpu.sem_alloc : memref<!tpu.dma_semaphore, #tpu.memory_space<semaphore_mem>>
        %dma_start3A_980 = arith.constant 0 : i32
        %dma_start3A_981 = arith.constant 0 : i32
        %dma_start3A_982 = tpu.memref_slice %arg9[%run_scoped3A_849, %dma_start3A_980, %dma_start3A_981] : memref<4x128x128xf32, #tpu.memory_space<vmem>> -> memref<1x128x128xf32, #tpu.memory_space<vmem>>
        %dma_start3A_983 = tpu.memref_squeeze %dma_start3A_982 : memref<1x128x128xf32, #tpu.memory_space<vmem>> -> memref<128x128xf32, #tpu.memory_space<vmem>>
        %dma_start3A_984 = arith.constant 0 : i32
        %dma_start3A_985 = tpu.memref_slice %arg8[%run_scoped3A_850, %dma_start3A_984] : memref<8x128xi32, #tpu.memory_space<vmem>> -> memref<1x128xi32, #tpu.memory_space<vmem>>
        %dma_start3A_986 = tpu.memref_squeeze %dma_start3A_985 : memref<1x128xi32, #tpu.memory_space<vmem>> -> memref<128xi32, #tpu.memory_space<vmem>>
        %dma_start3A_987 = arith.constant 0 : i32
        %dma_start3A_988 = arith.constant 0 : i32
        %dma_start3A_989 = tpu.memref_slice %arg12[%dma_start3A_987, %dma_start3A_988] : memref<2048x128xf32, #tpu.memory_space<vmem_shared>> -> memref<2048x128xf32, #tpu.memory_space<vmem_shared>>
        tpu.enqueue_indirect_dma source(%dma_start3A_983 : memref<128x128xf32, #tpu.memory_space<vmem>>) target(%dma_start3A_989 : memref<2048x128xf32, #tpu.memory_space<vmem_shared>>) offsets(%dma_start3A_986 : memref<128xi32, #tpu.memory_space<vmem>>) semaphore(%run_scoped3A_979 : memref<!tpu.dma_semaphore, #tpu.memory_space<semaphore_mem>>) {add = true}
        %dma_wait3A_990 = arith.constant 0 : i32
        %dma_wait3A_991 = arith.constant 0 : i32
        %dma_wait3A_992 = tpu.memref_slice %arg9[%run_scoped3A_849, %dma_wait3A_990, %dma_wait3A_991] : memref<4x128x128xf32, #tpu.memory_space<vmem>> -> memref<1x128x128xf32, #tpu.memory_space<vmem>>
        %dma_wait3A_993 = tpu.memref_squeeze %dma_wait3A_992 : memref<1x128x128xf32, #tpu.memory_space<vmem>> -> memref<128x128xf32, #tpu.memory_space<vmem>>
        %dma_wait3A_994 = arith.constant 0 : i32
        %dma_wait3A_995 = tpu.memref_slice %arg8[%run_scoped3A_850, %dma_wait3A_994] : memref<8x128xi32, #tpu.memory_space<vmem>> -> memref<1x128xi32, #tpu.memory_space<vmem>>
        %dma_wait3A_996 = tpu.memref_squeeze %dma_wait3A_995 : memref<1x128xi32, #tpu.memory_space<vmem>> -> memref<128xi32, #tpu.memory_space<vmem>>
        %dma_wait3A_997 = arith.constant 0 : i32
        %dma_wait3A_998 = arith.constant 0 : i32
        %dma_wait3A_999 = tpu.memref_slice %arg12[%dma_wait3A_997, %dma_wait3A_998] : memref<2048x128xf32, #tpu.memory_space<vmem_shared>> -> memref<2048x128xf32, #tpu.memory_space<vmem_shared>>
        tpu.wait_indirect_dma semaphore(%run_scoped3A_979 : memref<!tpu.dma_semaphore, #tpu.memory_space<semaphore_mem>>) src(%dma_wait3A_993 : memref<128x128xf32, #tpu.memory_space<vmem>>) dst(%dma_wait3A_999 : memref<2048x128xf32, #tpu.memory_space<vmem_shared>>)
        tpu.yield
      }) : () -> ()
      %get3A_851 = arith.constant 5 : i32
      %get3A_852 = arith.index_cast %get3A_851 : i32 to index
      %get3A_853 = arith.constant 0 : index
      %get3A_854 = tpu.vector_load %arg8[%get3A_852, %get3A_853] {strides = array<i32>} : memref<8x128xi32, #tpu.memory_space<vmem>>, vector<16xi32>,
      tpu.vector_store_idx %arg11[%get3A_854], %broadcast_in_dim3A_5 {add = true} : memref<10240xf32, #tpu.memory_space<vmem>>[vector<16xi32>], vector<16xf32>,
      %get3A_855 = arith.constant 5 : i32
      %get3A_856 = arith.index_cast %get3A_855 : i32 to index
      %get3A_857 = arith.constant 16 : index
      %get3A_858 = tpu.vector_load %arg8[%get3A_856, %get3A_857] {strides = array<i32>} : memref<8x128xi32, #tpu.memory_space<vmem>>, vector<16xi32>,
      tpu.vector_store_idx %arg11[%get3A_858], %broadcast_in_dim3A_5 {add = true} : memref<10240xf32, #tpu.memory_space<vmem>>[vector<16xi32>], vector<16xf32>,
      %get3A_859 = arith.constant 5 : i32
      %get3A_860 = arith.index_cast %get3A_859 : i32 to index
      %get3A_861 = arith.constant 32 : index
      %get3A_862 = tpu.vector_load %arg8[%get3A_860, %get3A_861] {strides = array<i32>} : memref<8x128xi32, #tpu.memory_space<vmem>>, vector<16xi32>,
      tpu.vector_store_idx %arg11[%get3A_862], %broadcast_in_dim3A_5 {add = true} : memref<10240xf32, #tpu.memory_space<vmem>>[vector<16xi32>], vector<16xf32>,
      %get3A_863 = arith.constant 5 : i32
      %get3A_864 = arith.index_cast %get3A_863 : i32 to index
      %get3A_865 = arith.constant 48 : index
      %get3A_866 = tpu.vector_load %arg8[%get3A_864, %get3A_865] {strides = array<i32>} : memref<8x128xi32, #tpu.memory_space<vmem>>, vector<16xi32>,
      tpu.vector_store_idx %arg11[%get3A_866], %broadcast_in_dim3A_5 {add = true} : memref<10240xf32, #tpu.memory_space<vmem>>[vector<16xi32>], vector<16xf32>,
      %get3A_867 = arith.constant 5 : i32
      %get3A_868 = arith.index_cast %get3A_867 : i32 to index
      %get3A_869 = arith.constant 64 : index
      %get3A_870 = tpu.vector_load %arg8[%get3A_868, %get3A_869] {strides = array<i32>} : memref<8x128xi32, #tpu.memory_space<vmem>>, vector<16xi32>,
      tpu.vector_store_idx %arg11[%get3A_870], %broadcast_in_dim3A_5 {add = true} : memref<10240xf32, #tpu.memory_space<vmem>>[vector<16xi32>], vector<16xf32>,
      %get3A_871 = arith.constant 5 : i32
      %get3A_872 = arith.index_cast %get3A_871 : i32 to index
      %get3A_873 = arith.constant 80 : index
      %get3A_874 = tpu.vector_load %arg8[%get3A_872, %get3A_873] {strides = array<i32>} : memref<8x128xi32, #tpu.memory_space<vmem>>, vector<16xi32>,
      tpu.vector_store_idx %arg11[%get3A_874], %broadcast_in_dim3A_5 {add = true} : memref<10240xf32, #tpu.memory_space<vmem>>[vector<16xi32>], vector<16xf32>,
      %get3A_875 = arith.constant 5 : i32
      %get3A_876 = arith.index_cast %get3A_875 : i32 to index
      %get3A_877 = arith.constant 96 : index
      %get3A_878 = tpu.vector_load %arg8[%get3A_876, %get3A_877] {strides = array<i32>} : memref<8x128xi32, #tpu.memory_space<vmem>>, vector<16xi32>,
      tpu.vector_store_idx %arg11[%get3A_878], %broadcast_in_dim3A_5 {add = true} : memref<10240xf32, #tpu.memory_space<vmem>>[vector<16xi32>], vector<16xf32>,
      %get3A_879 = arith.constant 5 : i32
      %get3A_880 = arith.index_cast %get3A_879 : i32 to index
      %get3A_881 = arith.constant 112 : index
      %get3A_882 = tpu.vector_load %arg8[%get3A_880, %get3A_881] {strides = array<i32>} : memref<8x128xi32, #tpu.memory_space<vmem>>, vector<16xi32>,
      tpu.vector_store_idx %arg11[%get3A_882], %broadcast_in_dim3A_5 {add = true} : memref<10240xf32, #tpu.memory_space<vmem>>[vector<16xi32>], vector<16xf32>,
      %dma_wait3A_883 = arith.constant 6 : i32
      %dma_wait3A_884 = arith.constant 2 : i32
      %dma_wait3A_885 = arith.constant 0 : i32
      %dma_wait3A_886 = arith.constant 0 : i32
      %dma_wait3A_887 = tpu.memref_slice %arg9[%dma_wait3A_884, %dma_wait3A_885, %dma_wait3A_886] : memref<4x128x128xf32, #tpu.memory_space<vmem>> -> memref<1x128x128xf32, #tpu.memory_space<vmem>>
      %dma_wait3A_888 = tpu.memref_squeeze %dma_wait3A_887 : memref<1x128x128xf32, #tpu.memory_space<vmem>> -> memref<128x128xf32, #tpu.memory_space<vmem>>
      %dma_wait3A_889 = arith.constant 0 : i32
      %dma_wait3A_890 = tpu.memref_slice %arg7[%dma_wait3A_883, %dma_wait3A_889] : memref<8x128xi32, #tpu.memory_space<vmem>> -> memref<1x128xi32, #tpu.memory_space<vmem>>
      %dma_wait3A_891 = tpu.memref_squeeze %dma_wait3A_890 : memref<1x128xi32, #tpu.memory_space<vmem>> -> memref<128xi32, #tpu.memory_space<vmem>>
      %dma_wait3A_892 = arith.constant 0 : i32
      %dma_wait3A_893 = arith.constant 0 : i32
      %dma_wait3A_894 = tpu.memref_slice %arg2[%dma_wait3A_892, %dma_wait3A_893] : memref<10000x128xf32, #tpu.memory_space<hbm>> -> memref<10000x128xf32, #tpu.memory_space<hbm>>
      tpu.wait_indirect_dma semaphore(%arg15 : memref<!tpu.dma_semaphore, #tpu.memory_space<semaphore_mem>>) src(%dma_wait3A_894 : memref<10000x128xf32, #tpu.memory_space<hbm>>) dst(%dma_wait3A_888 : memref<128x128xf32, #tpu.memory_space<vmem>>)
      %run_scoped3A_895 = arith.constant 2 : i32
      %run_scoped3A_896 = arith.constant 6 : i32
      "tpu.region"() ({
        %run_scoped3A_979 = tpu.sem_alloc : memref<!tpu.dma_semaphore, #tpu.memory_space<semaphore_mem>>
        %dma_start3A_980 = arith.constant 0 : i32
        %dma_start3A_981 = arith.constant 0 : i32
        %dma_start3A_982 = tpu.memref_slice %arg9[%run_scoped3A_895, %dma_start3A_980, %dma_start3A_981] : memref<4x128x128xf32, #tpu.memory_space<vmem>> -> memref<1x128x128xf32, #tpu.memory_space<vmem>>
        %dma_start3A_983 = tpu.memref_squeeze %dma_start3A_982 : memref<1x128x128xf32, #tpu.memory_space<vmem>> -> memref<128x128xf32, #tpu.memory_space<vmem>>
        %dma_start3A_984 = arith.constant 0 : i32
        %dma_start3A_985 = tpu.memref_slice %arg8[%run_scoped3A_896, %dma_start3A_984] : memref<8x128xi32, #tpu.memory_space<vmem>> -> memref<1x128xi32, #tpu.memory_space<vmem>>
        %dma_start3A_986 = tpu.memref_squeeze %dma_start3A_985 : memref<1x128xi32, #tpu.memory_space<vmem>> -> memref<128xi32, #tpu.memory_space<vmem>>
        %dma_start3A_987 = arith.constant 0 : i32
        %dma_start3A_988 = arith.constant 0 : i32
        %dma_start3A_989 = tpu.memref_slice %arg12[%dma_start3A_987, %dma_start3A_988] : memref<2048x128xf32, #tpu.memory_space<vmem_shared>> -> memref<2048x128xf32, #tpu.memory_space<vmem_shared>>
        tpu.enqueue_indirect_dma source(%dma_start3A_983 : memref<128x128xf32, #tpu.memory_space<vmem>>) target(%dma_start3A_989 : memref<2048x128xf32, #tpu.memory_space<vmem_shared>>) offsets(%dma_start3A_986 : memref<128xi32, #tpu.memory_space<vmem>>) semaphore(%run_scoped3A_979 : memref<!tpu.dma_semaphore, #tpu.memory_space<semaphore_mem>>) {add = true}
        %dma_wait3A_990 = arith.constant 0 : i32
        %dma_wait3A_991 = arith.constant 0 : i32
        %dma_wait3A_992 = tpu.memref_slice %arg9[%run_scoped3A_895, %dma_wait3A_990, %dma_wait3A_991] : memref<4x128x128xf32, #tpu.memory_space<vmem>> -> memref<1x128x128xf32, #tpu.memory_space<vmem>>
        %dma_wait3A_993 = tpu.memref_squeeze %dma_wait3A_992 : memref<1x128x128xf32, #tpu.memory_space<vmem>> -> memref<128x128xf32, #tpu.memory_space<vmem>>
        %dma_wait3A_994 = arith.constant 0 : i32
        %dma_wait3A_995 = tpu.memref_slice %arg8[%run_scoped3A_896, %dma_wait3A_994] : memref<8x128xi32, #tpu.memory_space<vmem>> -> memref<1x128xi32, #tpu.memory_space<vmem>>
        %dma_wait3A_996 = tpu.memref_squeeze %dma_wait3A_995 : memref<1x128xi32, #tpu.memory_space<vmem>> -> memref<128xi32, #tpu.memory_space<vmem>>
        %dma_wait3A_997 = arith.constant 0 : i32
        %dma_wait3A_998 = arith.constant 0 : i32
        %dma_wait3A_999 = tpu.memref_slice %arg12[%dma_wait3A_997, %dma_wait3A_998] : memref<2048x128xf32, #tpu.memory_space<vmem_shared>> -> memref<2048x128xf32, #tpu.memory_space<vmem_shared>>
        tpu.wait_indirect_dma semaphore(%run_scoped3A_979 : memref<!tpu.dma_semaphore, #tpu.memory_space<semaphore_mem>>) src(%dma_wait3A_993 : memref<128x128xf32, #tpu.memory_space<vmem>>) dst(%dma_wait3A_999 : memref<2048x128xf32, #tpu.memory_space<vmem_shared>>)
        tpu.yield
      }) : () -> ()
      %get3A_897 = arith.constant 6 : i32
      %get3A_898 = arith.index_cast %get3A_897 : i32 to index
      %get3A_899 = arith.constant 0 : index
      %get3A_900 = tpu.vector_load %arg8[%get3A_898, %get3A_899] {strides = array<i32>} : memref<8x128xi32, #tpu.memory_space<vmem>>, vector<16xi32>,
      tpu.vector_store_idx %arg11[%get3A_900], %broadcast_in_dim3A_5 {add = true} : memref<10240xf32, #tpu.memory_space<vmem>>[vector<16xi32>], vector<16xf32>,
      %get3A_901 = arith.constant 6 : i32
      %get3A_902 = arith.index_cast %get3A_901 : i32 to index
      %get3A_903 = arith.constant 16 : index
      %get3A_904 = tpu.vector_load %arg8[%get3A_902, %get3A_903] {strides = array<i32>} : memref<8x128xi32, #tpu.memory_space<vmem>>, vector<16xi32>,
      tpu.vector_store_idx %arg11[%get3A_904], %broadcast_in_dim3A_5 {add = true} : memref<10240xf32, #tpu.memory_space<vmem>>[vector<16xi32>], vector<16xf32>,
      %get3A_905 = arith.constant 6 : i32
      %get3A_906 = arith.index_cast %get3A_905 : i32 to index
      %get3A_907 = arith.constant 32 : index
      %get3A_908 = tpu.vector_load %arg8[%get3A_906, %get3A_907] {strides = array<i32>} : memref<8x128xi32, #tpu.memory_space<vmem>>, vector<16xi32>,
      tpu.vector_store_idx %arg11[%get3A_908], %broadcast_in_dim3A_5 {add = true} : memref<10240xf32, #tpu.memory_space<vmem>>[vector<16xi32>], vector<16xf32>,
      %get3A_909 = arith.constant 6 : i32
      %get3A_910 = arith.index_cast %get3A_909 : i32 to index
      %get3A_911 = arith.constant 48 : index
      %get3A_912 = tpu.vector_load %arg8[%get3A_910, %get3A_911] {strides = array<i32>} : memref<8x128xi32, #tpu.memory_space<vmem>>, vector<16xi32>,
      tpu.vector_store_idx %arg11[%get3A_912], %broadcast_in_dim3A_5 {add = true} : memref<10240xf32, #tpu.memory_space<vmem>>[vector<16xi32>], vector<16xf32>,
      %get3A_913 = arith.constant 6 : i32
      %get3A_914 = arith.index_cast %get3A_913 : i32 to index
      %get3A_915 = arith.constant 64 : index
      %get3A_916 = tpu.vector_load %arg8[%get3A_914, %get3A_915] {strides = array<i32>} : memref<8x128xi32, #tpu.memory_space<vmem>>, vector<16xi32>,
      tpu.vector_store_idx %arg11[%get3A_916], %broadcast_in_dim3A_5 {add = true} : memref<10240xf32, #tpu.memory_space<vmem>>[vector<16xi32>], vector<16xf32>,
      %get3A_917 = arith.constant 6 : i32
      %get3A_918 = arith.index_cast %get3A_917 : i32 to index
      %get3A_919 = arith.constant 80 : index
      %get3A_920 = tpu.vector_load %arg8[%get3A_918, %get3A_919] {strides = array<i32>} : memref<8x128xi32, #tpu.memory_space<vmem>>, vector<16xi32>,
      tpu.vector_store_idx %arg11[%get3A_920], %broadcast_in_dim3A_5 {add = true} : memref<10240xf32, #tpu.memory_space<vmem>>[vector<16xi32>], vector<16xf32>,
      %get3A_921 = arith.constant 6 : i32
      %get3A_922 = arith.index_cast %get3A_921 : i32 to index
      %get3A_923 = arith.constant 96 : index
      %get3A_924 = tpu.vector_load %arg8[%get3A_922, %get3A_923] {strides = array<i32>} : memref<8x128xi32, #tpu.memory_space<vmem>>, vector<16xi32>,
      tpu.vector_store_idx %arg11[%get3A_924], %broadcast_in_dim3A_5 {add = true} : memref<10240xf32, #tpu.memory_space<vmem>>[vector<16xi32>], vector<16xf32>,
      %get3A_925 = arith.constant 6 : i32
      %get3A_926 = arith.index_cast %get3A_925 : i32 to index
      %get3A_927 = arith.constant 112 : index
      %get3A_928 = tpu.vector_load %arg8[%get3A_926, %get3A_927] {strides = array<i32>} : memref<8x128xi32, #tpu.memory_space<vmem>>, vector<16xi32>,
      tpu.vector_store_idx %arg11[%get3A_928], %broadcast_in_dim3A_5 {add = true} : memref<10240xf32, #tpu.memory_space<vmem>>[vector<16xi32>], vector<16xf32>,
      %dma_wait3A_929 = arith.constant 7 : i32
      %dma_wait3A_930 = arith.constant 3 : i32
      %dma_wait3A_931 = arith.constant 0 : i32
      %dma_wait3A_932 = arith.constant 0 : i32
      %dma_wait3A_933 = tpu.memref_slice %arg9[%dma_wait3A_930, %dma_wait3A_931, %dma_wait3A_932] : memref<4x128x128xf32, #tpu.memory_space<vmem>> -> memref<1x128x128xf32, #tpu.memory_space<vmem>>
      %dma_wait3A_934 = tpu.memref_squeeze %dma_wait3A_933 : memref<1x128x128xf32, #tpu.memory_space<vmem>> -> memref<128x128xf32, #tpu.memory_space<vmem>>
      %dma_wait3A_935 = arith.constant 0 : i32
      %dma_wait3A_936 = tpu.memref_slice %arg7[%dma_wait3A_929, %dma_wait3A_935] : memref<8x128xi32, #tpu.memory_space<vmem>> -> memref<1x128xi32, #tpu.memory_space<vmem>>
      %dma_wait3A_937 = tpu.memref_squeeze %dma_wait3A_936 : memref<1x128xi32, #tpu.memory_space<vmem>> -> memref<128xi32, #tpu.memory_space<vmem>>
      %dma_wait3A_938 = arith.constant 0 : i32
      %dma_wait3A_939 = arith.constant 0 : i32
      %dma_wait3A_940 = tpu.memref_slice %arg2[%dma_wait3A_938, %dma_wait3A_939] : memref<10000x128xf32, #tpu.memory_space<hbm>> -> memref<10000x128xf32, #tpu.memory_space<hbm>>
      tpu.wait_indirect_dma semaphore(%arg16 : memref<!tpu.dma_semaphore, #tpu.memory_space<semaphore_mem>>) src(%dma_wait3A_940 : memref<10000x128xf32, #tpu.memory_space<hbm>>) dst(%dma_wait3A_934 : memref<128x128xf32, #tpu.memory_space<vmem>>)
      %run_scoped3A_941 = arith.constant 3 : i32
      %run_scoped3A_942 = arith.constant 7 : i32
      "tpu.region"() ({
        %run_scoped3A_979 = tpu.sem_alloc : memref<!tpu.dma_semaphore, #tpu.memory_space<semaphore_mem>>
        %dma_start3A_980 = arith.constant 0 : i32
        %dma_start3A_981 = arith.constant 0 : i32
        %dma_start3A_982 = tpu.memref_slice %arg9[%run_scoped3A_941, %dma_start3A_980, %dma_start3A_981] : memref<4x128x128xf32, #tpu.memory_space<vmem>> -> memref<1x128x128xf32, #tpu.memory_space<vmem>>
        %dma_start3A_983 = tpu.memref_squeeze %dma_start3A_982 : memref<1x128x128xf32, #tpu.memory_space<vmem>> -> memref<128x128xf32, #tpu.memory_space<vmem>>
        %dma_start3A_984 = arith.constant 0 : i32
        %dma_start3A_985 = tpu.memref_slice %arg8[%run_scoped3A_942, %dma_start3A_984] : memref<8x128xi32, #tpu.memory_space<vmem>> -> memref<1x128xi32, #tpu.memory_space<vmem>>
        %dma_start3A_986 = tpu.memref_squeeze %dma_start3A_985 : memref<1x128xi32, #tpu.memory_space<vmem>> -> memref<128xi32, #tpu.memory_space<vmem>>
        %dma_start3A_987 = arith.constant 0 : i32
        %dma_start3A_988 = arith.constant 0 : i32
        %dma_start3A_989 = tpu.memref_slice %arg12[%dma_start3A_987, %dma_start3A_988] : memref<2048x128xf32, #tpu.memory_space<vmem_shared>> -> memref<2048x128xf32, #tpu.memory_space<vmem_shared>>
        tpu.enqueue_indirect_dma source(%dma_start3A_983 : memref<128x128xf32, #tpu.memory_space<vmem>>) target(%dma_start3A_989 : memref<2048x128xf32, #tpu.memory_space<vmem_shared>>) offsets(%dma_start3A_986 : memref<128xi32, #tpu.memory_space<vmem>>) semaphore(%run_scoped3A_979 : memref<!tpu.dma_semaphore, #tpu.memory_space<semaphore_mem>>) {add = true}
        %dma_wait3A_990 = arith.constant 0 : i32
        %dma_wait3A_991 = arith.constant 0 : i32
        %dma_wait3A_992 = tpu.memref_slice %arg9[%run_scoped3A_941, %dma_wait3A_990, %dma_wait3A_991] : memref<4x128x128xf32, #tpu.memory_space<vmem>> -> memref<1x128x128xf32, #tpu.memory_space<vmem>>
        %dma_wait3A_993 = tpu.memref_squeeze %dma_wait3A_992 : memref<1x128x128xf32, #tpu.memory_space<vmem>> -> memref<128x128xf32, #tpu.memory_space<vmem>>
        %dma_wait3A_994 = arith.constant 0 : i32
        %dma_wait3A_995 = tpu.memref_slice %arg8[%run_scoped3A_942, %dma_wait3A_994] : memref<8x128xi32, #tpu.memory_space<vmem>> -> memref<1x128xi32, #tpu.memory_space<vmem>>
        %dma_wait3A_996 = tpu.memref_squeeze %dma_wait3A_995 : memref<1x128xi32, #tpu.memory_space<vmem>> -> memref<128xi32, #tpu.memory_space<vmem>>
        %dma_wait3A_997 = arith.constant 0 : i32
        %dma_wait3A_998 = arith.constant 0 : i32
        %dma_wait3A_999 = tpu.memref_slice %arg12[%dma_wait3A_997, %dma_wait3A_998] : memref<2048x128xf32, #tpu.memory_space<vmem_shared>> -> memref<2048x128xf32, #tpu.memory_space<vmem_shared>>
        tpu.wait_indirect_dma semaphore(%run_scoped3A_979 : memref<!tpu.dma_semaphore, #tpu.memory_space<semaphore_mem>>) src(%dma_wait3A_993 : memref<128x128xf32, #tpu.memory_space<vmem>>) dst(%dma_wait3A_999 : memref<2048x128xf32, #tpu.memory_space<vmem_shared>>)
        tpu.yield
      }) : () -> ()
      %get3A_943 = arith.constant 7 : i32
      %get3A_944 = arith.index_cast %get3A_943 : i32 to index
      %get3A_945 = arith.constant 0 : index
      %get3A_946 = tpu.vector_load %arg8[%get3A_944, %get3A_945] {strides = array<i32>} : memref<8x128xi32, #tpu.memory_space<vmem>>, vector<16xi32>,
      tpu.vector_store_idx %arg11[%get3A_946], %broadcast_in_dim3A_5 {add = true} : memref<10240xf32, #tpu.memory_space<vmem>>[vector<16xi32>], vector<16xf32>,
      %get3A_947 = arith.constant 7 : i32
      %get3A_948 = arith.index_cast %get3A_947 : i32 to index
      %get3A_949 = arith.constant 16 : index
      %get3A_950 = tpu.vector_load %arg8[%get3A_948, %get3A_949] {strides = array<i32>} : memref<8x128xi32, #tpu.memory_space<vmem>>, vector<16xi32>,
      tpu.vector_store_idx %arg11[%get3A_950], %broadcast_in_dim3A_5 {add = true} : memref<10240xf32, #tpu.memory_space<vmem>>[vector<16xi32>], vector<16xf32>,
      %get3A_951 = arith.constant 7 : i32
      %get3A_952 = arith.index_cast %get3A_951 : i32 to index
      %get3A_953 = arith.constant 32 : index
      %get3A_954 = tpu.vector_load %arg8[%get3A_952, %get3A_953] {strides = array<i32>} : memref<8x128xi32, #tpu.memory_space<vmem>>, vector<16xi32>,
      tpu.vector_store_idx %arg11[%get3A_954], %broadcast_in_dim3A_5 {add = true} : memref<10240xf32, #tpu.memory_space<vmem>>[vector<16xi32>], vector<16xf32>,
      %get3A_955 = arith.constant 7 : i32
      %get3A_956 = arith.index_cast %get3A_955 : i32 to index
      %get3A_957 = arith.constant 48 : index
      %get3A_958 = tpu.vector_load %arg8[%get3A_956, %get3A_957] {strides = array<i32>} : memref<8x128xi32, #tpu.memory_space<vmem>>, vector<16xi32>,
      tpu.vector_store_idx %arg11[%get3A_958], %broadcast_in_dim3A_5 {add = true} : memref<10240xf32, #tpu.memory_space<vmem>>[vector<16xi32>], vector<16xf32>,
      %get3A_959 = arith.constant 7 : i32
      %get3A_960 = arith.index_cast %get3A_959 : i32 to index
      %get3A_961 = arith.constant 64 : index
      %get3A_962 = tpu.vector_load %arg8[%get3A_960, %get3A_961] {strides = array<i32>} : memref<8x128xi32, #tpu.memory_space<vmem>>, vector<16xi32>,
      tpu.vector_store_idx %arg11[%get3A_962], %broadcast_in_dim3A_5 {add = true} : memref<10240xf32, #tpu.memory_space<vmem>>[vector<16xi32>], vector<16xf32>,
      %get3A_963 = arith.constant 7 : i32
      %get3A_964 = arith.index_cast %get3A_963 : i32 to index
      %get3A_965 = arith.constant 80 : index
      %get3A_966 = tpu.vector_load %arg8[%get3A_964, %get3A_965] {strides = array<i32>} : memref<8x128xi32, #tpu.memory_space<vmem>>, vector<16xi32>,
      tpu.vector_store_idx %arg11[%get3A_966], %broadcast_in_dim3A_5 {add = true} : memref<10240xf32, #tpu.memory_space<vmem>>[vector<16xi32>], vector<16xf32>,
      %get3A_967 = arith.constant 7 : i32
      %get3A_968 = arith.index_cast %get3A_967 : i32 to index
      %get3A_969 = arith.constant 96 : index
      %get3A_970 = tpu.vector_load %arg8[%get3A_968, %get3A_969] {strides = array<i32>} : memref<8x128xi32, #tpu.memory_space<vmem>>, vector<16xi32>,
      tpu.vector_store_idx %arg11[%get3A_970], %broadcast_in_dim3A_5 {add = true} : memref<10240xf32, #tpu.memory_space<vmem>>[vector<16xi32>], vector<16xf32>,
      %get3A_971 = arith.constant 7 : i32
      %get3A_972 = arith.index_cast %get3A_971 : i32 to index
      %get3A_973 = arith.constant 112 : index
      %get3A_974 = tpu.vector_load %arg8[%get3A_972, %get3A_973] {strides = array<i32>} : memref<8x128xi32, #tpu.memory_space<vmem>>, vector<16xi32>,
      tpu.vector_store_idx %arg11[%get3A_974], %broadcast_in_dim3A_5 {add = true} : memref<10240xf32, #tpu.memory_space<vmem>>[vector<16xi32>], vector<16xf32>,
      %add3A_975 = arith.constant 1 : i32
      %add3A_976 = arith.addi %scan3A_579, %add3A_975 : i32
      %lt3A = arith.constant 10 : i32
      %lt3A_977 = arith.cmpi slt, %add3A_976, %lt3A : i32
      %convert_element_type3A = arith.extui %lt3A_977 : i1 to i32
      %cond3A = arith.constant 0 : i32
      %cond3A_978 = arith.cmpi ne, %convert_element_type3A, %cond3A : i32
      scf.if %cond3A_978 {
        %add3A_979 = arith.constant 1 : i32
        %add3A_980 = arith.addi %scan3A_579, %add3A_979 : i32
        %mul3A_981 = arith.constant 8 : i32
        %mul3A_982 = arith.muli %add3A_980, %mul3A_981 : i32
        "tpu.region"() ({
          %run_scoped3A_1035 = tpu.sem_alloc : memref<!tpu.dma_semaphore, #tpu.memory_space<semaphore_mem>>
          %dma_start3A_1036 = arith.constant 0 : i32
          %dma_start3A_1037 = tpu.memref_slice %arg3[%add3A, %mul3A_982, %dma_start3A_1036] : memref<32x80x128xi32, #tpu.memory_space<hbm>> -> memref<1x8x128xi32, #tpu.memory_space<hbm>>
          %dma_start3A_1038 = tpu.memref_squeeze %dma_start3A_1037 : memref<1x8x128xi32, #tpu.memory_space<hbm>> -> memref<8x128xi32, #tpu.memory_space<hbm>>
          %dma_start3A_1039 = arith.constant 0 : i32
          %dma_start3A_1040 = tpu.memref_slice %arg3[%add3A, %mul3A_982, %dma_start3A_1039] : memref<32x80x128xi32, #tpu.memory_space<hbm>> -> memref<1x8x128xi32, #tpu.memory_space<hbm>>
          %dma_start3A_1041 = tpu.memref_squeeze %dma_start3A_1040 : memref<1x8x128xi32, #tpu.memory_space<hbm>> -> memref<8x128xi32, #tpu.memory_space<hbm>>
          tpu.enqueue_dma source(%dma_start3A_1041 : memref<8x128xi32, #tpu.memory_space<hbm>>) target(%arg7 : memref<8x128xi32, #tpu.memory_space<vmem>>) target_semaphore(%run_scoped3A_1035 : memref<!tpu.dma_semaphore, #tpu.memory_space<semaphore_mem>>)
          %dma_wait3A_1042 = arith.constant 0 : i32
          %dma_wait3A_1043 = tpu.memref_slice %arg3[%add3A, %mul3A_982, %dma_wait3A_1042] : memref<32x80x128xi32, #tpu.memory_space<hbm>> -> memref<1x8x128xi32, #tpu.memory_space<hbm>>
          %dma_wait3A_1044 = tpu.memref_squeeze %dma_wait3A_1043 : memref<1x8x128xi32, #tpu.memory_space<hbm>> -> memref<8x128xi32, #tpu.memory_space<hbm>>
          %dma_wait3A_1045 = arith.constant 0 : i32
          %dma_wait3A_1046 = tpu.memref_slice %arg3[%add3A, %mul3A_982, %dma_wait3A_1045] : memref<32x80x128xi32, #tpu.memory_space<hbm>> -> memref<1x8x128xi32, #tpu.memory_space<hbm>>
          %dma_wait3A_1047 = tpu.memref_squeeze %dma_wait3A_1046 : memref<1x8x128xi32, #tpu.memory_space<hbm>> -> memref<8x128xi32, #tpu.memory_space<hbm>>
          tpu.wait_dma2 semaphore(%run_scoped3A_1035 : memref<!tpu.dma_semaphore, #tpu.memory_space<semaphore_mem>>) src(%dma_wait3A_1047 : memref<8x128xi32, #tpu.memory_space<hbm>>) dst(%arg7 : memref<8x128xi32, #tpu.memory_space<vmem>>)
          tpu.yield
        }) : () -> ()
        %add3A_983 = arith.constant 1 : i32
        %add3A_984 = arith.addi %scan3A_579, %add3A_983 : i32
        %mul3A_985 = arith.constant 8 : i32
        %mul3A_986 = arith.muli %add3A_984, %mul3A_985 : i32
        "tpu.region"() ({
          %run_scoped3A_1035 = tpu.sem_alloc : memref<!tpu.dma_semaphore, #tpu.memory_space<semaphore_mem>>
          %dma_start3A_1036 = arith.constant 0 : i32
          %dma_start3A_1037 = tpu.memref_slice %arg4[%add3A, %mul3A_986, %dma_start3A_1036] : memref<32x80x128xi32, #tpu.memory_space<hbm>> -> memref<1x8x128xi32, #tpu.memory_space<hbm>>
          %dma_start3A_1038 = tpu.memref_squeeze %dma_start3A_1037 : memref<1x8x128xi32, #tpu.memory_space<hbm>> -> memref<8x128xi32, #tpu.memory_space<hbm>>
          %dma_start3A_1039 = arith.constant 0 : i32
          %dma_start3A_1040 = tpu.memref_slice %arg4[%add3A, %mul3A_986, %dma_start3A_1039] : memref<32x80x128xi32, #tpu.memory_space<hbm>> -> memref<1x8x128xi32, #tpu.memory_space<hbm>>
          %dma_start3A_1041 = tpu.memref_squeeze %dma_start3A_1040 : memref<1x8x128xi32, #tpu.memory_space<hbm>> -> memref<8x128xi32, #tpu.memory_space<hbm>>
          tpu.enqueue_dma source(%dma_start3A_1041 : memref<8x128xi32, #tpu.memory_space<hbm>>) target(%arg8 : memref<8x128xi32, #tpu.memory_space<vmem>>) target_semaphore(%run_scoped3A_1035 : memref<!tpu.dma_semaphore, #tpu.memory_space<semaphore_mem>>)
          %dma_wait3A_1042 = arith.constant 0 : i32
          %dma_wait3A_1043 = tpu.memref_slice %arg4[%add3A, %mul3A_986, %dma_wait3A_1042] : memref<32x80x128xi32, #tpu.memory_space<hbm>> -> memref<1x8x128xi32, #tpu.memory_space<hbm>>
          %dma_wait3A_1044 = tpu.memref_squeeze %dma_wait3A_1043 : memref<1x8x128xi32, #tpu.memory_space<hbm>> -> memref<8x128xi32, #tpu.memory_space<hbm>>
          %dma_wait3A_1045 = arith.constant 0 : i32
          %dma_wait3A_1046 = tpu.memref_slice %arg4[%add3A, %mul3A_986, %dma_wait3A_1045] : memref<32x80x128xi32, #tpu.memory_space<hbm>> -> memref<1x8x128xi32, #tpu.memory_space<hbm>>
          %dma_wait3A_1047 = tpu.memref_squeeze %dma_wait3A_1046 : memref<1x8x128xi32, #tpu.memory_space<hbm>> -> memref<8x128xi32, #tpu.memory_space<hbm>>
          tpu.wait_dma2 semaphore(%run_scoped3A_1035 : memref<!tpu.dma_semaphore, #tpu.memory_space<semaphore_mem>>) src(%dma_wait3A_1047 : memref<8x128xi32, #tpu.memory_space<hbm>>) dst(%arg8 : memref<8x128xi32, #tpu.memory_space<vmem>>)
          tpu.yield
        }) : () -> ()
        %dma_start3A_987 = arith.constant 0 : i32
        %dma_start3A_988 = arith.constant 0 : i32
        %dma_start3A_989 = arith.constant 0 : i32
        %dma_start3A_990 = arith.constant 0 : i32
        %dma_start3A_991 = tpu.memref_slice %arg9[%dma_start3A_988, %dma_start3A_989, %dma_start3A_990] : memref<4x128x128xf32, #tpu.memory_space<vmem>> -> memref<1x128x128xf32, #tpu.memory_space<vmem>>
        %dma_start3A_992 = tpu.memref_squeeze %dma_start3A_991 : memref<1x128x128xf32, #tpu.memory_space<vmem>> -> memref<128x128xf32, #tpu.memory_space<vmem>>
        %dma_start3A_993 = arith.constant 0 : i32
        %dma_start3A_994 = tpu.memref_slice %arg7[%dma_start3A_987, %dma_start3A_993] : memref<8x128xi32, #tpu.memory_space<vmem>> -> memref<1x128xi32, #tpu.memory_space<vmem>>
        %dma_start3A_995 = tpu.memref_squeeze %dma_start3A_994 : memref<1x128xi32, #tpu.memory_space<vmem>> -> memref<128xi32, #tpu.memory_space<vmem>>
        %dma_start3A_996 = arith.constant 0 : i32
        %dma_start3A_997 = arith.constant 0 : i32
        %dma_start3A_998 = tpu.memref_slice %arg2[%dma_start3A_996, %dma_start3A_997] : memref<10000x128xf32, #tpu.memory_space<hbm>> -> memref<10000x128xf32, #tpu.memory_space<hbm>>
        tpu.enqueue_indirect_dma source(%dma_start3A_998 : memref<10000x128xf32, #tpu.memory_space<hbm>>) target(%dma_start3A_992 : memref<128x128xf32, #tpu.memory_space<vmem>>) offsets(%dma_start3A_995 : memref<128xi32, #tpu.memory_space<vmem>>) semaphore(%arg13 : memref<!tpu.dma_semaphore, #tpu.memory_space<semaphore_mem>>)
        %dma_start3A_999 = arith.constant 1 : i32
        %dma_start3A_1000 = arith.constant 1 : i32
        %dma_start3A_1001 = arith.constant 0 : i32
        %dma_start3A_1002 = arith.constant 0 : i32
        %dma_start3A_1003 = tpu.memref_slice %arg9[%dma_start3A_1000, %dma_start3A_1001, %dma_start3A_1002] : memref<4x128x128xf32, #tpu.memory_space<vmem>> -> memref<1x128x128xf32, #tpu.memory_space<vmem>>
        %dma_start3A_1004 = tpu.memref_squeeze %dma_start3A_1003 : memref<1x128x128xf32, #tpu.memory_space<vmem>> -> memref<128x128xf32, #tpu.memory_space<vmem>>
        %dma_start3A_1005 = arith.constant 0 : i32
        %dma_start3A_1006 = tpu.memref_slice %arg7[%dma_start3A_999, %dma_start3A_1005] : memref<8x128xi32, #tpu.memory_space<vmem>> -> memref<1x128xi32, #tpu.memory_space<vmem>>
        %dma_start3A_1007 = tpu.memref_squeeze %dma_start3A_1006 : memref<1x128xi32, #tpu.memory_space<vmem>> -> memref<128xi32, #tpu.memory_space<vmem>>
        %dma_start3A_1008 = arith.constant 0 : i32
        %dma_start3A_1009 = arith.constant 0 : i32
        %dma_start3A_1010 = tpu.memref_slice %arg2[%dma_start3A_1008, %dma_start3A_1009] : memref<10000x128xf32, #tpu.memory_space<hbm>> -> memref<10000x128xf32, #tpu.memory_space<hbm>>
        tpu.enqueue_indirect_dma source(%dma_start3A_1010 : memref<10000x128xf32, #tpu.memory_space<hbm>>) target(%dma_start3A_1004 : memref<128x128xf32, #tpu.memory_space<vmem>>) offsets(%dma_start3A_1007 : memref<128xi32, #tpu.memory_space<vmem>>) semaphore(%arg14 : memref<!tpu.dma_semaphore, #tpu.memory_space<semaphore_mem>>)
        %dma_start3A_1011 = arith.constant 2 : i32
        %dma_start3A_1012 = arith.constant 2 : i32
        %dma_start3A_1013 = arith.constant 0 : i32
        %dma_start3A_1014 = arith.constant 0 : i32
        %dma_start3A_1015 = tpu.memref_slice %arg9[%dma_start3A_1012, %dma_start3A_1013, %dma_start3A_1014] : memref<4x128x128xf32, #tpu.memory_space<vmem>> -> memref<1x128x128xf32, #tpu.memory_space<vmem>>
        %dma_start3A_1016 = tpu.memref_squeeze %dma_start3A_1015 : memref<1x128x128xf32, #tpu.memory_space<vmem>> -> memref<128x128xf32, #tpu.memory_space<vmem>>
        %dma_start3A_1017 = arith.constant 0 : i32
        %dma_start3A_1018 = tpu.memref_slice %arg7[%dma_start3A_1011, %dma_start3A_1017] : memref<8x128xi32, #tpu.memory_space<vmem>> -> memref<1x128xi32, #tpu.memory_space<vmem>>
        %dma_start3A_1019 = tpu.memref_squeeze %dma_start3A_1018 : memref<1x128xi32, #tpu.memory_space<vmem>> -> memref<128xi32, #tpu.memory_space<vmem>>
        %dma_start3A_1020 = arith.constant 0 : i32
        %dma_start3A_1021 = arith.constant 0 : i32
        %dma_start3A_1022 = tpu.memref_slice %arg2[%dma_start3A_1020, %dma_start3A_1021] : memref<10000x128xf32, #tpu.memory_space<hbm>> -> memref<10000x128xf32, #tpu.memory_space<hbm>>
        tpu.enqueue_indirect_dma source(%dma_start3A_1022 : memref<10000x128xf32, #tpu.memory_space<hbm>>) target(%dma_start3A_1016 : memref<128x128xf32, #tpu.memory_space<vmem>>) offsets(%dma_start3A_1019 : memref<128xi32, #tpu.memory_space<vmem>>) semaphore(%arg15 : memref<!tpu.dma_semaphore, #tpu.memory_space<semaphore_mem>>)
        %dma_start3A_1023 = arith.constant 3 : i32
        %dma_start3A_1024 = arith.constant 3 : i32
        %dma_start3A_1025 = arith.constant 0 : i32
        %dma_start3A_1026 = arith.constant 0 : i32
        %dma_start3A_1027 = tpu.memref_slice %arg9[%dma_start3A_1024, %dma_start3A_1025, %dma_start3A_1026] : memref<4x128x128xf32, #tpu.memory_space<vmem>> -> memref<1x128x128xf32, #tpu.memory_space<vmem>>
        %dma_start3A_1028 = tpu.memref_squeeze %dma_start3A_1027 : memref<1x128x128xf32, #tpu.memory_space<vmem>> -> memref<128x128xf32, #tpu.memory_space<vmem>>
        %dma_start3A_1029 = arith.constant 0 : i32
        %dma_start3A_1030 = tpu.memref_slice %arg7[%dma_start3A_1023, %dma_start3A_1029] : memref<8x128xi32, #tpu.memory_space<vmem>> -> memref<1x128xi32, #tpu.memory_space<vmem>>
        %dma_start3A_1031 = tpu.memref_squeeze %dma_start3A_1030 : memref<1x128xi32, #tpu.memory_space<vmem>> -> memref<128xi32, #tpu.memory_space<vmem>>
        %dma_start3A_1032 = arith.constant 0 : i32
        %dma_start3A_1033 = arith.constant 0 : i32
        %dma_start3A_1034 = tpu.memref_slice %arg2[%dma_start3A_1032, %dma_start3A_1033] : memref<10000x128xf32, #tpu.memory_space<hbm>> -> memref<10000x128xf32, #tpu.memory_space<hbm>>
        tpu.enqueue_indirect_dma source(%dma_start3A_1034 : memref<10000x128xf32, #tpu.memory_space<hbm>>) target(%dma_start3A_1028 : memref<128x128xf32, #tpu.memory_space<vmem>>) offsets(%dma_start3A_1031 : memref<128xi32, #tpu.memory_space<vmem>>) semaphore(%arg16 : memref<!tpu.dma_semaphore, #tpu.memory_space<semaphore_mem>>)
      } else {
      }
    }
    %scan3A_577 = arith.constant 10 : i32
    %barrier3A_578 = arith.constant 0 : index
    tpu.barrier barrier_id(%barrier3A_578)
    "tpu.region"() ({
      %run_scoped3A = tpu.sem_alloc : memref<!tpu.dma_semaphore, #tpu.memory_space<semaphore_mem>>
      %dma_start3A_579 = arith.constant 0 : i32
      %dma_start3A_580 = tpu.memref_slice %arg5[%arg0, %mul3A_2, %dma_start3A_579] : memref<2x2048x128xf32, #tpu.memory_space<hbm>> -> memref<1x128x128xf32, #tpu.memory_space<hbm>>
      %dma_start3A_581 = tpu.memref_squeeze %dma_start3A_580 : memref<1x128x128xf32, #tpu.memory_space<hbm>> -> memref<128x128xf32, #tpu.memory_space<hbm>>
      %dma_start3A_582 = arith.constant 0 : i32
      %dma_start3A_583 = tpu.memref_slice %arg12[%mul3A_2, %dma_start3A_582] : memref<2048x128xf32, #tpu.memory_space<vmem_shared>> -> memref<128x128xf32, #tpu.memory_space<vmem_shared>>
      tpu.enqueue_dma source(%dma_start3A_583 : memref<128x128xf32, #tpu.memory_space<vmem_shared>>) target(%dma_start3A_581 : memref<128x128xf32, #tpu.memory_space<hbm>>) target_semaphore(%run_scoped3A : memref<!tpu.dma_semaphore, #tpu.memory_space<semaphore_mem>>)
      %dma_wait3A = arith.constant 0 : i32
      %dma_wait3A_584 = tpu.memref_slice %arg5[%arg0, %mul3A_2, %dma_wait3A] : memref<2x2048x128xf32, #tpu.memory_space<hbm>> -> memref<1x128x128xf32, #tpu.memory_space<hbm>>
      %dma_wait3A_585 = tpu.memref_squeeze %dma_wait3A_584 : memref<1x128x128xf32, #tpu.memory_space<hbm>> -> memref<128x128xf32, #tpu.memory_space<hbm>>
      %dma_wait3A_586 = arith.constant 0 : i32
      %dma_wait3A_587 = tpu.memref_slice %arg12[%mul3A_2, %dma_wait3A_586] : memref<2048x128xf32, #tpu.memory_space<vmem_shared>> -> memref<128x128xf32, #tpu.memory_space<vmem_shared>>
      tpu.wait_dma2 semaphore(%run_scoped3A : memref<!tpu.dma_semaphore, #tpu.memory_space<semaphore_mem>>) src(%dma_wait3A_587 : memref<128x128xf32, #tpu.memory_space<vmem_shared>>) dst(%dma_wait3A_585 : memref<128x128xf32, #tpu.memory_space<hbm>>)
      tpu.yield
    }) : () -> ()
    "tpu.region"() ({
      %run_scoped3A = tpu.sem_alloc : memref<!tpu.dma_semaphore, #tpu.memory_space<semaphore_mem>>
      %dma_start3A_579 = arith.constant 0 : i32
      %dma_start3A_580 = tpu.memref_slice %arg6[%add3A, %dma_start3A_579] : memref<32x10240xf32, #tpu.memory_space<hbm>> -> memref<1x10240xf32, #tpu.memory_space<hbm>>
      %dma_start3A_581 = tpu.memref_squeeze %dma_start3A_580 : memref<1x10240xf32, #tpu.memory_space<hbm>> -> memref<10240xf32, #tpu.memory_space<hbm>>
      %dma_start3A_582 = arith.constant 0 : i32
      %dma_start3A_583 = tpu.memref_slice %arg6[%add3A, %dma_start3A_582] : memref<32x10240xf32, #tpu.memory_space<hbm>> -> memref<1x10240xf32, #tpu.memory_space<hbm>>
      %dma_start3A_584 = tpu.memref_squeeze %dma_start3A_583 : memref<1x10240xf32, #tpu.memory_space<hbm>> -> memref<10240xf32, #tpu.memory_space<hbm>>
      tpu.enqueue_dma source(%arg11 : memref<10240xf32, #tpu.memory_space<vmem>>) target(%dma_start3A_584 : memref<10240xf32, #tpu.memory_space<hbm>>) target_semaphore(%run_scoped3A : memref<!tpu.dma_semaphore, #tpu.memory_space<semaphore_mem>>)
      %dma_wait3A = arith.constant 0 : i32
      %dma_wait3A_585 = tpu.memref_slice %arg6[%add3A, %dma_wait3A] : memref<32x10240xf32, #tpu.memory_space<hbm>> -> memref<1x10240xf32, #tpu.memory_space<hbm>>
      %dma_wait3A_586 = tpu.memref_squeeze %dma_wait3A_585 : memref<1x10240xf32, #tpu.memory_space<hbm>> -> memref<10240xf32, #tpu.memory_space<hbm>>
      %dma_wait3A_587 = arith.constant 0 : i32
      %dma_wait3A_588 = tpu.memref_slice %arg6[%add3A, %dma_wait3A_587] : memref<32x10240xf32, #tpu.memory_space<hbm>> -> memref<1x10240xf32, #tpu.memory_space<hbm>>
      %dma_wait3A_589 = tpu.memref_squeeze %dma_wait3A_588 : memref<1x10240xf32, #tpu.memory_space<hbm>> -> memref<10240xf32, #tpu.memory_space<hbm>>
      tpu.wait_dma2 semaphore(%run_scoped3A : memref<!tpu.dma_semaphore, #tpu.memory_space<semaphore_mem>>) src(%arg11 : memref<10240xf32, #tpu.memory_space<vmem>>) dst(%dma_wait3A_589 : memref<10240xf32, #tpu.memory_space<hbm>>)
      tpu.yield
    }) : () -> ()
    return
  }
}

module attributes {stable_mosaic.version = 14 : i64} {
  func.func @_combine_body(%arg0: i32, %arg1: memref<400x128xf32, #tpu.memory_space<vmem>>, %arg2: memref<2x400x128xf32, #tpu.memory_space<vmem>>, %arg3: memref<400x32xf32, #tpu.memory_space<vmem>>, %arg4: memref<128x128xf32, #tpu.memory_space<vmem>>, %arg5: memref<128x128xf32, #tpu.memory_space<vmem>>, %arg6: memref<1x128xf32, #tpu.memory_space<vmem>>, %arg7: memref<400x128xf32, #tpu.memory_space<vmem>>) attributes {dimension_semantics = [#tpu.dimension_semantics<arbitrary>], iteration_bounds = array<i64: 25>, scalar_prefetch = 0 : i64, scratch_operands = 0 : i64, tpu.core_type = #tpu.core_type<tc>, window_params = [{transform_indices = @transform_0, window_bounds = array<i64: 400, 128>}, {transform_indices = @transform_1, window_bounds = array<i64: 2, 400, 128>}, {transform_indices = @transform_2, window_bounds = array<i64: 400, 32>}, {pipeline_mode = #tpu.pipeline_mode<synchronous>, transform_indices = @transform_3, window_bounds = array<i64: 128, 128>}, {pipeline_mode = #tpu.pipeline_mode<synchronous>, transform_indices = @transform_4, window_bounds = array<i64: 128, 128>}, {pipeline_mode = #tpu.pipeline_mode<synchronous>, transform_indices = @transform_5, window_bounds = array<i64: 1, 128>}, {transform_indices = @transform_6, window_bounds = array<i64: 400, 128>}]} {
    %get3A = arith.constant 0 : index
    %get3A_0 = arith.constant 0 : index
    %get3A_1 = arith.constant 0 : index
    %get3A_2 = vector.load %arg2[%get3A, %get3A_0, %get3A_1] : memref<2x400x128xf32, #tpu.memory_space<vmem>>, vector<1x400x128xf32>
    %get3A_3 = vector.shape_cast %get3A_2 : vector<1x400x128xf32> to vector<400x128xf32>
    %get3A_4 = arith.constant 1 : index
    %get3A_5 = arith.constant 0 : index
    %get3A_6 = arith.constant 0 : index
    %get3A_7 = vector.load %arg2[%get3A_4, %get3A_5, %get3A_6] : memref<2x400x128xf32, #tpu.memory_space<vmem>>, vector<1x400x128xf32>
    %get3A_8 = vector.shape_cast %get3A_7 : vector<1x400x128xf32> to vector<400x128xf32>
    %add3A = arith.addf %get3A_3, %get3A_8 : vector<400x128xf32>
    %get3A_9 = arith.constant 0 : index
    %get3A_10 = arith.constant 0 : index
    %get3A_11 = vector.load %arg3[%get3A_9, %get3A_10] : memref<400x32xf32, #tpu.memory_space<vmem>>, vector<400x32xf32>
    %reduce_sum3A = arith.constant dense<0.000000e+00> : vector<400xf32>
    %reduce_sum3A_12 = vector.multi_reduction <add>, %get3A_11, %reduce_sum3A [1] : vector<400x32xf32> to vector<400xf32>
    %broadcast_in_dim3A = vector.shape_cast %reduce_sum3A_12 : vector<400xf32> to vector<400x1xf32>
    %max3A = arith.constant 1.000000e+00 : f32
    %max3A_13 = vector.broadcast %max3A : f32 to vector<400x1xf32>
    %max3A_14 = arith.maximumf %broadcast_in_dim3A, %max3A_13 : vector<400x1xf32>
    %div3A = arith.constant 1.000000e+00 : f32
    %div3A_15 = vector.broadcast %div3A : f32 to vector<400x1xf32>
    %div3A_16 = arith.divf %div3A_15, %max3A_14 : vector<400x1xf32>
    %mul3A = vector.broadcast %div3A_16 : vector<400x1xf32> to vector<400x128xf32>
    %mul3A_17 = arith.mulf %add3A, %mul3A : vector<400x128xf32>
    %get3A_18 = arith.constant 0 : index
    %get3A_19 = arith.constant 0 : index
    %get3A_20 = vector.load %arg1[%get3A_18, %get3A_19] : memref<400x128xf32, #tpu.memory_space<vmem>>, vector<400x128xf32>
    %get3A_21 = arith.constant 0 : index
    %get3A_22 = arith.constant 0 : index
    %get3A_23 = vector.load %arg4[%get3A_21, %get3A_22] : memref<128x128xf32, #tpu.memory_space<vmem>>, vector<128x128xf32>
    %dot_general3A = arith.constant dense<0.000000e+00> : vector<400x128xf32>
    %dot_general3A_24 = tpu.matmul %get3A_20, %get3A_23, %dot_general3A {dimension_numbers = #tpu.dot_dimension_numbers<[1], [0], [0], [1], [0, 0, 1, 1], [], []>, transpose_lhs_hint = false} : vector<400x128xf32>, vector<128x128xf32>, vector<400x128xf32> -> vector<400x128xf32>
    %get3A_25 = arith.constant 0 : index
    %get3A_26 = arith.constant 0 : index
    %get3A_27 = vector.load %arg5[%get3A_25, %get3A_26] : memref<128x128xf32, #tpu.memory_space<vmem>>, vector<128x128xf32>
    %dot_general3A_28 = arith.constant dense<0.000000e+00> : vector<400x128xf32>
    %dot_general3A_29 = tpu.matmul %mul3A_17, %get3A_27, %dot_general3A_28 {dimension_numbers = #tpu.dot_dimension_numbers<[1], [0], [0], [1], [0, 0, 1, 1], [], []>, transpose_lhs_hint = false} : vector<400x128xf32>, vector<128x128xf32>, vector<400x128xf32> -> vector<400x128xf32>
    %add3A_30 = arith.addf %dot_general3A_24, %dot_general3A_29 : vector<400x128xf32>
    %get3A_31 = arith.constant 0 : index
    %get3A_32 = arith.constant 0 : index
    %get3A_33 = vector.load %arg6[%get3A_31, %get3A_32] : memref<1x128xf32, #tpu.memory_space<vmem>>, vector<1x128xf32>
    %add3A_34 = vector.broadcast %get3A_33 : vector<1x128xf32> to vector<400x128xf32>
    %add3A_35 = arith.addf %add3A_30, %add3A_34 : vector<400x128xf32>
    %max3A_36 = arith.constant 0.000000e+00 : f32
    %max3A_37 = vector.broadcast %max3A_36 : f32 to vector<400x128xf32>
    %max3A_38 = arith.maximumf %add3A_35, %max3A_37 : vector<400x128xf32>
    %swap3A = arith.constant 0 : index
    %swap3A_39 = arith.constant 0 : index
    %swap3A_40 = vector.load %arg7[%swap3A, %swap3A_39] : memref<400x128xf32, #tpu.memory_space<vmem>>, vector<400x128xf32>
    tpu.vector_store %arg7[%swap3A, %swap3A_39], %max3A_38 {strides = array<i32>} : memref<400x128xf32, #tpu.memory_space<vmem>>, vector<400x128xf32>,
    return
  }
  func.func @transform_0(%arg0: i32) -> (i32, i32) {
    %c0_i32 = arith.constant 0 : i32
    %c0_i32_0 = arith.constant 0 : i32
    return %arg0, %c0_i32 : i32, i32
  }
  func.func @transform_1(%arg0: i32) -> (i32, i32, i32) {
    %c0_i32 = arith.constant 0 : i32
    %c0_i32_0 = arith.constant 0 : i32
    %c0_i32_1 = arith.constant 0 : i32
    return %c0_i32, %arg0, %c0_i32_0 : i32, i32, i32
  }
  func.func @transform_2(%arg0: i32) -> (i32, i32) {
    %c0_i32 = arith.constant 0 : i32
    %c0_i32_0 = arith.constant 0 : i32
    return %arg0, %c0_i32 : i32, i32
  }
  func.func @transform_3(%arg0: i32) -> (i32, i32) {
    %c0_i32 = arith.constant 0 : i32
    %c0_i32_0 = arith.constant 0 : i32
    %c0_i32_1 = arith.constant 0 : i32
    return %c0_i32, %c0_i32_0 : i32, i32
  }
  func.func @transform_4(%arg0: i32) -> (i32, i32) {
    %c0_i32 = arith.constant 0 : i32
    %c0_i32_0 = arith.constant 0 : i32
    %c0_i32_1 = arith.constant 0 : i32
    return %c0_i32, %c0_i32_0 : i32, i32
  }
  func.func @transform_5(%arg0: i32) -> (i32, i32) {
    %c0_i32 = arith.constant 0 : i32
    %c0_i32_0 = arith.constant 0 : i32
    %c0_i32_1 = arith.constant 0 : i32
    return %c0_i32, %c0_i32_0 : i32, i32
  }
  func.func @transform_6(%arg0: i32) -> (i32, i32) {
    %c0_i32 = arith.constant 0 : i32
    %c0_i32_0 = arith.constant 0 : i32
    return %arg0, %c0_i32 : i32, i32
  }
}

module attributes {stable_mosaic.version = 14 : i64} {
  func.func @_combine_body(%arg0: i32, %arg1: memref<400x128xf32, #tpu.memory_space<vmem>>, %arg2: memref<2x400x128xf32, #tpu.memory_space<vmem>>, %arg3: memref<400x32xf32, #tpu.memory_space<vmem>>, %arg4: memref<128x128xf32, #tpu.memory_space<vmem>>, %arg5: memref<128x128xf32, #tpu.memory_space<vmem>>, %arg6: memref<1x128xf32, #tpu.memory_space<vmem>>, %arg7: memref<400x128xf32, #tpu.memory_space<vmem>>) attributes {dimension_semantics = [#tpu.dimension_semantics<arbitrary>], iteration_bounds = array<i64: 25>, scalar_prefetch = 0 : i64, scratch_operands = 0 : i64, tpu.core_type = #tpu.core_type<tc>, window_params = [{transform_indices = @transform_0, window_bounds = array<i64: 400, 128>}, {transform_indices = @transform_1, window_bounds = array<i64: 2, 400, 128>}, {transform_indices = @transform_2, window_bounds = array<i64: 400, 32>}, {pipeline_mode = #tpu.pipeline_mode<synchronous>, transform_indices = @transform_3, window_bounds = array<i64: 128, 128>}, {pipeline_mode = #tpu.pipeline_mode<synchronous>, transform_indices = @transform_4, window_bounds = array<i64: 128, 128>}, {pipeline_mode = #tpu.pipeline_mode<synchronous>, transform_indices = @transform_5, window_bounds = array<i64: 1, 128>}, {transform_indices = @transform_6, window_bounds = array<i64: 400, 128>}]} {
    %get3A = arith.constant 0 : index
    %get3A_0 = arith.constant 0 : index
    %get3A_1 = arith.constant 0 : index
    %get3A_2 = vector.load %arg2[%get3A, %get3A_0, %get3A_1] : memref<2x400x128xf32, #tpu.memory_space<vmem>>, vector<1x400x128xf32>
    %get3A_3 = vector.shape_cast %get3A_2 : vector<1x400x128xf32> to vector<400x128xf32>
    %get3A_4 = arith.constant 1 : index
    %get3A_5 = arith.constant 0 : index
    %get3A_6 = arith.constant 0 : index
    %get3A_7 = vector.load %arg2[%get3A_4, %get3A_5, %get3A_6] : memref<2x400x128xf32, #tpu.memory_space<vmem>>, vector<1x400x128xf32>
    %get3A_8 = vector.shape_cast %get3A_7 : vector<1x400x128xf32> to vector<400x128xf32>
    %add3A = arith.addf %get3A_3, %get3A_8 : vector<400x128xf32>
    %get3A_9 = arith.constant 0 : index
    %get3A_10 = arith.constant 0 : index
    %get3A_11 = vector.load %arg3[%get3A_9, %get3A_10] : memref<400x32xf32, #tpu.memory_space<vmem>>, vector<400x32xf32>
    %reduce_sum3A = arith.constant dense<0.000000e+00> : vector<400xf32>
    %reduce_sum3A_12 = vector.multi_reduction <add>, %get3A_11, %reduce_sum3A [1] : vector<400x32xf32> to vector<400xf32>
    %broadcast_in_dim3A = vector.shape_cast %reduce_sum3A_12 : vector<400xf32> to vector<400x1xf32>
    %max3A = arith.constant 1.000000e+00 : f32
    %max3A_13 = vector.broadcast %max3A : f32 to vector<400x1xf32>
    %max3A_14 = arith.maximumf %broadcast_in_dim3A, %max3A_13 : vector<400x1xf32>
    %div3A = arith.constant 1.000000e+00 : f32
    %div3A_15 = vector.broadcast %div3A : f32 to vector<400x1xf32>
    %div3A_16 = arith.divf %div3A_15, %max3A_14 : vector<400x1xf32>
    %mul3A = vector.broadcast %div3A_16 : vector<400x1xf32> to vector<400x128xf32>
    %mul3A_17 = arith.mulf %add3A, %mul3A : vector<400x128xf32>
    %get3A_18 = arith.constant 0 : index
    %get3A_19 = arith.constant 0 : index
    %get3A_20 = vector.load %arg1[%get3A_18, %get3A_19] : memref<400x128xf32, #tpu.memory_space<vmem>>, vector<400x128xf32>
    %get3A_21 = arith.constant 0 : index
    %get3A_22 = arith.constant 0 : index
    %get3A_23 = vector.load %arg4[%get3A_21, %get3A_22] : memref<128x128xf32, #tpu.memory_space<vmem>>, vector<128x128xf32>
    %dot_general3A = arith.constant dense<0.000000e+00> : vector<400x128xf32>
    %dot_general3A_24 = tpu.matmul %get3A_20, %get3A_23, %dot_general3A {dimension_numbers = #tpu.dot_dimension_numbers<[1], [0], [0], [1], [0, 0, 1, 1], [], []>, transpose_lhs_hint = false} : vector<400x128xf32>, vector<128x128xf32>, vector<400x128xf32> -> vector<400x128xf32>
    %get3A_25 = arith.constant 0 : index
    %get3A_26 = arith.constant 0 : index
    %get3A_27 = vector.load %arg5[%get3A_25, %get3A_26] : memref<128x128xf32, #tpu.memory_space<vmem>>, vector<128x128xf32>
    %dot_general3A_28 = arith.constant dense<0.000000e+00> : vector<400x128xf32>
    %dot_general3A_29 = tpu.matmul %mul3A_17, %get3A_27, %dot_general3A_28 {dimension_numbers = #tpu.dot_dimension_numbers<[1], [0], [0], [1], [0, 0, 1, 1], [], []>, transpose_lhs_hint = false} : vector<400x128xf32>, vector<128x128xf32>, vector<400x128xf32> -> vector<400x128xf32>
    %add3A_30 = arith.addf %dot_general3A_24, %dot_general3A_29 : vector<400x128xf32>
    %get3A_31 = arith.constant 0 : index
    %get3A_32 = arith.constant 0 : index
    %get3A_33 = vector.load %arg6[%get3A_31, %get3A_32] : memref<1x128xf32, #tpu.memory_space<vmem>>, vector<1x128xf32>
    %add3A_34 = vector.broadcast %get3A_33 : vector<1x128xf32> to vector<400x128xf32>
    %add3A_35 = arith.addf %add3A_30, %add3A_34 : vector<400x128xf32>
    %swap3A = arith.constant 0 : index
    %swap3A_36 = arith.constant 0 : index
    %swap3A_37 = vector.load %arg7[%swap3A, %swap3A_36] : memref<400x128xf32, #tpu.memory_space<vmem>>, vector<400x128xf32>
    tpu.vector_store %arg7[%swap3A, %swap3A_36], %add3A_35 {strides = array<i32>} : memref<400x128xf32, #tpu.memory_space<vmem>>, vector<400x128xf32>,
    return
  }
  func.func @transform_0(%arg0: i32) -> (i32, i32) {
    %c0_i32 = arith.constant 0 : i32
    %c0_i32_0 = arith.constant 0 : i32
    return %arg0, %c0_i32 : i32, i32
  }
  func.func @transform_1(%arg0: i32) -> (i32, i32, i32) {
    %c0_i32 = arith.constant 0 : i32
    %c0_i32_0 = arith.constant 0 : i32
    %c0_i32_1 = arith.constant 0 : i32
    return %c0_i32, %arg0, %c0_i32_0 : i32, i32, i32
  }
  func.func @transform_2(%arg0: i32) -> (i32, i32) {
    %c0_i32 = arith.constant 0 : i32
    %c0_i32_0 = arith.constant 0 : i32
    return %arg0, %c0_i32 : i32, i32
  }
  func.func @transform_3(%arg0: i32) -> (i32, i32) {
    %c0_i32 = arith.constant 0 : i32
    %c0_i32_0 = arith.constant 0 : i32
    %c0_i32_1 = arith.constant 0 : i32
    return %c0_i32, %c0_i32_0 : i32, i32
  }
  func.func @transform_4(%arg0: i32) -> (i32, i32) {
    %c0_i32 = arith.constant 0 : i32
    %c0_i32_0 = arith.constant 0 : i32
    %c0_i32_1 = arith.constant 0 : i32
    return %c0_i32, %c0_i32_0 : i32, i32
  }
  func.func @transform_5(%arg0: i32) -> (i32, i32) {
    %c0_i32 = arith.constant 0 : i32
    %c0_i32_0 = arith.constant 0 : i32
    %c0_i32_1 = arith.constant 0 : i32
    return %c0_i32, %c0_i32_0 : i32, i32
  }
  func.func @transform_6(%arg0: i32) -> (i32, i32) {
    %c0_i32 = arith.constant 0 : i32
    %c0_i32_0 = arith.constant 0 : i32
    return %arg0, %c0_i32 : i32, i32
  }
}

</mosaic_0001>

<sc_bundles>
// kernel: kernel.6.cloned.1.call-start
scs
__scs_entry_jumppad:
0x0: {  	(pc) =	sbr.rel $0x88, $3  }
0x1: {  	(tag) =	ssettag $0x0;
	lr =	simm.s32 $0x1  }
0x2: {  	[smem:$0x3F99] =	sst lr;
	_ =	strace $0xD0000000  }
0x3: {  	_ = 	snop  }
0x4: {  	_ = 	snop  }
0x5: {  	_ = 	snop  }
0x6: {  	_ = 	snop  }
0x7: {  	_ = 	snop  }
__scs_overlays_trampoline_lowered:
0x8: {  	[smem:$0x3FA8] =	sst s0  }
0x9: {  	[smem:$0x3FA9] =	sst s1  }
0xa: {  	[smem:$0x3FAA] =	sst s2  }
0xb: {  	[smem:$0x3FAB] =	sst s3  }
0xc: {  	[smem:$0x3FAC] =	sst s4  }
0xd: {  	[smem:$0x3FAD] =	sst s5  }
0xe: {  	[smem:$0x3FAE] =	sst s6  }
0xf: {  	[smem:$0x3FAF] =	sst s7  }
0x10: {  	[smem:$0x3FB0] =	sst s8  }
0x11: {  	[smem:$0x3FB1] =	sst s9;
	s0 =	simm.s32 @!p0 $0x0  }
0x12: {  	s1 =	sld [smem:$0x3F97];
	s0 =	simm.s32 @p0 $0x1  }
0x13: {  	[smem:$0x3FB2] =	sst s0;
	s0 =	simm.s32 @!p1 $0x0  }
0x14: {  	s2 =	sld [smem:$0x3F96];
	s0 =	simm.s32 @p1 $0x1  }
0x15: {  	[smem:$0x3FB3] =	sst s0;
	s0 =	simm.s32 @!p2 $0x0  }
0x16: {  	s3 =	sld [smem:$0x3FDB];
	s0 =	simm.s32 @p2 $0x1  }
0x17: {  	s4 =	simm.s32 $0x1BF5;
	[smem:$0x3FB5] =	sst s0  }
0x18: {  	s0 =	sld [smem:$0x3F98];
	_ =	swait.ge [sflag:s4], $0x0  }
0x19: {  	s7 =	sld [smem:$0x3F99]  }
0x1a: {  	s8 =	sadd.s32 $0xFFFFE003, lr  }
0x1b: {  	s9 =	sadd.s32 $0xFFFFFEF7, lr;
	s5 =	simm.s32 $0xFFFFFFFF;
	p2 =	slt.u32 s8, $0xFFFFF086  }
0x1c: {  	p1 =	slt.u32 s9, $0xF7A;
	s5 =	simm.s32 @!p2 $0x0  }
0x1d: {  	s5 =	simm.s32 @p1 $0x1;
	p0 =	seq.s32 s7, s2  }
0x1e: {  	s7 =	smul.u32 @!p0 $0xF7A, s2;
	p2 =	seq.s32 @!p0 s5, $0x0  }
0x1f: {  	s9 =	smul.u32 $0xF7A, s1;
	s8 =	simm.s32 @!p0 $0x1BF5;
	p2 =	por !p2, p0  }
0x20: {  	[sflag:s8] =	ssyncset.s32 @!p0 $0xFFFFF086;
	s6 =	sadd.s32 @!p0 s3, s7;
	s7 =	simm.s32 @!p0 $0x108  }
0x21: {  	s3 =	sadd.s32 s3, s9;
	s6 =	sadd.s32 @!p0 $0x88, s6;
	s7 =	simm.s32 @p2 $0x1082  }
0x22: {  	[simem:s7], [sflag:s8] =	dma.local @!p0 [hbm:s6], $0xF7A  }
0x23: {  	s9 =	sor.u32 $0xD0000000, s2;
	s6 =	simm.s32 $0x108;
	_ =	swait.ge @!p0 [sflag:s8], $0x0  }
0x24: {  	s3 =	sadd.s32 $0x88, s3;
	s6 =	simm.s32 @!p1 $0x1082;
	[sflag:s4] =	ssyncset.s32 $0xFFFFF086  }
0x25: {  	[simem:s6], [sflag:s4] =	dma.local [hbm:s3], $0xF7A  }
0x26: {  	[smem:$0x3F99] =	sst s1;
	(tag) =	ssettag s2;
	_ =	strace s9  }
0x27: {  	s1 =	sld [smem:$0x3FA9]  }
0x28: {  	s2 =	sld [smem:$0x3FAA]  }
0x29: {  	s4 =	sld [smem:$0x3FAC]  }
0x2a: {  	p0 =	seq.s32 s5, $0x0;
	s5 =	sld [smem:$0x3FAD]  }
0x2b: {  	s6 =	sld [smem:$0x3FAE]  }
0x2c: {  	s7 =	sld [smem:$0x3FAF]  }
0x2d: {  	s3 =	simm.s32 $0x108;
	s8 =	sld [smem:$0x3FB0]  }
0x2e: {  	s3 =	simm.s32 @!p0 $0x1082;
	s9 =	sld [smem:$0x3FB1]  }
0x2f: {  	lr =	sadd.s32 s0, s3;
	s0 =	sld [smem:$0x3FA8]  }
0x30: {  	s3 =	sld [smem:$0x3FAB]  }
0x31: {  	[smem:$0x3FB4] =	sst s10  }
0x32: {  	s10 =	sld [smem:$0x3FB2];
	_ =	sdelay $0x3  }
0x33: {  	p0 =	seq.s32 s10, $0x1;
	s10 =	sld [smem:$0x3FB4];
	_ =	sdelay $0x3  }
0x34: {  	[smem:$0x3FB4] =	sst s10  }
0x35: {  	s10 =	sld [smem:$0x3FB3];
	_ =	sdelay $0x3  }
0x36: {  	p1 =	seq.s32 s10, $0x1;
	s10 =	sld [smem:$0x3FB4];
	_ =	sdelay $0x3  }
0x37: {  	[smem:$0x3FB4] =	sst s10  }
0x38: {  	s10 =	sld [smem:$0x3FB5]  }
0x39: {  	_ = 	snop;
	(pc) =	sbr.ind lr, $3  }
0x3a: {  	_ = 	snop  }
0x3b: {  	_ = 	snop  }
0x3c: {  	p2 =	seq.s32 s10, $0x1;
	s10 =	sld [smem:$0x3FB4]  }
0x3d: {  	_ =	shalt  }
0x3e: {  	_ =	shalt  }
0x3f: {  	_ =	shalt  }
0x40: {  	_ =	shalt  }
0x41: {  	_ =	shalt  }
0x42: {  	_ =	shalt  }
0x43: {  	_ =	shalt  }
0x44: {  	_ =	shalt  }
0x45: {  	_ =	shalt  }
0x46: {  	_ =	shalt  }
0x47: {  	_ =	shalt  }
0x48: {  	_ =	shalt  }
0x49: {  	_ =	shalt  }
0x4a: {  	_ =	shalt  }
0x4b: {  	_ =	shalt  }
0x4c: {  	_ =	shalt  }
0x4d: {  	_ =	shalt  }
0x4e: {  	_ =	shalt  }
0x4f: {  	_ =	shalt  }
0x50: {  	_ =	shalt  }
0x51: {  	_ =	shalt  }
0x52: {  	_ =	shalt  }
0x53: {  	_ =	shalt  }
0x54: {  	_ =	shalt  }
0x55: {  	_ =	shalt  }
0x56: {  	_ =	shalt  }
0x57: {  	_ =	shalt  }
0x58: {  	_ =	shalt  }
0x59: {  	_ =	shalt  }
0x5a: {  	_ =	shalt  }
0x5b: {  	_ =	shalt  }
0x5c: {  	_ =	shalt  }
0x5d: {  	_ =	shalt  }
0x5e: {  	_ =	shalt  }
0x5f: {  	_ =	shalt  }
0x60: {  	_ =	shalt  }
0x61: {  	_ =	shalt  }
0x62: {  	_ =	shalt  }
0x63: {  	_ =	shalt  }
0x64: {  	_ =	shalt  }
0x65: {  	_ =	shalt  }
0x66: {  	_ =	shalt  }
0x67: {  	_ =	shalt  }
0x68: {  	_ =	shalt  }
0x69: {  	_ =	shalt  }
0x6a: {  	_ =	shalt  }
0x6b: {  	_ =	shalt  }
0x6c: {  	_ =	shalt  }
0x6d: {  	_ =	shalt  }
0x6e: {  	_ =	shalt  }
0x6f: {  	_ =	shalt  }
0x70: {  	_ =	shalt  }
0x71: {  	_ =	shalt  }
0x72: {  	_ =	shalt  }
0x73: {  	_ =	shalt  }
0x74: {  	_ =	shalt  }
0x75: {  	_ =	shalt  }
0x76: {  	_ =	shalt  }
0x77: {  	_ =	shalt  }
0x78: {  	_ =	shalt  }
0x79: {  	_ =	shalt  }
0x7a: {  	_ =	shalt  }
0x7b: {  	_ =	shalt  }
0x7c: {  	_ =	shalt  }
0x7d: {  	_ =	shalt  }
0x7e: {  	_ =	shalt  }
0x7f: {  	_ =	shalt  }
0x80: {  	_ =	shalt  }
0x81: {  	_ =	shalt  }
0x82: {  	_ =	shalt  }
0x83: {  	_ =	shalt  }
0x84: {  	_ =	shalt  }
0x85: {  	_ =	shalt  }
0x86: {  	_ =	shalt  }
0x87: {  	_ =	shalt  }
.Lfunc_end0:
.L_simem_size_0:
called_computation_lowered:
.L_overlay_start_0:
0x88: {  	s2 =	sld [smem:$0x3FD9]  }
0x89: {  	s3 =	sld [smem:$0x3FFE];
	_ =	sdelay $0x1  }
0x8a: {  	s1 =	srdreg.scid  }
0x8b: {  	s0 =	sand.u32 $0x1, s1  }
0x8c: {  	s17 =	sshll.u32 s0, $0xA;
	s2 =	sadd.s32 s3, s2  }
0x8d: {  	s2 =	sadd.s32 s2, s17  }
0x8e: {  	[smem:$0x3FC0] =	sst s2  }
0x8f: {  	_ = 	snop  }
0x90: {  	s2 =	sld [smem:$0x3FC9]  }
0x91: {  	s18 =	sld [smem:$0x3FD0];
	(tm) =	ssettm $0x1  }
0x92: {  	s4 =	sld [smem:$0x3FFB];
	_ =	sdelay $0x3  }
0x93: {  	_ =	strace s4  }
0x94: {  	s4 =	sld [smem:$0x3FFC];
	_ =	sdelay $0x3  }
0x95: {  	_ =	strace s4  }
0x96: {  	s4 =	sld [smem:$0x3FFD];
	_ =	sdelay $0x3  }
0x97: {  	_ =	strace s4  }
0x98: {  	_ =	strace $0x8FFFFFFF  }
0x99: {  	s19 =	sld [smem:$0x3FDB];
	_ =	sdelay $0x1  }
0x9a: {  	s5 =	simm.s32 $_scs_section_size  }
0x9b: {  	s6 =	simm.s32 $_size__tile_overlayer_lowered;
	s7 =	simm.s32 $_tile_overlayer_lowered  }
0x9c: {  	s22 =	simm.s32 $0x1BFF;
	s21 =	sshll.u32 s7, $0x1;
	s4 =	sadd.s32 s5, s19  }
0x9d: {  	s8 =	simm.s32 $0x0;
	s20 =	sshll.u32 s6, $0x1;
	s6 =	sadd.s32 s21, s4  }
0x9e: {  	[timem:s8], [sflag:s22] =	dma.local [hbm:s6], s20  }
0x9f: {  	_ =	swait.ge [sflag:s22], s20  }
0xa0: {  	s5 =	ssub.s32 $0x0, s20;
	[sflag:s22] =	ssyncset.done $0x0  }
0xa1: {  	[sflag:s22] =	ssyncadd.s32 s5;
	_ =	sdelay $0x1  }
0xa2: {  	s23 =	simm.s32 $0x1B8B  }
0xa3: {  	_ =	swait.ge [sflag:s23], $0x1  }
0xa4: {  	[sflag:s23] =	ssyncset.done $0x0  }
0xa5: {  	s25 =	simm.s32 $0x1B8E;
	s24 =	sld [smem:$0x3FFE];
	[sflag:s23] =	ssyncadd.s32 $0xFFFFFFFF  }
0xa6: {  	s26 =	simm.s32 $execute0_lowered;
	[smem:$0x3FD2] =	sst s25  }
0xa7: {  	s6 =	sshll.u32 s26, $0x1;
	_ =	strace $0x80000046;
	[dreg:$0x1] =	wrdreg $0xFFFFFFFF  }
0xa8: {  	s28 =	simm.s32 $_size_execute0_lowered;
	s4 =	sadd.s32 s4, s6;
	[dreg:$0x0] =	wrdreg $0x0  }
0xa9: {  	s6 =	sshll.u32 s28, $0x1;
	[dreg:$0x2] =	wrdreg s4  }
0xaa: {  	[dreg:$0x3] =	wrdreg s6  }
0xab: {  	[dreg:$0x4] =	wrdreg $0xC0  }
0xac: {  	_ =	task [dreg:s8], $0x5FFFF  }
0xad: {  	[dreg:$0x1] =	wrdreg $0xFFFFFFFF  }
0xae: {  	[dreg:$0x0] =	wrdreg $0x60  }
0xaf: {  	[dreg:$0x2] =	wrdreg s2  }
0xb0: {  	[dreg:$0x3] =	wrdreg s24  }
0xb1: {  	[dreg:$0x4] =	wrdreg s18  }
0xb2: {  	[dreg:$0x5] =	wrdreg $0x138000  }
0xb3: {  	[dreg:$0x6] =	wrdreg $0x9  }
0xb4: {  	_ =	task.clear_ibuf [dreg:s8], $0x7FFFF;
	_ =	strace $0x90000046  }
0xb5: {  	s29 =	simm.s32 $0x9;
	_ =	strace $0x80000048  }
0xb6: {  	_ =	swait.ge [sflag:s29], $0x1  }
0xb7: {  	[sflag:s29] =	ssyncadd.s32 $0xFFFFFFFF  }
0xb8: {  	_ =	strace $0x90000048  }
0xb9: {  	_ =	sfence  }
0xba: {  	s30 =	sld [smem:$0x0];
	_ =	sdelay $0x2  }
0xbb: {  	s31 =	sshll.u32 s1, $0xD;
	s1 =	sshrl.u32 s1, $0x2  }
0xbc: {  	s3 =	sand.u32 $0x4000, s31;
	s1 =	sadd.s32 s1, s30  }
0xbd: {  	s0 =	sor.u32 s3, s0;
	s1 =	sshll.u32 s1, $0x11  }
0xbe: {  	s0 =	sor.u32 s1, s0  }
0xbf: {  	s0 =	sadd.s32 $0x8F2B, s0  }
0xc0: {  	[sflag:s0] =	ssyncadd.remote.s32 $0x1  }
0xc1: {  	_ =	sfence.sel $0xFFFF  }
0xc2: {  	[dreg:$0x0] =	wrdreg $0xFFFFFFFF;
	(pc) =	sbr.abs _section_cstart, $3  }
0xc3: {  	[dreg:$0x1] =	wrdreg $0xFFFFFFFF  }
0xc4: {  	_ =	task.clear_ibuf [dreg:s8], $0x2FFFF;
	_ =	strace $0x9FFFFFFF  }
0xc5: {  	(tm) =	ssettm $0x7FFFFFFF  }
tec
execute0_lowered:
.L_overlay_start_1:
0x0: {  	(tag) =	ssettag $0x1  }
0x1: {  	s1 =	rddreg [dreg:$0x0]  }
0x2: {  	s0 =	rddreg [dreg:$0x1]  }
0x3: {  	s2 =	rddreg [dreg:$0x2]  }
0x4: {  	s3 =	rddreg [dreg:$0x3];
	s4 =	srdreg.scid  }
0x5: {  	s12 =	stileid.u32;
	s28 =	simm.s32 $0x8800;
	s30 =	simm.s32 $0xC800  }
0x6: {  	s31 =	simm.s32 $0x1;
	s29 =	simm.s32 $0x2;
	s5 =	sand.u32 $0x1, s4  }
0x7: {  	s6 =	sshll.u32 s12, $0x1;
	s4 =	simm.s32 $0x0;
	s7 =	sshrl.u32 s12, $0x2  }
0x8: {  	s9 =	sadd.s32 $0xBE00, s0;
	s10 =	sadd.s32 $0x1E00, s0;
	s11 =	sshll.u32 s12, $0xE  }
0x9: {  	s14 =	sshll.u32 s12, $0xB;
	s15 =	smul.u32 $0x5000, s12;
	s12 =	simm.s32 $0x380  }
0xa: {  	s6 =	sor.u32 s5, s6;
	[smem:$0x7FF] =	sst s4;
	s7 =	smul.u32 $0x14000, s7  }
0xb: {  	s25 =	ssub.s32 $0x2, s5;
	s20 =	sadd.s32 s11, s3;
	s16 =	sshll.u32 s5, $0xF  }
0xc: {  	s2 =	sadd.s32 s2, s14;
	s5 =	smul.u32 $0x2800, s5;
	s11 =	simm.s32 $0x580  }
0xd: {  	_ =	strace $0x80000047;
	s2 =	sadd.s32 s16, s2;
	[dreg:$0x6] =	wrdreg s20  }
0xe: {  	s14 =	simm.s32 $0x680;
	s18 =	sadd.s32 $0x800, s20;
	[dreg:$0x9] =	wrdreg s2  }
0xf: {  	s8 =	sshll.u32 s6, $0x7;
	s21 =	sadd.s32 $0x1000, s20;
	[dreg:$0xc] =	wrdreg s18  }
0x10: {  	s6 =	smul.u32 $0x2800, s6;
	s22 =	sadd.s32 $0x1800, s20;
	[dreg:$0xd] =	wrdreg s21  }
0x11: {  	s26 =	sshrl.u32 s25, $0x1;
	s23 =	sadd.s32 $0x2000, s20;
	[dreg:$0xe] =	wrdreg s22  }
0x12: {  	s24 =	sadd.s32 $0x2800, s20;
	s16 =	simm.s32 $0x780;
	[dreg:$0xf] =	wrdreg s23  }
0x13: {  	s8 =	sand.u32 $0x380, s8;
	s19 =	sadd.s32 s5, s15;
	[dreg:$0x10] =	wrdreg s24  }
0x14: {  	s21 =	simm.s32 $0x5;
	s22 =	simm.s32 $0x400;
	s23 =	simm.s32 $0x80  }
0x15: {  	s24 =	simm.s32 $0x800;
	s2 =	simm.s32 $0x480;
	s15 =	simm.s32 $0x700  }
0x16: {  	s7 =	sor.u32 s7, s8;
	s6 =	sshrl.u32 s6, $0x3;
	s8 =	simm.s32 $0x500  }
0x17: {  	s7 =	sshrl.u32 s7, $0x3;
	s13 =	sadd.s32 s9, s6;
	s6 =	sadd.s32 s10, s6  }
0x18: {  	s0 =	sadd.s32 s7, s0;
	s7 =	ssub.s32 s25, s26;
	[dreg:$0x7] =	wrdreg s13  }
0x19: {  	[dreg:$0x8] =	wrdreg s6;
	s25 =	sadd.s32 $0x3000, s20;
	s26 =	sadd.s32 $0x3800, s20  }
0x1a: {  	s6 =	simm.s32 $0x280;
	s13 =	simm.s32 $0x600;
	[dreg:$0x11] =	wrdreg s25  }
0x1b: {  	s0 =	sadd.s32 $0x15E00, s0;
	s17 =	smax.u32 s7, $0x1;
	[dreg:$0x12] =	wrdreg s26  }
0x1c: {  	s25 =	simm.s32 $0x4800;
	[dreg:$0xa] =	wrdreg s0;
	s0 =	sor.u32 $0x400, s19  }
0x1d: {  	s26 =	simm.s32 $0x200;
	s7 =	simm.s32 $0x3;
	s0 =	sshrl.u32 s0, $0x3  }
0x1e: {  	[dreg:$0xb] =	wrdreg s17;
	s18 =	sadd.s32 s0, s10;
	s19 =	sadd.s32 s0, s9  }
0x1f: {  	v0 =	vimm.f32 $0.0e+00;
	v1 =	vimm.f32 $1.000000000e+00;
	s0 =	simm.s32 $0x11000;
	s9 =	simm.s32 $0x300;
	s10 =	simm.s32 $0x4  }
.LBB2_1:
0x20: {  	[tilespmem:$0x10800] =	vst v0  }
0x21: {  	[tilespmem:$0x10810] =	vst v0  }
0x22: {  	[tilespmem:$0x10820] =	vst v0  }
0x23: {  	[tilespmem:$0x10830] =	vst v0  }
0x24: {  	[tilespmem:$0x10840] =	vst v0  }
0x25: {  	[tilespmem:$0x10850] =	vst v0  }
0x26: {  	[tilespmem:$0x10860] =	vst v0  }
0x27: {  	[tilespmem:$0x10870] =	vst v0  }
0x28: {  	[tilespmem:$0x10880] =	vst v0  }
0x29: {  	[tilespmem:$0x10890] =	vst v0  }
0x2a: {  	[tilespmem:$0x108A0] =	vst v0  }
0x2b: {  	[tilespmem:$0x108B0] =	vst v0  }
0x2c: {  	[tilespmem:$0x108C0] =	vst v0  }
0x2d: {  	[tilespmem:$0x108D0] =	vst v0  }
0x2e: {  	[tilespmem:$0x108E0] =	vst v0  }
0x2f: {  	[tilespmem:$0x108F0] =	vst v0  }
0x30: {  	[tilespmem:$0x10900] =	vst v0  }
0x31: {  	[tilespmem:$0x10910] =	vst v0  }
0x32: {  	[tilespmem:$0x10920] =	vst v0  }
0x33: {  	[tilespmem:$0x10930] =	vst v0  }
0x34: {  	[tilespmem:$0x10940] =	vst v0  }
0x35: {  	[tilespmem:$0x10950] =	vst v0  }
0x36: {  	[tilespmem:$0x10960] =	vst v0  }
0x37: {  	[tilespmem:$0x10970] =	vst v0  }
0x38: {  	[tilespmem:$0x10980] =	vst v0  }
0x39: {  	[tilespmem:$0x10990] =	vst v0  }
0x3a: {  	[tilespmem:$0x109A0] =	vst v0  }
0x3b: {  	[tilespmem:$0x109B0] =	vst v0  }
0x3c: {  	[tilespmem:$0x109C0] =	vst v0  }
0x3d: {  	[tilespmem:$0x109D0] =	vst v0  }
0x3e: {  	[tilespmem:$0x109E0] =	vst v0  }
0x3f: {  	[tilespmem:$0x109F0] =	vst v0  }
0x40: {  	[tilespmem:$0x10A00] =	vst v0  }
0x41: {  	[tilespmem:$0x10A10] =	vst v0  }
0x42: {  	[tilespmem:$0x10A20] =	vst v0  }
0x43: {  	[tilespmem:$0x10A30] =	vst v0  }
0x44: {  	[tilespmem:$0x10A40] =	vst v0  }
0x45: {  	[tilespmem:$0x10A50] =	vst v0  }
0x46: {  	[tilespmem:$0x10A60] =	vst v0  }
0x47: {  	[tilespmem:$0x10A70] =	vst v0  }
0x48: {  	[tilespmem:$0x10A80] =	vst v0  }
0x49: {  	[tilespmem:$0x10A90] =	vst v0  }
0x4a: {  	[tilespmem:$0x10AA0] =	vst v0  }
0x4b: {  	[tilespmem:$0x10AB0] =	vst v0  }
0x4c: {  	[tilespmem:$0x10AC0] =	vst v0  }
0x4d: {  	[tilespmem:$0x10AD0] =	vst v0  }
0x4e: {  	[tilespmem:$0x10AE0] =	vst v0  }
0x4f: {  	[tilespmem:$0x10AF0] =	vst v0  }
0x50: {  	[tilespmem:$0x10B00] =	vst v0  }
0x51: {  	[tilespmem:$0x10B10] =	vst v0  }
0x52: {  	[tilespmem:$0x10B20] =	vst v0  }
0x53: {  	[tilespmem:$0x10B30] =	vst v0  }
0x54: {  	[tilespmem:$0x10B40] =	vst v0  }
0x55: {  	[tilespmem:$0x10B50] =	vst v0  }
0x56: {  	[tilespmem:$0x10B60] =	vst v0  }
0x57: {  	[tilespmem:$0x10B70] =	vst v0  }
0x58: {  	[tilespmem:$0x10B80] =	vst v0  }
0x59: {  	[tilespmem:$0x10B90] =	vst v0  }
0x5a: {  	[tilespmem:$0x10BA0] =	vst v0  }
0x5b: {  	[tilespmem:$0x10BB0] =	vst v0  }
0x5c: {  	[tilespmem:$0x10BC0] =	vst v0  }
0x5d: {  	[tilespmem:$0x10BD0] =	vst v0  }
0x5e: {  	[tilespmem:$0x10BE0] =	vst v0  }
0x5f: {  	[tilespmem:$0x10BF0] =	vst v0  }
0x60: {  	[tilespmem:$0x10C00] =	vst v0  }
0x61: {  	[tilespmem:$0x10C10] =	vst v0  }
0x62: {  	[tilespmem:$0x10C20] =	vst v0  }
0x63: {  	[tilespmem:$0x10C30] =	vst v0  }
0x64: {  	[tilespmem:$0x10C40] =	vst v0  }
0x65: {  	[tilespmem:$0x10C50] =	vst v0  }
0x66: {  	[tilespmem:$0x10C60] =	vst v0  }
0x67: {  	[tilespmem:$0x10C70] =	vst v0  }
0x68: {  	[tilespmem:$0x10C80] =	vst v0  }
0x69: {  	[tilespmem:$0x10C90] =	vst v0  }
0x6a: {  	[tilespmem:$0x10CA0] =	vst v0  }
0x6b: {  	[tilespmem:$0x10CB0] =	vst v0  }
0x6c: {  	[tilespmem:$0x10CC0] =	vst v0  }
0x6d: {  	[tilespmem:$0x10CD0] =	vst v0  }
0x6e: {  	[tilespmem:$0x10CE0] =	vst v0  }
0x6f: {  	[tilespmem:$0x10CF0] =	vst v0  }
0x70: {  	[tilespmem:$0x10D00] =	vst v0  }
0x71: {  	[tilespmem:$0x10D10] =	vst v0  }
0x72: {  	[tilespmem:$0x10D20] =	vst v0  }
0x73: {  	[tilespmem:$0x10D30] =	vst v0  }
0x74: {  	[tilespmem:$0x10D40] =	vst v0  }
0x75: {  	[tilespmem:$0x10D50] =	vst v0  }
0x76: {  	[tilespmem:$0x10D60] =	vst v0  }
0x77: {  	[tilespmem:$0x10D70] =	vst v0  }
0x78: {  	[tilespmem:$0x10D80] =	vst v0  }
0x79: {  	[tilespmem:$0x10D90] =	vst v0  }
0x7a: {  	[tilespmem:$0x10DA0] =	vst v0  }
0x7b: {  	[tilespmem:$0x10DB0] =	vst v0  }
0x7c: {  	[tilespmem:$0x10DC0] =	vst v0  }
0x7d: {  	[tilespmem:$0x10DD0] =	vst v0  }
0x7e: {  	[tilespmem:$0x10DE0] =	vst v0  }
0x7f: {  	[tilespmem:$0x10DF0] =	vst v0  }
0x80: {  	[tilespmem:$0x10E00] =	vst v0  }
0x81: {  	[tilespmem:$0x10E10] =	vst v0  }
0x82: {  	[tilespmem:$0x10E20] =	vst v0  }
0x83: {  	[tilespmem:$0x10E30] =	vst v0  }
0x84: {  	[tilespmem:$0x10E40] =	vst v0  }
0x85: {  	[tilespmem:$0x10E50] =	vst v0  }
0x86: {  	[tilespmem:$0x10E60] =	vst v0  }
0x87: {  	[tilespmem:$0x10E70] =	vst v0  }
0x88: {  	[tilespmem:$0x10E80] =	vst v0  }
0x89: {  	[tilespmem:$0x10E90] =	vst v0  }
0x8a: {  	[tilespmem:$0x10EA0] =	vst v0  }
0x8b: {  	[tilespmem:$0x10EB0] =	vst v0  }
0x8c: {  	[tilespmem:$0x10EC0] =	vst v0  }
0x8d: {  	[tilespmem:$0x10ED0] =	vst v0  }
0x8e: {  	[tilespmem:$0x10EE0] =	vst v0  }
0x8f: {  	[tilespmem:$0x10EF0] =	vst v0  }
0x90: {  	[tilespmem:$0x10F00] =	vst v0  }
0x91: {  	[tilespmem:$0x10F10] =	vst v0  }
0x92: {  	[tilespmem:$0x10F20] =	vst v0  }
0x93: {  	[tilespmem:$0x10F30] =	vst v0  }
0x94: {  	[tilespmem:$0x10F40] =	vst v0  }
0x95: {  	[tilespmem:$0x10F50] =	vst v0  }
0x96: {  	[tilespmem:$0x10F60] =	vst v0  }
0x97: {  	[tilespmem:$0x10F70] =	vst v0  }
0x98: {  	[tilespmem:$0x10F80] =	vst v0  }
0x99: {  	[tilespmem:$0x10F90] =	vst v0  }
0x9a: {  	[tilespmem:$0x10FA0] =	vst v0  }
0x9b: {  	[tilespmem:$0x10FB0] =	vst v0  }
0x9c: {  	[tilespmem:$0x10FC0] =	vst v0  }
0x9d: {  	[tilespmem:$0x10FD0] =	vst v0  }
0x9e: {  	[tilespmem:$0x10FE0] =	vst v0  }
0x9f: {  	[tilespmem:$0x10FF0] =	vst v0;
	s17 =	simm.s32 $0x40;
	s5 =	simm.s32 $0x0  }
.LBB2_2:
0xa0: {  	p0 =	sne.s32 s17, $0x9FC0;
	[tilespmem:s5+$0x11000] =	vst v0;
	s5 =	smov.u32 s17;
	s17 =	sadd.s32 $0x40, s17  }
.Ltmp0:
0xa1: {  	(pc) =	sbr.rel @p0 .LBB2_2-.Ltmp0, $2  }
0xa2: {  	_ =	sdelay $0x2  }
0xa3: {  	s5 =	sshra.s32 s5, $0x2  }
0xa4: {  	[dreg:$0x5] =	wrdreg s4;
	[tilespmem:s5+$0x11000] =	vst v0;
	s5 =	simm.s32 $0x10800  }
0xa5: {  	[spmem:s20] =	stream.linear.scatter [tilespmem:s5], [sflag:$0x5], $0x800, $0x38;
	[tilespmem:$0x17800] =	vst v63  }
0xa6: {  	_ =	swait.ge [sflag:s21], $0x800  }
0xa7: {  	[sflag:s21] =	ssyncset.done $0x0  }
0xa8: {  	s20 =	rddreg [dreg:$0xc];
	[sflag:s21] =	ssyncadd.s32 $0xFFFFF800  }
0xa9: {  	[spmem:s20] =	stream.linear.scatter [tilespmem:s5], [sflag:$0x5], $0x800, $0x38;
	[tilespmem:$0x17800] =	vst v63  }
0xaa: {  	_ =	swait.ge [sflag:s21], $0x800  }
0xab: {  	[sflag:s21] =	ssyncset.done $0x0  }
0xac: {  	s17 =	rddreg [dreg:$0xd];
	[sflag:s21] =	ssyncadd.s32 $0xFFFFF800  }
0xad: {  	[spmem:s17] =	stream.linear.scatter [tilespmem:s5], [sflag:$0x5], $0x800, $0x38;
	[tilespmem:$0x17800] =	vst v63  }
0xae: {  	_ =	swait.ge [sflag:s21], $0x800  }
0xaf: {  	[sflag:s21] =	ssyncset.done $0x0  }
0xb0: {  	s20 =	rddreg [dreg:$0xe];
	[sflag:s21] =	ssyncadd.s32 $0xFFFFF800  }
0xb1: {  	[spmem:s20] =	stream.linear.scatter [tilespmem:s5], [sflag:$0x5], $0x800, $0x38;
	[tilespmem:$0x17800] =	vst v63  }
0xb2: {  	_ =	swait.ge [sflag:s21], $0x800  }
0xb3: {  	[sflag:s21] =	ssyncset.done $0x0  }
0xb4: {  	s17 =	rddreg [dreg:$0xf];
	[sflag:s21] =	ssyncadd.s32 $0xFFFFF800  }
0xb5: {  	[spmem:s17] =	stream.linear.scatter [tilespmem:s5], [sflag:$0x5], $0x800, $0x38;
	[tilespmem:$0x17800] =	vst v63  }
0xb6: {  	_ =	swait.ge [sflag:s21], $0x800  }
0xb7: {  	[sflag:s21] =	ssyncset.done $0x0  }
0xb8: {  	s20 =	rddreg [dreg:$0x10];
	[sflag:s21] =	ssyncadd.s32 $0xFFFFF800  }
0xb9: {  	[spmem:s20] =	stream.linear.scatter [tilespmem:s5], [sflag:$0x5], $0x800, $0x38;
	[tilespmem:$0x17800] =	vst v63  }
0xba: {  	_ =	swait.ge [sflag:s21], $0x800  }
0xbb: {  	[sflag:s21] =	ssyncset.done $0x0  }
0xbc: {  	s17 =	rddreg [dreg:$0x11];
	[sflag:s21] =	ssyncadd.s32 $0xFFFFF800  }
0xbd: {  	[spmem:s17] =	stream.linear.scatter [tilespmem:s5], [sflag:$0x5], $0x800, $0x38;
	[tilespmem:$0x17800] =	vst v63  }
0xbe: {  	_ =	swait.ge [sflag:s21], $0x800  }
0xbf: {  	[sflag:s21] =	ssyncset.done $0x0  }
0xc0: {  	s20 =	rddreg [dreg:$0x12];
	[sflag:s21] =	ssyncadd.s32 $0xFFFFF800  }
0xc1: {  	[spmem:s20] =	stream.linear.scatter [tilespmem:s5], [sflag:$0x5], $0x800, $0x38;
	[tilespmem:$0x17800] =	vst v63  }
0xc2: {  	_ =	swait.ge [sflag:s21], $0x800  }
0xc3: {  	[sflag:s21] =	ssyncset.done $0x0  }
0xc4: {  	[sflag:s21] =	ssyncadd.s32 $0xFFFFF800  }
0xc5: {  	[bflag:$0x0] =	sbarrier.arrive $0xFFFF  }
0xc6: {  	s17 =	simm.s32 $0x0;
	s5 =	rddreg [dreg:$0x7]  }
0xc7: {  	[tilespmem:s17], [sflag:$0x5] =	stream.linear.gather [hbm4b:s5+s17], $0x400, $0x38;
	[tilespmem:$0x17800] =	vst v63  }
0xc8: {  	_ =	swait.ge [sflag:s21], $0x400  }
0xc9: {  	[sflag:s21] =	ssyncset.done $0x0  }
0xca: {  	s20 =	rddreg [dreg:$0x8];
	[sflag:s21] =	ssyncadd.s32 $0xFFFFFC00  }
0xcb: {  	[tilespmem:s22], [sflag:$0x5] =	stream.linear.gather [hbm4b:s20+s17], $0x400, $0x38;
	[tilespmem:$0x17800] =	vst v63  }
0xcc: {  	_ =	swait.ge [sflag:s21], $0x400  }
0xcd: {  	[sflag:s21] =	ssyncset.done $0x0  }
0xce: {  	[sflag:s21] =	ssyncadd.s32 $0xFFFFFC00  }
0xcf: {  	[tilespmem:s24], [sflag:$0x1] =	stream.indirect.gather [hbm4b:s1+s23], $0x80, s17, s23, $0xb8;
	[tilespmem:$0x17800] =	vst v63  }
0xd0: {  	_ = 	snop  }
0xd1: {  	[tilespmem:s25], [sflag:$0x2] =	stream.indirect.gather [hbm4b:s1+s23], $0x80, s23, s23, $0xb8;
	[tilespmem:$0x17800] =	vst v63  }
0xd2: {  	s5 =	simm.s32 $0x100  }
0xd3: {  	[tilespmem:s28], [sflag:$0x3] =	stream.indirect.gather [hbm4b:s1+s23], $0x80, s5, s23, $0xb8;
	[tilespmem:$0x17800] =	vst v63  }
0xd4: {  	s20 =	simm.s32 $0x180  }
0xd5: {  	[tilespmem:s30], [sflag:$0x4] =	stream.indirect.gather [hbm4b:s1+s23], $0x80, s20, s23, $0xb8;
	[tilespmem:$0x17800] =	vst v63  }
.LBB2_4:
0xd6: {  	_ =	swait.ge [sflag:s31], $0x4000  }
0xd7: {  	[sflag:s31] =	ssyncset.done $0x0  }
0xd8: {  	[sflag:s31] =	ssyncadd.s32 $0xFFFFC000  }
0xd9: {  	[spmem:s3] =	stream.indirect.scatter.add.f32 [tilespmem:s24], [sflag:$0x5], $0x80, s22, s23, $0xb8;
	[tilespmem:$0x17800] =	vst v63  }
0xda: {  	_ =	swait.ge [sflag:s21], $0x4000  }
0xdb: {  	[sflag:s21] =	ssyncset.done $0x0  }
0xdc: {  	[sflag:s21] =	ssyncadd.s32 $0xFFFFC000  }
0xdd: {  	v2 =	vld [tilespmem:$0x400];
	_ =	sdelay $0x7  }
0xde: {  	[tilespmem:v2+s0+$0x0] =	vst.idx.add.f32.msk $0xffff, v1  }
0xdf: {  	v2 =	vld [tilespmem:$0x410];
	_ =	sdelay $0x7  }
0xe0: {  	[tilespmem:v2+s0+$0x0] =	vst.idx.add.f32.msk $0xffff, v1  }
0xe1: {  	v2 =	vld [tilespmem:$0x420];
	_ =	sdelay $0x7  }
0xe2: {  	[tilespmem:v2+s0+$0x0] =	vst.idx.add.f32.msk $0xffff, v1  }
0xe3: {  	v2 =	vld [tilespmem:$0x430];
	_ =	sdelay $0x7  }
0xe4: {  	[tilespmem:v2+s0+$0x0] =	vst.idx.add.f32.msk $0xffff, v1  }
0xe5: {  	v2 =	vld [tilespmem:$0x440];
	_ =	sdelay $0x7  }
0xe6: {  	[tilespmem:v2+s0+$0x0] =	vst.idx.add.f32.msk $0xffff, v1  }
0xe7: {  	v2 =	vld [tilespmem:$0x450];
	_ =	sdelay $0x7  }
0xe8: {  	[tilespmem:v2+s0+$0x0] =	vst.idx.add.f32.msk $0xffff, v1  }
0xe9: {  	v2 =	vld [tilespmem:$0x460];
	_ =	sdelay $0x7  }
0xea: {  	[tilespmem:v2+s0+$0x0] =	vst.idx.add.f32.msk $0xffff, v1  }
0xeb: {  	v2 =	vld [tilespmem:$0x470];
	_ =	sdelay $0x7  }
0xec: {  	[tilespmem:v2+s0+$0x0] =	vst.idx.add.f32.msk $0xffff, v1  }
0xed: {  	[tilespmem:s24], [sflag:$0x1] =	stream.indirect.gather [hbm4b:s1+s23], $0x80, s26, s23, $0xb8;
	[tilespmem:$0x17800] =	vst v63  }
0xee: {  	_ =	swait.ge [sflag:s29], $0x4000  }
0xef: {  	[sflag:s29] =	ssyncset.done $0x0  }
0xf0: {  	[sflag:s29] =	ssyncadd.s32 $0xFFFFC000  }
0xf1: {  	[spmem:s3] =	stream.indirect.scatter.add.f32 [tilespmem:s25], [sflag:$0x5], $0x80, s2, s23, $0xb8;
	[tilespmem:$0x17800] =	vst v63  }
0xf2: {  	_ =	swait.ge [sflag:s21], $0x4000  }
0xf3: {  	[sflag:s21] =	ssyncset.done $0x0  }
0xf4: {  	[sflag:s21] =	ssyncadd.s32 $0xFFFFC000  }
0xf5: {  	v2 =	vld [tilespmem:$0x480];
	_ =	sdelay $0x7  }
0xf6: {  	[tilespmem:v2+s0+$0x0] =	vst.idx.add.f32.msk $0xffff, v1  }
0xf7: {  	v2 =	vld [tilespmem:$0x490];
	_ =	sdelay $0x7  }
0xf8: {  	[tilespmem:v2+s0+$0x0] =	vst.idx.add.f32.msk $0xffff, v1  }
0xf9: {  	v2 =	vld [tilespmem:$0x4A0];
	_ =	sdelay $0x7  }
0xfa: {  	[tilespmem:v2+s0+$0x0] =	vst.idx.add.f32.msk $0xffff, v1  }
0xfb: {  	v2 =	vld [tilespmem:$0x4B0];
	_ =	sdelay $0x7  }
0xfc: {  	[tilespmem:v2+s0+$0x0] =	vst.idx.add.f32.msk $0xffff, v1  }
0xfd: {  	v2 =	vld [tilespmem:$0x4C0];
	_ =	sdelay $0x7  }
0xfe: {  	[tilespmem:v2+s0+$0x0] =	vst.idx.add.f32.msk $0xffff, v1  }
0xff: {  	v2 =	vld [tilespmem:$0x4D0];
	_ =	sdelay $0x7  }
0x100: {  	[tilespmem:v2+s0+$0x0] =	vst.idx.add.f32.msk $0xffff, v1  }
0x101: {  	v2 =	vld [tilespmem:$0x4E0];
	_ =	sdelay $0x7  }
0x102: {  	[tilespmem:v2+s0+$0x0] =	vst.idx.add.f32.msk $0xffff, v1  }
0x103: {  	v2 =	vld [tilespmem:$0x4F0];
	_ =	sdelay $0x7  }
0x104: {  	[tilespmem:v2+s0+$0x0] =	vst.idx.add.f32.msk $0xffff, v1  }
0x105: {  	[tilespmem:s25], [sflag:$0x2] =	stream.indirect.gather [hbm4b:s1+s23], $0x80, s6, s23, $0xb8;
	[tilespmem:$0x17800] =	vst v63  }
0x106: {  	_ =	swait.ge [sflag:s7], $0x4000  }
0x107: {  	[sflag:s7] =	ssyncset.done $0x0  }
0x108: {  	[sflag:s7] =	ssyncadd.s32 $0xFFFFC000  }
0x109: {  	[spmem:s3] =	stream.indirect.scatter.add.f32 [tilespmem:s28], [sflag:$0x5], $0x80, s8, s23, $0xb8;
	[tilespmem:$0x17800] =	vst v63  }
0x10a: {  	_ =	swait.ge [sflag:s21], $0x4000  }
0x10b: {  	[sflag:s21] =	ssyncset.done $0x0  }
0x10c: {  	[sflag:s21] =	ssyncadd.s32 $0xFFFFC000  }
0x10d: {  	v2 =	vld [tilespmem:$0x500];
	_ =	sdelay $0x7  }
0x10e: {  	[tilespmem:v2+s0+$0x0] =	vst.idx.add.f32.msk $0xffff, v1  }
0x10f: {  	v2 =	vld [tilespmem:$0x510];
	_ =	sdelay $0x7  }
0x110: {  	[tilespmem:v2+s0+$0x0] =	vst.idx.add.f32.msk $0xffff, v1  }
0x111: {  	v2 =	vld [tilespmem:$0x520];
	_ =	sdelay $0x7  }
0x112: {  	[tilespmem:v2+s0+$0x0] =	vst.idx.add.f32.msk $0xffff, v1  }
0x113: {  	v2 =	vld [tilespmem:$0x530];
	_ =	sdelay $0x7  }
0x114: {  	[tilespmem:v2+s0+$0x0] =	vst.idx.add.f32.msk $0xffff, v1  }
0x115: {  	v2 =	vld [tilespmem:$0x540];
	_ =	sdelay $0x7  }
0x116: {  	[tilespmem:v2+s0+$0x0] =	vst.idx.add.f32.msk $0xffff, v1  }
0x117: {  	v2 =	vld [tilespmem:$0x550];
	_ =	sdelay $0x7  }
0x118: {  	[tilespmem:v2+s0+$0x0] =	vst.idx.add.f32.msk $0xffff, v1  }
0x119: {  	v2 =	vld [tilespmem:$0x560];
	_ =	sdelay $0x7  }
0x11a: {  	[tilespmem:v2+s0+$0x0] =	vst.idx.add.f32.msk $0xffff, v1  }
0x11b: {  	v2 =	vld [tilespmem:$0x570];
	_ =	sdelay $0x7  }
0x11c: {  	[tilespmem:v2+s0+$0x0] =	vst.idx.add.f32.msk $0xffff, v1  }
0x11d: {  	[tilespmem:s28], [sflag:$0x3] =	stream.indirect.gather [hbm4b:s1+s23], $0x80, s9, s23, $0xb8;
	[tilespmem:$0x17800] =	vst v63  }
0x11e: {  	_ =	swait.ge [sflag:s10], $0x4000  }
0x11f: {  	[sflag:s10] =	ssyncset.done $0x0  }
0x120: {  	[sflag:s10] =	ssyncadd.s32 $0xFFFFC000  }
0x121: {  	[spmem:s3] =	stream.indirect.scatter.add.f32 [tilespmem:s30], [sflag:$0x5], $0x80, s11, s23, $0xb8;
	[tilespmem:$0x17800] =	vst v63  }
0x122: {  	_ =	swait.ge [sflag:s21], $0x4000  }
0x123: {  	[sflag:s21] =	ssyncset.done $0x0  }
0x124: {  	[sflag:s21] =	ssyncadd.s32 $0xFFFFC000  }
0x125: {  	v2 =	vld [tilespmem:$0x580];
	_ =	sdelay $0x7  }
0x126: {  	[tilespmem:v2+s0+$0x0] =	vst.idx.add.f32.msk $0xffff, v1  }
0x127: {  	v2 =	vld [tilespmem:$0x590];
	_ =	sdelay $0x7  }
0x128: {  	[tilespmem:v2+s0+$0x0] =	vst.idx.add.f32.msk $0xffff, v1  }
0x129: {  	v2 =	vld [tilespmem:$0x5A0];
	_ =	sdelay $0x7  }
0x12a: {  	[tilespmem:v2+s0+$0x0] =	vst.idx.add.f32.msk $0xffff, v1  }
0x12b: {  	v2 =	vld [tilespmem:$0x5B0];
	_ =	sdelay $0x7  }
0x12c: {  	[tilespmem:v2+s0+$0x0] =	vst.idx.add.f32.msk $0xffff, v1  }
0x12d: {  	v2 =	vld [tilespmem:$0x5C0];
	_ =	sdelay $0x7  }
0x12e: {  	[tilespmem:v2+s0+$0x0] =	vst.idx.add.f32.msk $0xffff, v1  }
0x12f: {  	v2 =	vld [tilespmem:$0x5D0];
	_ =	sdelay $0x7  }
0x130: {  	[tilespmem:v2+s0+$0x0] =	vst.idx.add.f32.msk $0xffff, v1  }
0x131: {  	v2 =	vld [tilespmem:$0x5E0];
	_ =	sdelay $0x7  }
0x132: {  	[tilespmem:v2+s0+$0x0] =	vst.idx.add.f32.msk $0xffff, v1  }
0x133: {  	v2 =	vld [tilespmem:$0x5F0];
	_ =	sdelay $0x7  }
0x134: {  	[tilespmem:v2+s0+$0x0] =	vst.idx.add.f32.msk $0xffff, v1  }
0x135: {  	[tilespmem:s30], [sflag:$0x4] =	stream.indirect.gather [hbm4b:s1+s23], $0x80, s12, s23, $0xb8;
	[tilespmem:$0x17800] =	vst v63  }
0x136: {  	_ =	swait.ge [sflag:s31], $0x4000  }
0x137: {  	[sflag:s31] =	ssyncset.done $0x0  }
0x138: {  	[sflag:s31] =	ssyncadd.s32 $0xFFFFC000  }
0x139: {  	[spmem:s3] =	stream.indirect.scatter.add.f32 [tilespmem:s24], [sflag:$0x5], $0x80, s13, s23, $0xb8;
	[tilespmem:$0x17800] =	vst v63  }
0x13a: {  	_ =	swait.ge [sflag:s21], $0x4000  }
0x13b: {  	[sflag:s21] =	ssyncset.done $0x0  }
0x13c: {  	[sflag:s21] =	ssyncadd.s32 $0xFFFFC000  }
0x13d: {  	v2 =	vld [tilespmem:$0x600];
	_ =	sdelay $0x7  }
0x13e: {  	[tilespmem:v2+s0+$0x0] =	vst.idx.add.f32.msk $0xffff, v1  }
0x13f: {  	v2 =	vld [tilespmem:$0x610];
	_ =	sdelay $0x7  }
0x140: {  	[tilespmem:v2+s0+$0x0] =	vst.idx.add.f32.msk $0xffff, v1  }
0x141: {  	v2 =	vld [tilespmem:$0x620];
	_ =	sdelay $0x7  }
0x142: {  	[tilespmem:v2+s0+$0x0] =	vst.idx.add.f32.msk $0xffff, v1  }
0x143: {  	v2 =	vld [tilespmem:$0x630];
	_ =	sdelay $0x7  }
0x144: {  	[tilespmem:v2+s0+$0x0] =	vst.idx.add.f32.msk $0xffff, v1  }
0x145: {  	v2 =	vld [tilespmem:$0x640];
	_ =	sdelay $0x7  }
0x146: {  	[tilespmem:v2+s0+$0x0] =	vst.idx.add.f32.msk $0xffff, v1  }
0x147: {  	v2 =	vld [tilespmem:$0x650];
	_ =	sdelay $0x7  }
0x148: {  	[tilespmem:v2+s0+$0x0] =	vst.idx.add.f32.msk $0xffff, v1  }
0x149: {  	v2 =	vld [tilespmem:$0x660];
	_ =	sdelay $0x7  }
0x14a: {  	[tilespmem:v2+s0+$0x0] =	vst.idx.add.f32.msk $0xffff, v1  }
0x14b: {  	v2 =	vld [tilespmem:$0x670];
	_ =	sdelay $0x7  }
0x14c: {  	[tilespmem:v2+s0+$0x0] =	vst.idx.add.f32.msk $0xffff, v1  }
0x14d: {  	_ =	swait.ge [sflag:s29], $0x4000  }
0x14e: {  	[sflag:s29] =	ssyncset.done $0x0  }
0x14f: {  	[sflag:s29] =	ssyncadd.s32 $0xFFFFC000  }
0x150: {  	[spmem:s3] =	stream.indirect.scatter.add.f32 [tilespmem:s25], [sflag:$0x5], $0x80, s14, s23, $0xb8;
	[tilespmem:$0x17800] =	vst v63  }
0x151: {  	_ =	swait.ge [sflag:s21], $0x4000  }
0x152: {  	[sflag:s21] =	ssyncset.done $0x0  }
0x153: {  	[sflag:s21] =	ssyncadd.s32 $0xFFFFC000  }
0x154: {  	v2 =	vld [tilespmem:$0x680];
	_ =	sdelay $0x7  }
0x155: {  	[tilespmem:v2+s0+$0x0] =	vst.idx.add.f32.msk $0xffff, v1  }
0x156: {  	v2 =	vld [tilespmem:$0x690];
	_ =	sdelay $0x7  }
0x157: {  	[tilespmem:v2+s0+$0x0] =	vst.idx.add.f32.msk $0xffff, v1  }
0x158: {  	v2 =	vld [tilespmem:$0x6A0];
	_ =	sdelay $0x7  }
0x159: {  	[tilespmem:v2+s0+$0x0] =	vst.idx.add.f32.msk $0xffff, v1  }
0x15a: {  	v2 =	vld [tilespmem:$0x6B0];
	_ =	sdelay $0x7  }
0x15b: {  	[tilespmem:v2+s0+$0x0] =	vst.idx.add.f32.msk $0xffff, v1  }
0x15c: {  	v2 =	vld [tilespmem:$0x6C0];
	_ =	sdelay $0x7  }
0x15d: {  	[tilespmem:v2+s0+$0x0] =	vst.idx.add.f32.msk $0xffff, v1  }
0x15e: {  	v2 =	vld [tilespmem:$0x6D0];
	_ =	sdelay $0x7  }
0x15f: {  	[tilespmem:v2+s0+$0x0] =	vst.idx.add.f32.msk $0xffff, v1  }
0x160: {  	v2 =	vld [tilespmem:$0x6E0];
	_ =	sdelay $0x7  }
0x161: {  	[tilespmem:v2+s0+$0x0] =	vst.idx.add.f32.msk $0xffff, v1  }
0x162: {  	v2 =	vld [tilespmem:$0x6F0];
	_ =	sdelay $0x7  }
0x163: {  	[tilespmem:v2+s0+$0x0] =	vst.idx.add.f32.msk $0xffff, v1  }
0x164: {  	_ =	swait.ge [sflag:s7], $0x4000  }
0x165: {  	[sflag:s7] =	ssyncset.done $0x0  }
0x166: {  	[sflag:s7] =	ssyncadd.s32 $0xFFFFC000  }
0x167: {  	[spmem:s3] =	stream.indirect.scatter.add.f32 [tilespmem:s28], [sflag:$0x5], $0x80, s15, s23, $0xb8;
	[tilespmem:$0x17800] =	vst v63  }
0x168: {  	_ =	swait.ge [sflag:s21], $0x4000  }
0x169: {  	[sflag:s21] =	ssyncset.done $0x0  }
0x16a: {  	[sflag:s21] =	ssyncadd.s32 $0xFFFFC000  }
0x16b: {  	v2 =	vld [tilespmem:$0x700];
	_ =	sdelay $0x7  }
0x16c: {  	[tilespmem:v2+s0+$0x0] =	vst.idx.add.f32.msk $0xffff, v1  }
0x16d: {  	v2 =	vld [tilespmem:$0x710];
	_ =	sdelay $0x7  }
0x16e: {  	[tilespmem:v2+s0+$0x0] =	vst.idx.add.f32.msk $0xffff, v1  }
0x16f: {  	v2 =	vld [tilespmem:$0x720];
	_ =	sdelay $0x7  }
0x170: {  	[tilespmem:v2+s0+$0x0] =	vst.idx.add.f32.msk $0xffff, v1  }
0x171: {  	v2 =	vld [tilespmem:$0x730];
	_ =	sdelay $0x7  }
0x172: {  	[tilespmem:v2+s0+$0x0] =	vst.idx.add.f32.msk $0xffff, v1  }
0x173: {  	v2 =	vld [tilespmem:$0x740];
	_ =	sdelay $0x7  }
0x174: {  	[tilespmem:v2+s0+$0x0] =	vst.idx.add.f32.msk $0xffff, v1  }
0x175: {  	v2 =	vld [tilespmem:$0x750];
	_ =	sdelay $0x7  }
0x176: {  	[tilespmem:v2+s0+$0x0] =	vst.idx.add.f32.msk $0xffff, v1  }
0x177: {  	v2 =	vld [tilespmem:$0x760];
	_ =	sdelay $0x7  }
0x178: {  	[tilespmem:v2+s0+$0x0] =	vst.idx.add.f32.msk $0xffff, v1  }
0x179: {  	v2 =	vld [tilespmem:$0x770];
	_ =	sdelay $0x7  }
0x17a: {  	[tilespmem:v2+s0+$0x0] =	vst.idx.add.f32.msk $0xffff, v1  }
0x17b: {  	_ =	swait.ge [sflag:s10], $0x4000  }
0x17c: {  	[sflag:s10] =	ssyncset.done $0x0  }
0x17d: {  	[sflag:s10] =	ssyncadd.s32 $0xFFFFC000  }
0x17e: {  	[spmem:s3] =	stream.indirect.scatter.add.f32 [tilespmem:s30], [sflag:$0x5], $0x80, s16, s23, $0xb8;
	[tilespmem:$0x17800] =	vst v63  }
0x17f: {  	_ =	swait.ge [sflag:s21], $0x4000  }
0x180: {  	[sflag:s21] =	ssyncset.done $0x0  }
0x181: {  	[sflag:s21] =	ssyncadd.s32 $0xFFFFC000  }
0x182: {  	v2 =	vld [tilespmem:$0x780];
	_ =	sdelay $0x7  }
0x183: {  	[tilespmem:v2+s0+$0x0] =	vst.idx.add.f32.msk $0xffff, v1  }
0x184: {  	v2 =	vld [tilespmem:$0x790];
	_ =	sdelay $0x7  }
0x185: {  	[tilespmem:v2+s0+$0x0] =	vst.idx.add.f32.msk $0xffff, v1  }
0x186: {  	v2 =	vld [tilespmem:$0x7A0];
	_ =	sdelay $0x7  }
0x187: {  	[tilespmem:v2+s0+$0x0] =	vst.idx.add.f32.msk $0xffff, v1  }
0x188: {  	v2 =	vld [tilespmem:$0x7B0];
	_ =	sdelay $0x7  }
0x189: {  	[tilespmem:v2+s0+$0x0] =	vst.idx.add.f32.msk $0xffff, v1  }
0x18a: {  	v2 =	vld [tilespmem:$0x7C0];
	_ =	sdelay $0x7  }
0x18b: {  	[tilespmem:v2+s0+$0x0] =	vst.idx.add.f32.msk $0xffff, v1  }
0x18c: {  	v2 =	vld [tilespmem:$0x7D0];
	_ =	sdelay $0x7  }
0x18d: {  	[tilespmem:v2+s0+$0x0] =	vst.idx.add.f32.msk $0xffff, v1  }
0x18e: {  	v2 =	vld [tilespmem:$0x7E0];
	_ =	sdelay $0x7  }
0x18f: {  	[tilespmem:v2+s0+$0x0] =	vst.idx.add.f32.msk $0xffff, v1  }
0x190: {  	v2 =	vld [tilespmem:$0x7F0];
	_ =	sdelay $0x6  }
0x191: {  	p0 =	seq.s32 s17, $0x480  }
0x192: {  	s5 =	sadd.s32 @!p0 s17, s19;
	s20 =	simm.s32 @!p0 $0x0;
	[tilespmem:v2+s0+$0x0] =	vst.idx.add.f32.msk $0xffff, v1  }
0x193: {  	[tilespmem:s20], [sflag:$0x5] =	stream.linear.gather @!p0 [hbm4b:s5+s20], $0x400, $0x38;
	[tilespmem:$0x17800] =	vst v63  }
0x194: {  	s5 =	simm.s32 @!p0 $0x5  }
0x195: {  	_ =	swait.ge @!p0 [sflag:s5], $0x400  }
0x196: {  	[sflag:s5] =	ssyncset.done @!p0 $0x0  }
0x197: {  	s4 =	sadd.s32 @!p0 s17, s18;
	s26 =	simm.s32 @!p0 $0x400;
	[sflag:s5] =	ssyncadd.s32 @!p0 $0xFFFFFC00  }
0x198: {  	[tilespmem:s26], [sflag:$0x5] =	stream.linear.gather @!p0 [hbm4b:s4+s20], $0x400, $0x38;
	[tilespmem:$0x17800] =	vst v63  }
0x199: {  	_ =	swait.ge @!p0 [sflag:s5], $0x400  }
0x19a: {  	[sflag:s5] =	ssyncset.done @!p0 $0x0  }
0x19b: {  	s4 =	simm.s32 @!p0 $0x80;
	[sflag:s5] =	ssyncadd.s32 @!p0 $0xFFFFFC00;
	s5 =	simm.s32 @!p0 $0x800  }
0x19c: {  	[tilespmem:s5], [sflag:$0x1] =	stream.indirect.gather @!p0 [hbm4b:s1+s4], $0x80, s20, s4, $0xb8;
	[tilespmem:$0x17800] =	vst v63  }
0x19d: {  	s5 =	simm.s32 @!p0 $0x4800  }
0x19e: {  	[tilespmem:s5], [sflag:$0x2] =	stream.indirect.gather @!p0 [hbm4b:s1+s4], $0x80, s4, s4, $0xb8;
	[tilespmem:$0x17800] =	vst v63  }
0x19f: {  	s17 =	sadd.s32 @!p0 $0x80, s17;
	s20 =	simm.s32 @!p0 $0x8800;
	s5 =	simm.s32 @!p0 $0x100  }
0x1a0: {  	[tilespmem:s20], [sflag:$0x3] =	stream.indirect.gather @!p0 [hbm4b:s1+s4], $0x80, s5, s4, $0xb8;
	[tilespmem:$0x17800] =	vst v63  }
0x1a1: {  	p1 =	sne.s32 @!p0 s17, $0x500;
	s5 =	simm.s32 @!p0 $0x180;
	s20 =	simm.s32 @!p0 $0xC800  }
0x1a2: {  	[tilespmem:s20], [sflag:$0x4] =	stream.indirect.gather @!p0 [hbm4b:s1+s4], $0x80, s5, s4, $0xb8;
	[tilespmem:$0x17800] =	vst v63  }
0x1a3: {  	p0 =	por p0, !p1  }
.Ltmp1:
0x1a4: {  	_ = 	snop;
	(pc) =	sbr.rel @!p0 .LBB2_4-.Ltmp1, $2  }
0x1a5: {  	_ =	sdelay $0x2  }
0x1a6: {  	s26 =	simm.s32 $0x200  }
0x1a7: {  	s4 =	stileid.u32;
	[bflag:$0x0] =	sbarrier.arrive $0xFFFF  }
0x1a8: {  	s4 =	sshll.u32 s4, $0x6;
	s20 =	rddreg [dreg:$0x6]  }
0x1a9: {  	s17 =	rddreg [dreg:$0x9];
	s4 =	sor.u32 $0x1C05, s4;
	s5 =	sshrl.u32 s20, $0x3  }
0x1aa: {  	[hbm:s17], [sflag:s4] =	dma.local [spmem:s5], $0x800  }
0x1ab: {  	_ =	swait.ge [sflag:s21], $0x800  }
0x1ac: {  	[sflag:s21] =	ssyncset.done $0x0  }
0x1ad: {  	s17 =	rddreg [dreg:$0xa];
	[sflag:s21] =	ssyncadd.s32 $0xFFFFF800  }
0x1ae: {  	[hbm4b:s17+s23] =	stream.strided.scatter [tilespmem:s0], [sflag:$0x5], $0x2800, s22, s23, $0x38;
	[tilespmem:$0x17800] =	vst v63  }
0x1af: {  	_ =	swait.ge [sflag:s21], $0x2800  }
0x1b0: {  	s5 =	rddreg [dreg:$0x5]  }
0x1b1: {  	s17 =	rddreg [dreg:$0xb];
	s4 =	sadd.s32 $0x1, s5  }
0x1b2: {  	p0 =	sne.s32 s4, s17  }
.Ltmp2:
0x1b3: {  	_ = 	snop;
	(pc) =	sbr.rel @p0 .LBB2_1-.Ltmp2, $3  }
0x1b4: {  	_ =	sdelay $0x1  }
0x1b5: {  	[sflag:s21] =	ssyncset.done $0x0  }
0x1b6: {  	[sflag:s21] =	ssyncadd.s32 $0xFFFFD800  }
0x1b7: {  	_ =	sfence.sel $0x180000  }
0x1b8: {  	[bflag:$0x0] =	sbarrier.arrive $0xFFFF  }
0x1b9: {  	_ =	strace $0x90000047  }
0x1ba: {  	s0 =	stileid.u32;
	[bflag:$0x2] =	sbarrier.arrive $0xFFFF  }
0x1bb: {  	p0 =	sne.s32 s0, $0x0;
	s0 =	rddreg [dreg:$0x4]  }
0x1bc: {  	s0 =	sadd.s32 @!p0 $0x100000, s0  }
0x1bd: {  	[sflag:s0] =	ssyncadd.tile.s32 @!p0 $0x1;
	_ =	shalt  }
.Lfunc_end2:
_tile_overlayer_lowered:
.L_overlay_start_2:
0x1be: {  	(tag) =	ssettag $0x2  }
0x1bf: {  	s0 =	rddreg [dreg:$0x0];
	s2 =	stileid.u32  }
0x1c0: {  	s1 =	rddreg [dreg:$0x1];
	p0 =	sne.s32 s2, $0x0  }
0x1c1: {  	s3 =	rddreg [dreg:$0x2];
	[bflag:$0x3] =	sbarrier.arrive $0xFFFF;
	s2 =	simm.s32 @!p0 $0x1C05  }
0x1c2: {  	[timem:s3], [sflag:s2] =	dma.local @!p0 [hbm:s0], s1  }
0x1c3: {  	s0 =	simm.s32 @!p0 $0x5  }
0x1c4: {  	_ =	swait.ge @!p0 [sflag:s0], s1  }
0x1c5: {  	s1 =	ssub.s32 @!p0 $0x0, s1;
	[sflag:s0] =	ssyncset.done @!p0 $0x0  }
0x1c6: {  	[sflag:s0] =	ssyncadd.s32 @!p0 s1  }
0x1c7: {  	[bflag:$0x3] =	sbarrier.arrive $0xFFFF  }
0x1c8: {  	_ =	shalt  }

// kernel: kernel.9.cloned.1.call-start
scs
__scs_entry_jumppad:
0x0: {  	(pc) =	sbr.rel $0x88, $3  }
0x1: {  	(tag) =	ssettag $0x0;
	lr =	simm.s32 $0x1  }
0x2: {  	[smem:$0x3F99] =	sst lr;
	_ =	strace $0xD0000000  }
0x3: {  	_ = 	snop  }
0x4: {  	_ = 	snop  }
0x5: {  	_ = 	snop  }
0x6: {  	_ = 	snop  }
0x7: {  	_ = 	snop  }
__scs_overlays_trampoline_lowered:
0x8: {  	[smem:$0x3FA8] =	sst s0  }
0x9: {  	[smem:$0x3FA9] =	sst s1  }
0xa: {  	[smem:$0x3FAA] =	sst s2  }
0xb: {  	[smem:$0x3FAB] =	sst s3  }
0xc: {  	[smem:$0x3FAC] =	sst s4  }
0xd: {  	[smem:$0x3FAD] =	sst s5  }
0xe: {  	[smem:$0x3FAE] =	sst s6  }
0xf: {  	[smem:$0x3FAF] =	sst s7  }
0x10: {  	[smem:$0x3FB0] =	sst s8  }
0x11: {  	[smem:$0x3FB1] =	sst s9;
	s0 =	simm.s32 @!p0 $0x0  }
0x12: {  	s1 =	sld [smem:$0x3F97];
	s0 =	simm.s32 @p0 $0x1  }
0x13: {  	[smem:$0x3FB2] =	sst s0;
	s0 =	simm.s32 @!p1 $0x0  }
0x14: {  	s2 =	sld [smem:$0x3F96];
	s0 =	simm.s32 @p1 $0x1  }
0x15: {  	[smem:$0x3FB3] =	sst s0;
	s0 =	simm.s32 @!p2 $0x0  }
0x16: {  	s3 =	sld [smem:$0x3FDB];
	s0 =	simm.s32 @p2 $0x1  }
0x17: {  	s4 =	simm.s32 $0x1BF5;
	[smem:$0x3FB5] =	sst s0  }
0x18: {  	s0 =	sld [smem:$0x3F98];
	_ =	swait.ge [sflag:s4], $0x0  }
0x19: {  	s7 =	sld [smem:$0x3F99]  }
0x1a: {  	s8 =	sadd.s32 $0xFFFFE003, lr  }
0x1b: {  	s9 =	sadd.s32 $0xFFFFFEF7, lr;
	s5 =	simm.s32 $0xFFFFFFFF;
	p2 =	slt.u32 s8, $0xFFFFF086  }
0x1c: {  	p1 =	slt.u32 s9, $0xF7A;
	s5 =	simm.s32 @!p2 $0x0  }
0x1d: {  	s5 =	simm.s32 @p1 $0x1;
	p0 =	seq.s32 s7, s2  }
0x1e: {  	s7 =	smul.u32 @!p0 $0xF7A, s2;
	p2 =	seq.s32 @!p0 s5, $0x0  }
0x1f: {  	s9 =	smul.u32 $0xF7A, s1;
	s8 =	simm.s32 @!p0 $0x1BF5;
	p2 =	por !p2, p0  }
0x20: {  	[sflag:s8] =	ssyncset.s32 @!p0 $0xFFFFF086;
	s6 =	sadd.s32 @!p0 s3, s7;
	s7 =	simm.s32 @!p0 $0x108  }
0x21: {  	s3 =	sadd.s32 s3, s9;
	s6 =	sadd.s32 @!p0 $0x88, s6;
	s7 =	simm.s32 @p2 $0x1082  }
0x22: {  	[simem:s7], [sflag:s8] =	dma.local @!p0 [hbm:s6], $0xF7A  }
0x23: {  	s9 =	sor.u32 $0xD0000000, s2;
	s6 =	simm.s32 $0x108;
	_ =	swait.ge @!p0 [sflag:s8], $0x0  }
0x24: {  	s3 =	sadd.s32 $0x88, s3;
	s6 =	simm.s32 @!p1 $0x1082;
	[sflag:s4] =	ssyncset.s32 $0xFFFFF086  }
0x25: {  	[simem:s6], [sflag:s4] =	dma.local [hbm:s3], $0xF7A  }
0x26: {  	[smem:$0x3F99] =	sst s1;
	(tag) =	ssettag s2;
	_ =	strace s9  }
0x27: {  	s1 =	sld [smem:$0x3FA9]  }
0x28: {  	s2 =	sld [smem:$0x3FAA]  }
0x29: {  	s4 =	sld [smem:$0x3FAC]  }
0x2a: {  	p0 =	seq.s32 s5, $0x0;
	s5 =	sld [smem:$0x3FAD]  }
0x2b: {  	s6 =	sld [smem:$0x3FAE]  }
0x2c: {  	s7 =	sld [smem:$0x3FAF]  }
0x2d: {  	s3 =	simm.s32 $0x108;
	s8 =	sld [smem:$0x3FB0]  }
0x2e: {  	s3 =	simm.s32 @!p0 $0x1082;
	s9 =	sld [smem:$0x3FB1]  }
0x2f: {  	lr =	sadd.s32 s0, s3;
	s0 =	sld [smem:$0x3FA8]  }
0x30: {  	s3 =	sld [smem:$0x3FAB]  }
0x31: {  	[smem:$0x3FB4] =	sst s10  }
0x32: {  	s10 =	sld [smem:$0x3FB2];
	_ =	sdelay $0x3  }
0x33: {  	p0 =	seq.s32 s10, $0x1;
	s10 =	sld [smem:$0x3FB4];
	_ =	sdelay $0x3  }
0x34: {  	[smem:$0x3FB4] =	sst s10  }
0x35: {  	s10 =	sld [smem:$0x3FB3];
	_ =	sdelay $0x3  }
0x36: {  	p1 =	seq.s32 s10, $0x1;
	s10 =	sld [smem:$0x3FB4];
	_ =	sdelay $0x3  }
0x37: {  	[smem:$0x3FB4] =	sst s10  }
0x38: {  	s10 =	sld [smem:$0x3FB5]  }
0x39: {  	_ = 	snop;
	(pc) =	sbr.ind lr, $3  }
0x3a: {  	_ = 	snop  }
0x3b: {  	_ = 	snop  }
0x3c: {  	p2 =	seq.s32 s10, $0x1;
	s10 =	sld [smem:$0x3FB4]  }
0x3d: {  	_ =	shalt  }
0x3e: {  	_ =	shalt  }
0x3f: {  	_ =	shalt  }
0x40: {  	_ =	shalt  }
0x41: {  	_ =	shalt  }
0x42: {  	_ =	shalt  }
0x43: {  	_ =	shalt  }
0x44: {  	_ =	shalt  }
0x45: {  	_ =	shalt  }
0x46: {  	_ =	shalt  }
0x47: {  	_ =	shalt  }
0x48: {  	_ =	shalt  }
0x49: {  	_ =	shalt  }
0x4a: {  	_ =	shalt  }
0x4b: {  	_ =	shalt  }
0x4c: {  	_ =	shalt  }
0x4d: {  	_ =	shalt  }
0x4e: {  	_ =	shalt  }
0x4f: {  	_ =	shalt  }
0x50: {  	_ =	shalt  }
0x51: {  	_ =	shalt  }
0x52: {  	_ =	shalt  }
0x53: {  	_ =	shalt  }
0x54: {  	_ =	shalt  }
0x55: {  	_ =	shalt  }
0x56: {  	_ =	shalt  }
0x57: {  	_ =	shalt  }
0x58: {  	_ =	shalt  }
0x59: {  	_ =	shalt  }
0x5a: {  	_ =	shalt  }
0x5b: {  	_ =	shalt  }
0x5c: {  	_ =	shalt  }
0x5d: {  	_ =	shalt  }
0x5e: {  	_ =	shalt  }
0x5f: {  	_ =	shalt  }
0x60: {  	_ =	shalt  }
0x61: {  	_ =	shalt  }
0x62: {  	_ =	shalt  }
0x63: {  	_ =	shalt  }
0x64: {  	_ =	shalt  }
0x65: {  	_ =	shalt  }
0x66: {  	_ =	shalt  }
0x67: {  	_ =	shalt  }
0x68: {  	_ =	shalt  }
0x69: {  	_ =	shalt  }
0x6a: {  	_ =	shalt  }
0x6b: {  	_ =	shalt  }
0x6c: {  	_ =	shalt  }
0x6d: {  	_ =	shalt  }
0x6e: {  	_ =	shalt  }
0x6f: {  	_ =	shalt  }
0x70: {  	_ =	shalt  }
0x71: {  	_ =	shalt  }
0x72: {  	_ =	shalt  }
0x73: {  	_ =	shalt  }
0x74: {  	_ =	shalt  }
0x75: {  	_ =	shalt  }
0x76: {  	_ =	shalt  }
0x77: {  	_ =	shalt  }
0x78: {  	_ =	shalt  }
0x79: {  	_ =	shalt  }
0x7a: {  	_ =	shalt  }
0x7b: {  	_ =	shalt  }
0x7c: {  	_ =	shalt  }
0x7d: {  	_ =	shalt  }
0x7e: {  	_ =	shalt  }
0x7f: {  	_ =	shalt  }
0x80: {  	_ =	shalt  }
0x81: {  	_ =	shalt  }
0x82: {  	_ =	shalt  }
0x83: {  	_ =	shalt  }
0x84: {  	_ =	shalt  }
0x85: {  	_ =	shalt  }
0x86: {  	_ =	shalt  }
0x87: {  	_ =	shalt  }
.Lfunc_end0:
.L_simem_size_0:
called_computation.1_lowered:
.L_overlay_start_0:
0x88: {  	s2 =	sld [smem:$0x3FD9]  }
0x89: {  	s3 =	sld [smem:$0x3FFE];
	_ =	sdelay $0x1  }
0x8a: {  	s1 =	srdreg.scid  }
0x8b: {  	s0 =	sand.u32 $0x1, s1  }
0x8c: {  	s17 =	sshll.u32 s0, $0xA;
	s2 =	sadd.s32 s3, s2  }
0x8d: {  	s2 =	sadd.s32 s2, s17  }
0x8e: {  	[smem:$0x3FC0] =	sst s2  }
0x8f: {  	_ = 	snop  }
0x90: {  	s2 =	sld [smem:$0x3FD0];
	(tm) =	ssettm $0x1  }
0x91: {  	s18 =	sld [smem:$0x3FFB];
	_ =	sdelay $0x3  }
0x92: {  	_ =	strace s18  }
0x93: {  	s3 =	sld [smem:$0x3FFC];
	_ =	sdelay $0x3  }
0x94: {  	_ =	strace s3  }
0x95: {  	s3 =	sld [smem:$0x3FFD];
	_ =	sdelay $0x3  }
0x96: {  	_ =	strace s3  }
0x97: {  	_ =	strace $0x8FFFFFFF  }
0x98: {  	s19 =	sld [smem:$0x3FDB];
	_ =	sdelay $0x1  }
0x99: {  	s4 =	simm.s32 $_scs_section_size  }
0x9a: {  	s5 =	simm.s32 $_size__tile_overlayer_lowered;
	s6 =	simm.s32 $_tile_overlayer_lowered  }
0x9b: {  	s22 =	simm.s32 $0x1BFF;
	s21 =	sshll.u32 s6, $0x1;
	s3 =	sadd.s32 s4, s19  }
0x9c: {  	s7 =	simm.s32 $0x0;
	s20 =	sshll.u32 s5, $0x1;
	s5 =	sadd.s32 s21, s3  }
0x9d: {  	[timem:s7], [sflag:s22] =	dma.local [hbm:s5], s20  }
0x9e: {  	_ =	swait.ge [sflag:s22], s20  }
0x9f: {  	s4 =	ssub.s32 $0x0, s20;
	[sflag:s22] =	ssyncset.done $0x0  }
0xa0: {  	[sflag:s22] =	ssyncadd.s32 s4;
	_ =	sdelay $0x1  }
0xa1: {  	s23 =	simm.s32 $0x1B8B  }
0xa2: {  	_ =	swait.ge [sflag:s23], $0x1  }
0xa3: {  	[sflag:s23] =	ssyncset.done $0x0  }
0xa4: {  	s25 =	simm.s32 $0x1B8E;
	s24 =	sld [smem:$0x3FFE];
	[sflag:s23] =	ssyncadd.s32 $0xFFFFFFFF  }
0xa5: {  	s26 =	simm.s32 $execute0_lowered;
	[smem:$0x3FD2] =	sst s25  }
0xa6: {  	s5 =	sshll.u32 s26, $0x1;
	_ =	strace $0x80000049;
	[dreg:$0x1] =	wrdreg $0xFFFFFFFF  }
0xa7: {  	s28 =	simm.s32 $_size_execute0_lowered;
	s3 =	sadd.s32 s3, s5;
	[dreg:$0x0] =	wrdreg $0x0  }
0xa8: {  	s5 =	sshll.u32 s28, $0x1;
	[dreg:$0x2] =	wrdreg s3  }
0xa9: {  	[dreg:$0x3] =	wrdreg s5  }
0xaa: {  	[dreg:$0x4] =	wrdreg $0xC0  }
0xab: {  	_ =	task [dreg:s7], $0x5FFFF  }
0xac: {  	[dreg:$0x1] =	wrdreg $0xFFFFFFFF  }
0xad: {  	[dreg:$0x0] =	wrdreg $0x60  }
0xae: {  	[dreg:$0x2] =	wrdreg s2  }
0xaf: {  	[dreg:$0x3] =	wrdreg s24  }
0xb0: {  	[dreg:$0x4] =	wrdreg $0x110000  }
0xb1: {  	[dreg:$0x5] =	wrdreg $0x9  }
0xb2: {  	_ =	task.clear_ibuf [dreg:s7], $0x6FFFF;
	_ =	strace $0x90000049  }
0xb3: {  	s29 =	simm.s32 $0x9;
	_ =	strace $0x8000004B  }
0xb4: {  	_ =	swait.ge [sflag:s29], $0x1  }
0xb5: {  	[sflag:s29] =	ssyncadd.s32 $0xFFFFFFFF  }
0xb6: {  	_ =	strace $0x9000004B  }
0xb7: {  	_ =	sfence  }
0xb8: {  	s30 =	sld [smem:$0x0];
	_ =	sdelay $0x2  }
0xb9: {  	s31 =	sshll.u32 s1, $0xD;
	s1 =	sshrl.u32 s1, $0x2  }
0xba: {  	s3 =	sand.u32 $0x4000, s31;
	s1 =	sadd.s32 s1, s30  }
0xbb: {  	s0 =	sor.u32 s3, s0;
	s1 =	sshll.u32 s1, $0x11  }
0xbc: {  	s0 =	sor.u32 s1, s0  }
0xbd: {  	s0 =	sadd.s32 $0x8F2B, s0  }
0xbe: {  	[sflag:s0] =	ssyncadd.remote.s32 $0x1  }
0xbf: {  	_ =	sfence.sel $0xFFFF  }
0xc0: {  	[dreg:$0x0] =	wrdreg $0xFFFFFFFF;
	(pc) =	sbr.abs _section_cstart, $3  }
0xc1: {  	[dreg:$0x1] =	wrdreg $0xFFFFFFFF  }
0xc2: {  	_ =	task.clear_ibuf [dreg:s7], $0x2FFFF;
	_ =	strace $0x9FFFFFFF  }
0xc3: {  	(tm) =	ssettm $0x7FFFFFFF  }
tec
execute0_lowered:
.L_overlay_start_1:
0x0: {  	(tag) =	ssettag $0x1  }
0x1: {  	s1 =	rddreg [dreg:$0x0]  }
0x2: {  	s0 =	rddreg [dreg:$0x1]  }
0x3: {  	s2 =	rddreg [dreg:$0x2];
	s3 =	simm.s32 $0x0;
	s5 =	srdreg.scid  }
0x4: {  	s12 =	stileid.u32;
	s29 =	simm.s32 $0xC800;
	s30 =	simm.s32 $0x1  }
0x5: {  	s31 =	simm.s32 $0x200;
	s28 =	simm.s32 $0x280;
	[smem:$0x7FF] =	sst s3  }
0x6: {  	s4 =	sadd.s32 $0xBE00, s0;
	s6 =	sadd.s32 $0x1E00, s0;
	s7 =	sand.u32 $0x1, s5  }
0x7: {  	s13 =	sshll.u32 s12, $0xB;
	s9 =	sshll.u32 s12, $0x1;
	s15 =	sshll.u32 s12, $0xE  }
0x8: {  	s11 =	smul.u32 $0x5000, s12;
	s12 =	simm.s32 $0x680;
	s5 =	simm.s32 $0x0  }
0x9: {  	_ =	strace $0x8000004A;
	s8 =	ssub.s32 $0x2, s7;
	s0 =	sadd.s32 s13, s0  }
0xa: {  	s9 =	sor.u32 s7, s9;
	s15 =	sadd.s32 s15, s2;
	s10 =	sshll.u32 s7, $0xF  }
0xb: {  	s7 =	smul.u32 $0x2800, s7;
	s19 =	sadd.s32 $0x800, s15;
	[dreg:$0x4] =	wrdreg s15  }
0xc: {  	s13 =	simm.s32 $0x700;
	s21 =	sadd.s32 $0x1000, s15;
	[dreg:$0x9] =	wrdreg s19  }
0xd: {  	s14 =	sshrl.u32 s8, $0x1;
	s22 =	sadd.s32 $0x1800, s15;
	[dreg:$0xa] =	wrdreg s21  }
0xe: {  	s9 =	smul.u32 $0x2800, s9;
	s23 =	sadd.s32 $0x2000, s15;
	[dreg:$0xb] =	wrdreg s22  }
0xf: {  	s0 =	sadd.s32 s10, s0;
	s24 =	sadd.s32 $0x2800, s15;
	[dreg:$0xc] =	wrdreg s23  }
0x10: {  	s25 =	sadd.s32 $0x3000, s15;
	s26 =	sadd.s32 $0x3800, s15;
	[dreg:$0xd] =	wrdreg s24  }
0x11: {  	s10 =	simm.s32 $0x380;
	s8 =	ssub.s32 s8, s14;
	[dreg:$0xe] =	wrdreg s25  }
0x12: {  	s0 =	sadd.s32 $0x15E00, s0;
	s20 =	sadd.s32 s7, s11;
	[dreg:$0xf] =	wrdreg s26  }
0x13: {  	s21 =	simm.s32 $0x400;
	s22 =	simm.s32 $0x80;
	s23 =	simm.s32 $0x800  }
0x14: {  	s24 =	simm.s32 $0x4800;
	s26 =	simm.s32 $0x8800;
	s25 =	simm.s32 $0x480  }
0x15: {  	s7 =	simm.s32 $0x300;
	s11 =	simm.s32 $0x600;
	s14 =	simm.s32 $0x780  }
0x16: {  	s9 =	sshrl.u32 s9, $0x3;
	[dreg:$0x7] =	wrdreg s0;
	s18 =	smax.u32 s8, $0x1  }
0x17: {  	s0 =	sor.u32 $0x400, s20;
	s20 =	simm.s32 $0x5;
	s8 =	simm.s32 $0x4  }
0x18: {  	s16 =	sadd.s32 s4, s9;
	s17 =	sadd.s32 s6, s9;
	[dreg:$0x8] =	wrdreg s18  }
0x19: {  	s0 =	sshrl.u32 s0, $0x3;
	s9 =	simm.s32 $0x580;
	[dreg:$0x5] =	wrdreg s16  }
0x1a: {  	[dreg:$0x6] =	wrdreg s17;
	s17 =	sadd.s32 s0, s6;
	s18 =	sadd.s32 s0, s4  }
0x1b: {  	v0 =	vimm.f32 $0.0e+00;
	s0 =	simm.s32 $0x2;
	s4 =	simm.s32 $0x3;
	s6 =	simm.s32 $0x500  }
.LBB2_1:
0x1c: {  	[tilespmem:$0x10800] =	vst v0  }
0x1d: {  	[tilespmem:$0x10810] =	vst v0  }
0x1e: {  	[tilespmem:$0x10820] =	vst v0  }
0x1f: {  	[tilespmem:$0x10830] =	vst v0  }
0x20: {  	[tilespmem:$0x10840] =	vst v0  }
0x21: {  	[tilespmem:$0x10850] =	vst v0  }
0x22: {  	[tilespmem:$0x10860] =	vst v0  }
0x23: {  	[tilespmem:$0x10870] =	vst v0  }
0x24: {  	[tilespmem:$0x10880] =	vst v0  }
0x25: {  	[tilespmem:$0x10890] =	vst v0  }
0x26: {  	[tilespmem:$0x108A0] =	vst v0  }
0x27: {  	[tilespmem:$0x108B0] =	vst v0  }
0x28: {  	[tilespmem:$0x108C0] =	vst v0  }
0x29: {  	[tilespmem:$0x108D0] =	vst v0  }
0x2a: {  	[tilespmem:$0x108E0] =	vst v0  }
0x2b: {  	[tilespmem:$0x108F0] =	vst v0  }
0x2c: {  	[tilespmem:$0x10900] =	vst v0  }
0x2d: {  	[tilespmem:$0x10910] =	vst v0  }
0x2e: {  	[tilespmem:$0x10920] =	vst v0  }
0x2f: {  	[tilespmem:$0x10930] =	vst v0  }
0x30: {  	[tilespmem:$0x10940] =	vst v0  }
0x31: {  	[tilespmem:$0x10950] =	vst v0  }
0x32: {  	[tilespmem:$0x10960] =	vst v0  }
0x33: {  	[tilespmem:$0x10970] =	vst v0  }
0x34: {  	[tilespmem:$0x10980] =	vst v0  }
0x35: {  	[tilespmem:$0x10990] =	vst v0  }
0x36: {  	[tilespmem:$0x109A0] =	vst v0  }
0x37: {  	[tilespmem:$0x109B0] =	vst v0  }
0x38: {  	[tilespmem:$0x109C0] =	vst v0  }
0x39: {  	[tilespmem:$0x109D0] =	vst v0  }
0x3a: {  	[tilespmem:$0x109E0] =	vst v0  }
0x3b: {  	[tilespmem:$0x109F0] =	vst v0  }
0x3c: {  	[tilespmem:$0x10A00] =	vst v0  }
0x3d: {  	[tilespmem:$0x10A10] =	vst v0  }
0x3e: {  	[tilespmem:$0x10A20] =	vst v0  }
0x3f: {  	[tilespmem:$0x10A30] =	vst v0  }
0x40: {  	[tilespmem:$0x10A40] =	vst v0  }
0x41: {  	[tilespmem:$0x10A50] =	vst v0  }
0x42: {  	[tilespmem:$0x10A60] =	vst v0  }
0x43: {  	[tilespmem:$0x10A70] =	vst v0  }
0x44: {  	[tilespmem:$0x10A80] =	vst v0  }
0x45: {  	[tilespmem:$0x10A90] =	vst v0  }
0x46: {  	[tilespmem:$0x10AA0] =	vst v0  }
0x47: {  	[tilespmem:$0x10AB0] =	vst v0  }
0x48: {  	[tilespmem:$0x10AC0] =	vst v0  }
0x49: {  	[tilespmem:$0x10AD0] =	vst v0  }
0x4a: {  	[tilespmem:$0x10AE0] =	vst v0  }
0x4b: {  	[tilespmem:$0x10AF0] =	vst v0  }
0x4c: {  	[tilespmem:$0x10B00] =	vst v0  }
0x4d: {  	[tilespmem:$0x10B10] =	vst v0  }
0x4e: {  	[tilespmem:$0x10B20] =	vst v0  }
0x4f: {  	[tilespmem:$0x10B30] =	vst v0  }
0x50: {  	[tilespmem:$0x10B40] =	vst v0  }
0x51: {  	[tilespmem:$0x10B50] =	vst v0  }
0x52: {  	[tilespmem:$0x10B60] =	vst v0  }
0x53: {  	[tilespmem:$0x10B70] =	vst v0  }
0x54: {  	[tilespmem:$0x10B80] =	vst v0  }
0x55: {  	[tilespmem:$0x10B90] =	vst v0  }
0x56: {  	[tilespmem:$0x10BA0] =	vst v0  }
0x57: {  	[tilespmem:$0x10BB0] =	vst v0  }
0x58: {  	[tilespmem:$0x10BC0] =	vst v0  }
0x59: {  	[tilespmem:$0x10BD0] =	vst v0  }
0x5a: {  	[tilespmem:$0x10BE0] =	vst v0  }
0x5b: {  	[tilespmem:$0x10BF0] =	vst v0  }
0x5c: {  	[tilespmem:$0x10C00] =	vst v0  }
0x5d: {  	[tilespmem:$0x10C10] =	vst v0  }
0x5e: {  	[tilespmem:$0x10C20] =	vst v0  }
0x5f: {  	[tilespmem:$0x10C30] =	vst v0  }
0x60: {  	[tilespmem:$0x10C40] =	vst v0  }
0x61: {  	[tilespmem:$0x10C50] =	vst v0  }
0x62: {  	[tilespmem:$0x10C60] =	vst v0  }
0x63: {  	[tilespmem:$0x10C70] =	vst v0  }
0x64: {  	[tilespmem:$0x10C80] =	vst v0  }
0x65: {  	[tilespmem:$0x10C90] =	vst v0  }
0x66: {  	[tilespmem:$0x10CA0] =	vst v0  }
0x67: {  	[tilespmem:$0x10CB0] =	vst v0  }
0x68: {  	[tilespmem:$0x10CC0] =	vst v0  }
0x69: {  	[tilespmem:$0x10CD0] =	vst v0  }
0x6a: {  	[tilespmem:$0x10CE0] =	vst v0  }
0x6b: {  	[tilespmem:$0x10CF0] =	vst v0  }
0x6c: {  	[tilespmem:$0x10D00] =	vst v0  }
0x6d: {  	[tilespmem:$0x10D10] =	vst v0  }
0x6e: {  	[tilespmem:$0x10D20] =	vst v0  }
0x6f: {  	[tilespmem:$0x10D30] =	vst v0  }
0x70: {  	[tilespmem:$0x10D40] =	vst v0  }
0x71: {  	[tilespmem:$0x10D50] =	vst v0  }
0x72: {  	[tilespmem:$0x10D60] =	vst v0  }
0x73: {  	[tilespmem:$0x10D70] =	vst v0  }
0x74: {  	[tilespmem:$0x10D80] =	vst v0  }
0x75: {  	[tilespmem:$0x10D90] =	vst v0  }
0x76: {  	[tilespmem:$0x10DA0] =	vst v0  }
0x77: {  	[tilespmem:$0x10DB0] =	vst v0  }
0x78: {  	[tilespmem:$0x10DC0] =	vst v0  }
0x79: {  	[tilespmem:$0x10DD0] =	vst v0  }
0x7a: {  	[tilespmem:$0x10DE0] =	vst v0  }
0x7b: {  	[tilespmem:$0x10DF0] =	vst v0  }
0x7c: {  	[tilespmem:$0x10E00] =	vst v0  }
0x7d: {  	[tilespmem:$0x10E10] =	vst v0  }
0x7e: {  	[tilespmem:$0x10E20] =	vst v0  }
0x7f: {  	[tilespmem:$0x10E30] =	vst v0  }
0x80: {  	[tilespmem:$0x10E40] =	vst v0  }
0x81: {  	[tilespmem:$0x10E50] =	vst v0  }
0x82: {  	[tilespmem:$0x10E60] =	vst v0  }
0x83: {  	[tilespmem:$0x10E70] =	vst v0  }
0x84: {  	[tilespmem:$0x10E80] =	vst v0  }
0x85: {  	[tilespmem:$0x10E90] =	vst v0  }
0x86: {  	[tilespmem:$0x10EA0] =	vst v0  }
0x87: {  	[tilespmem:$0x10EB0] =	vst v0  }
0x88: {  	[tilespmem:$0x10EC0] =	vst v0  }
0x89: {  	[tilespmem:$0x10ED0] =	vst v0  }
0x8a: {  	[tilespmem:$0x10EE0] =	vst v0  }
0x8b: {  	[tilespmem:$0x10EF0] =	vst v0  }
0x8c: {  	[tilespmem:$0x10F00] =	vst v0  }
0x8d: {  	[tilespmem:$0x10F10] =	vst v0  }
0x8e: {  	[tilespmem:$0x10F20] =	vst v0  }
0x8f: {  	[tilespmem:$0x10F30] =	vst v0  }
0x90: {  	[tilespmem:$0x10F40] =	vst v0  }
0x91: {  	[tilespmem:$0x10F50] =	vst v0  }
0x92: {  	[tilespmem:$0x10F60] =	vst v0  }
0x93: {  	[tilespmem:$0x10F70] =	vst v0  }
0x94: {  	[tilespmem:$0x10F80] =	vst v0  }
0x95: {  	[tilespmem:$0x10F90] =	vst v0  }
0x96: {  	[tilespmem:$0x10FA0] =	vst v0  }
0x97: {  	[tilespmem:$0x10FB0] =	vst v0  }
0x98: {  	[tilespmem:$0x10FC0] =	vst v0  }
0x99: {  	[tilespmem:$0x10FD0] =	vst v0  }
0x9a: {  	[tilespmem:$0x10FE0] =	vst v0  }
0x9b: {  	[dreg:$0x10] =	wrdreg s5;
	[tilespmem:$0x10FF0] =	vst v0;
	s5 =	simm.s32 $0x10800  }
0x9c: {  	[spmem:s15] =	stream.linear.scatter [tilespmem:s5], [sflag:$0x5], $0x800, $0x38;
	[tilespmem:$0x15000] =	vst v63  }
0x9d: {  	_ =	swait.ge [sflag:s20], $0x800  }
0x9e: {  	[sflag:s20] =	ssyncset.done $0x0  }
0x9f: {  	s3 =	rddreg [dreg:$0x9];
	[sflag:s20] =	ssyncadd.s32 $0xFFFFF800  }
0xa0: {  	[spmem:s3] =	stream.linear.scatter [tilespmem:s5], [sflag:$0x5], $0x800, $0x38;
	[tilespmem:$0x15000] =	vst v63  }
0xa1: {  	_ =	swait.ge [sflag:s20], $0x800  }
0xa2: {  	[sflag:s20] =	ssyncset.done $0x0  }
0xa3: {  	s16 =	rddreg [dreg:$0xa];
	[sflag:s20] =	ssyncadd.s32 $0xFFFFF800  }
0xa4: {  	[spmem:s16] =	stream.linear.scatter [tilespmem:s5], [sflag:$0x5], $0x800, $0x38;
	[tilespmem:$0x15000] =	vst v63  }
0xa5: {  	_ =	swait.ge [sflag:s20], $0x800  }
0xa6: {  	[sflag:s20] =	ssyncset.done $0x0  }
0xa7: {  	s19 =	rddreg [dreg:$0xb];
	[sflag:s20] =	ssyncadd.s32 $0xFFFFF800  }
0xa8: {  	[spmem:s19] =	stream.linear.scatter [tilespmem:s5], [sflag:$0x5], $0x800, $0x38;
	[tilespmem:$0x15000] =	vst v63  }
0xa9: {  	_ =	swait.ge [sflag:s20], $0x800  }
0xaa: {  	[sflag:s20] =	ssyncset.done $0x0  }
0xab: {  	s15 =	rddreg [dreg:$0xc];
	[sflag:s20] =	ssyncadd.s32 $0xFFFFF800  }
0xac: {  	[spmem:s15] =	stream.linear.scatter [tilespmem:s5], [sflag:$0x5], $0x800, $0x38;
	[tilespmem:$0x15000] =	vst v63  }
0xad: {  	_ =	swait.ge [sflag:s20], $0x800  }
0xae: {  	[sflag:s20] =	ssyncset.done $0x0  }
0xaf: {  	s16 =	rddreg [dreg:$0xd];
	[sflag:s20] =	ssyncadd.s32 $0xFFFFF800  }
0xb0: {  	[spmem:s16] =	stream.linear.scatter [tilespmem:s5], [sflag:$0x5], $0x800, $0x38;
	[tilespmem:$0x15000] =	vst v63  }
0xb1: {  	_ =	swait.ge [sflag:s20], $0x800  }
0xb2: {  	[sflag:s20] =	ssyncset.done $0x0  }
0xb3: {  	s19 =	rddreg [dreg:$0xe];
	[sflag:s20] =	ssyncadd.s32 $0xFFFFF800  }
0xb4: {  	[spmem:s19] =	stream.linear.scatter [tilespmem:s5], [sflag:$0x5], $0x800, $0x38;
	[tilespmem:$0x15000] =	vst v63  }
0xb5: {  	_ =	swait.ge [sflag:s20], $0x800  }
0xb6: {  	[sflag:s20] =	ssyncset.done $0x0  }
0xb7: {  	s15 =	rddreg [dreg:$0xf];
	[sflag:s20] =	ssyncadd.s32 $0xFFFFF800  }
0xb8: {  	[spmem:s15] =	stream.linear.scatter [tilespmem:s5], [sflag:$0x5], $0x800, $0x38;
	[tilespmem:$0x15000] =	vst v63  }
0xb9: {  	_ =	swait.ge [sflag:s20], $0x800  }
0xba: {  	[sflag:s20] =	ssyncset.done $0x0  }
0xbb: {  	[sflag:s20] =	ssyncadd.s32 $0xFFFFF800  }
0xbc: {  	[bflag:$0x0] =	sbarrier.arrive $0xFFFF  }
0xbd: {  	s16 =	simm.s32 $0x0;
	s19 =	rddreg [dreg:$0x5]  }
0xbe: {  	[tilespmem:s16], [sflag:$0x5] =	stream.linear.gather [hbm4b:s19+s16], $0x400, $0x38;
	[tilespmem:$0x15000] =	vst v63  }
0xbf: {  	_ =	swait.ge [sflag:s20], $0x400  }
0xc0: {  	[sflag:s20] =	ssyncset.done $0x0  }
0xc1: {  	s15 =	rddreg [dreg:$0x6];
	[sflag:s20] =	ssyncadd.s32 $0xFFFFFC00  }
0xc2: {  	[tilespmem:s21], [sflag:$0x5] =	stream.linear.gather [hbm4b:s15+s16], $0x400, $0x38;
	[tilespmem:$0x15000] =	vst v63  }
0xc3: {  	_ =	swait.ge [sflag:s20], $0x400  }
0xc4: {  	[sflag:s20] =	ssyncset.done $0x0  }
0xc5: {  	[sflag:s20] =	ssyncadd.s32 $0xFFFFFC00  }
0xc6: {  	[tilespmem:s23], [sflag:$0x1] =	stream.indirect.gather [hbm4b:s1+s22], $0x80, s16, s22, $0xb8;
	[tilespmem:$0x15000] =	vst v63  }
0xc7: {  	_ = 	snop  }
0xc8: {  	[tilespmem:s24], [sflag:$0x2] =	stream.indirect.gather [hbm4b:s1+s22], $0x80, s22, s22, $0xb8;
	[tilespmem:$0x15000] =	vst v63  }
0xc9: {  	s16 =	simm.s32 $0x100  }
0xca: {  	[tilespmem:s26], [sflag:$0x3] =	stream.indirect.gather [hbm4b:s1+s22], $0x80, s16, s22, $0xb8;
	[tilespmem:$0x15000] =	vst v63  }
0xcb: {  	s19 =	simm.s32 $0x180;
	s16 =	simm.s32 $0x0  }
0xcc: {  	[tilespmem:s29], [sflag:$0x4] =	stream.indirect.gather [hbm4b:s1+s22], $0x80, s19, s22, $0xb8;
	[tilespmem:$0x15000] =	vst v63  }
.LBB2_2:
0xcd: {  	_ =	swait.ge [sflag:s30], $0x4000  }
0xce: {  	[sflag:s30] =	ssyncset.done $0x0  }
0xcf: {  	[sflag:s30] =	ssyncadd.s32 $0xFFFFC000  }
0xd0: {  	[spmem:s2] =	stream.indirect.scatter.add.f32 [tilespmem:s23], [sflag:$0x5], $0x80, s21, s22, $0xb8;
	[tilespmem:$0x15000] =	vst v63  }
0xd1: {  	_ =	swait.ge [sflag:s20], $0x4000  }
0xd2: {  	[sflag:s20] =	ssyncset.done $0x0  }
0xd3: {  	[sflag:s20] =	ssyncadd.s32 $0xFFFFC000  }
0xd4: {  	[tilespmem:s23], [sflag:$0x1] =	stream.indirect.gather [hbm4b:s1+s22], $0x80, s31, s22, $0xb8;
	[tilespmem:$0x15000] =	vst v63  }
0xd5: {  	_ =	swait.ge [sflag:s0], $0x4000  }
0xd6: {  	[sflag:s0] =	ssyncset.done $0x0  }
0xd7: {  	[sflag:s0] =	ssyncadd.s32 $0xFFFFC000  }
0xd8: {  	[spmem:s2] =	stream.indirect.scatter.add.f32 [tilespmem:s24], [sflag:$0x5], $0x80, s25, s22, $0xb8;
	[tilespmem:$0x15000] =	vst v63  }
0xd9: {  	_ =	swait.ge [sflag:s20], $0x4000  }
0xda: {  	[sflag:s20] =	ssyncset.done $0x0  }
0xdb: {  	[sflag:s20] =	ssyncadd.s32 $0xFFFFC000  }
0xdc: {  	[tilespmem:s24], [sflag:$0x2] =	stream.indirect.gather [hbm4b:s1+s22], $0x80, s28, s22, $0xb8;
	[tilespmem:$0x15000] =	vst v63  }
0xdd: {  	_ =	swait.ge [sflag:s4], $0x4000  }
0xde: {  	[sflag:s4] =	ssyncset.done $0x0  }
0xdf: {  	[sflag:s4] =	ssyncadd.s32 $0xFFFFC000  }
0xe0: {  	[spmem:s2] =	stream.indirect.scatter.add.f32 [tilespmem:s26], [sflag:$0x5], $0x80, s6, s22, $0xb8;
	[tilespmem:$0x15000] =	vst v63  }
0xe1: {  	_ =	swait.ge [sflag:s20], $0x4000  }
0xe2: {  	[sflag:s20] =	ssyncset.done $0x0  }
0xe3: {  	[sflag:s20] =	ssyncadd.s32 $0xFFFFC000  }
0xe4: {  	[tilespmem:s26], [sflag:$0x3] =	stream.indirect.gather [hbm4b:s1+s22], $0x80, s7, s22, $0xb8;
	[tilespmem:$0x15000] =	vst v63  }
0xe5: {  	_ =	swait.ge [sflag:s8], $0x4000  }
0xe6: {  	[sflag:s8] =	ssyncset.done $0x0  }
0xe7: {  	[sflag:s8] =	ssyncadd.s32 $0xFFFFC000  }
0xe8: {  	[spmem:s2] =	stream.indirect.scatter.add.f32 [tilespmem:s29], [sflag:$0x5], $0x80, s9, s22, $0xb8;
	[tilespmem:$0x15000] =	vst v63  }
0xe9: {  	_ =	swait.ge [sflag:s20], $0x4000  }
0xea: {  	[sflag:s20] =	ssyncset.done $0x0  }
0xeb: {  	[sflag:s20] =	ssyncadd.s32 $0xFFFFC000  }
0xec: {  	[tilespmem:s29], [sflag:$0x4] =	stream.indirect.gather [hbm4b:s1+s22], $0x80, s10, s22, $0xb8;
	[tilespmem:$0x15000] =	vst v63  }
0xed: {  	_ =	swait.ge [sflag:s30], $0x4000  }
0xee: {  	[sflag:s30] =	ssyncset.done $0x0  }
0xef: {  	[sflag:s30] =	ssyncadd.s32 $0xFFFFC000  }
0xf0: {  	[spmem:s2] =	stream.indirect.scatter.add.f32 [tilespmem:s23], [sflag:$0x5], $0x80, s11, s22, $0xb8;
	[tilespmem:$0x15000] =	vst v63  }
0xf1: {  	_ =	swait.ge [sflag:s20], $0x4000  }
0xf2: {  	[sflag:s20] =	ssyncset.done $0x0  }
0xf3: {  	[sflag:s20] =	ssyncadd.s32 $0xFFFFC000  }
0xf4: {  	_ =	swait.ge [sflag:s0], $0x4000  }
0xf5: {  	[sflag:s0] =	ssyncset.done $0x0  }
0xf6: {  	[sflag:s0] =	ssyncadd.s32 $0xFFFFC000  }
0xf7: {  	[spmem:s2] =	stream.indirect.scatter.add.f32 [tilespmem:s24], [sflag:$0x5], $0x80, s12, s22, $0xb8;
	[tilespmem:$0x15000] =	vst v63  }
0xf8: {  	_ =	swait.ge [sflag:s20], $0x4000  }
0xf9: {  	[sflag:s20] =	ssyncset.done $0x0  }
0xfa: {  	[sflag:s20] =	ssyncadd.s32 $0xFFFFC000  }
0xfb: {  	_ =	swait.ge [sflag:s4], $0x4000  }
0xfc: {  	[sflag:s4] =	ssyncset.done $0x0  }
0xfd: {  	[sflag:s4] =	ssyncadd.s32 $0xFFFFC000  }
0xfe: {  	[spmem:s2] =	stream.indirect.scatter.add.f32 [tilespmem:s26], [sflag:$0x5], $0x80, s13, s22, $0xb8;
	[tilespmem:$0x15000] =	vst v63  }
0xff: {  	_ =	swait.ge [sflag:s20], $0x4000  }
0x100: {  	[sflag:s20] =	ssyncset.done $0x0  }
0x101: {  	[sflag:s20] =	ssyncadd.s32 $0xFFFFC000  }
0x102: {  	_ =	swait.ge [sflag:s8], $0x4000  }
0x103: {  	[sflag:s8] =	ssyncset.done $0x0  }
0x104: {  	[sflag:s8] =	ssyncadd.s32 $0xFFFFC000  }
0x105: {  	[spmem:s2] =	stream.indirect.scatter.add.f32 [tilespmem:s29], [sflag:$0x5], $0x80, s14, s22, $0xb8;
	[tilespmem:$0x15000] =	vst v63  }
0x106: {  	_ =	swait.ge [sflag:s20], $0x4000  }
0x107: {  	p0 =	seq.s32 s16, $0x480;
	[sflag:s20] =	ssyncset.done $0x0  }
0x108: {  	s3 =	sadd.s32 @!p0 s16, s18;
	s5 =	simm.s32 @!p0 $0x0;
	[sflag:s20] =	ssyncadd.s32 $0xFFFFC000  }
0x109: {  	[tilespmem:s5], [sflag:$0x5] =	stream.linear.gather @!p0 [hbm4b:s3+s5], $0x400, $0x38;
	[tilespmem:$0x15000] =	vst v63  }
0x10a: {  	s3 =	simm.s32 @!p0 $0x5  }
0x10b: {  	_ =	swait.ge @!p0 [sflag:s3], $0x400  }
0x10c: {  	[sflag:s3] =	ssyncset.done @!p0 $0x0  }
0x10d: {  	s19 =	sadd.s32 @!p0 s16, s17;
	s15 =	simm.s32 @!p0 $0x400;
	[sflag:s3] =	ssyncadd.s32 @!p0 $0xFFFFFC00  }
0x10e: {  	[tilespmem:s15], [sflag:$0x5] =	stream.linear.gather @!p0 [hbm4b:s19+s5], $0x400, $0x38;
	[tilespmem:$0x15000] =	vst v63  }
0x10f: {  	_ =	swait.ge @!p0 [sflag:s3], $0x400  }
0x110: {  	[sflag:s3] =	ssyncset.done @!p0 $0x0  }
0x111: {  	s15 =	simm.s32 @!p0 $0x800;
	[sflag:s3] =	ssyncadd.s32 @!p0 $0xFFFFFC00;
	s3 =	simm.s32 @!p0 $0x80  }
0x112: {  	[tilespmem:s15], [sflag:$0x1] =	stream.indirect.gather @!p0 [hbm4b:s1+s3], $0x80, s5, s3, $0xb8;
	[tilespmem:$0x15000] =	vst v63  }
0x113: {  	s5 =	simm.s32 @!p0 $0x4800  }
0x114: {  	[tilespmem:s5], [sflag:$0x2] =	stream.indirect.gather @!p0 [hbm4b:s1+s3], $0x80, s3, s3, $0xb8;
	[tilespmem:$0x15000] =	vst v63  }
0x115: {  	s16 =	sadd.s32 @!p0 $0x80, s16;
	s15 =	simm.s32 @!p0 $0x8800;
	s5 =	simm.s32 @!p0 $0x100  }
0x116: {  	[tilespmem:s15], [sflag:$0x3] =	stream.indirect.gather @!p0 [hbm4b:s1+s3], $0x80, s5, s3, $0xb8;
	[tilespmem:$0x15000] =	vst v63  }
0x117: {  	p1 =	sne.s32 @!p0 s16, $0x500;
	s5 =	simm.s32 @!p0 $0x180;
	s15 =	simm.s32 @!p0 $0xC800  }
0x118: {  	[tilespmem:s15], [sflag:$0x4] =	stream.indirect.gather @!p0 [hbm4b:s1+s3], $0x80, s5, s3, $0xb8;
	[tilespmem:$0x15000] =	vst v63  }
0x119: {  	p0 =	por p0, !p1  }
.Ltmp0:
0x11a: {  	_ = 	snop;
	(pc) =	sbr.rel @!p0 .LBB2_2-.Ltmp0, $1  }
0x11b: {  	_ =	sdelay $0x3  }
0x11c: {  	s3 =	stileid.u32;
	[bflag:$0x0] =	sbarrier.arrive $0xFFFF  }
0x11d: {  	s3 =	sshll.u32 s3, $0x6;
	s15 =	rddreg [dreg:$0x4]  }
0x11e: {  	s16 =	rddreg [dreg:$0x7];
	s3 =	sor.u32 $0x1C05, s3;
	s5 =	sshrl.u32 s15, $0x3  }
0x11f: {  	[hbm:s16], [sflag:s3] =	dma.local [spmem:s5], $0x800  }
0x120: {  	_ =	swait.ge [sflag:s20], $0x800  }
0x121: {  	s16 =	rddreg [dreg:$0x10]  }
0x122: {  	s19 =	rddreg [dreg:$0x8];
	s5 =	sadd.s32 $0x1, s16  }
0x123: {  	p0 =	sne.s32 s5, s19  }
.Ltmp1:
0x124: {  	_ = 	snop;
	(pc) =	sbr.rel @p0 .LBB2_1-.Ltmp1, $3  }
0x125: {  	_ =	sdelay $0x1  }
0x126: {  	[sflag:s20] =	ssyncset.done $0x0  }
0x127: {  	[sflag:s20] =	ssyncadd.s32 $0xFFFFF800  }
0x128: {  	_ =	sfence.sel $0x180000  }
0x129: {  	[bflag:$0x0] =	sbarrier.arrive $0xFFFF  }
0x12a: {  	_ =	strace $0x9000004A  }
0x12b: {  	s0 =	stileid.u32;
	[bflag:$0x2] =	sbarrier.arrive $0xFFFF  }
0x12c: {  	p0 =	sne.s32 s0, $0x0;
	s0 =	rddreg [dreg:$0x3]  }
0x12d: {  	s0 =	sadd.s32 @!p0 $0x100000, s0  }
0x12e: {  	[sflag:s0] =	ssyncadd.tile.s32 @!p0 $0x1;
	_ =	shalt  }
.Lfunc_end2:
_tile_overlayer_lowered:
.L_overlay_start_2:
0x12f: {  	(tag) =	ssettag $0x2  }
0x130: {  	s0 =	rddreg [dreg:$0x0];
	s2 =	stileid.u32  }
0x131: {  	s1 =	rddreg [dreg:$0x1];
	p0 =	sne.s32 s2, $0x0  }
0x132: {  	s3 =	rddreg [dreg:$0x2];
	[bflag:$0x3] =	sbarrier.arrive $0xFFFF;
	s2 =	simm.s32 @!p0 $0x1C05  }
0x133: {  	[timem:s3], [sflag:s2] =	dma.local @!p0 [hbm:s0], s1  }
0x134: {  	s0 =	simm.s32 @!p0 $0x5  }
0x135: {  	_ =	swait.ge @!p0 [sflag:s0], s1  }
0x136: {  	s1 =	ssub.s32 @!p0 $0x0, s1;
	[sflag:s0] =	ssyncset.done @!p0 $0x0  }
0x137: {  	[sflag:s0] =	ssyncadd.s32 @!p0 s1  }
0x138: {  	[bflag:$0x3] =	sbarrier.arrive $0xFFFF  }
0x139: {  	_ =	shalt  }

</sc_bundles>
